<compile_context>
chip_gen: v7x
topology: tpu7x:2x2x1
jax: 0.10.2.dev20260603
libtpu: 0.0.44.dev20260713+nightly
codegen_flags: <defaults>
</compile_context>

<pallas_src>
import functools

import jax
import jax.numpy as jnp
from jax import lax
from jax.experimental import pallas as pl
from jax.experimental.pallas import tpu as pltpu
from jax.experimental.pallas import tpu_sc as plsc

NUM_EXPERTS = 8
TOP_K = 2
DIM = 768
T = 2048
BLK = 256
NBLK = TOP_K * T // BLK + NUM_EXPERTS
PMAX = NBLK * BLK
CH = 256
NW = 32
TPW = T // NW
HALF = TPW // 2


def _router_body(x_ref, wr_ref, br_ref, be_ref,
                 x2_ref, dest_ref, cnt_ref, offs_ref, bias_ref, aux_ref,
                 csum_ref):
    iota = lax.broadcasted_iota(jnp.int32, (CH, NUM_EXPERTS), 1)
    lane = lax.broadcasted_iota(jnp.int32, (CH, 128), 1)
    tril = (lax.broadcasted_iota(jnp.int32, (CH, CH), 0) >=
            lax.broadcasted_iota(jnp.int32, (CH, CH), 1)).astype(jnp.float32)

    run = jnp.zeros((1, NUM_EXPERTS), jnp.float32)
    fsum = jnp.zeros((1, NUM_EXPERTS), jnp.float32)
    psum = jnp.zeros((1, NUM_EXPERTS), jnp.float32)
    for i in range(T // CH):
        sl = pl.ds(i * CH, CH)
        xs = x_ref[sl, :]
        logits = jnp.dot(xs, wr_ref[...],
                         preferred_element_type=jnp.float32) + br_ref[...]
        mx = jnp.max(logits, axis=1, keepdims=True)
        ex = jnp.exp(logits - mx)
        probs = ex / jnp.sum(ex, axis=1, keepdims=True)

        m1 = jnp.max(probs, axis=1, keepdims=True)
        a1 = jnp.min(jnp.where(probs == m1, iota, NUM_EXPERTS), axis=1,
                     keepdims=True)
        sel1 = iota == a1
        rest = jnp.where(sel1, -1.0, probs)
        m2 = jnp.max(rest, axis=1, keepdims=True)
        a2 = jnp.min(jnp.where(rest == m2, iota, NUM_EXPERTS), axis=1,
                     keepdims=True)
        sel2 = iota == a2

        gate = jnp.where(sel1, m1, 0.0) + jnp.where(sel2, m2, 0.0)
        bias_ref[sl, :] = jnp.dot(gate, be_ref[...],
                                  preferred_element_type=jnp.float32)
        x2_ref[0, sl, :] = m1 * xs
        x2_ref[1, sl, :] = m2 * xs

        assign = sel1.astype(jnp.float32) + sel2.astype(jnp.float32)
        csum = jnp.dot(tril, assign,
                       preferred_element_type=jnp.float32) + run
        csum_ref[sl, :] = csum
        run = csum[CH - 1:CH, :]

        dest_ref[sl, :] = jnp.where(lane == 0, a1,
                                    jnp.where(lane == 1, a2, 0))

        fsum = fsum + jnp.sum(assign, axis=0, keepdims=True)
        psum = psum + jnp.sum(probs, axis=0, keepdims=True)

    counts = run
    padded = jnp.floor((counts + (BLK - 1)) / BLK) * BLK
    mstrict = (lax.broadcasted_iota(jnp.int32, (NUM_EXPERTS, NUM_EXPERTS), 0)
               < lax.broadcasted_iota(jnp.int32,
                                      (NUM_EXPERTS, NUM_EXPERTS), 1)
               ).astype(jnp.float32)
    offs = jnp.dot(padded, mstrict, preferred_element_type=jnp.float32)
    cnt_ref[...] = counts.astype(jnp.int32)
    offs_ref[...] = offs.astype(jnp.int32)

    f = fsum / (T * TOP_K)
    P = psum / T
    aux_ref[0, 0] = NUM_EXPERTS * jnp.sum(f * P)

    for i in range(T // CH):
        sl = pl.ds(i * CH, CH)
        a1 = dest_ref[sl, 0:1]
        a2 = dest_ref[sl, 1:2]
        sel1 = iota == a1
        sel2 = iota == a2
        base = offs + csum_ref[sl, :] - 1.0
        d0 = jnp.sum(jnp.where(sel1, base, 0.0), axis=1, keepdims=True)
        d1 = jnp.sum(jnp.where(sel2, base, 0.0), axis=1, keepdims=True)
        dest_ref[sl, :] = jnp.where(lane == 0, d0.astype(jnp.int32),
                                    jnp.where(lane == 1, d1.astype(jnp.int32),
                                              0))


def _dispatch_body(x2_hbm, dest_hbm, xg_hbm, idx_ref, rows_ref, sem):
    wid = lax.axis_index("s") * 2 + lax.axis_index("c")
    base = wid * TPW
    for k in range(TOP_K):
        pltpu.sync_copy(dest_hbm.at[k, pl.ds(base, TPW)], idx_ref)
        pltpu.sync_copy(x2_hbm.at[k, pl.ds(base, TPW), :], rows_ref)
        pltpu.async_copy(rows_ref, xg_hbm.at[idx_ref], sem).wait()


def _gemm_body(bexp_ref, bval_ref, xg_ref, we_ref, yg_ref):
    j = pl.program_id(0)

    @pl.when(bval_ref[j] == 1)
    def _():
        yg_ref[...] = jnp.dot(xg_ref[...], we_ref[0],
                              preferred_element_type=jnp.float32)


def _combine_body(yg_hbm, dest_hbm, bias_hbm, out_hbm,
                  idx0_ref, idx1_ref, a_ref, b_ref, c_ref, sem):
    wid = lax.axis_index("s") * 2 + lax.axis_index("c")
    base = wid * TPW
    for h in range(TPW // HALF):
        hb = base + h * HALF
        pltpu.sync_copy(dest_hbm.at[0, pl.ds(hb, HALF)], idx0_ref)
        pltpu.sync_copy(dest_hbm.at[1, pl.ds(hb, HALF)], idx1_ref)
        pltpu.async_copy(yg_hbm.at[idx0_ref], a_ref, sem).wait()
        pltpu.async_copy(yg_hbm.at[idx1_ref], b_ref, sem).wait()
        pltpu.sync_copy(bias_hbm.at[pl.ds(hb, HALF), :], c_ref)

        def _row(j, carry):
            for c in range(DIM // 16):
                cs = pl.ds(c * 16, 16)
                a_ref[j, cs] = a_ref[j, cs] + b_ref[j, cs] + c_ref[j, cs]
            return carry

        lax.fori_loop(0, HALF, _row, 0)
        pltpu.sync_copy(a_ref, out_hbm.at[pl.ds(hb, HALF), :])


@jax.jit
def kernel(X, Wr, br, We, be):
    Xf = X.reshape(T, DIM)
    br2 = br.reshape(1, NUM_EXPERTS)

    x2, dest01, cnt, offs, bias, aux = pl.pallas_call(
        _router_body,
        in_specs=[
            pl.BlockSpec((T, DIM), lambda: (0, 0)),
            pl.BlockSpec((DIM, NUM_EXPERTS), lambda: (0, 0)),
            pl.BlockSpec((1, NUM_EXPERTS), lambda: (0, 0)),
            pl.BlockSpec((NUM_EXPERTS, DIM), lambda: (0, 0)),
        ],
        out_specs=[
            pl.BlockSpec((TOP_K, T, DIM), lambda: (0, 0, 0)),
            pl.BlockSpec((T, 128), lambda: (0, 0)),
            pl.BlockSpec((1, NUM_EXPERTS), lambda: (0, 0)),
            pl.BlockSpec((1, NUM_EXPERTS), lambda: (0, 0)),
            pl.BlockSpec((T, DIM), lambda: (0, 0)),
            pl.BlockSpec(memory_space=pltpu.SMEM),
        ],
        out_shape=[
            jax.ShapeDtypeStruct((TOP_K, T, DIM), jnp.float32),
            jax.ShapeDtypeStruct((T, 128), jnp.int32),
            jax.ShapeDtypeStruct((1, NUM_EXPERTS), jnp.int32),
            jax.ShapeDtypeStruct((1, NUM_EXPERTS), jnp.int32),
            jax.ShapeDtypeStruct((T, DIM), jnp.float32),
            jax.ShapeDtypeStruct((1, 1), jnp.float32),
        ],
        scratch_shapes=[pltpu.VMEM((T, NUM_EXPERTS), jnp.float32)],
    )(Xf, Wr, br2, be)

    counts = cnt[0]
    offs1 = offs[0]
    padded = ((counts + BLK - 1) // BLK) * BLK
    total = jnp.sum(padded)
    row0 = jnp.arange(NBLK, dtype=jnp.int32) * BLK
    bexp = (jnp.sum((row0[:, None] >= offs1[None, :]).astype(jnp.int32),
                    axis=1) - 1).astype(jnp.int32)
    bexp = jnp.clip(bexp, 0, NUM_EXPERTS - 1)
    bval = (row0 < total).astype(jnp.int32)
    dest2 = dest01[:, :2].T

    mesh = plsc.VectorSubcoreMesh(core_axis_name="c", subcore_axis_name="s")

    dispatch = functools.partial(
        pl.kernel,
        mesh=mesh,
        out_type=jax.ShapeDtypeStruct((PMAX, DIM), jnp.float32),
        scratch_types=[
            pltpu.VMEM((TPW,), jnp.int32),
            pltpu.VMEM((TPW, DIM), jnp.float32),
            pltpu.SemaphoreType.DMA,
        ],
    )(_dispatch_body)
    xg = dispatch(x2, dest2)

    yg = pl.pallas_call(
        _gemm_body,
        grid_spec=pltpu.PrefetchScalarGridSpec(
            num_scalar_prefetch=2,
            grid=(NBLK,),
            in_specs=[
                pl.BlockSpec((BLK, DIM), lambda j, be_, bv_: (j, 0)),
                pl.BlockSpec((1, DIM, DIM), lambda j, be_, bv_: (be_[j], 0, 0)),
            ],
            out_specs=pl.BlockSpec((BLK, DIM), lambda j, be_, bv_: (j, 0)),
        ),
        out_shape=jax.ShapeDtypeStruct((PMAX, DIM), jnp.float32),
    )(bexp, bval, xg, We)

    combine = functools.partial(
        pl.kernel,
        mesh=mesh,
        out_type=jax.ShapeDtypeStruct((T, DIM), jnp.float32),
        scratch_types=[
            pltpu.VMEM((HALF,), jnp.int32),
            pltpu.VMEM((HALF,), jnp.int32),
            pltpu.VMEM((HALF, DIM), jnp.float32),
            pltpu.VMEM((HALF, DIM), jnp.float32),
            pltpu.VMEM((HALF, DIM), jnp.float32),
            pltpu.SemaphoreType.DMA,
        ],
    )(_combine_body)
    out = combine(yg, dest2, bias)

    return out.reshape(X.shape), aux[0, 0]

# --- scband reference (transcript-rebuilt; emitter-appended) ---
"""Pipeline reference for scband-moelayer-14869176779392 (READ-ONLY COPY).

The authoritative reference and input builder live on the scoring server;
editing this copy changes nothing except your own understanding.
"""

import jax, jax.numpy as jnp
import numpy as np

NUM_EXPERTS = 8
TOP_K = 2
DIM = 768
B, T = 1, 2048


def setup_inputs(seed: int = 0) -> dict:
    key = jax.random.key(seed)
    k1, k2, k3 = jax.random.split(key, 3)
    X = jax.random.normal(k1, (B, T, DIM), dtype=jnp.float32)
    # Router: linear dim -> num_experts
    Wr = jax.random.normal(k2, (DIM, NUM_EXPERTS), dtype=jnp.float32) * 0.02
    br = jnp.zeros((NUM_EXPERTS,), dtype=jnp.float32)
    # ExpertArray: per-expert linear dim -> dim
    We = jax.random.normal(k3, (NUM_EXPERTS, DIM, DIM), dtype=jnp.float32) * 0.02
    be = jnp.zeros((NUM_EXPERTS, DIM), dtype=jnp.float32)
    return {"X": X, "Wr": Wr, "br": br, "We": We, "be": be}


def reference(X, Wr, br, We, be):
    Bx, Tx, C = X.shape
    E = We.shape[0]
    # Router forward: logits -> softmax -> top-k expert weights/indices
    logits = jnp.einsum('btc,ce->bte', X, Wr) + br          # [B, T, E]
    probs = jax.nn.softmax(logits, axis=-1)                  # [B, T, E]
    expert_weights, expert_indices = jax.lax.top_k(probs, TOP_K)  # [B, T, K]

    # Aux (load-balancing) loss: E * sum_i f_i * P_i
    assign = jax.nn.one_hot(expert_indices, E, dtype=jnp.float32)  # [B, T, K, E]
    assign_per_tok = jnp.sum(assign, axis=2)                       # [B, T, E]
    f = jnp.mean(assign_per_tok.reshape(-1, E), axis=0) / TOP_K    # fraction routed
    P = jnp.mean(probs.reshape(-1, E), axis=0)                     # mean router prob
    aux_loss = E * jnp.sum(f * P)

    # Dense-equivalent of the per-expert masked loop:
    # gate[b,t,e] = weight if expert e was selected for token (b,t), else 0
    gate = jnp.sum(assign * expert_weights[..., None], axis=2)     # [B, T, E]
    expert_out = jnp.einsum('btc,ecd->bted', X, We) + be           # [B, T, E, D]
    output = jnp.einsum('bte,bted->btd', gate, expert_out)         # [B, T, D]
    return (output, aux_loss)

if __name__ == "__main__":
    import jax
    _d = setup_inputs()
    print(jax.jit(kernel)(*tuple(_d.values())))

</pallas_src>

<mosaic_0001>
#map = affine_map<(d0, d1) -> (0, 0)>
module attributes {stable_mosaic.version = 14 : i64} {
  func.func @_combine_body(%arg0: i32, %arg1: i32, %arg2: memref<6144x768xf32, #tpu.memory_space<hbm>>, %arg3: memref<2x2048xi32, #tpu.memory_space<hbm>>, %arg4: memref<2048x768xf32, #tpu.memory_space<hbm>>, %arg5: memref<2048x768xf32, #tpu.memory_space<hbm>>, %arg6: memref<32xi32, #tpu.memory_space<vmem>>, %arg7: memref<32xi32, #tpu.memory_space<vmem>>, %arg8: memref<32x768xf32, #tpu.memory_space<vmem>>, %arg9: memref<32x768xf32, #tpu.memory_space<vmem>>, %arg10: memref<32x768xf32, #tpu.memory_space<vmem>>, %arg11: memref<!tpu.dma_semaphore, #tpu.memory_space<semaphore_mem>>) attributes {dimension_semantics = [#tpu.dimension_semantics<core_parallel>, #tpu.dimension_semantics<subcore_parallel>], iteration_bounds = array<i64: 2, 16>, scalar_prefetch = 0 : i64, scratch_operands = 6 : i64, tpu.core_type = #tpu.core_type<sc_vector_subcore>, window_params = [{transform_indices = #map}, {transform_indices = #map}, {transform_indices = #map}, {transform_indices = #map}]} {
    %mul3A = arith.constant 2 : i32
    %mul3A_0 = arith.muli %arg1, %mul3A : i32
    %add3A = arith.addi %mul3A_0, %arg0 : i32
    %mul3A_1 = arith.constant 64 : i32
    %mul3A_2 = arith.muli %add3A, %mul3A_1 : i32
    %add3A_3 = arith.constant 0 : i32
    %add3A_4 = arith.addi %mul3A_2, %add3A_3 : i32
    %run_scoped3A = arith.constant 0 : i32
    "tpu.region"() ({
      %run_scoped3A_43 = tpu.sem_alloc : memref<!tpu.dma_semaphore, #tpu.memory_space<semaphore_mem>>
      %dma_start3A_44 = tpu.memref_slice %arg3[%run_scoped3A, %add3A_4] : memref<2x2048xi32, #tpu.memory_space<hbm>> -> memref<1x32xi32, #tpu.memory_space<hbm>>
      %dma_start3A_45 = tpu.memref_squeeze %dma_start3A_44 : memref<1x32xi32, #tpu.memory_space<hbm>> -> memref<32xi32, #tpu.memory_space<hbm>>
      %dma_start3A_46 = tpu.memref_slice %arg3[%run_scoped3A, %add3A_4] : memref<2x2048xi32, #tpu.memory_space<hbm>> -> memref<1x32xi32, #tpu.memory_space<hbm>>
      %dma_start3A_47 = tpu.memref_squeeze %dma_start3A_46 : memref<1x32xi32, #tpu.memory_space<hbm>> -> memref<32xi32, #tpu.memory_space<hbm>>
      tpu.enqueue_dma source(%dma_start3A_47 : memref<32xi32, #tpu.memory_space<hbm>>) target(%arg6 : memref<32xi32, #tpu.memory_space<vmem>>) target_semaphore(%run_scoped3A_43 : memref<!tpu.dma_semaphore, #tpu.memory_space<semaphore_mem>>)
      %dma_wait3A_48 = tpu.memref_slice %arg3[%run_scoped3A, %add3A_4] : memref<2x2048xi32, #tpu.memory_space<hbm>> -> memref<1x32xi32, #tpu.memory_space<hbm>>
      %dma_wait3A_49 = tpu.memref_squeeze %dma_wait3A_48 : memref<1x32xi32, #tpu.memory_space<hbm>> -> memref<32xi32, #tpu.memory_space<hbm>>
      %dma_wait3A_50 = tpu.memref_slice %arg3[%run_scoped3A, %add3A_4] : memref<2x2048xi32, #tpu.memory_space<hbm>> -> memref<1x32xi32, #tpu.memory_space<hbm>>
      %dma_wait3A_51 = tpu.memref_squeeze %dma_wait3A_50 : memref<1x32xi32, #tpu.memory_space<hbm>> -> memref<32xi32, #tpu.memory_space<hbm>>
      tpu.wait_dma2 semaphore(%run_scoped3A_43 : memref<!tpu.dma_semaphore, #tpu.memory_space<semaphore_mem>>) src(%dma_wait3A_51 : memref<32xi32, #tpu.memory_space<hbm>>) dst(%arg6 : memref<32xi32, #tpu.memory_space<vmem>>)
      tpu.yield
    }) : () -> ()
    %run_scoped3A_5 = arith.constant 1 : i32
    "tpu.region"() ({
      %run_scoped3A_43 = tpu.sem_alloc : memref<!tpu.dma_semaphore, #tpu.memory_space<semaphore_mem>>
      %dma_start3A_44 = tpu.memref_slice %arg3[%run_scoped3A_5, %add3A_4] : memref<2x2048xi32, #tpu.memory_space<hbm>> -> memref<1x32xi32, #tpu.memory_space<hbm>>
      %dma_start3A_45 = tpu.memref_squeeze %dma_start3A_44 : memref<1x32xi32, #tpu.memory_space<hbm>> -> memref<32xi32, #tpu.memory_space<hbm>>
      %dma_start3A_46 = tpu.memref_slice %arg3[%run_scoped3A_5, %add3A_4] : memref<2x2048xi32, #tpu.memory_space<hbm>> -> memref<1x32xi32, #tpu.memory_space<hbm>>
      %dma_start3A_47 = tpu.memref_squeeze %dma_start3A_46 : memref<1x32xi32, #tpu.memory_space<hbm>> -> memref<32xi32, #tpu.memory_space<hbm>>
      tpu.enqueue_dma source(%dma_start3A_47 : memref<32xi32, #tpu.memory_space<hbm>>) target(%arg7 : memref<32xi32, #tpu.memory_space<vmem>>) target_semaphore(%run_scoped3A_43 : memref<!tpu.dma_semaphore, #tpu.memory_space<semaphore_mem>>)
      %dma_wait3A_48 = tpu.memref_slice %arg3[%run_scoped3A_5, %add3A_4] : memref<2x2048xi32, #tpu.memory_space<hbm>> -> memref<1x32xi32, #tpu.memory_space<hbm>>
      %dma_wait3A_49 = tpu.memref_squeeze %dma_wait3A_48 : memref<1x32xi32, #tpu.memory_space<hbm>> -> memref<32xi32, #tpu.memory_space<hbm>>
      %dma_wait3A_50 = tpu.memref_slice %arg3[%run_scoped3A_5, %add3A_4] : memref<2x2048xi32, #tpu.memory_space<hbm>> -> memref<1x32xi32, #tpu.memory_space<hbm>>
      %dma_wait3A_51 = tpu.memref_squeeze %dma_wait3A_50 : memref<1x32xi32, #tpu.memory_space<hbm>> -> memref<32xi32, #tpu.memory_space<hbm>>
      tpu.wait_dma2 semaphore(%run_scoped3A_43 : memref<!tpu.dma_semaphore, #tpu.memory_space<semaphore_mem>>) src(%dma_wait3A_51 : memref<32xi32, #tpu.memory_space<hbm>>) dst(%arg7 : memref<32xi32, #tpu.memory_space<vmem>>)
      tpu.yield
    }) : () -> ()
    %dma_start3A = arith.constant 0 : i32
    %dma_start3A_6 = arith.constant 0 : i32
    %dma_start3A_7 = tpu.memref_slice %arg2[%dma_start3A, %dma_start3A_6] : memref<6144x768xf32, #tpu.memory_space<hbm>> -> memref<6144x768xf32, #tpu.memory_space<hbm>>
    tpu.enqueue_indirect_dma source(%dma_start3A_7 : memref<6144x768xf32, #tpu.memory_space<hbm>>) target(%arg8 : memref<32x768xf32, #tpu.memory_space<vmem>>) offsets(%arg6 : memref<32xi32, #tpu.memory_space<vmem>>) semaphore(%arg11 : memref<!tpu.dma_semaphore, #tpu.memory_space<semaphore_mem>>)
    %dma_wait3A = arith.constant 0 : i32
    %dma_wait3A_8 = arith.constant 0 : i32
    %dma_wait3A_9 = tpu.memref_slice %arg2[%dma_wait3A, %dma_wait3A_8] : memref<6144x768xf32, #tpu.memory_space<hbm>> -> memref<6144x768xf32, #tpu.memory_space<hbm>>
    tpu.wait_indirect_dma semaphore(%arg11 : memref<!tpu.dma_semaphore, #tpu.memory_space<semaphore_mem>>) src(%dma_wait3A_9 : memref<6144x768xf32, #tpu.memory_space<hbm>>) dst(%arg8 : memref<32x768xf32, #tpu.memory_space<vmem>>)
    %dma_start3A_10 = arith.constant 0 : i32
    %dma_start3A_11 = arith.constant 0 : i32
    %dma_start3A_12 = tpu.memref_slice %arg2[%dma_start3A_10, %dma_start3A_11] : memref<6144x768xf32, #tpu.memory_space<hbm>> -> memref<6144x768xf32, #tpu.memory_space<hbm>>
    tpu.enqueue_indirect_dma source(%dma_start3A_12 : memref<6144x768xf32, #tpu.memory_space<hbm>>) target(%arg9 : memref<32x768xf32, #tpu.memory_space<vmem>>) offsets(%arg7 : memref<32xi32, #tpu.memory_space<vmem>>) semaphore(%arg11 : memref<!tpu.dma_semaphore, #tpu.memory_space<semaphore_mem>>)
    %dma_wait3A_13 = arith.constant 0 : i32
    %dma_wait3A_14 = arith.constant 0 : i32
    %dma_wait3A_15 = tpu.memref_slice %arg2[%dma_wait3A_13, %dma_wait3A_14] : memref<6144x768xf32, #tpu.memory_space<hbm>> -> memref<6144x768xf32, #tpu.memory_space<hbm>>
    tpu.wait_indirect_dma semaphore(%arg11 : memref<!tpu.dma_semaphore, #tpu.memory_space<semaphore_mem>>) src(%dma_wait3A_15 : memref<6144x768xf32, #tpu.memory_space<hbm>>) dst(%arg9 : memref<32x768xf32, #tpu.memory_space<vmem>>)
    "tpu.region"() ({
      %run_scoped3A_43 = tpu.sem_alloc : memref<!tpu.dma_semaphore, #tpu.memory_space<semaphore_mem>>
      %dma_start3A_44 = arith.constant 0 : i32
      %dma_start3A_45 = tpu.memref_slice %arg4[%add3A_4, %dma_start3A_44] : memref<2048x768xf32, #tpu.memory_space<hbm>> -> memref<32x768xf32, #tpu.memory_space<hbm>>
      %dma_start3A_46 = arith.constant 0 : i32
      %dma_start3A_47 = tpu.memref_slice %arg4[%add3A_4, %dma_start3A_46] : memref<2048x768xf32, #tpu.memory_space<hbm>> -> memref<32x768xf32, #tpu.memory_space<hbm>>
      tpu.enqueue_dma source(%dma_start3A_47 : memref<32x768xf32, #tpu.memory_space<hbm>>) target(%arg10 : memref<32x768xf32, #tpu.memory_space<vmem>>) target_semaphore(%run_scoped3A_43 : memref<!tpu.dma_semaphore, #tpu.memory_space<semaphore_mem>>)
      %dma_wait3A_48 = arith.constant 0 : i32
      %dma_wait3A_49 = tpu.memref_slice %arg4[%add3A_4, %dma_wait3A_48] : memref<2048x768xf32, #tpu.memory_space<hbm>> -> memref<32x768xf32, #tpu.memory_space<hbm>>
      %dma_wait3A_50 = arith.constant 0 : i32
      %dma_wait3A_51 = tpu.memref_slice %arg4[%add3A_4, %dma_wait3A_50] : memref<2048x768xf32, #tpu.memory_space<hbm>> -> memref<32x768xf32, #tpu.memory_space<hbm>>
      tpu.wait_dma2 semaphore(%run_scoped3A_43 : memref<!tpu.dma_semaphore, #tpu.memory_space<semaphore_mem>>) src(%dma_wait3A_51 : memref<32x768xf32, #tpu.memory_space<hbm>>) dst(%arg10 : memref<32x768xf32, #tpu.memory_space<vmem>>)
      tpu.yield
    }) : () -> ()
    %scan3A = arith.constant 0 : i32
    %scan3A_16 = arith.constant 0 : i32
    %scan3A_17 = arith.constant 32 : i32
    %scan3A_18 = arith.addi %scan3A_16, %scan3A_17 : i32
    %scan3A_19 = arith.constant 1 : i32
    scf.for %scan3A_43 = %scan3A_16 to %scan3A_18 step %scan3A_19  : i32 {
      %get3A = arith.index_cast %scan3A_43 : i32 to index
      %get3A_44 = arith.constant 0 : index
      %get3A_45 = tpu.vector_load %arg8[%get3A, %get3A_44] {strides = array<i32>} : memref<32x768xf32, #tpu.memory_space<vmem>>, vector<1x16xf32>,
      %get3A_46 = vector.shape_cast %get3A_45 : vector<1x16xf32> to vector<16xf32>
      %get3A_47 = arith.index_cast %scan3A_43 : i32 to index
      %get3A_48 = arith.constant 0 : index
      %get3A_49 = tpu.vector_load %arg9[%get3A_47, %get3A_48] {strides = array<i32>} : memref<32x768xf32, #tpu.memory_space<vmem>>, vector<1x16xf32>,
      %get3A_50 = vector.shape_cast %get3A_49 : vector<1x16xf32> to vector<16xf32>
      %add3A_51 = arith.addf %get3A_46, %get3A_50 : vector<16xf32>
      %get3A_52 = arith.index_cast %scan3A_43 : i32 to index
      %get3A_53 = arith.constant 0 : index
      %get3A_54 = tpu.vector_load %arg10[%get3A_52, %get3A_53] {strides = array<i32>} : memref<32x768xf32, #tpu.memory_space<vmem>>, vector<1x16xf32>,
      %get3A_55 = vector.shape_cast %get3A_54 : vector<1x16xf32> to vector<16xf32>
      %add3A_56 = arith.addf %add3A_51, %get3A_55 : vector<16xf32>
      %swap3A = arith.index_cast %scan3A_43 : i32 to index
      %swap3A_57 = arith.constant 0 : index
      %swap3A_58 = tpu.vector_load %arg8[%swap3A, %swap3A_57] {strides = array<i32>} : memref<32x768xf32, #tpu.memory_space<vmem>>, vector<1x16xf32>,
      %swap3A_59 = vector.shape_cast %swap3A_58 : vector<1x16xf32> to vector<16xf32>
      %swap3A_60 = vector.shape_cast %add3A_56 : vector<16xf32> to vector<1x16xf32>
      tpu.vector_store %arg8[%swap3A, %swap3A_57], %swap3A_60 {strides = array<i32>} : memref<32x768xf32, #tpu.memory_space<vmem>>, vector<1x16xf32>,
      %get3A_61 = arith.index_cast %scan3A_43 : i32 to index
      %get3A_62 = arith.constant 16 : index
      %get3A_63 = tpu.vector_load %arg8[%get3A_61, %get3A_62] {strides = array<i32>} : memref<32x768xf32, #tpu.memory_space<vmem>>, vector<1x16xf32>,
      %get3A_64 = vector.shape_cast %get3A_63 : vector<1x16xf32> to vector<16xf32>
      %get3A_65 = arith.index_cast %scan3A_43 : i32 to index
      %get3A_66 = arith.constant 16 : index
      %get3A_67 = tpu.vector_load %arg9[%get3A_65, %get3A_66] {strides = array<i32>} : memref<32x768xf32, #tpu.memory_space<vmem>>, vector<1x16xf32>,
      %get3A_68 = vector.shape_cast %get3A_67 : vector<1x16xf32> to vector<16xf32>
      %add3A_69 = arith.addf %get3A_64, %get3A_68 : vector<16xf32>
      %get3A_70 = arith.index_cast %scan3A_43 : i32 to index
      %get3A_71 = arith.constant 16 : index
      %get3A_72 = tpu.vector_load %arg10[%get3A_70, %get3A_71] {strides = array<i32>} : memref<32x768xf32, #tpu.memory_space<vmem>>, vector<1x16xf32>,
      %get3A_73 = vector.shape_cast %get3A_72 : vector<1x16xf32> to vector<16xf32>
      %add3A_74 = arith.addf %add3A_69, %get3A_73 : vector<16xf32>
      %swap3A_75 = arith.index_cast %scan3A_43 : i32 to index
      %swap3A_76 = arith.constant 16 : index
      %swap3A_77 = tpu.vector_load %arg8[%swap3A_75, %swap3A_76] {strides = array<i32>} : memref<32x768xf32, #tpu.memory_space<vmem>>, vector<1x16xf32>,
      %swap3A_78 = vector.shape_cast %swap3A_77 : vector<1x16xf32> to vector<16xf32>
      %swap3A_79 = vector.shape_cast %add3A_74 : vector<16xf32> to vector<1x16xf32>
      tpu.vector_store %arg8[%swap3A_75, %swap3A_76], %swap3A_79 {strides = array<i32>} : memref<32x768xf32, #tpu.memory_space<vmem>>, vector<1x16xf32>,
      %get3A_80 = arith.index_cast %scan3A_43 : i32 to index
      %get3A_81 = arith.constant 32 : index
      %get3A_82 = tpu.vector_load %arg8[%get3A_80, %get3A_81] {strides = array<i32>} : memref<32x768xf32, #tpu.memory_space<vmem>>, vector<1x16xf32>,
      %get3A_83 = vector.shape_cast %get3A_82 : vector<1x16xf32> to vector<16xf32>
      %get3A_84 = arith.index_cast %scan3A_43 : i32 to index
      %get3A_85 = arith.constant 32 : index
      %get3A_86 = tpu.vector_load %arg9[%get3A_84, %get3A_85] {strides = array<i32>} : memref<32x768xf32, #tpu.memory_space<vmem>>, vector<1x16xf32>,
      %get3A_87 = vector.shape_cast %get3A_86 : vector<1x16xf32> to vector<16xf32>
      %add3A_88 = arith.addf %get3A_83, %get3A_87 : vector<16xf32>
      %get3A_89 = arith.index_cast %scan3A_43 : i32 to index
      %get3A_90 = arith.constant 32 : index
      %get3A_91 = tpu.vector_load %arg10[%get3A_89, %get3A_90] {strides = array<i32>} : memref<32x768xf32, #tpu.memory_space<vmem>>, vector<1x16xf32>,
      %get3A_92 = vector.shape_cast %get3A_91 : vector<1x16xf32> to vector<16xf32>
      %add3A_93 = arith.addf %add3A_88, %get3A_92 : vector<16xf32>
      %swap3A_94 = arith.index_cast %scan3A_43 : i32 to index
      %swap3A_95 = arith.constant 32 : index
      %swap3A_96 = tpu.vector_load %arg8[%swap3A_94, %swap3A_95] {strides = array<i32>} : memref<32x768xf32, #tpu.memory_space<vmem>>, vector<1x16xf32>,
      %swap3A_97 = vector.shape_cast %swap3A_96 : vector<1x16xf32> to vector<16xf32>
      %swap3A_98 = vector.shape_cast %add3A_93 : vector<16xf32> to vector<1x16xf32>
      tpu.vector_store %arg8[%swap3A_94, %swap3A_95], %swap3A_98 {strides = array<i32>} : memref<32x768xf32, #tpu.memory_space<vmem>>, vector<1x16xf32>,
      %get3A_99 = arith.index_cast %scan3A_43 : i32 to index
      %get3A_100 = arith.constant 48 : index
      %get3A_101 = tpu.vector_load %arg8[%get3A_99, %get3A_100] {strides = array<i32>} : memref<32x768xf32, #tpu.memory_space<vmem>>, vector<1x16xf32>,
      %get3A_102 = vector.shape_cast %get3A_101 : vector<1x16xf32> to vector<16xf32>
      %get3A_103 = arith.index_cast %scan3A_43 : i32 to index
      %get3A_104 = arith.constant 48 : index
      %get3A_105 = tpu.vector_load %arg9[%get3A_103, %get3A_104] {strides = array<i32>} : memref<32x768xf32, #tpu.memory_space<vmem>>, vector<1x16xf32>,
      %get3A_106 = vector.shape_cast %get3A_105 : vector<1x16xf32> to vector<16xf32>
      %add3A_107 = arith.addf %get3A_102, %get3A_106 : vector<16xf32>
      %get3A_108 = arith.index_cast %scan3A_43 : i32 to index
      %get3A_109 = arith.constant 48 : index
      %get3A_110 = tpu.vector_load %arg10[%get3A_108, %get3A_109] {strides = array<i32>} : memref<32x768xf32, #tpu.memory_space<vmem>>, vector<1x16xf32>,
      %get3A_111 = vector.shape_cast %get3A_110 : vector<1x16xf32> to vector<16xf32>
      %add3A_112 = arith.addf %add3A_107, %get3A_111 : vector<16xf32>
      %swap3A_113 = arith.index_cast %scan3A_43 : i32 to index
      %swap3A_114 = arith.constant 48 : index
      %swap3A_115 = tpu.vector_load %arg8[%swap3A_113, %swap3A_114] {strides = array<i32>} : memref<32x768xf32, #tpu.memory_space<vmem>>, vector<1x16xf32>,
      %swap3A_116 = vector.shape_cast %swap3A_115 : vector<1x16xf32> to vector<16xf32>
      %swap3A_117 = vector.shape_cast %add3A_112 : vector<16xf32> to vector<1x16xf32>
      tpu.vector_store %arg8[%swap3A_113, %swap3A_114], %swap3A_117 {strides = array<i32>} : memref<32x768xf32, #tpu.memory_space<vmem>>, vector<1x16xf32>,
      %get3A_118 = arith.index_cast %scan3A_43 : i32 to index
      %get3A_119 = arith.constant 64 : index
      %get3A_120 = tpu.vector_load %arg8[%get3A_118, %get3A_119] {strides = array<i32>} : memref<32x768xf32, #tpu.memory_space<vmem>>, vector<1x16xf32>,
      %get3A_121 = vector.shape_cast %get3A_120 : vector<1x16xf32> to vector<16xf32>
      %get3A_122 = arith.index_cast %scan3A_43 : i32 to index
      %get3A_123 = arith.constant 64 : index
      %get3A_124 = tpu.vector_load %arg9[%get3A_122, %get3A_123] {strides = array<i32>} : memref<32x768xf32, #tpu.memory_space<vmem>>, vector<1x16xf32>,
      %get3A_125 = vector.shape_cast %get3A_124 : vector<1x16xf32> to vector<16xf32>
      %add3A_126 = arith.addf %get3A_121, %get3A_125 : vector<16xf32>
      %get3A_127 = arith.index_cast %scan3A_43 : i32 to index
      %get3A_128 = arith.constant 64 : index
      %get3A_129 = tpu.vector_load %arg10[%get3A_127, %get3A_128] {strides = array<i32>} : memref<32x768xf32, #tpu.memory_space<vmem>>, vector<1x16xf32>,
      %get3A_130 = vector.shape_cast %get3A_129 : vector<1x16xf32> to vector<16xf32>
      %add3A_131 = arith.addf %add3A_126, %get3A_130 : vector<16xf32>
      %swap3A_132 = arith.index_cast %scan3A_43 : i32 to index
      %swap3A_133 = arith.constant 64 : index
      %swap3A_134 = tpu.vector_load %arg8[%swap3A_132, %swap3A_133] {strides = array<i32>} : memref<32x768xf32, #tpu.memory_space<vmem>>, vector<1x16xf32>,
      %swap3A_135 = vector.shape_cast %swap3A_134 : vector<1x16xf32> to vector<16xf32>
      %swap3A_136 = vector.shape_cast %add3A_131 : vector<16xf32> to vector<1x16xf32>
      tpu.vector_store %arg8[%swap3A_132, %swap3A_133], %swap3A_136 {strides = array<i32>} : memref<32x768xf32, #tpu.memory_space<vmem>>, vector<1x16xf32>,
      %get3A_137 = arith.index_cast %scan3A_43 : i32 to index
      %get3A_138 = arith.constant 80 : index
      %get3A_139 = tpu.vector_load %arg8[%get3A_137, %get3A_138] {strides = array<i32>} : memref<32x768xf32, #tpu.memory_space<vmem>>, vector<1x16xf32>,
      %get3A_140 = vector.shape_cast %get3A_139 : vector<1x16xf32> to vector<16xf32>
      %get3A_141 = arith.index_cast %scan3A_43 : i32 to index
      %get3A_142 = arith.constant 80 : index
      %get3A_143 = tpu.vector_load %arg9[%get3A_141, %get3A_142] {strides = array<i32>} : memref<32x768xf32, #tpu.memory_space<vmem>>, vector<1x16xf32>,
      %get3A_144 = vector.shape_cast %get3A_143 : vector<1x16xf32> to vector<16xf32>
      %add3A_145 = arith.addf %get3A_140, %get3A_144 : vector<16xf32>
      %get3A_146 = arith.index_cast %scan3A_43 : i32 to index
      %get3A_147 = arith.constant 80 : index
      %get3A_148 = tpu.vector_load %arg10[%get3A_146, %get3A_147] {strides = array<i32>} : memref<32x768xf32, #tpu.memory_space<vmem>>, vector<1x16xf32>,
      %get3A_149 = vector.shape_cast %get3A_148 : vector<1x16xf32> to vector<16xf32>
      %add3A_150 = arith.addf %add3A_145, %get3A_149 : vector<16xf32>
      %swap3A_151 = arith.index_cast %scan3A_43 : i32 to index
      %swap3A_152 = arith.constant 80 : index
      %swap3A_153 = tpu.vector_load %arg8[%swap3A_151, %swap3A_152] {strides = array<i32>} : memref<32x768xf32, #tpu.memory_space<vmem>>, vector<1x16xf32>,
      %swap3A_154 = vector.shape_cast %swap3A_153 : vector<1x16xf32> to vector<16xf32>
      %swap3A_155 = vector.shape_cast %add3A_150 : vector<16xf32> to vector<1x16xf32>
      tpu.vector_store %arg8[%swap3A_151, %swap3A_152], %swap3A_155 {strides = array<i32>} : memref<32x768xf32, #tpu.memory_space<vmem>>, vector<1x16xf32>,
      %get3A_156 = arith.index_cast %scan3A_43 : i32 to index
      %get3A_157 = arith.constant 96 : index
      %get3A_158 = tpu.vector_load %arg8[%get3A_156, %get3A_157] {strides = array<i32>} : memref<32x768xf32, #tpu.memory_space<vmem>>, vector<1x16xf32>,
      %get3A_159 = vector.shape_cast %get3A_158 : vector<1x16xf32> to vector<16xf32>
      %get3A_160 = arith.index_cast %scan3A_43 : i32 to index
      %get3A_161 = arith.constant 96 : index
      %get3A_162 = tpu.vector_load %arg9[%get3A_160, %get3A_161] {strides = array<i32>} : memref<32x768xf32, #tpu.memory_space<vmem>>, vector<1x16xf32>,
      %get3A_163 = vector.shape_cast %get3A_162 : vector<1x16xf32> to vector<16xf32>
      %add3A_164 = arith.addf %get3A_159, %get3A_163 : vector<16xf32>
      %get3A_165 = arith.index_cast %scan3A_43 : i32 to index
      %get3A_166 = arith.constant 96 : index
      %get3A_167 = tpu.vector_load %arg10[%get3A_165, %get3A_166] {strides = array<i32>} : memref<32x768xf32, #tpu.memory_space<vmem>>, vector<1x16xf32>,
      %get3A_168 = vector.shape_cast %get3A_167 : vector<1x16xf32> to vector<16xf32>
      %add3A_169 = arith.addf %add3A_164, %get3A_168 : vector<16xf32>
      %swap3A_170 = arith.index_cast %scan3A_43 : i32 to index
      %swap3A_171 = arith.constant 96 : index
      %swap3A_172 = tpu.vector_load %arg8[%swap3A_170, %swap3A_171] {strides = array<i32>} : memref<32x768xf32, #tpu.memory_space<vmem>>, vector<1x16xf32>,
      %swap3A_173 = vector.shape_cast %swap3A_172 : vector<1x16xf32> to vector<16xf32>
      %swap3A_174 = vector.shape_cast %add3A_169 : vector<16xf32> to vector<1x16xf32>
      tpu.vector_store %arg8[%swap3A_170, %swap3A_171], %swap3A_174 {strides = array<i32>} : memref<32x768xf32, #tpu.memory_space<vmem>>, vector<1x16xf32>,
      %get3A_175 = arith.index_cast %scan3A_43 : i32 to index
      %get3A_176 = arith.constant 112 : index
      %get3A_177 = tpu.vector_load %arg8[%get3A_175, %get3A_176] {strides = array<i32>} : memref<32x768xf32, #tpu.memory_space<vmem>>, vector<1x16xf32>,
      %get3A_178 = vector.shape_cast %get3A_177 : vector<1x16xf32> to vector<16xf32>
      %get3A_179 = arith.index_cast %scan3A_43 : i32 to index
      %get3A_180 = arith.constant 112 : index
      %get3A_181 = tpu.vector_load %arg9[%get3A_179, %get3A_180] {strides = array<i32>} : memref<32x768xf32, #tpu.memory_space<vmem>>, vector<1x16xf32>,
      %get3A_182 = vector.shape_cast %get3A_181 : vector<1x16xf32> to vector<16xf32>
      %add3A_183 = arith.addf %get3A_178, %get3A_182 : vector<16xf32>
      %get3A_184 = arith.index_cast %scan3A_43 : i32 to index
      %get3A_185 = arith.constant 112 : index
      %get3A_186 = tpu.vector_load %arg10[%get3A_184, %get3A_185] {strides = array<i32>} : memref<32x768xf32, #tpu.memory_space<vmem>>, vector<1x16xf32>,
      %get3A_187 = vector.shape_cast %get3A_186 : vector<1x16xf32> to vector<16xf32>
      %add3A_188 = arith.addf %add3A_183, %get3A_187 : vector<16xf32>
      %swap3A_189 = arith.index_cast %scan3A_43 : i32 to index
      %swap3A_190 = arith.constant 112 : index
      %swap3A_191 = tpu.vector_load %arg8[%swap3A_189, %swap3A_190] {strides = array<i32>} : memref<32x768xf32, #tpu.memory_space<vmem>>, vector<1x16xf32>,
      %swap3A_192 = vector.shape_cast %swap3A_191 : vector<1x16xf32> to vector<16xf32>
      %swap3A_193 = vector.shape_cast %add3A_188 : vector<16xf32> to vector<1x16xf32>
      tpu.vector_store %arg8[%swap3A_189, %swap3A_190], %swap3A_193 {strides = array<i32>} : memref<32x768xf32, #tpu.memory_space<vmem>>, vector<1x16xf32>,
      %get3A_194 = arith.index_cast %scan3A_43 : i32 to index
      %get3A_195 = arith.constant 128 : index
      %get3A_196 = tpu.vector_load %arg8[%get3A_194, %get3A_195] {strides = array<i32>} : memref<32x768xf32, #tpu.memory_space<vmem>>, vector<1x16xf32>,
      %get3A_197 = vector.shape_cast %get3A_196 : vector<1x16xf32> to vector<16xf32>
      %get3A_198 = arith.index_cast %scan3A_43 : i32 to index
      %get3A_199 = arith.constant 128 : index
      %get3A_200 = tpu.vector_load %arg9[%get3A_198, %get3A_199] {strides = array<i32>} : memref<32x768xf32, #tpu.memory_space<vmem>>, vector<1x16xf32>,
      %get3A_201 = vector.shape_cast %get3A_200 : vector<1x16xf32> to vector<16xf32>
      %add3A_202 = arith.addf %get3A_197, %get3A_201 : vector<16xf32>
      %get3A_203 = arith.index_cast %scan3A_43 : i32 to index
      %get3A_204 = arith.constant 128 : index
      %get3A_205 = tpu.vector_load %arg10[%get3A_203, %get3A_204] {strides = array<i32>} : memref<32x768xf32, #tpu.memory_space<vmem>>, vector<1x16xf32>,
      %get3A_206 = vector.shape_cast %get3A_205 : vector<1x16xf32> to vector<16xf32>
      %add3A_207 = arith.addf %add3A_202, %get3A_206 : vector<16xf32>
      %swap3A_208 = arith.index_cast %scan3A_43 : i32 to index
      %swap3A_209 = arith.constant 128 : index
      %swap3A_210 = tpu.vector_load %arg8[%swap3A_208, %swap3A_209] {strides = array<i32>} : memref<32x768xf32, #tpu.memory_space<vmem>>, vector<1x16xf32>,
      %swap3A_211 = vector.shape_cast %swap3A_210 : vector<1x16xf32> to vector<16xf32>
      %swap3A_212 = vector.shape_cast %add3A_207 : vector<16xf32> to vector<1x16xf32>
      tpu.vector_store %arg8[%swap3A_208, %swap3A_209], %swap3A_212 {strides = array<i32>} : memref<32x768xf32, #tpu.memory_space<vmem>>, vector<1x16xf32>,
      %get3A_213 = arith.index_cast %scan3A_43 : i32 to index
      %get3A_214 = arith.constant 144 : index
      %get3A_215 = tpu.vector_load %arg8[%get3A_213, %get3A_214] {strides = array<i32>} : memref<32x768xf32, #tpu.memory_space<vmem>>, vector<1x16xf32>,
      %get3A_216 = vector.shape_cast %get3A_215 : vector<1x16xf32> to vector<16xf32>
      %get3A_217 = arith.index_cast %scan3A_43 : i32 to index
      %get3A_218 = arith.constant 144 : index
      %get3A_219 = tpu.vector_load %arg9[%get3A_217, %get3A_218] {strides = array<i32>} : memref<32x768xf32, #tpu.memory_space<vmem>>, vector<1x16xf32>,
      %get3A_220 = vector.shape_cast %get3A_219 : vector<1x16xf32> to vector<16xf32>
      %add3A_221 = arith.addf %get3A_216, %get3A_220 : vector<16xf32>
      %get3A_222 = arith.index_cast %scan3A_43 : i32 to index
      %get3A_223 = arith.constant 144 : index
      %get3A_224 = tpu.vector_load %arg10[%get3A_222, %get3A_223] {strides = array<i32>} : memref<32x768xf32, #tpu.memory_space<vmem>>, vector<1x16xf32>,
      %get3A_225 = vector.shape_cast %get3A_224 : vector<1x16xf32> to vector<16xf32>
      %add3A_226 = arith.addf %add3A_221, %get3A_225 : vector<16xf32>
      %swap3A_227 = arith.index_cast %scan3A_43 : i32 to index
      %swap3A_228 = arith.constant 144 : index
      %swap3A_229 = tpu.vector_load %arg8[%swap3A_227, %swap3A_228] {strides = array<i32>} : memref<32x768xf32, #tpu.memory_space<vmem>>, vector<1x16xf32>,
      %swap3A_230 = vector.shape_cast %swap3A_229 : vector<1x16xf32> to vector<16xf32>
      %swap3A_231 = vector.shape_cast %add3A_226 : vector<16xf32> to vector<1x16xf32>
      tpu.vector_store %arg8[%swap3A_227, %swap3A_228], %swap3A_231 {strides = array<i32>} : memref<32x768xf32, #tpu.memory_space<vmem>>, vector<1x16xf32>,
      %get3A_232 = arith.index_cast %scan3A_43 : i32 to index
      %get3A_233 = arith.constant 160 : index
      %get3A_234 = tpu.vector_load %arg8[%get3A_232, %get3A_233] {strides = array<i32>} : memref<32x768xf32, #tpu.memory_space<vmem>>, vector<1x16xf32>,
      %get3A_235 = vector.shape_cast %get3A_234 : vector<1x16xf32> to vector<16xf32>
      %get3A_236 = arith.index_cast %scan3A_43 : i32 to index
      %get3A_237 = arith.constant 160 : index
      %get3A_238 = tpu.vector_load %arg9[%get3A_236, %get3A_237] {strides = array<i32>} : memref<32x768xf32, #tpu.memory_space<vmem>>, vector<1x16xf32>,
      %get3A_239 = vector.shape_cast %get3A_238 : vector<1x16xf32> to vector<16xf32>
      %add3A_240 = arith.addf %get3A_235, %get3A_239 : vector<16xf32>
      %get3A_241 = arith.index_cast %scan3A_43 : i32 to index
      %get3A_242 = arith.constant 160 : index
      %get3A_243 = tpu.vector_load %arg10[%get3A_241, %get3A_242] {strides = array<i32>} : memref<32x768xf32, #tpu.memory_space<vmem>>, vector<1x16xf32>,
      %get3A_244 = vector.shape_cast %get3A_243 : vector<1x16xf32> to vector<16xf32>
      %add3A_245 = arith.addf %add3A_240, %get3A_244 : vector<16xf32>
      %swap3A_246 = arith.index_cast %scan3A_43 : i32 to index
      %swap3A_247 = arith.constant 160 : index
      %swap3A_248 = tpu.vector_load %arg8[%swap3A_246, %swap3A_247] {strides = array<i32>} : memref<32x768xf32, #tpu.memory_space<vmem>>, vector<1x16xf32>,
      %swap3A_249 = vector.shape_cast %swap3A_248 : vector<1x16xf32> to vector<16xf32>
      %swap3A_250 = vector.shape_cast %add3A_245 : vector<16xf32> to vector<1x16xf32>
      tpu.vector_store %arg8[%swap3A_246, %swap3A_247], %swap3A_250 {strides = array<i32>} : memref<32x768xf32, #tpu.memory_space<vmem>>, vector<1x16xf32>,
      %get3A_251 = arith.index_cast %scan3A_43 : i32 to index
      %get3A_252 = arith.constant 176 : index
      %get3A_253 = tpu.vector_load %arg8[%get3A_251, %get3A_252] {strides = array<i32>} : memref<32x768xf32, #tpu.memory_space<vmem>>, vector<1x16xf32>,
      %get3A_254 = vector.shape_cast %get3A_253 : vector<1x16xf32> to vector<16xf32>
      %get3A_255 = arith.index_cast %scan3A_43 : i32 to index
      %get3A_256 = arith.constant 176 : index
      %get3A_257 = tpu.vector_load %arg9[%get3A_255, %get3A_256] {strides = array<i32>} : memref<32x768xf32, #tpu.memory_space<vmem>>, vector<1x16xf32>,
      %get3A_258 = vector.shape_cast %get3A_257 : vector<1x16xf32> to vector<16xf32>
      %add3A_259 = arith.addf %get3A_254, %get3A_258 : vector<16xf32>
      %get3A_260 = arith.index_cast %scan3A_43 : i32 to index
      %get3A_261 = arith.constant 176 : index
      %get3A_262 = tpu.vector_load %arg10[%get3A_260, %get3A_261] {strides = array<i32>} : memref<32x768xf32, #tpu.memory_space<vmem>>, vector<1x16xf32>,
      %get3A_263 = vector.shape_cast %get3A_262 : vector<1x16xf32> to vector<16xf32>
      %add3A_264 = arith.addf %add3A_259, %get3A_263 : vector<16xf32>
      %swap3A_265 = arith.index_cast %scan3A_43 : i32 to index
      %swap3A_266 = arith.constant 176 : index
      %swap3A_267 = tpu.vector_load %arg8[%swap3A_265, %swap3A_266] {strides = array<i32>} : memref<32x768xf32, #tpu.memory_space<vmem>>, vector<1x16xf32>,
      %swap3A_268 = vector.shape_cast %swap3A_267 : vector<1x16xf32> to vector<16xf32>
      %swap3A_269 = vector.shape_cast %add3A_264 : vector<16xf32> to vector<1x16xf32>
      tpu.vector_store %arg8[%swap3A_265, %swap3A_266], %swap3A_269 {strides = array<i32>} : memref<32x768xf32, #tpu.memory_space<vmem>>, vector<1x16xf32>,
      %get3A_270 = arith.index_cast %scan3A_43 : i32 to index
      %get3A_271 = arith.constant 192 : index
      %get3A_272 = tpu.vector_load %arg8[%get3A_270, %get3A_271] {strides = array<i32>} : memref<32x768xf32, #tpu.memory_space<vmem>>, vector<1x16xf32>,
      %get3A_273 = vector.shape_cast %get3A_272 : vector<1x16xf32> to vector<16xf32>
      %get3A_274 = arith.index_cast %scan3A_43 : i32 to index
      %get3A_275 = arith.constant 192 : index
      %get3A_276 = tpu.vector_load %arg9[%get3A_274, %get3A_275] {strides = array<i32>} : memref<32x768xf32, #tpu.memory_space<vmem>>, vector<1x16xf32>,
      %get3A_277 = vector.shape_cast %get3A_276 : vector<1x16xf32> to vector<16xf32>
      %add3A_278 = arith.addf %get3A_273, %get3A_277 : vector<16xf32>
      %get3A_279 = arith.index_cast %scan3A_43 : i32 to index
      %get3A_280 = arith.constant 192 : index
      %get3A_281 = tpu.vector_load %arg10[%get3A_279, %get3A_280] {strides = array<i32>} : memref<32x768xf32, #tpu.memory_space<vmem>>, vector<1x16xf32>,
      %get3A_282 = vector.shape_cast %get3A_281 : vector<1x16xf32> to vector<16xf32>
      %add3A_283 = arith.addf %add3A_278, %get3A_282 : vector<16xf32>
      %swap3A_284 = arith.index_cast %scan3A_43 : i32 to index
      %swap3A_285 = arith.constant 192 : index
      %swap3A_286 = tpu.vector_load %arg8[%swap3A_284, %swap3A_285] {strides = array<i32>} : memref<32x768xf32, #tpu.memory_space<vmem>>, vector<1x16xf32>,
      %swap3A_287 = vector.shape_cast %swap3A_286 : vector<1x16xf32> to vector<16xf32>
      %swap3A_288 = vector.shape_cast %add3A_283 : vector<16xf32> to vector<1x16xf32>
      tpu.vector_store %arg8[%swap3A_284, %swap3A_285], %swap3A_288 {strides = array<i32>} : memref<32x768xf32, #tpu.memory_space<vmem>>, vector<1x16xf32>,
      %get3A_289 = arith.index_cast %scan3A_43 : i32 to index
      %get3A_290 = arith.constant 208 : index
      %get3A_291 = tpu.vector_load %arg8[%get3A_289, %get3A_290] {strides = array<i32>} : memref<32x768xf32, #tpu.memory_space<vmem>>, vector<1x16xf32>,
      %get3A_292 = vector.shape_cast %get3A_291 : vector<1x16xf32> to vector<16xf32>
      %get3A_293 = arith.index_cast %scan3A_43 : i32 to index
      %get3A_294 = arith.constant 208 : index
      %get3A_295 = tpu.vector_load %arg9[%get3A_293, %get3A_294] {strides = array<i32>} : memref<32x768xf32, #tpu.memory_space<vmem>>, vector<1x16xf32>,
      %get3A_296 = vector.shape_cast %get3A_295 : vector<1x16xf32> to vector<16xf32>
      %add3A_297 = arith.addf %get3A_292, %get3A_296 : vector<16xf32>
      %get3A_298 = arith.index_cast %scan3A_43 : i32 to index
      %get3A_299 = arith.constant 208 : index
      %get3A_300 = tpu.vector_load %arg10[%get3A_298, %get3A_299] {strides = array<i32>} : memref<32x768xf32, #tpu.memory_space<vmem>>, vector<1x16xf32>,
      %get3A_301 = vector.shape_cast %get3A_300 : vector<1x16xf32> to vector<16xf32>
      %add3A_302 = arith.addf %add3A_297, %get3A_301 : vector<16xf32>
      %swap3A_303 = arith.index_cast %scan3A_43 : i32 to index
      %swap3A_304 = arith.constant 208 : index
      %swap3A_305 = tpu.vector_load %arg8[%swap3A_303, %swap3A_304] {strides = array<i32>} : memref<32x768xf32, #tpu.memory_space<vmem>>, vector<1x16xf32>,
      %swap3A_306 = vector.shape_cast %swap3A_305 : vector<1x16xf32> to vector<16xf32>
      %swap3A_307 = vector.shape_cast %add3A_302 : vector<16xf32> to vector<1x16xf32>
      tpu.vector_store %arg8[%swap3A_303, %swap3A_304], %swap3A_307 {strides = array<i32>} : memref<32x768xf32, #tpu.memory_space<vmem>>, vector<1x16xf32>,
      %get3A_308 = arith.index_cast %scan3A_43 : i32 to index
      %get3A_309 = arith.constant 224 : index
      %get3A_310 = tpu.vector_load %arg8[%get3A_308, %get3A_309] {strides = array<i32>} : memref<32x768xf32, #tpu.memory_space<vmem>>, vector<1x16xf32>,
      %get3A_311 = vector.shape_cast %get3A_310 : vector<1x16xf32> to vector<16xf32>
      %get3A_312 = arith.index_cast %scan3A_43 : i32 to index
      %get3A_313 = arith.constant 224 : index
      %get3A_314 = tpu.vector_load %arg9[%get3A_312, %get3A_313] {strides = array<i32>} : memref<32x768xf32, #tpu.memory_space<vmem>>, vector<1x16xf32>,
      %get3A_315 = vector.shape_cast %get3A_314 : vector<1x16xf32> to vector<16xf32>
      %add3A_316 = arith.addf %get3A_311, %get3A_315 : vector<16xf32>
      %get3A_317 = arith.index_cast %scan3A_43 : i32 to index
      %get3A_318 = arith.constant 224 : index
      %get3A_319 = tpu.vector_load %arg10[%get3A_317, %get3A_318] {strides = array<i32>} : memref<32x768xf32, #tpu.memory_space<vmem>>, vector<1x16xf32>,
      %get3A_320 = vector.shape_cast %get3A_319 : vector<1x16xf32> to vector<16xf32>
      %add3A_321 = arith.addf %add3A_316, %get3A_320 : vector<16xf32>
      %swap3A_322 = arith.index_cast %scan3A_43 : i32 to index
      %swap3A_323 = arith.constant 224 : index
      %swap3A_324 = tpu.vector_load %arg8[%swap3A_322, %swap3A_323] {strides = array<i32>} : memref<32x768xf32, #tpu.memory_space<vmem>>, vector<1x16xf32>,
      %swap3A_325 = vector.shape_cast %swap3A_324 : vector<1x16xf32> to vector<16xf32>
      %swap3A_326 = vector.shape_cast %add3A_321 : vector<16xf32> to vector<1x16xf32>
      tpu.vector_store %arg8[%swap3A_322, %swap3A_323], %swap3A_326 {strides = array<i32>} : memref<32x768xf32, #tpu.memory_space<vmem>>, vector<1x16xf32>,
      %get3A_327 = arith.index_cast %scan3A_43 : i32 to index
      %get3A_328 = arith.constant 240 : index
      %get3A_329 = tpu.vector_load %arg8[%get3A_327, %get3A_328] {strides = array<i32>} : memref<32x768xf32, #tpu.memory_space<vmem>>, vector<1x16xf32>,
      %get3A_330 = vector.shape_cast %get3A_329 : vector<1x16xf32> to vector<16xf32>
      %get3A_331 = arith.index_cast %scan3A_43 : i32 to index
      %get3A_332 = arith.constant 240 : index
      %get3A_333 = tpu.vector_load %arg9[%get3A_331, %get3A_332] {strides = array<i32>} : memref<32x768xf32, #tpu.memory_space<vmem>>, vector<1x16xf32>,
      %get3A_334 = vector.shape_cast %get3A_333 : vector<1x16xf32> to vector<16xf32>
      %add3A_335 = arith.addf %get3A_330, %get3A_334 : vector<16xf32>
      %get3A_336 = arith.index_cast %scan3A_43 : i32 to index
      %get3A_337 = arith.constant 240 : index
      %get3A_338 = tpu.vector_load %arg10[%get3A_336, %get3A_337] {strides = array<i32>} : memref<32x768xf32, #tpu.memory_space<vmem>>, vector<1x16xf32>,
      %get3A_339 = vector.shape_cast %get3A_338 : vector<1x16xf32> to vector<16xf32>
      %add3A_340 = arith.addf %add3A_335, %get3A_339 : vector<16xf32>
      %swap3A_341 = arith.index_cast %scan3A_43 : i32 to index
      %swap3A_342 = arith.constant 240 : index
      %swap3A_343 = tpu.vector_load %arg8[%swap3A_341, %swap3A_342] {strides = array<i32>} : memref<32x768xf32, #tpu.memory_space<vmem>>, vector<1x16xf32>,
      %swap3A_344 = vector.shape_cast %swap3A_343 : vector<1x16xf32> to vector<16xf32>
      %swap3A_345 = vector.shape_cast %add3A_340 : vector<16xf32> to vector<1x16xf32>
      tpu.vector_store %arg8[%swap3A_341, %swap3A_342], %swap3A_345 {strides = array<i32>} : memref<32x768xf32, #tpu.memory_space<vmem>>, vector<1x16xf32>,
      %get3A_346 = arith.index_cast %scan3A_43 : i32 to index
      %get3A_347 = arith.constant 256 : index
      %get3A_348 = tpu.vector_load %arg8[%get3A_346, %get3A_347] {strides = array<i32>} : memref<32x768xf32, #tpu.memory_space<vmem>>, vector<1x16xf32>,
      %get3A_349 = vector.shape_cast %get3A_348 : vector<1x16xf32> to vector<16xf32>
      %get3A_350 = arith.index_cast %scan3A_43 : i32 to index
      %get3A_351 = arith.constant 256 : index
      %get3A_352 = tpu.vector_load %arg9[%get3A_350, %get3A_351] {strides = array<i32>} : memref<32x768xf32, #tpu.memory_space<vmem>>, vector<1x16xf32>,
      %get3A_353 = vector.shape_cast %get3A_352 : vector<1x16xf32> to vector<16xf32>
      %add3A_354 = arith.addf %get3A_349, %get3A_353 : vector<16xf32>
      %get3A_355 = arith.index_cast %scan3A_43 : i32 to index
      %get3A_356 = arith.constant 256 : index
      %get3A_357 = tpu.vector_load %arg10[%get3A_355, %get3A_356] {strides = array<i32>} : memref<32x768xf32, #tpu.memory_space<vmem>>, vector<1x16xf32>,
      %get3A_358 = vector.shape_cast %get3A_357 : vector<1x16xf32> to vector<16xf32>
      %add3A_359 = arith.addf %add3A_354, %get3A_358 : vector<16xf32>
      %swap3A_360 = arith.index_cast %scan3A_43 : i32 to index
      %swap3A_361 = arith.constant 256 : index
      %swap3A_362 = tpu.vector_load %arg8[%swap3A_360, %swap3A_361] {strides = array<i32>} : memref<32x768xf32, #tpu.memory_space<vmem>>, vector<1x16xf32>,
      %swap3A_363 = vector.shape_cast %swap3A_362 : vector<1x16xf32> to vector<16xf32>
      %swap3A_364 = vector.shape_cast %add3A_359 : vector<16xf32> to vector<1x16xf32>
      tpu.vector_store %arg8[%swap3A_360, %swap3A_361], %swap3A_364 {strides = array<i32>} : memref<32x768xf32, #tpu.memory_space<vmem>>, vector<1x16xf32>,
      %get3A_365 = arith.index_cast %scan3A_43 : i32 to index
      %get3A_366 = arith.constant 272 : index
      %get3A_367 = tpu.vector_load %arg8[%get3A_365, %get3A_366] {strides = array<i32>} : memref<32x768xf32, #tpu.memory_space<vmem>>, vector<1x16xf32>,
      %get3A_368 = vector.shape_cast %get3A_367 : vector<1x16xf32> to vector<16xf32>
      %get3A_369 = arith.index_cast %scan3A_43 : i32 to index
      %get3A_370 = arith.constant 272 : index
      %get3A_371 = tpu.vector_load %arg9[%get3A_369, %get3A_370] {strides = array<i32>} : memref<32x768xf32, #tpu.memory_space<vmem>>, vector<1x16xf32>,
      %get3A_372 = vector.shape_cast %get3A_371 : vector<1x16xf32> to vector<16xf32>
      %add3A_373 = arith.addf %get3A_368, %get3A_372 : vector<16xf32>
      %get3A_374 = arith.index_cast %scan3A_43 : i32 to index
      %get3A_375 = arith.constant 272 : index
      %get3A_376 = tpu.vector_load %arg10[%get3A_374, %get3A_375] {strides = array<i32>} : memref<32x768xf32, #tpu.memory_space<vmem>>, vector<1x16xf32>,
      %get3A_377 = vector.shape_cast %get3A_376 : vector<1x16xf32> to vector<16xf32>
      %add3A_378 = arith.addf %add3A_373, %get3A_377 : vector<16xf32>
      %swap3A_379 = arith.index_cast %scan3A_43 : i32 to index
      %swap3A_380 = arith.constant 272 : index
      %swap3A_381 = tpu.vector_load %arg8[%swap3A_379, %swap3A_380] {strides = array<i32>} : memref<32x768xf32, #tpu.memory_space<vmem>>, vector<1x16xf32>,
      %swap3A_382 = vector.shape_cast %swap3A_381 : vector<1x16xf32> to vector<16xf32>
      %swap3A_383 = vector.shape_cast %add3A_378 : vector<16xf32> to vector<1x16xf32>
      tpu.vector_store %arg8[%swap3A_379, %swap3A_380], %swap3A_383 {strides = array<i32>} : memref<32x768xf32, #tpu.memory_space<vmem>>, vector<1x16xf32>,
      %get3A_384 = arith.index_cast %scan3A_43 : i32 to index
      %get3A_385 = arith.constant 288 : index
      %get3A_386 = tpu.vector_load %arg8[%get3A_384, %get3A_385] {strides = array<i32>} : memref<32x768xf32, #tpu.memory_space<vmem>>, vector<1x16xf32>,
      %get3A_387 = vector.shape_cast %get3A_386 : vector<1x16xf32> to vector<16xf32>
      %get3A_388 = arith.index_cast %scan3A_43 : i32 to index
      %get3A_389 = arith.constant 288 : index
      %get3A_390 = tpu.vector_load %arg9[%get3A_388, %get3A_389] {strides = array<i32>} : memref<32x768xf32, #tpu.memory_space<vmem>>, vector<1x16xf32>,
      %get3A_391 = vector.shape_cast %get3A_390 : vector<1x16xf32> to vector<16xf32>
      %add3A_392 = arith.addf %get3A_387, %get3A_391 : vector<16xf32>
      %get3A_393 = arith.index_cast %scan3A_43 : i32 to index
      %get3A_394 = arith.constant 288 : index
      %get3A_395 = tpu.vector_load %arg10[%get3A_393, %get3A_394] {strides = array<i32>} : memref<32x768xf32, #tpu.memory_space<vmem>>, vector<1x16xf32>,
      %get3A_396 = vector.shape_cast %get3A_395 : vector<1x16xf32> to vector<16xf32>
      %add3A_397 = arith.addf %add3A_392, %get3A_396 : vector<16xf32>
      %swap3A_398 = arith.index_cast %scan3A_43 : i32 to index
      %swap3A_399 = arith.constant 288 : index
      %swap3A_400 = tpu.vector_load %arg8[%swap3A_398, %swap3A_399] {strides = array<i32>} : memref<32x768xf32, #tpu.memory_space<vmem>>, vector<1x16xf32>,
      %swap3A_401 = vector.shape_cast %swap3A_400 : vector<1x16xf32> to vector<16xf32>
      %swap3A_402 = vector.shape_cast %add3A_397 : vector<16xf32> to vector<1x16xf32>
      tpu.vector_store %arg8[%swap3A_398, %swap3A_399], %swap3A_402 {strides = array<i32>} : memref<32x768xf32, #tpu.memory_space<vmem>>, vector<1x16xf32>,
      %get3A_403 = arith.index_cast %scan3A_43 : i32 to index
      %get3A_404 = arith.constant 304 : index
      %get3A_405 = tpu.vector_load %arg8[%get3A_403, %get3A_404] {strides = array<i32>} : memref<32x768xf32, #tpu.memory_space<vmem>>, vector<1x16xf32>,
      %get3A_406 = vector.shape_cast %get3A_405 : vector<1x16xf32> to vector<16xf32>
      %get3A_407 = arith.index_cast %scan3A_43 : i32 to index
      %get3A_408 = arith.constant 304 : index
      %get3A_409 = tpu.vector_load %arg9[%get3A_407, %get3A_408] {strides = array<i32>} : memref<32x768xf32, #tpu.memory_space<vmem>>, vector<1x16xf32>,
      %get3A_410 = vector.shape_cast %get3A_409 : vector<1x16xf32> to vector<16xf32>
      %add3A_411 = arith.addf %get3A_406, %get3A_410 : vector<16xf32>
      %get3A_412 = arith.index_cast %scan3A_43 : i32 to index
      %get3A_413 = arith.constant 304 : index
      %get3A_414 = tpu.vector_load %arg10[%get3A_412, %get3A_413] {strides = array<i32>} : memref<32x768xf32, #tpu.memory_space<vmem>>, vector<1x16xf32>,
      %get3A_415 = vector.shape_cast %get3A_414 : vector<1x16xf32> to vector<16xf32>
      %add3A_416 = arith.addf %add3A_411, %get3A_415 : vector<16xf32>
      %swap3A_417 = arith.index_cast %scan3A_43 : i32 to index
      %swap3A_418 = arith.constant 304 : index
      %swap3A_419 = tpu.vector_load %arg8[%swap3A_417, %swap3A_418] {strides = array<i32>} : memref<32x768xf32, #tpu.memory_space<vmem>>, vector<1x16xf32>,
      %swap3A_420 = vector.shape_cast %swap3A_419 : vector<1x16xf32> to vector<16xf32>
      %swap3A_421 = vector.shape_cast %add3A_416 : vector<16xf32> to vector<1x16xf32>
      tpu.vector_store %arg8[%swap3A_417, %swap3A_418], %swap3A_421 {strides = array<i32>} : memref<32x768xf32, #tpu.memory_space<vmem>>, vector<1x16xf32>,
      %get3A_422 = arith.index_cast %scan3A_43 : i32 to index
      %get3A_423 = arith.constant 320 : index
      %get3A_424 = tpu.vector_load %arg8[%get3A_422, %get3A_423] {strides = array<i32>} : memref<32x768xf32, #tpu.memory_space<vmem>>, vector<1x16xf32>,
      %get3A_425 = vector.shape_cast %get3A_424 : vector<1x16xf32> to vector<16xf32>
      %get3A_426 = arith.index_cast %scan3A_43 : i32 to index
      %get3A_427 = arith.constant 320 : index
      %get3A_428 = tpu.vector_load %arg9[%get3A_426, %get3A_427] {strides = array<i32>} : memref<32x768xf32, #tpu.memory_space<vmem>>, vector<1x16xf32>,
      %get3A_429 = vector.shape_cast %get3A_428 : vector<1x16xf32> to vector<16xf32>
      %add3A_430 = arith.addf %get3A_425, %get3A_429 : vector<16xf32>
      %get3A_431 = arith.index_cast %scan3A_43 : i32 to index
      %get3A_432 = arith.constant 320 : index
      %get3A_433 = tpu.vector_load %arg10[%get3A_431, %get3A_432] {strides = array<i32>} : memref<32x768xf32, #tpu.memory_space<vmem>>, vector<1x16xf32>,
      %get3A_434 = vector.shape_cast %get3A_433 : vector<1x16xf32> to vector<16xf32>
      %add3A_435 = arith.addf %add3A_430, %get3A_434 : vector<16xf32>
      %swap3A_436 = arith.index_cast %scan3A_43 : i32 to index
      %swap3A_437 = arith.constant 320 : index
      %swap3A_438 = tpu.vector_load %arg8[%swap3A_436, %swap3A_437] {strides = array<i32>} : memref<32x768xf32, #tpu.memory_space<vmem>>, vector<1x16xf32>,
      %swap3A_439 = vector.shape_cast %swap3A_438 : vector<1x16xf32> to vector<16xf32>
      %swap3A_440 = vector.shape_cast %add3A_435 : vector<16xf32> to vector<1x16xf32>
      tpu.vector_store %arg8[%swap3A_436, %swap3A_437], %swap3A_440 {strides = array<i32>} : memref<32x768xf32, #tpu.memory_space<vmem>>, vector<1x16xf32>,
      %get3A_441 = arith.index_cast %scan3A_43 : i32 to index
      %get3A_442 = arith.constant 336 : index
      %get3A_443 = tpu.vector_load %arg8[%get3A_441, %get3A_442] {strides = array<i32>} : memref<32x768xf32, #tpu.memory_space<vmem>>, vector<1x16xf32>,
      %get3A_444 = vector.shape_cast %get3A_443 : vector<1x16xf32> to vector<16xf32>
      %get3A_445 = arith.index_cast %scan3A_43 : i32 to index
      %get3A_446 = arith.constant 336 : index
      %get3A_447 = tpu.vector_load %arg9[%get3A_445, %get3A_446] {strides = array<i32>} : memref<32x768xf32, #tpu.memory_space<vmem>>, vector<1x16xf32>,
      %get3A_448 = vector.shape_cast %get3A_447 : vector<1x16xf32> to vector<16xf32>
      %add3A_449 = arith.addf %get3A_444, %get3A_448 : vector<16xf32>
      %get3A_450 = arith.index_cast %scan3A_43 : i32 to index
      %get3A_451 = arith.constant 336 : index
      %get3A_452 = tpu.vector_load %arg10[%get3A_450, %get3A_451] {strides = array<i32>} : memref<32x768xf32, #tpu.memory_space<vmem>>, vector<1x16xf32>,
      %get3A_453 = vector.shape_cast %get3A_452 : vector<1x16xf32> to vector<16xf32>
      %add3A_454 = arith.addf %add3A_449, %get3A_453 : vector<16xf32>
      %swap3A_455 = arith.index_cast %scan3A_43 : i32 to index
      %swap3A_456 = arith.constant 336 : index
      %swap3A_457 = tpu.vector_load %arg8[%swap3A_455, %swap3A_456] {strides = array<i32>} : memref<32x768xf32, #tpu.memory_space<vmem>>, vector<1x16xf32>,
      %swap3A_458 = vector.shape_cast %swap3A_457 : vector<1x16xf32> to vector<16xf32>
      %swap3A_459 = vector.shape_cast %add3A_454 : vector<16xf32> to vector<1x16xf32>
      tpu.vector_store %arg8[%swap3A_455, %swap3A_456], %swap3A_459 {strides = array<i32>} : memref<32x768xf32, #tpu.memory_space<vmem>>, vector<1x16xf32>,
      %get3A_460 = arith.index_cast %scan3A_43 : i32 to index
      %get3A_461 = arith.constant 352 : index
      %get3A_462 = tpu.vector_load %arg8[%get3A_460, %get3A_461] {strides = array<i32>} : memref<32x768xf32, #tpu.memory_space<vmem>>, vector<1x16xf32>,
      %get3A_463 = vector.shape_cast %get3A_462 : vector<1x16xf32> to vector<16xf32>
      %get3A_464 = arith.index_cast %scan3A_43 : i32 to index
      %get3A_465 = arith.constant 352 : index
      %get3A_466 = tpu.vector_load %arg9[%get3A_464, %get3A_465] {strides = array<i32>} : memref<32x768xf32, #tpu.memory_space<vmem>>, vector<1x16xf32>,
      %get3A_467 = vector.shape_cast %get3A_466 : vector<1x16xf32> to vector<16xf32>
      %add3A_468 = arith.addf %get3A_463, %get3A_467 : vector<16xf32>
      %get3A_469 = arith.index_cast %scan3A_43 : i32 to index
      %get3A_470 = arith.constant 352 : index
      %get3A_471 = tpu.vector_load %arg10[%get3A_469, %get3A_470] {strides = array<i32>} : memref<32x768xf32, #tpu.memory_space<vmem>>, vector<1x16xf32>,
      %get3A_472 = vector.shape_cast %get3A_471 : vector<1x16xf32> to vector<16xf32>
      %add3A_473 = arith.addf %add3A_468, %get3A_472 : vector<16xf32>
      %swap3A_474 = arith.index_cast %scan3A_43 : i32 to index
      %swap3A_475 = arith.constant 352 : index
      %swap3A_476 = tpu.vector_load %arg8[%swap3A_474, %swap3A_475] {strides = array<i32>} : memref<32x768xf32, #tpu.memory_space<vmem>>, vector<1x16xf32>,
      %swap3A_477 = vector.shape_cast %swap3A_476 : vector<1x16xf32> to vector<16xf32>
      %swap3A_478 = vector.shape_cast %add3A_473 : vector<16xf32> to vector<1x16xf32>
      tpu.vector_store %arg8[%swap3A_474, %swap3A_475], %swap3A_478 {strides = array<i32>} : memref<32x768xf32, #tpu.memory_space<vmem>>, vector<1x16xf32>,
      %get3A_479 = arith.index_cast %scan3A_43 : i32 to index
      %get3A_480 = arith.constant 368 : index
      %get3A_481 = tpu.vector_load %arg8[%get3A_479, %get3A_480] {strides = array<i32>} : memref<32x768xf32, #tpu.memory_space<vmem>>, vector<1x16xf32>,
      %get3A_482 = vector.shape_cast %get3A_481 : vector<1x16xf32> to vector<16xf32>
      %get3A_483 = arith.index_cast %scan3A_43 : i32 to index
      %get3A_484 = arith.constant 368 : index
      %get3A_485 = tpu.vector_load %arg9[%get3A_483, %get3A_484] {strides = array<i32>} : memref<32x768xf32, #tpu.memory_space<vmem>>, vector<1x16xf32>,
      %get3A_486 = vector.shape_cast %get3A_485 : vector<1x16xf32> to vector<16xf32>
      %add3A_487 = arith.addf %get3A_482, %get3A_486 : vector<16xf32>
      %get3A_488 = arith.index_cast %scan3A_43 : i32 to index
      %get3A_489 = arith.constant 368 : index
      %get3A_490 = tpu.vector_load %arg10[%get3A_488, %get3A_489] {strides = array<i32>} : memref<32x768xf32, #tpu.memory_space<vmem>>, vector<1x16xf32>,
      %get3A_491 = vector.shape_cast %get3A_490 : vector<1x16xf32> to vector<16xf32>
      %add3A_492 = arith.addf %add3A_487, %get3A_491 : vector<16xf32>
      %swap3A_493 = arith.index_cast %scan3A_43 : i32 to index
      %swap3A_494 = arith.constant 368 : index
      %swap3A_495 = tpu.vector_load %arg8[%swap3A_493, %swap3A_494] {strides = array<i32>} : memref<32x768xf32, #tpu.memory_space<vmem>>, vector<1x16xf32>,
      %swap3A_496 = vector.shape_cast %swap3A_495 : vector<1x16xf32> to vector<16xf32>
      %swap3A_497 = vector.shape_cast %add3A_492 : vector<16xf32> to vector<1x16xf32>
      tpu.vector_store %arg8[%swap3A_493, %swap3A_494], %swap3A_497 {strides = array<i32>} : memref<32x768xf32, #tpu.memory_space<vmem>>, vector<1x16xf32>,
      %get3A_498 = arith.index_cast %scan3A_43 : i32 to index
      %get3A_499 = arith.constant 384 : index
      %get3A_500 = tpu.vector_load %arg8[%get3A_498, %get3A_499] {strides = array<i32>} : memref<32x768xf32, #tpu.memory_space<vmem>>, vector<1x16xf32>,
      %get3A_501 = vector.shape_cast %get3A_500 : vector<1x16xf32> to vector<16xf32>
      %get3A_502 = arith.index_cast %scan3A_43 : i32 to index
      %get3A_503 = arith.constant 384 : index
      %get3A_504 = tpu.vector_load %arg9[%get3A_502, %get3A_503] {strides = array<i32>} : memref<32x768xf32, #tpu.memory_space<vmem>>, vector<1x16xf32>,
      %get3A_505 = vector.shape_cast %get3A_504 : vector<1x16xf32> to vector<16xf32>
      %add3A_506 = arith.addf %get3A_501, %get3A_505 : vector<16xf32>
      %get3A_507 = arith.index_cast %scan3A_43 : i32 to index
      %get3A_508 = arith.constant 384 : index
      %get3A_509 = tpu.vector_load %arg10[%get3A_507, %get3A_508] {strides = array<i32>} : memref<32x768xf32, #tpu.memory_space<vmem>>, vector<1x16xf32>,
      %get3A_510 = vector.shape_cast %get3A_509 : vector<1x16xf32> to vector<16xf32>
      %add3A_511 = arith.addf %add3A_506, %get3A_510 : vector<16xf32>
      %swap3A_512 = arith.index_cast %scan3A_43 : i32 to index
      %swap3A_513 = arith.constant 384 : index
      %swap3A_514 = tpu.vector_load %arg8[%swap3A_512, %swap3A_513] {strides = array<i32>} : memref<32x768xf32, #tpu.memory_space<vmem>>, vector<1x16xf32>,
      %swap3A_515 = vector.shape_cast %swap3A_514 : vector<1x16xf32> to vector<16xf32>
      %swap3A_516 = vector.shape_cast %add3A_511 : vector<16xf32> to vector<1x16xf32>
      tpu.vector_store %arg8[%swap3A_512, %swap3A_513], %swap3A_516 {strides = array<i32>} : memref<32x768xf32, #tpu.memory_space<vmem>>, vector<1x16xf32>,
      %get3A_517 = arith.index_cast %scan3A_43 : i32 to index
      %get3A_518 = arith.constant 400 : index
      %get3A_519 = tpu.vector_load %arg8[%get3A_517, %get3A_518] {strides = array<i32>} : memref<32x768xf32, #tpu.memory_space<vmem>>, vector<1x16xf32>,
      %get3A_520 = vector.shape_cast %get3A_519 : vector<1x16xf32> to vector<16xf32>
      %get3A_521 = arith.index_cast %scan3A_43 : i32 to index
      %get3A_522 = arith.constant 400 : index
      %get3A_523 = tpu.vector_load %arg9[%get3A_521, %get3A_522] {strides = array<i32>} : memref<32x768xf32, #tpu.memory_space<vmem>>, vector<1x16xf32>,
      %get3A_524 = vector.shape_cast %get3A_523 : vector<1x16xf32> to vector<16xf32>
      %add3A_525 = arith.addf %get3A_520, %get3A_524 : vector<16xf32>
      %get3A_526 = arith.index_cast %scan3A_43 : i32 to index
      %get3A_527 = arith.constant 400 : index
      %get3A_528 = tpu.vector_load %arg10[%get3A_526, %get3A_527] {strides = array<i32>} : memref<32x768xf32, #tpu.memory_space<vmem>>, vector<1x16xf32>,
      %get3A_529 = vector.shape_cast %get3A_528 : vector<1x16xf32> to vector<16xf32>
      %add3A_530 = arith.addf %add3A_525, %get3A_529 : vector<16xf32>
      %swap3A_531 = arith.index_cast %scan3A_43 : i32 to index
      %swap3A_532 = arith.constant 400 : index
      %swap3A_533 = tpu.vector_load %arg8[%swap3A_531, %swap3A_532] {strides = array<i32>} : memref<32x768xf32, #tpu.memory_space<vmem>>, vector<1x16xf32>,
      %swap3A_534 = vector.shape_cast %swap3A_533 : vector<1x16xf32> to vector<16xf32>
      %swap3A_535 = vector.shape_cast %add3A_530 : vector<16xf32> to vector<1x16xf32>
      tpu.vector_store %arg8[%swap3A_531, %swap3A_532], %swap3A_535 {strides = array<i32>} : memref<32x768xf32, #tpu.memory_space<vmem>>, vector<1x16xf32>,
      %get3A_536 = arith.index_cast %scan3A_43 : i32 to index
      %get3A_537 = arith.constant 416 : index
      %get3A_538 = tpu.vector_load %arg8[%get3A_536, %get3A_537] {strides = array<i32>} : memref<32x768xf32, #tpu.memory_space<vmem>>, vector<1x16xf32>,
      %get3A_539 = vector.shape_cast %get3A_538 : vector<1x16xf32> to vector<16xf32>
      %get3A_540 = arith.index_cast %scan3A_43 : i32 to index
      %get3A_541 = arith.constant 416 : index
      %get3A_542 = tpu.vector_load %arg9[%get3A_540, %get3A_541] {strides = array<i32>} : memref<32x768xf32, #tpu.memory_space<vmem>>, vector<1x16xf32>,
      %get3A_543 = vector.shape_cast %get3A_542 : vector<1x16xf32> to vector<16xf32>
      %add3A_544 = arith.addf %get3A_539, %get3A_543 : vector<16xf32>
      %get3A_545 = arith.index_cast %scan3A_43 : i32 to index
      %get3A_546 = arith.constant 416 : index
      %get3A_547 = tpu.vector_load %arg10[%get3A_545, %get3A_546] {strides = array<i32>} : memref<32x768xf32, #tpu.memory_space<vmem>>, vector<1x16xf32>,
      %get3A_548 = vector.shape_cast %get3A_547 : vector<1x16xf32> to vector<16xf32>
      %add3A_549 = arith.addf %add3A_544, %get3A_548 : vector<16xf32>
      %swap3A_550 = arith.index_cast %scan3A_43 : i32 to index
      %swap3A_551 = arith.constant 416 : index
      %swap3A_552 = tpu.vector_load %arg8[%swap3A_550, %swap3A_551] {strides = array<i32>} : memref<32x768xf32, #tpu.memory_space<vmem>>, vector<1x16xf32>,
      %swap3A_553 = vector.shape_cast %swap3A_552 : vector<1x16xf32> to vector<16xf32>
      %swap3A_554 = vector.shape_cast %add3A_549 : vector<16xf32> to vector<1x16xf32>
      tpu.vector_store %arg8[%swap3A_550, %swap3A_551], %swap3A_554 {strides = array<i32>} : memref<32x768xf32, #tpu.memory_space<vmem>>, vector<1x16xf32>,
      %get3A_555 = arith.index_cast %scan3A_43 : i32 to index
      %get3A_556 = arith.constant 432 : index
      %get3A_557 = tpu.vector_load %arg8[%get3A_555, %get3A_556] {strides = array<i32>} : memref<32x768xf32, #tpu.memory_space<vmem>>, vector<1x16xf32>,
      %get3A_558 = vector.shape_cast %get3A_557 : vector<1x16xf32> to vector<16xf32>
      %get3A_559 = arith.index_cast %scan3A_43 : i32 to index
      %get3A_560 = arith.constant 432 : index
      %get3A_561 = tpu.vector_load %arg9[%get3A_559, %get3A_560] {strides = array<i32>} : memref<32x768xf32, #tpu.memory_space<vmem>>, vector<1x16xf32>,
      %get3A_562 = vector.shape_cast %get3A_561 : vector<1x16xf32> to vector<16xf32>
      %add3A_563 = arith.addf %get3A_558, %get3A_562 : vector<16xf32>
      %get3A_564 = arith.index_cast %scan3A_43 : i32 to index
      %get3A_565 = arith.constant 432 : index
      %get3A_566 = tpu.vector_load %arg10[%get3A_564, %get3A_565] {strides = array<i32>} : memref<32x768xf32, #tpu.memory_space<vmem>>, vector<1x16xf32>,
      %get3A_567 = vector.shape_cast %get3A_566 : vector<1x16xf32> to vector<16xf32>
      %add3A_568 = arith.addf %add3A_563, %get3A_567 : vector<16xf32>
      %swap3A_569 = arith.index_cast %scan3A_43 : i32 to index
      %swap3A_570 = arith.constant 432 : index
      %swap3A_571 = tpu.vector_load %arg8[%swap3A_569, %swap3A_570] {strides = array<i32>} : memref<32x768xf32, #tpu.memory_space<vmem>>, vector<1x16xf32>,
      %swap3A_572 = vector.shape_cast %swap3A_571 : vector<1x16xf32> to vector<16xf32>
      %swap3A_573 = vector.shape_cast %add3A_568 : vector<16xf32> to vector<1x16xf32>
      tpu.vector_store %arg8[%swap3A_569, %swap3A_570], %swap3A_573 {strides = array<i32>} : memref<32x768xf32, #tpu.memory_space<vmem>>, vector<1x16xf32>,
      %get3A_574 = arith.index_cast %scan3A_43 : i32 to index
      %get3A_575 = arith.constant 448 : index
      %get3A_576 = tpu.vector_load %arg8[%get3A_574, %get3A_575] {strides = array<i32>} : memref<32x768xf32, #tpu.memory_space<vmem>>, vector<1x16xf32>,
      %get3A_577 = vector.shape_cast %get3A_576 : vector<1x16xf32> to vector<16xf32>
      %get3A_578 = arith.index_cast %scan3A_43 : i32 to index
      %get3A_579 = arith.constant 448 : index
      %get3A_580 = tpu.vector_load %arg9[%get3A_578, %get3A_579] {strides = array<i32>} : memref<32x768xf32, #tpu.memory_space<vmem>>, vector<1x16xf32>,
      %get3A_581 = vector.shape_cast %get3A_580 : vector<1x16xf32> to vector<16xf32>
      %add3A_582 = arith.addf %get3A_577, %get3A_581 : vector<16xf32>
      %get3A_583 = arith.index_cast %scan3A_43 : i32 to index
      %get3A_584 = arith.constant 448 : index
      %get3A_585 = tpu.vector_load %arg10[%get3A_583, %get3A_584] {strides = array<i32>} : memref<32x768xf32, #tpu.memory_space<vmem>>, vector<1x16xf32>,
      %get3A_586 = vector.shape_cast %get3A_585 : vector<1x16xf32> to vector<16xf32>
      %add3A_587 = arith.addf %add3A_582, %get3A_586 : vector<16xf32>
      %swap3A_588 = arith.index_cast %scan3A_43 : i32 to index
      %swap3A_589 = arith.constant 448 : index
      %swap3A_590 = tpu.vector_load %arg8[%swap3A_588, %swap3A_589] {strides = array<i32>} : memref<32x768xf32, #tpu.memory_space<vmem>>, vector<1x16xf32>,
      %swap3A_591 = vector.shape_cast %swap3A_590 : vector<1x16xf32> to vector<16xf32>
      %swap3A_592 = vector.shape_cast %add3A_587 : vector<16xf32> to vector<1x16xf32>
      tpu.vector_store %arg8[%swap3A_588, %swap3A_589], %swap3A_592 {strides = array<i32>} : memref<32x768xf32, #tpu.memory_space<vmem>>, vector<1x16xf32>,
      %get3A_593 = arith.index_cast %scan3A_43 : i32 to index
      %get3A_594 = arith.constant 464 : index
      %get3A_595 = tpu.vector_load %arg8[%get3A_593, %get3A_594] {strides = array<i32>} : memref<32x768xf32, #tpu.memory_space<vmem>>, vector<1x16xf32>,
      %get3A_596 = vector.shape_cast %get3A_595 : vector<1x16xf32> to vector<16xf32>
      %get3A_597 = arith.index_cast %scan3A_43 : i32 to index
      %get3A_598 = arith.constant 464 : index
      %get3A_599 = tpu.vector_load %arg9[%get3A_597, %get3A_598] {strides = array<i32>} : memref<32x768xf32, #tpu.memory_space<vmem>>, vector<1x16xf32>,
      %get3A_600 = vector.shape_cast %get3A_599 : vector<1x16xf32> to vector<16xf32>
      %add3A_601 = arith.addf %get3A_596, %get3A_600 : vector<16xf32>
      %get3A_602 = arith.index_cast %scan3A_43 : i32 to index
      %get3A_603 = arith.constant 464 : index
      %get3A_604 = tpu.vector_load %arg10[%get3A_602, %get3A_603] {strides = array<i32>} : memref<32x768xf32, #tpu.memory_space<vmem>>, vector<1x16xf32>,
      %get3A_605 = vector.shape_cast %get3A_604 : vector<1x16xf32> to vector<16xf32>
      %add3A_606 = arith.addf %add3A_601, %get3A_605 : vector<16xf32>
      %swap3A_607 = arith.index_cast %scan3A_43 : i32 to index
      %swap3A_608 = arith.constant 464 : index
      %swap3A_609 = tpu.vector_load %arg8[%swap3A_607, %swap3A_608] {strides = array<i32>} : memref<32x768xf32, #tpu.memory_space<vmem>>, vector<1x16xf32>,
      %swap3A_610 = vector.shape_cast %swap3A_609 : vector<1x16xf32> to vector<16xf32>
      %swap3A_611 = vector.shape_cast %add3A_606 : vector<16xf32> to vector<1x16xf32>
      tpu.vector_store %arg8[%swap3A_607, %swap3A_608], %swap3A_611 {strides = array<i32>} : memref<32x768xf32, #tpu.memory_space<vmem>>, vector<1x16xf32>,
      %get3A_612 = arith.index_cast %scan3A_43 : i32 to index
      %get3A_613 = arith.constant 480 : index
      %get3A_614 = tpu.vector_load %arg8[%get3A_612, %get3A_613] {strides = array<i32>} : memref<32x768xf32, #tpu.memory_space<vmem>>, vector<1x16xf32>,
      %get3A_615 = vector.shape_cast %get3A_614 : vector<1x16xf32> to vector<16xf32>
      %get3A_616 = arith.index_cast %scan3A_43 : i32 to index
      %get3A_617 = arith.constant 480 : index
      %get3A_618 = tpu.vector_load %arg9[%get3A_616, %get3A_617] {strides = array<i32>} : memref<32x768xf32, #tpu.memory_space<vmem>>, vector<1x16xf32>,
      %get3A_619 = vector.shape_cast %get3A_618 : vector<1x16xf32> to vector<16xf32>
      %add3A_620 = arith.addf %get3A_615, %get3A_619 : vector<16xf32>
      %get3A_621 = arith.index_cast %scan3A_43 : i32 to index
      %get3A_622 = arith.constant 480 : index
      %get3A_623 = tpu.vector_load %arg10[%get3A_621, %get3A_622] {strides = array<i32>} : memref<32x768xf32, #tpu.memory_space<vmem>>, vector<1x16xf32>,
      %get3A_624 = vector.shape_cast %get3A_623 : vector<1x16xf32> to vector<16xf32>
      %add3A_625 = arith.addf %add3A_620, %get3A_624 : vector<16xf32>
      %swap3A_626 = arith.index_cast %scan3A_43 : i32 to index
      %swap3A_627 = arith.constant 480 : index
      %swap3A_628 = tpu.vector_load %arg8[%swap3A_626, %swap3A_627] {strides = array<i32>} : memref<32x768xf32, #tpu.memory_space<vmem>>, vector<1x16xf32>,
      %swap3A_629 = vector.shape_cast %swap3A_628 : vector<1x16xf32> to vector<16xf32>
      %swap3A_630 = vector.shape_cast %add3A_625 : vector<16xf32> to vector<1x16xf32>
      tpu.vector_store %arg8[%swap3A_626, %swap3A_627], %swap3A_630 {strides = array<i32>} : memref<32x768xf32, #tpu.memory_space<vmem>>, vector<1x16xf32>,
      %get3A_631 = arith.index_cast %scan3A_43 : i32 to index
      %get3A_632 = arith.constant 496 : index
      %get3A_633 = tpu.vector_load %arg8[%get3A_631, %get3A_632] {strides = array<i32>} : memref<32x768xf32, #tpu.memory_space<vmem>>, vector<1x16xf32>,
      %get3A_634 = vector.shape_cast %get3A_633 : vector<1x16xf32> to vector<16xf32>
      %get3A_635 = arith.index_cast %scan3A_43 : i32 to index
      %get3A_636 = arith.constant 496 : index
      %get3A_637 = tpu.vector_load %arg9[%get3A_635, %get3A_636] {strides = array<i32>} : memref<32x768xf32, #tpu.memory_space<vmem>>, vector<1x16xf32>,
      %get3A_638 = vector.shape_cast %get3A_637 : vector<1x16xf32> to vector<16xf32>
      %add3A_639 = arith.addf %get3A_634, %get3A_638 : vector<16xf32>
      %get3A_640 = arith.index_cast %scan3A_43 : i32 to index
      %get3A_641 = arith.constant 496 : index
      %get3A_642 = tpu.vector_load %arg10[%get3A_640, %get3A_641] {strides = array<i32>} : memref<32x768xf32, #tpu.memory_space<vmem>>, vector<1x16xf32>,
      %get3A_643 = vector.shape_cast %get3A_642 : vector<1x16xf32> to vector<16xf32>
      %add3A_644 = arith.addf %add3A_639, %get3A_643 : vector<16xf32>
      %swap3A_645 = arith.index_cast %scan3A_43 : i32 to index
      %swap3A_646 = arith.constant 496 : index
      %swap3A_647 = tpu.vector_load %arg8[%swap3A_645, %swap3A_646] {strides = array<i32>} : memref<32x768xf32, #tpu.memory_space<vmem>>, vector<1x16xf32>,
      %swap3A_648 = vector.shape_cast %swap3A_647 : vector<1x16xf32> to vector<16xf32>
      %swap3A_649 = vector.shape_cast %add3A_644 : vector<16xf32> to vector<1x16xf32>
      tpu.vector_store %arg8[%swap3A_645, %swap3A_646], %swap3A_649 {strides = array<i32>} : memref<32x768xf32, #tpu.memory_space<vmem>>, vector<1x16xf32>,
      %get3A_650 = arith.index_cast %scan3A_43 : i32 to index
      %get3A_651 = arith.constant 512 : index
      %get3A_652 = tpu.vector_load %arg8[%get3A_650, %get3A_651] {strides = array<i32>} : memref<32x768xf32, #tpu.memory_space<vmem>>, vector<1x16xf32>,
      %get3A_653 = vector.shape_cast %get3A_652 : vector<1x16xf32> to vector<16xf32>
      %get3A_654 = arith.index_cast %scan3A_43 : i32 to index
      %get3A_655 = arith.constant 512 : index
      %get3A_656 = tpu.vector_load %arg9[%get3A_654, %get3A_655] {strides = array<i32>} : memref<32x768xf32, #tpu.memory_space<vmem>>, vector<1x16xf32>,
      %get3A_657 = vector.shape_cast %get3A_656 : vector<1x16xf32> to vector<16xf32>
      %add3A_658 = arith.addf %get3A_653, %get3A_657 : vector<16xf32>
      %get3A_659 = arith.index_cast %scan3A_43 : i32 to index
      %get3A_660 = arith.constant 512 : index
      %get3A_661 = tpu.vector_load %arg10[%get3A_659, %get3A_660] {strides = array<i32>} : memref<32x768xf32, #tpu.memory_space<vmem>>, vector<1x16xf32>,
      %get3A_662 = vector.shape_cast %get3A_661 : vector<1x16xf32> to vector<16xf32>
      %add3A_663 = arith.addf %add3A_658, %get3A_662 : vector<16xf32>
      %swap3A_664 = arith.index_cast %scan3A_43 : i32 to index
      %swap3A_665 = arith.constant 512 : index
      %swap3A_666 = tpu.vector_load %arg8[%swap3A_664, %swap3A_665] {strides = array<i32>} : memref<32x768xf32, #tpu.memory_space<vmem>>, vector<1x16xf32>,
      %swap3A_667 = vector.shape_cast %swap3A_666 : vector<1x16xf32> to vector<16xf32>
      %swap3A_668 = vector.shape_cast %add3A_663 : vector<16xf32> to vector<1x16xf32>
      tpu.vector_store %arg8[%swap3A_664, %swap3A_665], %swap3A_668 {strides = array<i32>} : memref<32x768xf32, #tpu.memory_space<vmem>>, vector<1x16xf32>,
      %get3A_669 = arith.index_cast %scan3A_43 : i32 to index
      %get3A_670 = arith.constant 528 : index
      %get3A_671 = tpu.vector_load %arg8[%get3A_669, %get3A_670] {strides = array<i32>} : memref<32x768xf32, #tpu.memory_space<vmem>>, vector<1x16xf32>,
      %get3A_672 = vector.shape_cast %get3A_671 : vector<1x16xf32> to vector<16xf32>
      %get3A_673 = arith.index_cast %scan3A_43 : i32 to index
      %get3A_674 = arith.constant 528 : index
      %get3A_675 = tpu.vector_load %arg9[%get3A_673, %get3A_674] {strides = array<i32>} : memref<32x768xf32, #tpu.memory_space<vmem>>, vector<1x16xf32>,
      %get3A_676 = vector.shape_cast %get3A_675 : vector<1x16xf32> to vector<16xf32>
      %add3A_677 = arith.addf %get3A_672, %get3A_676 : vector<16xf32>
      %get3A_678 = arith.index_cast %scan3A_43 : i32 to index
      %get3A_679 = arith.constant 528 : index
      %get3A_680 = tpu.vector_load %arg10[%get3A_678, %get3A_679] {strides = array<i32>} : memref<32x768xf32, #tpu.memory_space<vmem>>, vector<1x16xf32>,
      %get3A_681 = vector.shape_cast %get3A_680 : vector<1x16xf32> to vector<16xf32>
      %add3A_682 = arith.addf %add3A_677, %get3A_681 : vector<16xf32>
      %swap3A_683 = arith.index_cast %scan3A_43 : i32 to index
      %swap3A_684 = arith.constant 528 : index
      %swap3A_685 = tpu.vector_load %arg8[%swap3A_683, %swap3A_684] {strides = array<i32>} : memref<32x768xf32, #tpu.memory_space<vmem>>, vector<1x16xf32>,
      %swap3A_686 = vector.shape_cast %swap3A_685 : vector<1x16xf32> to vector<16xf32>
      %swap3A_687 = vector.shape_cast %add3A_682 : vector<16xf32> to vector<1x16xf32>
      tpu.vector_store %arg8[%swap3A_683, %swap3A_684], %swap3A_687 {strides = array<i32>} : memref<32x768xf32, #tpu.memory_space<vmem>>, vector<1x16xf32>,
      %get3A_688 = arith.index_cast %scan3A_43 : i32 to index
      %get3A_689 = arith.constant 544 : index
      %get3A_690 = tpu.vector_load %arg8[%get3A_688, %get3A_689] {strides = array<i32>} : memref<32x768xf32, #tpu.memory_space<vmem>>, vector<1x16xf32>,
      %get3A_691 = vector.shape_cast %get3A_690 : vector<1x16xf32> to vector<16xf32>
      %get3A_692 = arith.index_cast %scan3A_43 : i32 to index
      %get3A_693 = arith.constant 544 : index
      %get3A_694 = tpu.vector_load %arg9[%get3A_692, %get3A_693] {strides = array<i32>} : memref<32x768xf32, #tpu.memory_space<vmem>>, vector<1x16xf32>,
      %get3A_695 = vector.shape_cast %get3A_694 : vector<1x16xf32> to vector<16xf32>
      %add3A_696 = arith.addf %get3A_691, %get3A_695 : vector<16xf32>
      %get3A_697 = arith.index_cast %scan3A_43 : i32 to index
      %get3A_698 = arith.constant 544 : index
      %get3A_699 = tpu.vector_load %arg10[%get3A_697, %get3A_698] {strides = array<i32>} : memref<32x768xf32, #tpu.memory_space<vmem>>, vector<1x16xf32>,
      %get3A_700 = vector.shape_cast %get3A_699 : vector<1x16xf32> to vector<16xf32>
      %add3A_701 = arith.addf %add3A_696, %get3A_700 : vector<16xf32>
      %swap3A_702 = arith.index_cast %scan3A_43 : i32 to index
      %swap3A_703 = arith.constant 544 : index
      %swap3A_704 = tpu.vector_load %arg8[%swap3A_702, %swap3A_703] {strides = array<i32>} : memref<32x768xf32, #tpu.memory_space<vmem>>, vector<1x16xf32>,
      %swap3A_705 = vector.shape_cast %swap3A_704 : vector<1x16xf32> to vector<16xf32>
      %swap3A_706 = vector.shape_cast %add3A_701 : vector<16xf32> to vector<1x16xf32>
      tpu.vector_store %arg8[%swap3A_702, %swap3A_703], %swap3A_706 {strides = array<i32>} : memref<32x768xf32, #tpu.memory_space<vmem>>, vector<1x16xf32>,
      %get3A_707 = arith.index_cast %scan3A_43 : i32 to index
      %get3A_708 = arith.constant 560 : index
      %get3A_709 = tpu.vector_load %arg8[%get3A_707, %get3A_708] {strides = array<i32>} : memref<32x768xf32, #tpu.memory_space<vmem>>, vector<1x16xf32>,
      %get3A_710 = vector.shape_cast %get3A_709 : vector<1x16xf32> to vector<16xf32>
      %get3A_711 = arith.index_cast %scan3A_43 : i32 to index
      %get3A_712 = arith.constant 560 : index
      %get3A_713 = tpu.vector_load %arg9[%get3A_711, %get3A_712] {strides = array<i32>} : memref<32x768xf32, #tpu.memory_space<vmem>>, vector<1x16xf32>,
      %get3A_714 = vector.shape_cast %get3A_713 : vector<1x16xf32> to vector<16xf32>
      %add3A_715 = arith.addf %get3A_710, %get3A_714 : vector<16xf32>
      %get3A_716 = arith.index_cast %scan3A_43 : i32 to index
      %get3A_717 = arith.constant 560 : index
      %get3A_718 = tpu.vector_load %arg10[%get3A_716, %get3A_717] {strides = array<i32>} : memref<32x768xf32, #tpu.memory_space<vmem>>, vector<1x16xf32>,
      %get3A_719 = vector.shape_cast %get3A_718 : vector<1x16xf32> to vector<16xf32>
      %add3A_720 = arith.addf %add3A_715, %get3A_719 : vector<16xf32>
      %swap3A_721 = arith.index_cast %scan3A_43 : i32 to index
      %swap3A_722 = arith.constant 560 : index
      %swap3A_723 = tpu.vector_load %arg8[%swap3A_721, %swap3A_722] {strides = array<i32>} : memref<32x768xf32, #tpu.memory_space<vmem>>, vector<1x16xf32>,
      %swap3A_724 = vector.shape_cast %swap3A_723 : vector<1x16xf32> to vector<16xf32>
      %swap3A_725 = vector.shape_cast %add3A_720 : vector<16xf32> to vector<1x16xf32>
      tpu.vector_store %arg8[%swap3A_721, %swap3A_722], %swap3A_725 {strides = array<i32>} : memref<32x768xf32, #tpu.memory_space<vmem>>, vector<1x16xf32>,
      %get3A_726 = arith.index_cast %scan3A_43 : i32 to index
      %get3A_727 = arith.constant 576 : index
      %get3A_728 = tpu.vector_load %arg8[%get3A_726, %get3A_727] {strides = array<i32>} : memref<32x768xf32, #tpu.memory_space<vmem>>, vector<1x16xf32>,
      %get3A_729 = vector.shape_cast %get3A_728 : vector<1x16xf32> to vector<16xf32>
      %get3A_730 = arith.index_cast %scan3A_43 : i32 to index
      %get3A_731 = arith.constant 576 : index
      %get3A_732 = tpu.vector_load %arg9[%get3A_730, %get3A_731] {strides = array<i32>} : memref<32x768xf32, #tpu.memory_space<vmem>>, vector<1x16xf32>,
      %get3A_733 = vector.shape_cast %get3A_732 : vector<1x16xf32> to vector<16xf32>
      %add3A_734 = arith.addf %get3A_729, %get3A_733 : vector<16xf32>
      %get3A_735 = arith.index_cast %scan3A_43 : i32 to index
      %get3A_736 = arith.constant 576 : index
      %get3A_737 = tpu.vector_load %arg10[%get3A_735, %get3A_736] {strides = array<i32>} : memref<32x768xf32, #tpu.memory_space<vmem>>, vector<1x16xf32>,
      %get3A_738 = vector.shape_cast %get3A_737 : vector<1x16xf32> to vector<16xf32>
      %add3A_739 = arith.addf %add3A_734, %get3A_738 : vector<16xf32>
      %swap3A_740 = arith.index_cast %scan3A_43 : i32 to index
      %swap3A_741 = arith.constant 576 : index
      %swap3A_742 = tpu.vector_load %arg8[%swap3A_740, %swap3A_741] {strides = array<i32>} : memref<32x768xf32, #tpu.memory_space<vmem>>, vector<1x16xf32>,
      %swap3A_743 = vector.shape_cast %swap3A_742 : vector<1x16xf32> to vector<16xf32>
      %swap3A_744 = vector.shape_cast %add3A_739 : vector<16xf32> to vector<1x16xf32>
      tpu.vector_store %arg8[%swap3A_740, %swap3A_741], %swap3A_744 {strides = array<i32>} : memref<32x768xf32, #tpu.memory_space<vmem>>, vector<1x16xf32>,
      %get3A_745 = arith.index_cast %scan3A_43 : i32 to index
      %get3A_746 = arith.constant 592 : index
      %get3A_747 = tpu.vector_load %arg8[%get3A_745, %get3A_746] {strides = array<i32>} : memref<32x768xf32, #tpu.memory_space<vmem>>, vector<1x16xf32>,
      %get3A_748 = vector.shape_cast %get3A_747 : vector<1x16xf32> to vector<16xf32>
      %get3A_749 = arith.index_cast %scan3A_43 : i32 to index
      %get3A_750 = arith.constant 592 : index
      %get3A_751 = tpu.vector_load %arg9[%get3A_749, %get3A_750] {strides = array<i32>} : memref<32x768xf32, #tpu.memory_space<vmem>>, vector<1x16xf32>,
      %get3A_752 = vector.shape_cast %get3A_751 : vector<1x16xf32> to vector<16xf32>
      %add3A_753 = arith.addf %get3A_748, %get3A_752 : vector<16xf32>
      %get3A_754 = arith.index_cast %scan3A_43 : i32 to index
      %get3A_755 = arith.constant 592 : index
      %get3A_756 = tpu.vector_load %arg10[%get3A_754, %get3A_755] {strides = array<i32>} : memref<32x768xf32, #tpu.memory_space<vmem>>, vector<1x16xf32>,
      %get3A_757 = vector.shape_cast %get3A_756 : vector<1x16xf32> to vector<16xf32>
      %add3A_758 = arith.addf %add3A_753, %get3A_757 : vector<16xf32>
      %swap3A_759 = arith.index_cast %scan3A_43 : i32 to index
      %swap3A_760 = arith.constant 592 : index
      %swap3A_761 = tpu.vector_load %arg8[%swap3A_759, %swap3A_760] {strides = array<i32>} : memref<32x768xf32, #tpu.memory_space<vmem>>, vector<1x16xf32>,
      %swap3A_762 = vector.shape_cast %swap3A_761 : vector<1x16xf32> to vector<16xf32>
      %swap3A_763 = vector.shape_cast %add3A_758 : vector<16xf32> to vector<1x16xf32>
      tpu.vector_store %arg8[%swap3A_759, %swap3A_760], %swap3A_763 {strides = array<i32>} : memref<32x768xf32, #tpu.memory_space<vmem>>, vector<1x16xf32>,
      %get3A_764 = arith.index_cast %scan3A_43 : i32 to index
      %get3A_765 = arith.constant 608 : index
      %get3A_766 = tpu.vector_load %arg8[%get3A_764, %get3A_765] {strides = array<i32>} : memref<32x768xf32, #tpu.memory_space<vmem>>, vector<1x16xf32>,
      %get3A_767 = vector.shape_cast %get3A_766 : vector<1x16xf32> to vector<16xf32>
      %get3A_768 = arith.index_cast %scan3A_43 : i32 to index
      %get3A_769 = arith.constant 608 : index
      %get3A_770 = tpu.vector_load %arg9[%get3A_768, %get3A_769] {strides = array<i32>} : memref<32x768xf32, #tpu.memory_space<vmem>>, vector<1x16xf32>,
      %get3A_771 = vector.shape_cast %get3A_770 : vector<1x16xf32> to vector<16xf32>
      %add3A_772 = arith.addf %get3A_767, %get3A_771 : vector<16xf32>
      %get3A_773 = arith.index_cast %scan3A_43 : i32 to index
      %get3A_774 = arith.constant 608 : index
      %get3A_775 = tpu.vector_load %arg10[%get3A_773, %get3A_774] {strides = array<i32>} : memref<32x768xf32, #tpu.memory_space<vmem>>, vector<1x16xf32>,
      %get3A_776 = vector.shape_cast %get3A_775 : vector<1x16xf32> to vector<16xf32>
      %add3A_777 = arith.addf %add3A_772, %get3A_776 : vector<16xf32>
      %swap3A_778 = arith.index_cast %scan3A_43 : i32 to index
      %swap3A_779 = arith.constant 608 : index
      %swap3A_780 = tpu.vector_load %arg8[%swap3A_778, %swap3A_779] {strides = array<i32>} : memref<32x768xf32, #tpu.memory_space<vmem>>, vector<1x16xf32>,
      %swap3A_781 = vector.shape_cast %swap3A_780 : vector<1x16xf32> to vector<16xf32>
      %swap3A_782 = vector.shape_cast %add3A_777 : vector<16xf32> to vector<1x16xf32>
      tpu.vector_store %arg8[%swap3A_778, %swap3A_779], %swap3A_782 {strides = array<i32>} : memref<32x768xf32, #tpu.memory_space<vmem>>, vector<1x16xf32>,
      %get3A_783 = arith.index_cast %scan3A_43 : i32 to index
      %get3A_784 = arith.constant 624 : index
      %get3A_785 = tpu.vector_load %arg8[%get3A_783, %get3A_784] {strides = array<i32>} : memref<32x768xf32, #tpu.memory_space<vmem>>, vector<1x16xf32>,
      %get3A_786 = vector.shape_cast %get3A_785 : vector<1x16xf32> to vector<16xf32>
      %get3A_787 = arith.index_cast %scan3A_43 : i32 to index
      %get3A_788 = arith.constant 624 : index
      %get3A_789 = tpu.vector_load %arg9[%get3A_787, %get3A_788] {strides = array<i32>} : memref<32x768xf32, #tpu.memory_space<vmem>>, vector<1x16xf32>,
      %get3A_790 = vector.shape_cast %get3A_789 : vector<1x16xf32> to vector<16xf32>
      %add3A_791 = arith.addf %get3A_786, %get3A_790 : vector<16xf32>
      %get3A_792 = arith.index_cast %scan3A_43 : i32 to index
      %get3A_793 = arith.constant 624 : index
      %get3A_794 = tpu.vector_load %arg10[%get3A_792, %get3A_793] {strides = array<i32>} : memref<32x768xf32, #tpu.memory_space<vmem>>, vector<1x16xf32>,
      %get3A_795 = vector.shape_cast %get3A_794 : vector<1x16xf32> to vector<16xf32>
      %add3A_796 = arith.addf %add3A_791, %get3A_795 : vector<16xf32>
      %swap3A_797 = arith.index_cast %scan3A_43 : i32 to index
      %swap3A_798 = arith.constant 624 : index
      %swap3A_799 = tpu.vector_load %arg8[%swap3A_797, %swap3A_798] {strides = array<i32>} : memref<32x768xf32, #tpu.memory_space<vmem>>, vector<1x16xf32>,
      %swap3A_800 = vector.shape_cast %swap3A_799 : vector<1x16xf32> to vector<16xf32>
      %swap3A_801 = vector.shape_cast %add3A_796 : vector<16xf32> to vector<1x16xf32>
      tpu.vector_store %arg8[%swap3A_797, %swap3A_798], %swap3A_801 {strides = array<i32>} : memref<32x768xf32, #tpu.memory_space<vmem>>, vector<1x16xf32>,
      %get3A_802 = arith.index_cast %scan3A_43 : i32 to index
      %get3A_803 = arith.constant 640 : index
      %get3A_804 = tpu.vector_load %arg8[%get3A_802, %get3A_803] {strides = array<i32>} : memref<32x768xf32, #tpu.memory_space<vmem>>, vector<1x16xf32>,
      %get3A_805 = vector.shape_cast %get3A_804 : vector<1x16xf32> to vector<16xf32>
      %get3A_806 = arith.index_cast %scan3A_43 : i32 to index
      %get3A_807 = arith.constant 640 : index
      %get3A_808 = tpu.vector_load %arg9[%get3A_806, %get3A_807] {strides = array<i32>} : memref<32x768xf32, #tpu.memory_space<vmem>>, vector<1x16xf32>,
      %get3A_809 = vector.shape_cast %get3A_808 : vector<1x16xf32> to vector<16xf32>
      %add3A_810 = arith.addf %get3A_805, %get3A_809 : vector<16xf32>
      %get3A_811 = arith.index_cast %scan3A_43 : i32 to index
      %get3A_812 = arith.constant 640 : index
      %get3A_813 = tpu.vector_load %arg10[%get3A_811, %get3A_812] {strides = array<i32>} : memref<32x768xf32, #tpu.memory_space<vmem>>, vector<1x16xf32>,
      %get3A_814 = vector.shape_cast %get3A_813 : vector<1x16xf32> to vector<16xf32>
      %add3A_815 = arith.addf %add3A_810, %get3A_814 : vector<16xf32>
      %swap3A_816 = arith.index_cast %scan3A_43 : i32 to index
      %swap3A_817 = arith.constant 640 : index
      %swap3A_818 = tpu.vector_load %arg8[%swap3A_816, %swap3A_817] {strides = array<i32>} : memref<32x768xf32, #tpu.memory_space<vmem>>, vector<1x16xf32>,
      %swap3A_819 = vector.shape_cast %swap3A_818 : vector<1x16xf32> to vector<16xf32>
      %swap3A_820 = vector.shape_cast %add3A_815 : vector<16xf32> to vector<1x16xf32>
      tpu.vector_store %arg8[%swap3A_816, %swap3A_817], %swap3A_820 {strides = array<i32>} : memref<32x768xf32, #tpu.memory_space<vmem>>, vector<1x16xf32>,
      %get3A_821 = arith.index_cast %scan3A_43 : i32 to index
      %get3A_822 = arith.constant 656 : index
      %get3A_823 = tpu.vector_load %arg8[%get3A_821, %get3A_822] {strides = array<i32>} : memref<32x768xf32, #tpu.memory_space<vmem>>, vector<1x16xf32>,
      %get3A_824 = vector.shape_cast %get3A_823 : vector<1x16xf32> to vector<16xf32>
      %get3A_825 = arith.index_cast %scan3A_43 : i32 to index
      %get3A_826 = arith.constant 656 : index
      %get3A_827 = tpu.vector_load %arg9[%get3A_825, %get3A_826] {strides = array<i32>} : memref<32x768xf32, #tpu.memory_space<vmem>>, vector<1x16xf32>,
      %get3A_828 = vector.shape_cast %get3A_827 : vector<1x16xf32> to vector<16xf32>
      %add3A_829 = arith.addf %get3A_824, %get3A_828 : vector<16xf32>
      %get3A_830 = arith.index_cast %scan3A_43 : i32 to index
      %get3A_831 = arith.constant 656 : index
      %get3A_832 = tpu.vector_load %arg10[%get3A_830, %get3A_831] {strides = array<i32>} : memref<32x768xf32, #tpu.memory_space<vmem>>, vector<1x16xf32>,
      %get3A_833 = vector.shape_cast %get3A_832 : vector<1x16xf32> to vector<16xf32>
      %add3A_834 = arith.addf %add3A_829, %get3A_833 : vector<16xf32>
      %swap3A_835 = arith.index_cast %scan3A_43 : i32 to index
      %swap3A_836 = arith.constant 656 : index
      %swap3A_837 = tpu.vector_load %arg8[%swap3A_835, %swap3A_836] {strides = array<i32>} : memref<32x768xf32, #tpu.memory_space<vmem>>, vector<1x16xf32>,
      %swap3A_838 = vector.shape_cast %swap3A_837 : vector<1x16xf32> to vector<16xf32>
      %swap3A_839 = vector.shape_cast %add3A_834 : vector<16xf32> to vector<1x16xf32>
      tpu.vector_store %arg8[%swap3A_835, %swap3A_836], %swap3A_839 {strides = array<i32>} : memref<32x768xf32, #tpu.memory_space<vmem>>, vector<1x16xf32>,
      %get3A_840 = arith.index_cast %scan3A_43 : i32 to index
      %get3A_841 = arith.constant 672 : index
      %get3A_842 = tpu.vector_load %arg8[%get3A_840, %get3A_841] {strides = array<i32>} : memref<32x768xf32, #tpu.memory_space<vmem>>, vector<1x16xf32>,
      %get3A_843 = vector.shape_cast %get3A_842 : vector<1x16xf32> to vector<16xf32>
      %get3A_844 = arith.index_cast %scan3A_43 : i32 to index
      %get3A_845 = arith.constant 672 : index
      %get3A_846 = tpu.vector_load %arg9[%get3A_844, %get3A_845] {strides = array<i32>} : memref<32x768xf32, #tpu.memory_space<vmem>>, vector<1x16xf32>,
      %get3A_847 = vector.shape_cast %get3A_846 : vector<1x16xf32> to vector<16xf32>
      %add3A_848 = arith.addf %get3A_843, %get3A_847 : vector<16xf32>
      %get3A_849 = arith.index_cast %scan3A_43 : i32 to index
      %get3A_850 = arith.constant 672 : index
      %get3A_851 = tpu.vector_load %arg10[%get3A_849, %get3A_850] {strides = array<i32>} : memref<32x768xf32, #tpu.memory_space<vmem>>, vector<1x16xf32>,
      %get3A_852 = vector.shape_cast %get3A_851 : vector<1x16xf32> to vector<16xf32>
      %add3A_853 = arith.addf %add3A_848, %get3A_852 : vector<16xf32>
      %swap3A_854 = arith.index_cast %scan3A_43 : i32 to index
      %swap3A_855 = arith.constant 672 : index
      %swap3A_856 = tpu.vector_load %arg8[%swap3A_854, %swap3A_855] {strides = array<i32>} : memref<32x768xf32, #tpu.memory_space<vmem>>, vector<1x16xf32>,
      %swap3A_857 = vector.shape_cast %swap3A_856 : vector<1x16xf32> to vector<16xf32>
      %swap3A_858 = vector.shape_cast %add3A_853 : vector<16xf32> to vector<1x16xf32>
      tpu.vector_store %arg8[%swap3A_854, %swap3A_855], %swap3A_858 {strides = array<i32>} : memref<32x768xf32, #tpu.memory_space<vmem>>, vector<1x16xf32>,
      %get3A_859 = arith.index_cast %scan3A_43 : i32 to index
      %get3A_860 = arith.constant 688 : index
      %get3A_861 = tpu.vector_load %arg8[%get3A_859, %get3A_860] {strides = array<i32>} : memref<32x768xf32, #tpu.memory_space<vmem>>, vector<1x16xf32>,
      %get3A_862 = vector.shape_cast %get3A_861 : vector<1x16xf32> to vector<16xf32>
      %get3A_863 = arith.index_cast %scan3A_43 : i32 to index
      %get3A_864 = arith.constant 688 : index
      %get3A_865 = tpu.vector_load %arg9[%get3A_863, %get3A_864] {strides = array<i32>} : memref<32x768xf32, #tpu.memory_space<vmem>>, vector<1x16xf32>,
      %get3A_866 = vector.shape_cast %get3A_865 : vector<1x16xf32> to vector<16xf32>
      %add3A_867 = arith.addf %get3A_862, %get3A_866 : vector<16xf32>
      %get3A_868 = arith.index_cast %scan3A_43 : i32 to index
      %get3A_869 = arith.constant 688 : index
      %get3A_870 = tpu.vector_load %arg10[%get3A_868, %get3A_869] {strides = array<i32>} : memref<32x768xf32, #tpu.memory_space<vmem>>, vector<1x16xf32>,
      %get3A_871 = vector.shape_cast %get3A_870 : vector<1x16xf32> to vector<16xf32>
      %add3A_872 = arith.addf %add3A_867, %get3A_871 : vector<16xf32>
      %swap3A_873 = arith.index_cast %scan3A_43 : i32 to index
      %swap3A_874 = arith.constant 688 : index
      %swap3A_875 = tpu.vector_load %arg8[%swap3A_873, %swap3A_874] {strides = array<i32>} : memref<32x768xf32, #tpu.memory_space<vmem>>, vector<1x16xf32>,
      %swap3A_876 = vector.shape_cast %swap3A_875 : vector<1x16xf32> to vector<16xf32>
      %swap3A_877 = vector.shape_cast %add3A_872 : vector<16xf32> to vector<1x16xf32>
      tpu.vector_store %arg8[%swap3A_873, %swap3A_874], %swap3A_877 {strides = array<i32>} : memref<32x768xf32, #tpu.memory_space<vmem>>, vector<1x16xf32>,
      %get3A_878 = arith.index_cast %scan3A_43 : i32 to index
      %get3A_879 = arith.constant 704 : index
      %get3A_880 = tpu.vector_load %arg8[%get3A_878, %get3A_879] {strides = array<i32>} : memref<32x768xf32, #tpu.memory_space<vmem>>, vector<1x16xf32>,
      %get3A_881 = vector.shape_cast %get3A_880 : vector<1x16xf32> to vector<16xf32>
      %get3A_882 = arith.index_cast %scan3A_43 : i32 to index
      %get3A_883 = arith.constant 704 : index
      %get3A_884 = tpu.vector_load %arg9[%get3A_882, %get3A_883] {strides = array<i32>} : memref<32x768xf32, #tpu.memory_space<vmem>>, vector<1x16xf32>,
      %get3A_885 = vector.shape_cast %get3A_884 : vector<1x16xf32> to vector<16xf32>
      %add3A_886 = arith.addf %get3A_881, %get3A_885 : vector<16xf32>
      %get3A_887 = arith.index_cast %scan3A_43 : i32 to index
      %get3A_888 = arith.constant 704 : index
      %get3A_889 = tpu.vector_load %arg10[%get3A_887, %get3A_888] {strides = array<i32>} : memref<32x768xf32, #tpu.memory_space<vmem>>, vector<1x16xf32>,
      %get3A_890 = vector.shape_cast %get3A_889 : vector<1x16xf32> to vector<16xf32>
      %add3A_891 = arith.addf %add3A_886, %get3A_890 : vector<16xf32>
      %swap3A_892 = arith.index_cast %scan3A_43 : i32 to index
      %swap3A_893 = arith.constant 704 : index
      %swap3A_894 = tpu.vector_load %arg8[%swap3A_892, %swap3A_893] {strides = array<i32>} : memref<32x768xf32, #tpu.memory_space<vmem>>, vector<1x16xf32>,
      %swap3A_895 = vector.shape_cast %swap3A_894 : vector<1x16xf32> to vector<16xf32>
      %swap3A_896 = vector.shape_cast %add3A_891 : vector<16xf32> to vector<1x16xf32>
      tpu.vector_store %arg8[%swap3A_892, %swap3A_893], %swap3A_896 {strides = array<i32>} : memref<32x768xf32, #tpu.memory_space<vmem>>, vector<1x16xf32>,
      %get3A_897 = arith.index_cast %scan3A_43 : i32 to index
      %get3A_898 = arith.constant 720 : index
      %get3A_899 = tpu.vector_load %arg8[%get3A_897, %get3A_898] {strides = array<i32>} : memref<32x768xf32, #tpu.memory_space<vmem>>, vector<1x16xf32>,
      %get3A_900 = vector.shape_cast %get3A_899 : vector<1x16xf32> to vector<16xf32>
      %get3A_901 = arith.index_cast %scan3A_43 : i32 to index
      %get3A_902 = arith.constant 720 : index
      %get3A_903 = tpu.vector_load %arg9[%get3A_901, %get3A_902] {strides = array<i32>} : memref<32x768xf32, #tpu.memory_space<vmem>>, vector<1x16xf32>,
      %get3A_904 = vector.shape_cast %get3A_903 : vector<1x16xf32> to vector<16xf32>
      %add3A_905 = arith.addf %get3A_900, %get3A_904 : vector<16xf32>
      %get3A_906 = arith.index_cast %scan3A_43 : i32 to index
      %get3A_907 = arith.constant 720 : index
      %get3A_908 = tpu.vector_load %arg10[%get3A_906, %get3A_907] {strides = array<i32>} : memref<32x768xf32, #tpu.memory_space<vmem>>, vector<1x16xf32>,
      %get3A_909 = vector.shape_cast %get3A_908 : vector<1x16xf32> to vector<16xf32>
      %add3A_910 = arith.addf %add3A_905, %get3A_909 : vector<16xf32>
      %swap3A_911 = arith.index_cast %scan3A_43 : i32 to index
      %swap3A_912 = arith.constant 720 : index
      %swap3A_913 = tpu.vector_load %arg8[%swap3A_911, %swap3A_912] {strides = array<i32>} : memref<32x768xf32, #tpu.memory_space<vmem>>, vector<1x16xf32>,
      %swap3A_914 = vector.shape_cast %swap3A_913 : vector<1x16xf32> to vector<16xf32>
      %swap3A_915 = vector.shape_cast %add3A_910 : vector<16xf32> to vector<1x16xf32>
      tpu.vector_store %arg8[%swap3A_911, %swap3A_912], %swap3A_915 {strides = array<i32>} : memref<32x768xf32, #tpu.memory_space<vmem>>, vector<1x16xf32>,
      %get3A_916 = arith.index_cast %scan3A_43 : i32 to index
      %get3A_917 = arith.constant 736 : index
      %get3A_918 = tpu.vector_load %arg8[%get3A_916, %get3A_917] {strides = array<i32>} : memref<32x768xf32, #tpu.memory_space<vmem>>, vector<1x16xf32>,
      %get3A_919 = vector.shape_cast %get3A_918 : vector<1x16xf32> to vector<16xf32>
      %get3A_920 = arith.index_cast %scan3A_43 : i32 to index
      %get3A_921 = arith.constant 736 : index
      %get3A_922 = tpu.vector_load %arg9[%get3A_920, %get3A_921] {strides = array<i32>} : memref<32x768xf32, #tpu.memory_space<vmem>>, vector<1x16xf32>,
      %get3A_923 = vector.shape_cast %get3A_922 : vector<1x16xf32> to vector<16xf32>
      %add3A_924 = arith.addf %get3A_919, %get3A_923 : vector<16xf32>
      %get3A_925 = arith.index_cast %scan3A_43 : i32 to index
      %get3A_926 = arith.constant 736 : index
      %get3A_927 = tpu.vector_load %arg10[%get3A_925, %get3A_926] {strides = array<i32>} : memref<32x768xf32, #tpu.memory_space<vmem>>, vector<1x16xf32>,
      %get3A_928 = vector.shape_cast %get3A_927 : vector<1x16xf32> to vector<16xf32>
      %add3A_929 = arith.addf %add3A_924, %get3A_928 : vector<16xf32>
      %swap3A_930 = arith.index_cast %scan3A_43 : i32 to index
      %swap3A_931 = arith.constant 736 : index
      %swap3A_932 = tpu.vector_load %arg8[%swap3A_930, %swap3A_931] {strides = array<i32>} : memref<32x768xf32, #tpu.memory_space<vmem>>, vector<1x16xf32>,
      %swap3A_933 = vector.shape_cast %swap3A_932 : vector<1x16xf32> to vector<16xf32>
      %swap3A_934 = vector.shape_cast %add3A_929 : vector<16xf32> to vector<1x16xf32>
      tpu.vector_store %arg8[%swap3A_930, %swap3A_931], %swap3A_934 {strides = array<i32>} : memref<32x768xf32, #tpu.memory_space<vmem>>, vector<1x16xf32>,
      %get3A_935 = arith.index_cast %scan3A_43 : i32 to index
      %get3A_936 = arith.constant 752 : index
      %get3A_937 = tpu.vector_load %arg8[%get3A_935, %get3A_936] {strides = array<i32>} : memref<32x768xf32, #tpu.memory_space<vmem>>, vector<1x16xf32>,
      %get3A_938 = vector.shape_cast %get3A_937 : vector<1x16xf32> to vector<16xf32>
      %get3A_939 = arith.index_cast %scan3A_43 : i32 to index
      %get3A_940 = arith.constant 752 : index
      %get3A_941 = tpu.vector_load %arg9[%get3A_939, %get3A_940] {strides = array<i32>} : memref<32x768xf32, #tpu.memory_space<vmem>>, vector<1x16xf32>,
      %get3A_942 = vector.shape_cast %get3A_941 : vector<1x16xf32> to vector<16xf32>
      %add3A_943 = arith.addf %get3A_938, %get3A_942 : vector<16xf32>
      %get3A_944 = arith.index_cast %scan3A_43 : i32 to index
      %get3A_945 = arith.constant 752 : index
      %get3A_946 = tpu.vector_load %arg10[%get3A_944, %get3A_945] {strides = array<i32>} : memref<32x768xf32, #tpu.memory_space<vmem>>, vector<1x16xf32>,
      %get3A_947 = vector.shape_cast %get3A_946 : vector<1x16xf32> to vector<16xf32>
      %add3A_948 = arith.addf %add3A_943, %get3A_947 : vector<16xf32>
      %swap3A_949 = arith.index_cast %scan3A_43 : i32 to index
      %swap3A_950 = arith.constant 752 : index
      %swap3A_951 = tpu.vector_load %arg8[%swap3A_949, %swap3A_950] {strides = array<i32>} : memref<32x768xf32, #tpu.memory_space<vmem>>, vector<1x16xf32>,
      %swap3A_952 = vector.shape_cast %swap3A_951 : vector<1x16xf32> to vector<16xf32>
      %swap3A_953 = vector.shape_cast %add3A_948 : vector<16xf32> to vector<1x16xf32>
      tpu.vector_store %arg8[%swap3A_949, %swap3A_950], %swap3A_953 {strides = array<i32>} : memref<32x768xf32, #tpu.memory_space<vmem>>, vector<1x16xf32>,
    }
    %scan3A_20 = arith.constant 32 : i32
    "tpu.region"() ({
      %run_scoped3A_43 = tpu.sem_alloc : memref<!tpu.dma_semaphore, #tpu.memory_space<semaphore_mem>>
      %dma_start3A_44 = arith.constant 0 : i32
      %dma_start3A_45 = tpu.memref_slice %arg5[%add3A_4, %dma_start3A_44] : memref<2048x768xf32, #tpu.memory_space<hbm>> -> memref<32x768xf32, #tpu.memory_space<hbm>>
      %dma_start3A_46 = arith.constant 0 : i32
      %dma_start3A_47 = tpu.memref_slice %arg5[%add3A_4, %dma_start3A_46] : memref<2048x768xf32, #tpu.memory_space<hbm>> -> memref<32x768xf32, #tpu.memory_space<hbm>>
      tpu.enqueue_dma source(%arg8 : memref<32x768xf32, #tpu.memory_space<vmem>>) target(%dma_start3A_47 : memref<32x768xf32, #tpu.memory_space<hbm>>) target_semaphore(%run_scoped3A_43 : memref<!tpu.dma_semaphore, #tpu.memory_space<semaphore_mem>>)
      %dma_wait3A_48 = arith.constant 0 : i32
      %dma_wait3A_49 = tpu.memref_slice %arg5[%add3A_4, %dma_wait3A_48] : memref<2048x768xf32, #tpu.memory_space<hbm>> -> memref<32x768xf32, #tpu.memory_space<hbm>>
      %dma_wait3A_50 = arith.constant 0 : i32
      %dma_wait3A_51 = tpu.memref_slice %arg5[%add3A_4, %dma_wait3A_50] : memref<2048x768xf32, #tpu.memory_space<hbm>> -> memref<32x768xf32, #tpu.memory_space<hbm>>
      tpu.wait_dma2 semaphore(%run_scoped3A_43 : memref<!tpu.dma_semaphore, #tpu.memory_space<semaphore_mem>>) src(%arg8 : memref<32x768xf32, #tpu.memory_space<vmem>>) dst(%dma_wait3A_51 : memref<32x768xf32, #tpu.memory_space<hbm>>)
      tpu.yield
    }) : () -> ()
    %add3A_21 = arith.constant 32 : i32
    %add3A_22 = arith.addi %mul3A_2, %add3A_21 : i32
    %run_scoped3A_23 = arith.constant 0 : i32
    "tpu.region"() ({
      %run_scoped3A_43 = tpu.sem_alloc : memref<!tpu.dma_semaphore, #tpu.memory_space<semaphore_mem>>
      %dma_start3A_44 = tpu.memref_slice %arg3[%run_scoped3A_23, %add3A_22] : memref<2x2048xi32, #tpu.memory_space<hbm>> -> memref<1x32xi32, #tpu.memory_space<hbm>>
      %dma_start3A_45 = tpu.memref_squeeze %dma_start3A_44 : memref<1x32xi32, #tpu.memory_space<hbm>> -> memref<32xi32, #tpu.memory_space<hbm>>
      %dma_start3A_46 = tpu.memref_slice %arg3[%run_scoped3A_23, %add3A_22] : memref<2x2048xi32, #tpu.memory_space<hbm>> -> memref<1x32xi32, #tpu.memory_space<hbm>>
      %dma_start3A_47 = tpu.memref_squeeze %dma_start3A_46 : memref<1x32xi32, #tpu.memory_space<hbm>> -> memref<32xi32, #tpu.memory_space<hbm>>
      tpu.enqueue_dma source(%dma_start3A_47 : memref<32xi32, #tpu.memory_space<hbm>>) target(%arg6 : memref<32xi32, #tpu.memory_space<vmem>>) target_semaphore(%run_scoped3A_43 : memref<!tpu.dma_semaphore, #tpu.memory_space<semaphore_mem>>)
      %dma_wait3A_48 = tpu.memref_slice %arg3[%run_scoped3A_23, %add3A_22] : memref<2x2048xi32, #tpu.memory_space<hbm>> -> memref<1x32xi32, #tpu.memory_space<hbm>>
      %dma_wait3A_49 = tpu.memref_squeeze %dma_wait3A_48 : memref<1x32xi32, #tpu.memory_space<hbm>> -> memref<32xi32, #tpu.memory_space<hbm>>
      %dma_wait3A_50 = tpu.memref_slice %arg3[%run_scoped3A_23, %add3A_22] : memref<2x2048xi32, #tpu.memory_space<hbm>> -> memref<1x32xi32, #tpu.memory_space<hbm>>
      %dma_wait3A_51 = tpu.memref_squeeze %dma_wait3A_50 : memref<1x32xi32, #tpu.memory_space<hbm>> -> memref<32xi32, #tpu.memory_space<hbm>>
      tpu.wait_dma2 semaphore(%run_scoped3A_43 : memref<!tpu.dma_semaphore, #tpu.memory_space<semaphore_mem>>) src(%dma_wait3A_51 : memref<32xi32, #tpu.memory_space<hbm>>) dst(%arg6 : memref<32xi32, #tpu.memory_space<vmem>>)
      tpu.yield
    }) : () -> ()
    %run_scoped3A_24 = arith.constant 1 : i32
    "tpu.region"() ({
      %run_scoped3A_43 = tpu.sem_alloc : memref<!tpu.dma_semaphore, #tpu.memory_space<semaphore_mem>>
      %dma_start3A_44 = tpu.memref_slice %arg3[%run_scoped3A_24, %add3A_22] : memref<2x2048xi32, #tpu.memory_space<hbm>> -> memref<1x32xi32, #tpu.memory_space<hbm>>
      %dma_start3A_45 = tpu.memref_squeeze %dma_start3A_44 : memref<1x32xi32, #tpu.memory_space<hbm>> -> memref<32xi32, #tpu.memory_space<hbm>>
      %dma_start3A_46 = tpu.memref_slice %arg3[%run_scoped3A_24, %add3A_22] : memref<2x2048xi32, #tpu.memory_space<hbm>> -> memref<1x32xi32, #tpu.memory_space<hbm>>
      %dma_start3A_47 = tpu.memref_squeeze %dma_start3A_46 : memref<1x32xi32, #tpu.memory_space<hbm>> -> memref<32xi32, #tpu.memory_space<hbm>>
      tpu.enqueue_dma source(%dma_start3A_47 : memref<32xi32, #tpu.memory_space<hbm>>) target(%arg7 : memref<32xi32, #tpu.memory_space<vmem>>) target_semaphore(%run_scoped3A_43 : memref<!tpu.dma_semaphore, #tpu.memory_space<semaphore_mem>>)
      %dma_wait3A_48 = tpu.memref_slice %arg3[%run_scoped3A_24, %add3A_22] : memref<2x2048xi32, #tpu.memory_space<hbm>> -> memref<1x32xi32, #tpu.memory_space<hbm>>
      %dma_wait3A_49 = tpu.memref_squeeze %dma_wait3A_48 : memref<1x32xi32, #tpu.memory_space<hbm>> -> memref<32xi32, #tpu.memory_space<hbm>>
      %dma_wait3A_50 = tpu.memref_slice %arg3[%run_scoped3A_24, %add3A_22] : memref<2x2048xi32, #tpu.memory_space<hbm>> -> memref<1x32xi32, #tpu.memory_space<hbm>>
      %dma_wait3A_51 = tpu.memref_squeeze %dma_wait3A_50 : memref<1x32xi32, #tpu.memory_space<hbm>> -> memref<32xi32, #tpu.memory_space<hbm>>
      tpu.wait_dma2 semaphore(%run_scoped3A_43 : memref<!tpu.dma_semaphore, #tpu.memory_space<semaphore_mem>>) src(%dma_wait3A_51 : memref<32xi32, #tpu.memory_space<hbm>>) dst(%arg7 : memref<32xi32, #tpu.memory_space<vmem>>)
      tpu.yield
    }) : () -> ()
    %dma_start3A_25 = arith.constant 0 : i32
    %dma_start3A_26 = arith.constant 0 : i32
    %dma_start3A_27 = tpu.memref_slice %arg2[%dma_start3A_25, %dma_start3A_26] : memref<6144x768xf32, #tpu.memory_space<hbm>> -> memref<6144x768xf32, #tpu.memory_space<hbm>>
    tpu.enqueue_indirect_dma source(%dma_start3A_27 : memref<6144x768xf32, #tpu.memory_space<hbm>>) target(%arg8 : memref<32x768xf32, #tpu.memory_space<vmem>>) offsets(%arg6 : memref<32xi32, #tpu.memory_space<vmem>>) semaphore(%arg11 : memref<!tpu.dma_semaphore, #tpu.memory_space<semaphore_mem>>)
    %dma_wait3A_28 = arith.constant 0 : i32
    %dma_wait3A_29 = arith.constant 0 : i32
    %dma_wait3A_30 = tpu.memref_slice %arg2[%dma_wait3A_28, %dma_wait3A_29] : memref<6144x768xf32, #tpu.memory_space<hbm>> -> memref<6144x768xf32, #tpu.memory_space<hbm>>
    tpu.wait_indirect_dma semaphore(%arg11 : memref<!tpu.dma_semaphore, #tpu.memory_space<semaphore_mem>>) src(%dma_wait3A_30 : memref<6144x768xf32, #tpu.memory_space<hbm>>) dst(%arg8 : memref<32x768xf32, #tpu.memory_space<vmem>>)
    %dma_start3A_31 = arith.constant 0 : i32
    %dma_start3A_32 = arith.constant 0 : i32
    %dma_start3A_33 = tpu.memref_slice %arg2[%dma_start3A_31, %dma_start3A_32] : memref<6144x768xf32, #tpu.memory_space<hbm>> -> memref<6144x768xf32, #tpu.memory_space<hbm>>
    tpu.enqueue_indirect_dma source(%dma_start3A_33 : memref<6144x768xf32, #tpu.memory_space<hbm>>) target(%arg9 : memref<32x768xf32, #tpu.memory_space<vmem>>) offsets(%arg7 : memref<32xi32, #tpu.memory_space<vmem>>) semaphore(%arg11 : memref<!tpu.dma_semaphore, #tpu.memory_space<semaphore_mem>>)
    %dma_wait3A_34 = arith.constant 0 : i32
    %dma_wait3A_35 = arith.constant 0 : i32
    %dma_wait3A_36 = tpu.memref_slice %arg2[%dma_wait3A_34, %dma_wait3A_35] : memref<6144x768xf32, #tpu.memory_space<hbm>> -> memref<6144x768xf32, #tpu.memory_space<hbm>>
    tpu.wait_indirect_dma semaphore(%arg11 : memref<!tpu.dma_semaphore, #tpu.memory_space<semaphore_mem>>) src(%dma_wait3A_36 : memref<6144x768xf32, #tpu.memory_space<hbm>>) dst(%arg9 : memref<32x768xf32, #tpu.memory_space<vmem>>)
    "tpu.region"() ({
      %run_scoped3A_43 = tpu.sem_alloc : memref<!tpu.dma_semaphore, #tpu.memory_space<semaphore_mem>>
      %dma_start3A_44 = arith.constant 0 : i32
      %dma_start3A_45 = tpu.memref_slice %arg4[%add3A_22, %dma_start3A_44] : memref<2048x768xf32, #tpu.memory_space<hbm>> -> memref<32x768xf32, #tpu.memory_space<hbm>>
      %dma_start3A_46 = arith.constant 0 : i32
      %dma_start3A_47 = tpu.memref_slice %arg4[%add3A_22, %dma_start3A_46] : memref<2048x768xf32, #tpu.memory_space<hbm>> -> memref<32x768xf32, #tpu.memory_space<hbm>>
      tpu.enqueue_dma source(%dma_start3A_47 : memref<32x768xf32, #tpu.memory_space<hbm>>) target(%arg10 : memref<32x768xf32, #tpu.memory_space<vmem>>) target_semaphore(%run_scoped3A_43 : memref<!tpu.dma_semaphore, #tpu.memory_space<semaphore_mem>>)
      %dma_wait3A_48 = arith.constant 0 : i32
      %dma_wait3A_49 = tpu.memref_slice %arg4[%add3A_22, %dma_wait3A_48] : memref<2048x768xf32, #tpu.memory_space<hbm>> -> memref<32x768xf32, #tpu.memory_space<hbm>>
      %dma_wait3A_50 = arith.constant 0 : i32
      %dma_wait3A_51 = tpu.memref_slice %arg4[%add3A_22, %dma_wait3A_50] : memref<2048x768xf32, #tpu.memory_space<hbm>> -> memref<32x768xf32, #tpu.memory_space<hbm>>
      tpu.wait_dma2 semaphore(%run_scoped3A_43 : memref<!tpu.dma_semaphore, #tpu.memory_space<semaphore_mem>>) src(%dma_wait3A_51 : memref<32x768xf32, #tpu.memory_space<hbm>>) dst(%arg10 : memref<32x768xf32, #tpu.memory_space<vmem>>)
      tpu.yield
    }) : () -> ()
    %scan3A_37 = arith.constant 0 : i32
    %scan3A_38 = arith.constant 0 : i32
    %scan3A_39 = arith.constant 32 : i32
    %scan3A_40 = arith.addi %scan3A_38, %scan3A_39 : i32
    %scan3A_41 = arith.constant 1 : i32
    scf.for %scan3A_43 = %scan3A_38 to %scan3A_40 step %scan3A_41  : i32 {
      %get3A = arith.index_cast %scan3A_43 : i32 to index
      %get3A_44 = arith.constant 0 : index
      %get3A_45 = tpu.vector_load %arg8[%get3A, %get3A_44] {strides = array<i32>} : memref<32x768xf32, #tpu.memory_space<vmem>>, vector<1x16xf32>,
      %get3A_46 = vector.shape_cast %get3A_45 : vector<1x16xf32> to vector<16xf32>
      %get3A_47 = arith.index_cast %scan3A_43 : i32 to index
      %get3A_48 = arith.constant 0 : index
      %get3A_49 = tpu.vector_load %arg9[%get3A_47, %get3A_48] {strides = array<i32>} : memref<32x768xf32, #tpu.memory_space<vmem>>, vector<1x16xf32>,
      %get3A_50 = vector.shape_cast %get3A_49 : vector<1x16xf32> to vector<16xf32>
      %add3A_51 = arith.addf %get3A_46, %get3A_50 : vector<16xf32>
      %get3A_52 = arith.index_cast %scan3A_43 : i32 to index
      %get3A_53 = arith.constant 0 : index
      %get3A_54 = tpu.vector_load %arg10[%get3A_52, %get3A_53] {strides = array<i32>} : memref<32x768xf32, #tpu.memory_space<vmem>>, vector<1x16xf32>,
      %get3A_55 = vector.shape_cast %get3A_54 : vector<1x16xf32> to vector<16xf32>
      %add3A_56 = arith.addf %add3A_51, %get3A_55 : vector<16xf32>
      %swap3A = arith.index_cast %scan3A_43 : i32 to index
      %swap3A_57 = arith.constant 0 : index
      %swap3A_58 = tpu.vector_load %arg8[%swap3A, %swap3A_57] {strides = array<i32>} : memref<32x768xf32, #tpu.memory_space<vmem>>, vector<1x16xf32>,
      %swap3A_59 = vector.shape_cast %swap3A_58 : vector<1x16xf32> to vector<16xf32>
      %swap3A_60 = vector.shape_cast %add3A_56 : vector<16xf32> to vector<1x16xf32>
      tpu.vector_store %arg8[%swap3A, %swap3A_57], %swap3A_60 {strides = array<i32>} : memref<32x768xf32, #tpu.memory_space<vmem>>, vector<1x16xf32>,
      %get3A_61 = arith.index_cast %scan3A_43 : i32 to index
      %get3A_62 = arith.constant 16 : index
      %get3A_63 = tpu.vector_load %arg8[%get3A_61, %get3A_62] {strides = array<i32>} : memref<32x768xf32, #tpu.memory_space<vmem>>, vector<1x16xf32>,
      %get3A_64 = vector.shape_cast %get3A_63 : vector<1x16xf32> to vector<16xf32>
      %get3A_65 = arith.index_cast %scan3A_43 : i32 to index
      %get3A_66 = arith.constant 16 : index
      %get3A_67 = tpu.vector_load %arg9[%get3A_65, %get3A_66] {strides = array<i32>} : memref<32x768xf32, #tpu.memory_space<vmem>>, vector<1x16xf32>,
      %get3A_68 = vector.shape_cast %get3A_67 : vector<1x16xf32> to vector<16xf32>
      %add3A_69 = arith.addf %get3A_64, %get3A_68 : vector<16xf32>
      %get3A_70 = arith.index_cast %scan3A_43 : i32 to index
      %get3A_71 = arith.constant 16 : index
      %get3A_72 = tpu.vector_load %arg10[%get3A_70, %get3A_71] {strides = array<i32>} : memref<32x768xf32, #tpu.memory_space<vmem>>, vector<1x16xf32>,
      %get3A_73 = vector.shape_cast %get3A_72 : vector<1x16xf32> to vector<16xf32>
      %add3A_74 = arith.addf %add3A_69, %get3A_73 : vector<16xf32>
      %swap3A_75 = arith.index_cast %scan3A_43 : i32 to index
      %swap3A_76 = arith.constant 16 : index
      %swap3A_77 = tpu.vector_load %arg8[%swap3A_75, %swap3A_76] {strides = array<i32>} : memref<32x768xf32, #tpu.memory_space<vmem>>, vector<1x16xf32>,
      %swap3A_78 = vector.shape_cast %swap3A_77 : vector<1x16xf32> to vector<16xf32>
      %swap3A_79 = vector.shape_cast %add3A_74 : vector<16xf32> to vector<1x16xf32>
      tpu.vector_store %arg8[%swap3A_75, %swap3A_76], %swap3A_79 {strides = array<i32>} : memref<32x768xf32, #tpu.memory_space<vmem>>, vector<1x16xf32>,
      %get3A_80 = arith.index_cast %scan3A_43 : i32 to index
      %get3A_81 = arith.constant 32 : index
      %get3A_82 = tpu.vector_load %arg8[%get3A_80, %get3A_81] {strides = array<i32>} : memref<32x768xf32, #tpu.memory_space<vmem>>, vector<1x16xf32>,
      %get3A_83 = vector.shape_cast %get3A_82 : vector<1x16xf32> to vector<16xf32>
      %get3A_84 = arith.index_cast %scan3A_43 : i32 to index
      %get3A_85 = arith.constant 32 : index
      %get3A_86 = tpu.vector_load %arg9[%get3A_84, %get3A_85] {strides = array<i32>} : memref<32x768xf32, #tpu.memory_space<vmem>>, vector<1x16xf32>,
      %get3A_87 = vector.shape_cast %get3A_86 : vector<1x16xf32> to vector<16xf32>
      %add3A_88 = arith.addf %get3A_83, %get3A_87 : vector<16xf32>
      %get3A_89 = arith.index_cast %scan3A_43 : i32 to index
      %get3A_90 = arith.constant 32 : index
      %get3A_91 = tpu.vector_load %arg10[%get3A_89, %get3A_90] {strides = array<i32>} : memref<32x768xf32, #tpu.memory_space<vmem>>, vector<1x16xf32>,
      %get3A_92 = vector.shape_cast %get3A_91 : vector<1x16xf32> to vector<16xf32>
      %add3A_93 = arith.addf %add3A_88, %get3A_92 : vector<16xf32>
      %swap3A_94 = arith.index_cast %scan3A_43 : i32 to index
      %swap3A_95 = arith.constant 32 : index
      %swap3A_96 = tpu.vector_load %arg8[%swap3A_94, %swap3A_95] {strides = array<i32>} : memref<32x768xf32, #tpu.memory_space<vmem>>, vector<1x16xf32>,
      %swap3A_97 = vector.shape_cast %swap3A_96 : vector<1x16xf32> to vector<16xf32>
      %swap3A_98 = vector.shape_cast %add3A_93 : vector<16xf32> to vector<1x16xf32>
      tpu.vector_store %arg8[%swap3A_94, %swap3A_95], %swap3A_98 {strides = array<i32>} : memref<32x768xf32, #tpu.memory_space<vmem>>, vector<1x16xf32>,
      %get3A_99 = arith.index_cast %scan3A_43 : i32 to index
      %get3A_100 = arith.constant 48 : index
      %get3A_101 = tpu.vector_load %arg8[%get3A_99, %get3A_100] {strides = array<i32>} : memref<32x768xf32, #tpu.memory_space<vmem>>, vector<1x16xf32>,
      %get3A_102 = vector.shape_cast %get3A_101 : vector<1x16xf32> to vector<16xf32>
      %get3A_103 = arith.index_cast %scan3A_43 : i32 to index
      %get3A_104 = arith.constant 48 : index
      %get3A_105 = tpu.vector_load %arg9[%get3A_103, %get3A_104] {strides = array<i32>} : memref<32x768xf32, #tpu.memory_space<vmem>>, vector<1x16xf32>,
      %get3A_106 = vector.shape_cast %get3A_105 : vector<1x16xf32> to vector<16xf32>
      %add3A_107 = arith.addf %get3A_102, %get3A_106 : vector<16xf32>
      %get3A_108 = arith.index_cast %scan3A_43 : i32 to index
      %get3A_109 = arith.constant 48 : index
      %get3A_110 = tpu.vector_load %arg10[%get3A_108, %get3A_109] {strides = array<i32>} : memref<32x768xf32, #tpu.memory_space<vmem>>, vector<1x16xf32>,
      %get3A_111 = vector.shape_cast %get3A_110 : vector<1x16xf32> to vector<16xf32>
      %add3A_112 = arith.addf %add3A_107, %get3A_111 : vector<16xf32>
      %swap3A_113 = arith.index_cast %scan3A_43 : i32 to index
      %swap3A_114 = arith.constant 48 : index
      %swap3A_115 = tpu.vector_load %arg8[%swap3A_113, %swap3A_114] {strides = array<i32>} : memref<32x768xf32, #tpu.memory_space<vmem>>, vector<1x16xf32>,
      %swap3A_116 = vector.shape_cast %swap3A_115 : vector<1x16xf32> to vector<16xf32>
      %swap3A_117 = vector.shape_cast %add3A_112 : vector<16xf32> to vector<1x16xf32>
      tpu.vector_store %arg8[%swap3A_113, %swap3A_114], %swap3A_117 {strides = array<i32>} : memref<32x768xf32, #tpu.memory_space<vmem>>, vector<1x16xf32>,
      %get3A_118 = arith.index_cast %scan3A_43 : i32 to index
      %get3A_119 = arith.constant 64 : index
      %get3A_120 = tpu.vector_load %arg8[%get3A_118, %get3A_119] {strides = array<i32>} : memref<32x768xf32, #tpu.memory_space<vmem>>, vector<1x16xf32>,
      %get3A_121 = vector.shape_cast %get3A_120 : vector<1x16xf32> to vector<16xf32>
      %get3A_122 = arith.index_cast %scan3A_43 : i32 to index
      %get3A_123 = arith.constant 64 : index
      %get3A_124 = tpu.vector_load %arg9[%get3A_122, %get3A_123] {strides = array<i32>} : memref<32x768xf32, #tpu.memory_space<vmem>>, vector<1x16xf32>,
      %get3A_125 = vector.shape_cast %get3A_124 : vector<1x16xf32> to vector<16xf32>
      %add3A_126 = arith.addf %get3A_121, %get3A_125 : vector<16xf32>
      %get3A_127 = arith.index_cast %scan3A_43 : i32 to index
      %get3A_128 = arith.constant 64 : index
      %get3A_129 = tpu.vector_load %arg10[%get3A_127, %get3A_128] {strides = array<i32>} : memref<32x768xf32, #tpu.memory_space<vmem>>, vector<1x16xf32>,
      %get3A_130 = vector.shape_cast %get3A_129 : vector<1x16xf32> to vector<16xf32>
      %add3A_131 = arith.addf %add3A_126, %get3A_130 : vector<16xf32>
      %swap3A_132 = arith.index_cast %scan3A_43 : i32 to index
      %swap3A_133 = arith.constant 64 : index
      %swap3A_134 = tpu.vector_load %arg8[%swap3A_132, %swap3A_133] {strides = array<i32>} : memref<32x768xf32, #tpu.memory_space<vmem>>, vector<1x16xf32>,
      %swap3A_135 = vector.shape_cast %swap3A_134 : vector<1x16xf32> to vector<16xf32>
      %swap3A_136 = vector.shape_cast %add3A_131 : vector<16xf32> to vector<1x16xf32>
      tpu.vector_store %arg8[%swap3A_132, %swap3A_133], %swap3A_136 {strides = array<i32>} : memref<32x768xf32, #tpu.memory_space<vmem>>, vector<1x16xf32>,
      %get3A_137 = arith.index_cast %scan3A_43 : i32 to index
      %get3A_138 = arith.constant 80 : index
      %get3A_139 = tpu.vector_load %arg8[%get3A_137, %get3A_138] {strides = array<i32>} : memref<32x768xf32, #tpu.memory_space<vmem>>, vector<1x16xf32>,
      %get3A_140 = vector.shape_cast %get3A_139 : vector<1x16xf32> to vector<16xf32>
      %get3A_141 = arith.index_cast %scan3A_43 : i32 to index
      %get3A_142 = arith.constant 80 : index
      %get3A_143 = tpu.vector_load %arg9[%get3A_141, %get3A_142] {strides = array<i32>} : memref<32x768xf32, #tpu.memory_space<vmem>>, vector<1x16xf32>,
      %get3A_144 = vector.shape_cast %get3A_143 : vector<1x16xf32> to vector<16xf32>
      %add3A_145 = arith.addf %get3A_140, %get3A_144 : vector<16xf32>
      %get3A_146 = arith.index_cast %scan3A_43 : i32 to index
      %get3A_147 = arith.constant 80 : index
      %get3A_148 = tpu.vector_load %arg10[%get3A_146, %get3A_147] {strides = array<i32>} : memref<32x768xf32, #tpu.memory_space<vmem>>, vector<1x16xf32>,
      %get3A_149 = vector.shape_cast %get3A_148 : vector<1x16xf32> to vector<16xf32>
      %add3A_150 = arith.addf %add3A_145, %get3A_149 : vector<16xf32>
      %swap3A_151 = arith.index_cast %scan3A_43 : i32 to index
      %swap3A_152 = arith.constant 80 : index
      %swap3A_153 = tpu.vector_load %arg8[%swap3A_151, %swap3A_152] {strides = array<i32>} : memref<32x768xf32, #tpu.memory_space<vmem>>, vector<1x16xf32>,
      %swap3A_154 = vector.shape_cast %swap3A_153 : vector<1x16xf32> to vector<16xf32>
      %swap3A_155 = vector.shape_cast %add3A_150 : vector<16xf32> to vector<1x16xf32>
      tpu.vector_store %arg8[%swap3A_151, %swap3A_152], %swap3A_155 {strides = array<i32>} : memref<32x768xf32, #tpu.memory_space<vmem>>, vector<1x16xf32>,
      %get3A_156 = arith.index_cast %scan3A_43 : i32 to index
      %get3A_157 = arith.constant 96 : index
      %get3A_158 = tpu.vector_load %arg8[%get3A_156, %get3A_157] {strides = array<i32>} : memref<32x768xf32, #tpu.memory_space<vmem>>, vector<1x16xf32>,
      %get3A_159 = vector.shape_cast %get3A_158 : vector<1x16xf32> to vector<16xf32>
      %get3A_160 = arith.index_cast %scan3A_43 : i32 to index
      %get3A_161 = arith.constant 96 : index
      %get3A_162 = tpu.vector_load %arg9[%get3A_160, %get3A_161] {strides = array<i32>} : memref<32x768xf32, #tpu.memory_space<vmem>>, vector<1x16xf32>,
      %get3A_163 = vector.shape_cast %get3A_162 : vector<1x16xf32> to vector<16xf32>
      %add3A_164 = arith.addf %get3A_159, %get3A_163 : vector<16xf32>
      %get3A_165 = arith.index_cast %scan3A_43 : i32 to index
      %get3A_166 = arith.constant 96 : index
      %get3A_167 = tpu.vector_load %arg10[%get3A_165, %get3A_166] {strides = array<i32>} : memref<32x768xf32, #tpu.memory_space<vmem>>, vector<1x16xf32>,
      %get3A_168 = vector.shape_cast %get3A_167 : vector<1x16xf32> to vector<16xf32>
      %add3A_169 = arith.addf %add3A_164, %get3A_168 : vector<16xf32>
      %swap3A_170 = arith.index_cast %scan3A_43 : i32 to index
      %swap3A_171 = arith.constant 96 : index
      %swap3A_172 = tpu.vector_load %arg8[%swap3A_170, %swap3A_171] {strides = array<i32>} : memref<32x768xf32, #tpu.memory_space<vmem>>, vector<1x16xf32>,
      %swap3A_173 = vector.shape_cast %swap3A_172 : vector<1x16xf32> to vector<16xf32>
      %swap3A_174 = vector.shape_cast %add3A_169 : vector<16xf32> to vector<1x16xf32>
      tpu.vector_store %arg8[%swap3A_170, %swap3A_171], %swap3A_174 {strides = array<i32>} : memref<32x768xf32, #tpu.memory_space<vmem>>, vector<1x16xf32>,
      %get3A_175 = arith.index_cast %scan3A_43 : i32 to index
      %get3A_176 = arith.constant 112 : index
      %get3A_177 = tpu.vector_load %arg8[%get3A_175, %get3A_176] {strides = array<i32>} : memref<32x768xf32, #tpu.memory_space<vmem>>, vector<1x16xf32>,
      %get3A_178 = vector.shape_cast %get3A_177 : vector<1x16xf32> to vector<16xf32>
      %get3A_179 = arith.index_cast %scan3A_43 : i32 to index
      %get3A_180 = arith.constant 112 : index
      %get3A_181 = tpu.vector_load %arg9[%get3A_179, %get3A_180] {strides = array<i32>} : memref<32x768xf32, #tpu.memory_space<vmem>>, vector<1x16xf32>,
      %get3A_182 = vector.shape_cast %get3A_181 : vector<1x16xf32> to vector<16xf32>
      %add3A_183 = arith.addf %get3A_178, %get3A_182 : vector<16xf32>
      %get3A_184 = arith.index_cast %scan3A_43 : i32 to index
      %get3A_185 = arith.constant 112 : index
      %get3A_186 = tpu.vector_load %arg10[%get3A_184, %get3A_185] {strides = array<i32>} : memref<32x768xf32, #tpu.memory_space<vmem>>, vector<1x16xf32>,
      %get3A_187 = vector.shape_cast %get3A_186 : vector<1x16xf32> to vector<16xf32>
      %add3A_188 = arith.addf %add3A_183, %get3A_187 : vector<16xf32>
      %swap3A_189 = arith.index_cast %scan3A_43 : i32 to index
      %swap3A_190 = arith.constant 112 : index
      %swap3A_191 = tpu.vector_load %arg8[%swap3A_189, %swap3A_190] {strides = array<i32>} : memref<32x768xf32, #tpu.memory_space<vmem>>, vector<1x16xf32>,
      %swap3A_192 = vector.shape_cast %swap3A_191 : vector<1x16xf32> to vector<16xf32>
      %swap3A_193 = vector.shape_cast %add3A_188 : vector<16xf32> to vector<1x16xf32>
      tpu.vector_store %arg8[%swap3A_189, %swap3A_190], %swap3A_193 {strides = array<i32>} : memref<32x768xf32, #tpu.memory_space<vmem>>, vector<1x16xf32>,
      %get3A_194 = arith.index_cast %scan3A_43 : i32 to index
      %get3A_195 = arith.constant 128 : index
      %get3A_196 = tpu.vector_load %arg8[%get3A_194, %get3A_195] {strides = array<i32>} : memref<32x768xf32, #tpu.memory_space<vmem>>, vector<1x16xf32>,
      %get3A_197 = vector.shape_cast %get3A_196 : vector<1x16xf32> to vector<16xf32>
      %get3A_198 = arith.index_cast %scan3A_43 : i32 to index
      %get3A_199 = arith.constant 128 : index
      %get3A_200 = tpu.vector_load %arg9[%get3A_198, %get3A_199] {strides = array<i32>} : memref<32x768xf32, #tpu.memory_space<vmem>>, vector<1x16xf32>,
      %get3A_201 = vector.shape_cast %get3A_200 : vector<1x16xf32> to vector<16xf32>
      %add3A_202 = arith.addf %get3A_197, %get3A_201 : vector<16xf32>
      %get3A_203 = arith.index_cast %scan3A_43 : i32 to index
      %get3A_204 = arith.constant 128 : index
      %get3A_205 = tpu.vector_load %arg10[%get3A_203, %get3A_204] {strides = array<i32>} : memref<32x768xf32, #tpu.memory_space<vmem>>, vector<1x16xf32>,
      %get3A_206 = vector.shape_cast %get3A_205 : vector<1x16xf32> to vector<16xf32>
      %add3A_207 = arith.addf %add3A_202, %get3A_206 : vector<16xf32>
      %swap3A_208 = arith.index_cast %scan3A_43 : i32 to index
      %swap3A_209 = arith.constant 128 : index
      %swap3A_210 = tpu.vector_load %arg8[%swap3A_208, %swap3A_209] {strides = array<i32>} : memref<32x768xf32, #tpu.memory_space<vmem>>, vector<1x16xf32>,
      %swap3A_211 = vector.shape_cast %swap3A_210 : vector<1x16xf32> to vector<16xf32>
      %swap3A_212 = vector.shape_cast %add3A_207 : vector<16xf32> to vector<1x16xf32>
      tpu.vector_store %arg8[%swap3A_208, %swap3A_209], %swap3A_212 {strides = array<i32>} : memref<32x768xf32, #tpu.memory_space<vmem>>, vector<1x16xf32>,
      %get3A_213 = arith.index_cast %scan3A_43 : i32 to index
      %get3A_214 = arith.constant 144 : index
      %get3A_215 = tpu.vector_load %arg8[%get3A_213, %get3A_214] {strides = array<i32>} : memref<32x768xf32, #tpu.memory_space<vmem>>, vector<1x16xf32>,
      %get3A_216 = vector.shape_cast %get3A_215 : vector<1x16xf32> to vector<16xf32>
      %get3A_217 = arith.index_cast %scan3A_43 : i32 to index
      %get3A_218 = arith.constant 144 : index
      %get3A_219 = tpu.vector_load %arg9[%get3A_217, %get3A_218] {strides = array<i32>} : memref<32x768xf32, #tpu.memory_space<vmem>>, vector<1x16xf32>,
      %get3A_220 = vector.shape_cast %get3A_219 : vector<1x16xf32> to vector<16xf32>
      %add3A_221 = arith.addf %get3A_216, %get3A_220 : vector<16xf32>
      %get3A_222 = arith.index_cast %scan3A_43 : i32 to index
      %get3A_223 = arith.constant 144 : index
      %get3A_224 = tpu.vector_load %arg10[%get3A_222, %get3A_223] {strides = array<i32>} : memref<32x768xf32, #tpu.memory_space<vmem>>, vector<1x16xf32>,
      %get3A_225 = vector.shape_cast %get3A_224 : vector<1x16xf32> to vector<16xf32>
      %add3A_226 = arith.addf %add3A_221, %get3A_225 : vector<16xf32>
      %swap3A_227 = arith.index_cast %scan3A_43 : i32 to index
      %swap3A_228 = arith.constant 144 : index
      %swap3A_229 = tpu.vector_load %arg8[%swap3A_227, %swap3A_228] {strides = array<i32>} : memref<32x768xf32, #tpu.memory_space<vmem>>, vector<1x16xf32>,
      %swap3A_230 = vector.shape_cast %swap3A_229 : vector<1x16xf32> to vector<16xf32>
      %swap3A_231 = vector.shape_cast %add3A_226 : vector<16xf32> to vector<1x16xf32>
      tpu.vector_store %arg8[%swap3A_227, %swap3A_228], %swap3A_231 {strides = array<i32>} : memref<32x768xf32, #tpu.memory_space<vmem>>, vector<1x16xf32>,
      %get3A_232 = arith.index_cast %scan3A_43 : i32 to index
      %get3A_233 = arith.constant 160 : index
      %get3A_234 = tpu.vector_load %arg8[%get3A_232, %get3A_233] {strides = array<i32>} : memref<32x768xf32, #tpu.memory_space<vmem>>, vector<1x16xf32>,
      %get3A_235 = vector.shape_cast %get3A_234 : vector<1x16xf32> to vector<16xf32>
      %get3A_236 = arith.index_cast %scan3A_43 : i32 to index
      %get3A_237 = arith.constant 160 : index
      %get3A_238 = tpu.vector_load %arg9[%get3A_236, %get3A_237] {strides = array<i32>} : memref<32x768xf32, #tpu.memory_space<vmem>>, vector<1x16xf32>,
      %get3A_239 = vector.shape_cast %get3A_238 : vector<1x16xf32> to vector<16xf32>
      %add3A_240 = arith.addf %get3A_235, %get3A_239 : vector<16xf32>
      %get3A_241 = arith.index_cast %scan3A_43 : i32 to index
      %get3A_242 = arith.constant 160 : index
      %get3A_243 = tpu.vector_load %arg10[%get3A_241, %get3A_242] {strides = array<i32>} : memref<32x768xf32, #tpu.memory_space<vmem>>, vector<1x16xf32>,
      %get3A_244 = vector.shape_cast %get3A_243 : vector<1x16xf32> to vector<16xf32>
      %add3A_245 = arith.addf %add3A_240, %get3A_244 : vector<16xf32>
      %swap3A_246 = arith.index_cast %scan3A_43 : i32 to index
      %swap3A_247 = arith.constant 160 : index
      %swap3A_248 = tpu.vector_load %arg8[%swap3A_246, %swap3A_247] {strides = array<i32>} : memref<32x768xf32, #tpu.memory_space<vmem>>, vector<1x16xf32>,
      %swap3A_249 = vector.shape_cast %swap3A_248 : vector<1x16xf32> to vector<16xf32>
      %swap3A_250 = vector.shape_cast %add3A_245 : vector<16xf32> to vector<1x16xf32>
      tpu.vector_store %arg8[%swap3A_246, %swap3A_247], %swap3A_250 {strides = array<i32>} : memref<32x768xf32, #tpu.memory_space<vmem>>, vector<1x16xf32>,
      %get3A_251 = arith.index_cast %scan3A_43 : i32 to index
      %get3A_252 = arith.constant 176 : index
      %get3A_253 = tpu.vector_load %arg8[%get3A_251, %get3A_252] {strides = array<i32>} : memref<32x768xf32, #tpu.memory_space<vmem>>, vector<1x16xf32>,
      %get3A_254 = vector.shape_cast %get3A_253 : vector<1x16xf32> to vector<16xf32>
      %get3A_255 = arith.index_cast %scan3A_43 : i32 to index
      %get3A_256 = arith.constant 176 : index
      %get3A_257 = tpu.vector_load %arg9[%get3A_255, %get3A_256] {strides = array<i32>} : memref<32x768xf32, #tpu.memory_space<vmem>>, vector<1x16xf32>,
      %get3A_258 = vector.shape_cast %get3A_257 : vector<1x16xf32> to vector<16xf32>
      %add3A_259 = arith.addf %get3A_254, %get3A_258 : vector<16xf32>
      %get3A_260 = arith.index_cast %scan3A_43 : i32 to index
      %get3A_261 = arith.constant 176 : index
      %get3A_262 = tpu.vector_load %arg10[%get3A_260, %get3A_261] {strides = array<i32>} : memref<32x768xf32, #tpu.memory_space<vmem>>, vector<1x16xf32>,
      %get3A_263 = vector.shape_cast %get3A_262 : vector<1x16xf32> to vector<16xf32>
      %add3A_264 = arith.addf %add3A_259, %get3A_263 : vector<16xf32>
      %swap3A_265 = arith.index_cast %scan3A_43 : i32 to index
      %swap3A_266 = arith.constant 176 : index
      %swap3A_267 = tpu.vector_load %arg8[%swap3A_265, %swap3A_266] {strides = array<i32>} : memref<32x768xf32, #tpu.memory_space<vmem>>, vector<1x16xf32>,
      %swap3A_268 = vector.shape_cast %swap3A_267 : vector<1x16xf32> to vector<16xf32>
      %swap3A_269 = vector.shape_cast %add3A_264 : vector<16xf32> to vector<1x16xf32>
      tpu.vector_store %arg8[%swap3A_265, %swap3A_266], %swap3A_269 {strides = array<i32>} : memref<32x768xf32, #tpu.memory_space<vmem>>, vector<1x16xf32>,
      %get3A_270 = arith.index_cast %scan3A_43 : i32 to index
      %get3A_271 = arith.constant 192 : index
      %get3A_272 = tpu.vector_load %arg8[%get3A_270, %get3A_271] {strides = array<i32>} : memref<32x768xf32, #tpu.memory_space<vmem>>, vector<1x16xf32>,
      %get3A_273 = vector.shape_cast %get3A_272 : vector<1x16xf32> to vector<16xf32>
      %get3A_274 = arith.index_cast %scan3A_43 : i32 to index
      %get3A_275 = arith.constant 192 : index
      %get3A_276 = tpu.vector_load %arg9[%get3A_274, %get3A_275] {strides = array<i32>} : memref<32x768xf32, #tpu.memory_space<vmem>>, vector<1x16xf32>,
      %get3A_277 = vector.shape_cast %get3A_276 : vector<1x16xf32> to vector<16xf32>
      %add3A_278 = arith.addf %get3A_273, %get3A_277 : vector<16xf32>
      %get3A_279 = arith.index_cast %scan3A_43 : i32 to index
      %get3A_280 = arith.constant 192 : index
      %get3A_281 = tpu.vector_load %arg10[%get3A_279, %get3A_280] {strides = array<i32>} : memref<32x768xf32, #tpu.memory_space<vmem>>, vector<1x16xf32>,
      %get3A_282 = vector.shape_cast %get3A_281 : vector<1x16xf32> to vector<16xf32>
      %add3A_283 = arith.addf %add3A_278, %get3A_282 : vector<16xf32>
      %swap3A_284 = arith.index_cast %scan3A_43 : i32 to index
      %swap3A_285 = arith.constant 192 : index
      %swap3A_286 = tpu.vector_load %arg8[%swap3A_284, %swap3A_285] {strides = array<i32>} : memref<32x768xf32, #tpu.memory_space<vmem>>, vector<1x16xf32>,
      %swap3A_287 = vector.shape_cast %swap3A_286 : vector<1x16xf32> to vector<16xf32>
      %swap3A_288 = vector.shape_cast %add3A_283 : vector<16xf32> to vector<1x16xf32>
      tpu.vector_store %arg8[%swap3A_284, %swap3A_285], %swap3A_288 {strides = array<i32>} : memref<32x768xf32, #tpu.memory_space<vmem>>, vector<1x16xf32>,
      %get3A_289 = arith.index_cast %scan3A_43 : i32 to index
      %get3A_290 = arith.constant 208 : index
      %get3A_291 = tpu.vector_load %arg8[%get3A_289, %get3A_290] {strides = array<i32>} : memref<32x768xf32, #tpu.memory_space<vmem>>, vector<1x16xf32>,
      %get3A_292 = vector.shape_cast %get3A_291 : vector<1x16xf32> to vector<16xf32>
      %get3A_293 = arith.index_cast %scan3A_43 : i32 to index
      %get3A_294 = arith.constant 208 : index
      %get3A_295 = tpu.vector_load %arg9[%get3A_293, %get3A_294] {strides = array<i32>} : memref<32x768xf32, #tpu.memory_space<vmem>>, vector<1x16xf32>,
      %get3A_296 = vector.shape_cast %get3A_295 : vector<1x16xf32> to vector<16xf32>
      %add3A_297 = arith.addf %get3A_292, %get3A_296 : vector<16xf32>
      %get3A_298 = arith.index_cast %scan3A_43 : i32 to index
      %get3A_299 = arith.constant 208 : index
      %get3A_300 = tpu.vector_load %arg10[%get3A_298, %get3A_299] {strides = array<i32>} : memref<32x768xf32, #tpu.memory_space<vmem>>, vector<1x16xf32>,
      %get3A_301 = vector.shape_cast %get3A_300 : vector<1x16xf32> to vector<16xf32>
      %add3A_302 = arith.addf %add3A_297, %get3A_301 : vector<16xf32>
      %swap3A_303 = arith.index_cast %scan3A_43 : i32 to index
      %swap3A_304 = arith.constant 208 : index
      %swap3A_305 = tpu.vector_load %arg8[%swap3A_303, %swap3A_304] {strides = array<i32>} : memref<32x768xf32, #tpu.memory_space<vmem>>, vector<1x16xf32>,
      %swap3A_306 = vector.shape_cast %swap3A_305 : vector<1x16xf32> to vector<16xf32>
      %swap3A_307 = vector.shape_cast %add3A_302 : vector<16xf32> to vector<1x16xf32>
      tpu.vector_store %arg8[%swap3A_303, %swap3A_304], %swap3A_307 {strides = array<i32>} : memref<32x768xf32, #tpu.memory_space<vmem>>, vector<1x16xf32>,
      %get3A_308 = arith.index_cast %scan3A_43 : i32 to index
      %get3A_309 = arith.constant 224 : index
      %get3A_310 = tpu.vector_load %arg8[%get3A_308, %get3A_309] {strides = array<i32>} : memref<32x768xf32, #tpu.memory_space<vmem>>, vector<1x16xf32>,
      %get3A_311 = vector.shape_cast %get3A_310 : vector<1x16xf32> to vector<16xf32>
      %get3A_312 = arith.index_cast %scan3A_43 : i32 to index
      %get3A_313 = arith.constant 224 : index
      %get3A_314 = tpu.vector_load %arg9[%get3A_312, %get3A_313] {strides = array<i32>} : memref<32x768xf32, #tpu.memory_space<vmem>>, vector<1x16xf32>,
      %get3A_315 = vector.shape_cast %get3A_314 : vector<1x16xf32> to vector<16xf32>
      %add3A_316 = arith.addf %get3A_311, %get3A_315 : vector<16xf32>
      %get3A_317 = arith.index_cast %scan3A_43 : i32 to index
      %get3A_318 = arith.constant 224 : index
      %get3A_319 = tpu.vector_load %arg10[%get3A_317, %get3A_318] {strides = array<i32>} : memref<32x768xf32, #tpu.memory_space<vmem>>, vector<1x16xf32>,
      %get3A_320 = vector.shape_cast %get3A_319 : vector<1x16xf32> to vector<16xf32>
      %add3A_321 = arith.addf %add3A_316, %get3A_320 : vector<16xf32>
      %swap3A_322 = arith.index_cast %scan3A_43 : i32 to index
      %swap3A_323 = arith.constant 224 : index
      %swap3A_324 = tpu.vector_load %arg8[%swap3A_322, %swap3A_323] {strides = array<i32>} : memref<32x768xf32, #tpu.memory_space<vmem>>, vector<1x16xf32>,
      %swap3A_325 = vector.shape_cast %swap3A_324 : vector<1x16xf32> to vector<16xf32>
      %swap3A_326 = vector.shape_cast %add3A_321 : vector<16xf32> to vector<1x16xf32>
      tpu.vector_store %arg8[%swap3A_322, %swap3A_323], %swap3A_326 {strides = array<i32>} : memref<32x768xf32, #tpu.memory_space<vmem>>, vector<1x16xf32>,
      %get3A_327 = arith.index_cast %scan3A_43 : i32 to index
      %get3A_328 = arith.constant 240 : index
      %get3A_329 = tpu.vector_load %arg8[%get3A_327, %get3A_328] {strides = array<i32>} : memref<32x768xf32, #tpu.memory_space<vmem>>, vector<1x16xf32>,
      %get3A_330 = vector.shape_cast %get3A_329 : vector<1x16xf32> to vector<16xf32>
      %get3A_331 = arith.index_cast %scan3A_43 : i32 to index
      %get3A_332 = arith.constant 240 : index
      %get3A_333 = tpu.vector_load %arg9[%get3A_331, %get3A_332] {strides = array<i32>} : memref<32x768xf32, #tpu.memory_space<vmem>>, vector<1x16xf32>,
      %get3A_334 = vector.shape_cast %get3A_333 : vector<1x16xf32> to vector<16xf32>
      %add3A_335 = arith.addf %get3A_330, %get3A_334 : vector<16xf32>
      %get3A_336 = arith.index_cast %scan3A_43 : i32 to index
      %get3A_337 = arith.constant 240 : index
      %get3A_338 = tpu.vector_load %arg10[%get3A_336, %get3A_337] {strides = array<i32>} : memref<32x768xf32, #tpu.memory_space<vmem>>, vector<1x16xf32>,
      %get3A_339 = vector.shape_cast %get3A_338 : vector<1x16xf32> to vector<16xf32>
      %add3A_340 = arith.addf %add3A_335, %get3A_339 : vector<16xf32>
      %swap3A_341 = arith.index_cast %scan3A_43 : i32 to index
      %swap3A_342 = arith.constant 240 : index
      %swap3A_343 = tpu.vector_load %arg8[%swap3A_341, %swap3A_342] {strides = array<i32>} : memref<32x768xf32, #tpu.memory_space<vmem>>, vector<1x16xf32>,
      %swap3A_344 = vector.shape_cast %swap3A_343 : vector<1x16xf32> to vector<16xf32>
      %swap3A_345 = vector.shape_cast %add3A_340 : vector<16xf32> to vector<1x16xf32>
      tpu.vector_store %arg8[%swap3A_341, %swap3A_342], %swap3A_345 {strides = array<i32>} : memref<32x768xf32, #tpu.memory_space<vmem>>, vector<1x16xf32>,
      %get3A_346 = arith.index_cast %scan3A_43 : i32 to index
      %get3A_347 = arith.constant 256 : index
      %get3A_348 = tpu.vector_load %arg8[%get3A_346, %get3A_347] {strides = array<i32>} : memref<32x768xf32, #tpu.memory_space<vmem>>, vector<1x16xf32>,
      %get3A_349 = vector.shape_cast %get3A_348 : vector<1x16xf32> to vector<16xf32>
      %get3A_350 = arith.index_cast %scan3A_43 : i32 to index
      %get3A_351 = arith.constant 256 : index
      %get3A_352 = tpu.vector_load %arg9[%get3A_350, %get3A_351] {strides = array<i32>} : memref<32x768xf32, #tpu.memory_space<vmem>>, vector<1x16xf32>,
      %get3A_353 = vector.shape_cast %get3A_352 : vector<1x16xf32> to vector<16xf32>
      %add3A_354 = arith.addf %get3A_349, %get3A_353 : vector<16xf32>
      %get3A_355 = arith.index_cast %scan3A_43 : i32 to index
      %get3A_356 = arith.constant 256 : index
      %get3A_357 = tpu.vector_load %arg10[%get3A_355, %get3A_356] {strides = array<i32>} : memref<32x768xf32, #tpu.memory_space<vmem>>, vector<1x16xf32>,
      %get3A_358 = vector.shape_cast %get3A_357 : vector<1x16xf32> to vector<16xf32>
      %add3A_359 = arith.addf %add3A_354, %get3A_358 : vector<16xf32>
      %swap3A_360 = arith.index_cast %scan3A_43 : i32 to index
      %swap3A_361 = arith.constant 256 : index
      %swap3A_362 = tpu.vector_load %arg8[%swap3A_360, %swap3A_361] {strides = array<i32>} : memref<32x768xf32, #tpu.memory_space<vmem>>, vector<1x16xf32>,
      %swap3A_363 = vector.shape_cast %swap3A_362 : vector<1x16xf32> to vector<16xf32>
      %swap3A_364 = vector.shape_cast %add3A_359 : vector<16xf32> to vector<1x16xf32>
      tpu.vector_store %arg8[%swap3A_360, %swap3A_361], %swap3A_364 {strides = array<i32>} : memref<32x768xf32, #tpu.memory_space<vmem>>, vector<1x16xf32>,
      %get3A_365 = arith.index_cast %scan3A_43 : i32 to index
      %get3A_366 = arith.constant 272 : index
      %get3A_367 = tpu.vector_load %arg8[%get3A_365, %get3A_366] {strides = array<i32>} : memref<32x768xf32, #tpu.memory_space<vmem>>, vector<1x16xf32>,
      %get3A_368 = vector.shape_cast %get3A_367 : vector<1x16xf32> to vector<16xf32>
      %get3A_369 = arith.index_cast %scan3A_43 : i32 to index
      %get3A_370 = arith.constant 272 : index
      %get3A_371 = tpu.vector_load %arg9[%get3A_369, %get3A_370] {strides = array<i32>} : memref<32x768xf32, #tpu.memory_space<vmem>>, vector<1x16xf32>,
      %get3A_372 = vector.shape_cast %get3A_371 : vector<1x16xf32> to vector<16xf32>
      %add3A_373 = arith.addf %get3A_368, %get3A_372 : vector<16xf32>
      %get3A_374 = arith.index_cast %scan3A_43 : i32 to index
      %get3A_375 = arith.constant 272 : index
      %get3A_376 = tpu.vector_load %arg10[%get3A_374, %get3A_375] {strides = array<i32>} : memref<32x768xf32, #tpu.memory_space<vmem>>, vector<1x16xf32>,
      %get3A_377 = vector.shape_cast %get3A_376 : vector<1x16xf32> to vector<16xf32>
      %add3A_378 = arith.addf %add3A_373, %get3A_377 : vector<16xf32>
      %swap3A_379 = arith.index_cast %scan3A_43 : i32 to index
      %swap3A_380 = arith.constant 272 : index
      %swap3A_381 = tpu.vector_load %arg8[%swap3A_379, %swap3A_380] {strides = array<i32>} : memref<32x768xf32, #tpu.memory_space<vmem>>, vector<1x16xf32>,
      %swap3A_382 = vector.shape_cast %swap3A_381 : vector<1x16xf32> to vector<16xf32>
      %swap3A_383 = vector.shape_cast %add3A_378 : vector<16xf32> to vector<1x16xf32>
      tpu.vector_store %arg8[%swap3A_379, %swap3A_380], %swap3A_383 {strides = array<i32>} : memref<32x768xf32, #tpu.memory_space<vmem>>, vector<1x16xf32>,
      %get3A_384 = arith.index_cast %scan3A_43 : i32 to index
      %get3A_385 = arith.constant 288 : index
      %get3A_386 = tpu.vector_load %arg8[%get3A_384, %get3A_385] {strides = array<i32>} : memref<32x768xf32, #tpu.memory_space<vmem>>, vector<1x16xf32>,
      %get3A_387 = vector.shape_cast %get3A_386 : vector<1x16xf32> to vector<16xf32>
      %get3A_388 = arith.index_cast %scan3A_43 : i32 to index
      %get3A_389 = arith.constant 288 : index
      %get3A_390 = tpu.vector_load %arg9[%get3A_388, %get3A_389] {strides = array<i32>} : memref<32x768xf32, #tpu.memory_space<vmem>>, vector<1x16xf32>,
      %get3A_391 = vector.shape_cast %get3A_390 : vector<1x16xf32> to vector<16xf32>
      %add3A_392 = arith.addf %get3A_387, %get3A_391 : vector<16xf32>
      %get3A_393 = arith.index_cast %scan3A_43 : i32 to index
      %get3A_394 = arith.constant 288 : index
      %get3A_395 = tpu.vector_load %arg10[%get3A_393, %get3A_394] {strides = array<i32>} : memref<32x768xf32, #tpu.memory_space<vmem>>, vector<1x16xf32>,
      %get3A_396 = vector.shape_cast %get3A_395 : vector<1x16xf32> to vector<16xf32>
      %add3A_397 = arith.addf %add3A_392, %get3A_396 : vector<16xf32>
      %swap3A_398 = arith.index_cast %scan3A_43 : i32 to index
      %swap3A_399 = arith.constant 288 : index
      %swap3A_400 = tpu.vector_load %arg8[%swap3A_398, %swap3A_399] {strides = array<i32>} : memref<32x768xf32, #tpu.memory_space<vmem>>, vector<1x16xf32>,
      %swap3A_401 = vector.shape_cast %swap3A_400 : vector<1x16xf32> to vector<16xf32>
      %swap3A_402 = vector.shape_cast %add3A_397 : vector<16xf32> to vector<1x16xf32>
      tpu.vector_store %arg8[%swap3A_398, %swap3A_399], %swap3A_402 {strides = array<i32>} : memref<32x768xf32, #tpu.memory_space<vmem>>, vector<1x16xf32>,
      %get3A_403 = arith.index_cast %scan3A_43 : i32 to index
      %get3A_404 = arith.constant 304 : index
      %get3A_405 = tpu.vector_load %arg8[%get3A_403, %get3A_404] {strides = array<i32>} : memref<32x768xf32, #tpu.memory_space<vmem>>, vector<1x16xf32>,
      %get3A_406 = vector.shape_cast %get3A_405 : vector<1x16xf32> to vector<16xf32>
      %get3A_407 = arith.index_cast %scan3A_43 : i32 to index
      %get3A_408 = arith.constant 304 : index
      %get3A_409 = tpu.vector_load %arg9[%get3A_407, %get3A_408] {strides = array<i32>} : memref<32x768xf32, #tpu.memory_space<vmem>>, vector<1x16xf32>,
      %get3A_410 = vector.shape_cast %get3A_409 : vector<1x16xf32> to vector<16xf32>
      %add3A_411 = arith.addf %get3A_406, %get3A_410 : vector<16xf32>
      %get3A_412 = arith.index_cast %scan3A_43 : i32 to index
      %get3A_413 = arith.constant 304 : index
      %get3A_414 = tpu.vector_load %arg10[%get3A_412, %get3A_413] {strides = array<i32>} : memref<32x768xf32, #tpu.memory_space<vmem>>, vector<1x16xf32>,
      %get3A_415 = vector.shape_cast %get3A_414 : vector<1x16xf32> to vector<16xf32>
      %add3A_416 = arith.addf %add3A_411, %get3A_415 : vector<16xf32>
      %swap3A_417 = arith.index_cast %scan3A_43 : i32 to index
      %swap3A_418 = arith.constant 304 : index
      %swap3A_419 = tpu.vector_load %arg8[%swap3A_417, %swap3A_418] {strides = array<i32>} : memref<32x768xf32, #tpu.memory_space<vmem>>, vector<1x16xf32>,
      %swap3A_420 = vector.shape_cast %swap3A_419 : vector<1x16xf32> to vector<16xf32>
      %swap3A_421 = vector.shape_cast %add3A_416 : vector<16xf32> to vector<1x16xf32>
      tpu.vector_store %arg8[%swap3A_417, %swap3A_418], %swap3A_421 {strides = array<i32>} : memref<32x768xf32, #tpu.memory_space<vmem>>, vector<1x16xf32>,
      %get3A_422 = arith.index_cast %scan3A_43 : i32 to index
      %get3A_423 = arith.constant 320 : index
      %get3A_424 = tpu.vector_load %arg8[%get3A_422, %get3A_423] {strides = array<i32>} : memref<32x768xf32, #tpu.memory_space<vmem>>, vector<1x16xf32>,
      %get3A_425 = vector.shape_cast %get3A_424 : vector<1x16xf32> to vector<16xf32>
      %get3A_426 = arith.index_cast %scan3A_43 : i32 to index
      %get3A_427 = arith.constant 320 : index
      %get3A_428 = tpu.vector_load %arg9[%get3A_426, %get3A_427] {strides = array<i32>} : memref<32x768xf32, #tpu.memory_space<vmem>>, vector<1x16xf32>,
      %get3A_429 = vector.shape_cast %get3A_428 : vector<1x16xf32> to vector<16xf32>
      %add3A_430 = arith.addf %get3A_425, %get3A_429 : vector<16xf32>
      %get3A_431 = arith.index_cast %scan3A_43 : i32 to index
      %get3A_432 = arith.constant 320 : index
      %get3A_433 = tpu.vector_load %arg10[%get3A_431, %get3A_432] {strides = array<i32>} : memref<32x768xf32, #tpu.memory_space<vmem>>, vector<1x16xf32>,
      %get3A_434 = vector.shape_cast %get3A_433 : vector<1x16xf32> to vector<16xf32>
      %add3A_435 = arith.addf %add3A_430, %get3A_434 : vector<16xf32>
      %swap3A_436 = arith.index_cast %scan3A_43 : i32 to index
      %swap3A_437 = arith.constant 320 : index
      %swap3A_438 = tpu.vector_load %arg8[%swap3A_436, %swap3A_437] {strides = array<i32>} : memref<32x768xf32, #tpu.memory_space<vmem>>, vector<1x16xf32>,
      %swap3A_439 = vector.shape_cast %swap3A_438 : vector<1x16xf32> to vector<16xf32>
      %swap3A_440 = vector.shape_cast %add3A_435 : vector<16xf32> to vector<1x16xf32>
      tpu.vector_store %arg8[%swap3A_436, %swap3A_437], %swap3A_440 {strides = array<i32>} : memref<32x768xf32, #tpu.memory_space<vmem>>, vector<1x16xf32>,
      %get3A_441 = arith.index_cast %scan3A_43 : i32 to index
      %get3A_442 = arith.constant 336 : index
      %get3A_443 = tpu.vector_load %arg8[%get3A_441, %get3A_442] {strides = array<i32>} : memref<32x768xf32, #tpu.memory_space<vmem>>, vector<1x16xf32>,
      %get3A_444 = vector.shape_cast %get3A_443 : vector<1x16xf32> to vector<16xf32>
      %get3A_445 = arith.index_cast %scan3A_43 : i32 to index
      %get3A_446 = arith.constant 336 : index
      %get3A_447 = tpu.vector_load %arg9[%get3A_445, %get3A_446] {strides = array<i32>} : memref<32x768xf32, #tpu.memory_space<vmem>>, vector<1x16xf32>,
      %get3A_448 = vector.shape_cast %get3A_447 : vector<1x16xf32> to vector<16xf32>
      %add3A_449 = arith.addf %get3A_444, %get3A_448 : vector<16xf32>
      %get3A_450 = arith.index_cast %scan3A_43 : i32 to index
      %get3A_451 = arith.constant 336 : index
      %get3A_452 = tpu.vector_load %arg10[%get3A_450, %get3A_451] {strides = array<i32>} : memref<32x768xf32, #tpu.memory_space<vmem>>, vector<1x16xf32>,
      %get3A_453 = vector.shape_cast %get3A_452 : vector<1x16xf32> to vector<16xf32>
      %add3A_454 = arith.addf %add3A_449, %get3A_453 : vector<16xf32>
      %swap3A_455 = arith.index_cast %scan3A_43 : i32 to index
      %swap3A_456 = arith.constant 336 : index
      %swap3A_457 = tpu.vector_load %arg8[%swap3A_455, %swap3A_456] {strides = array<i32>} : memref<32x768xf32, #tpu.memory_space<vmem>>, vector<1x16xf32>,
      %swap3A_458 = vector.shape_cast %swap3A_457 : vector<1x16xf32> to vector<16xf32>
      %swap3A_459 = vector.shape_cast %add3A_454 : vector<16xf32> to vector<1x16xf32>
      tpu.vector_store %arg8[%swap3A_455, %swap3A_456], %swap3A_459 {strides = array<i32>} : memref<32x768xf32, #tpu.memory_space<vmem>>, vector<1x16xf32>,
      %get3A_460 = arith.index_cast %scan3A_43 : i32 to index
      %get3A_461 = arith.constant 352 : index
      %get3A_462 = tpu.vector_load %arg8[%get3A_460, %get3A_461] {strides = array<i32>} : memref<32x768xf32, #tpu.memory_space<vmem>>, vector<1x16xf32>,
      %get3A_463 = vector.shape_cast %get3A_462 : vector<1x16xf32> to vector<16xf32>
      %get3A_464 = arith.index_cast %scan3A_43 : i32 to index
      %get3A_465 = arith.constant 352 : index
      %get3A_466 = tpu.vector_load %arg9[%get3A_464, %get3A_465] {strides = array<i32>} : memref<32x768xf32, #tpu.memory_space<vmem>>, vector<1x16xf32>,
      %get3A_467 = vector.shape_cast %get3A_466 : vector<1x16xf32> to vector<16xf32>
      %add3A_468 = arith.addf %get3A_463, %get3A_467 : vector<16xf32>
      %get3A_469 = arith.index_cast %scan3A_43 : i32 to index
      %get3A_470 = arith.constant 352 : index
      %get3A_471 = tpu.vector_load %arg10[%get3A_469, %get3A_470] {strides = array<i32>} : memref<32x768xf32, #tpu.memory_space<vmem>>, vector<1x16xf32>,
      %get3A_472 = vector.shape_cast %get3A_471 : vector<1x16xf32> to vector<16xf32>
      %add3A_473 = arith.addf %add3A_468, %get3A_472 : vector<16xf32>
      %swap3A_474 = arith.index_cast %scan3A_43 : i32 to index
      %swap3A_475 = arith.constant 352 : index
      %swap3A_476 = tpu.vector_load %arg8[%swap3A_474, %swap3A_475] {strides = array<i32>} : memref<32x768xf32, #tpu.memory_space<vmem>>, vector<1x16xf32>,
      %swap3A_477 = vector.shape_cast %swap3A_476 : vector<1x16xf32> to vector<16xf32>
      %swap3A_478 = vector.shape_cast %add3A_473 : vector<16xf32> to vector<1x16xf32>
      tpu.vector_store %arg8[%swap3A_474, %swap3A_475], %swap3A_478 {strides = array<i32>} : memref<32x768xf32, #tpu.memory_space<vmem>>, vector<1x16xf32>,
      %get3A_479 = arith.index_cast %scan3A_43 : i32 to index
      %get3A_480 = arith.constant 368 : index
      %get3A_481 = tpu.vector_load %arg8[%get3A_479, %get3A_480] {strides = array<i32>} : memref<32x768xf32, #tpu.memory_space<vmem>>, vector<1x16xf32>,
      %get3A_482 = vector.shape_cast %get3A_481 : vector<1x16xf32> to vector<16xf32>
      %get3A_483 = arith.index_cast %scan3A_43 : i32 to index
      %get3A_484 = arith.constant 368 : index
      %get3A_485 = tpu.vector_load %arg9[%get3A_483, %get3A_484] {strides = array<i32>} : memref<32x768xf32, #tpu.memory_space<vmem>>, vector<1x16xf32>,
      %get3A_486 = vector.shape_cast %get3A_485 : vector<1x16xf32> to vector<16xf32>
      %add3A_487 = arith.addf %get3A_482, %get3A_486 : vector<16xf32>
      %get3A_488 = arith.index_cast %scan3A_43 : i32 to index
      %get3A_489 = arith.constant 368 : index
      %get3A_490 = tpu.vector_load %arg10[%get3A_488, %get3A_489] {strides = array<i32>} : memref<32x768xf32, #tpu.memory_space<vmem>>, vector<1x16xf32>,
      %get3A_491 = vector.shape_cast %get3A_490 : vector<1x16xf32> to vector<16xf32>
      %add3A_492 = arith.addf %add3A_487, %get3A_491 : vector<16xf32>
      %swap3A_493 = arith.index_cast %scan3A_43 : i32 to index
      %swap3A_494 = arith.constant 368 : index
      %swap3A_495 = tpu.vector_load %arg8[%swap3A_493, %swap3A_494] {strides = array<i32>} : memref<32x768xf32, #tpu.memory_space<vmem>>, vector<1x16xf32>,
      %swap3A_496 = vector.shape_cast %swap3A_495 : vector<1x16xf32> to vector<16xf32>
      %swap3A_497 = vector.shape_cast %add3A_492 : vector<16xf32> to vector<1x16xf32>
      tpu.vector_store %arg8[%swap3A_493, %swap3A_494], %swap3A_497 {strides = array<i32>} : memref<32x768xf32, #tpu.memory_space<vmem>>, vector<1x16xf32>,
      %get3A_498 = arith.index_cast %scan3A_43 : i32 to index
      %get3A_499 = arith.constant 384 : index
      %get3A_500 = tpu.vector_load %arg8[%get3A_498, %get3A_499] {strides = array<i32>} : memref<32x768xf32, #tpu.memory_space<vmem>>, vector<1x16xf32>,
      %get3A_501 = vector.shape_cast %get3A_500 : vector<1x16xf32> to vector<16xf32>
      %get3A_502 = arith.index_cast %scan3A_43 : i32 to index
      %get3A_503 = arith.constant 384 : index
      %get3A_504 = tpu.vector_load %arg9[%get3A_502, %get3A_503] {strides = array<i32>} : memref<32x768xf32, #tpu.memory_space<vmem>>, vector<1x16xf32>,
      %get3A_505 = vector.shape_cast %get3A_504 : vector<1x16xf32> to vector<16xf32>
      %add3A_506 = arith.addf %get3A_501, %get3A_505 : vector<16xf32>
      %get3A_507 = arith.index_cast %scan3A_43 : i32 to index
      %get3A_508 = arith.constant 384 : index
      %get3A_509 = tpu.vector_load %arg10[%get3A_507, %get3A_508] {strides = array<i32>} : memref<32x768xf32, #tpu.memory_space<vmem>>, vector<1x16xf32>,
      %get3A_510 = vector.shape_cast %get3A_509 : vector<1x16xf32> to vector<16xf32>
      %add3A_511 = arith.addf %add3A_506, %get3A_510 : vector<16xf32>
      %swap3A_512 = arith.index_cast %scan3A_43 : i32 to index
      %swap3A_513 = arith.constant 384 : index
      %swap3A_514 = tpu.vector_load %arg8[%swap3A_512, %swap3A_513] {strides = array<i32>} : memref<32x768xf32, #tpu.memory_space<vmem>>, vector<1x16xf32>,
      %swap3A_515 = vector.shape_cast %swap3A_514 : vector<1x16xf32> to vector<16xf32>
      %swap3A_516 = vector.shape_cast %add3A_511 : vector<16xf32> to vector<1x16xf32>
      tpu.vector_store %arg8[%swap3A_512, %swap3A_513], %swap3A_516 {strides = array<i32>} : memref<32x768xf32, #tpu.memory_space<vmem>>, vector<1x16xf32>,
      %get3A_517 = arith.index_cast %scan3A_43 : i32 to index
      %get3A_518 = arith.constant 400 : index
      %get3A_519 = tpu.vector_load %arg8[%get3A_517, %get3A_518] {strides = array<i32>} : memref<32x768xf32, #tpu.memory_space<vmem>>, vector<1x16xf32>,
      %get3A_520 = vector.shape_cast %get3A_519 : vector<1x16xf32> to vector<16xf32>
      %get3A_521 = arith.index_cast %scan3A_43 : i32 to index
      %get3A_522 = arith.constant 400 : index
      %get3A_523 = tpu.vector_load %arg9[%get3A_521, %get3A_522] {strides = array<i32>} : memref<32x768xf32, #tpu.memory_space<vmem>>, vector<1x16xf32>,
      %get3A_524 = vector.shape_cast %get3A_523 : vector<1x16xf32> to vector<16xf32>
      %add3A_525 = arith.addf %get3A_520, %get3A_524 : vector<16xf32>
      %get3A_526 = arith.index_cast %scan3A_43 : i32 to index
      %get3A_527 = arith.constant 400 : index
      %get3A_528 = tpu.vector_load %arg10[%get3A_526, %get3A_527] {strides = array<i32>} : memref<32x768xf32, #tpu.memory_space<vmem>>, vector<1x16xf32>,
      %get3A_529 = vector.shape_cast %get3A_528 : vector<1x16xf32> to vector<16xf32>
      %add3A_530 = arith.addf %add3A_525, %get3A_529 : vector<16xf32>
      %swap3A_531 = arith.index_cast %scan3A_43 : i32 to index
      %swap3A_532 = arith.constant 400 : index
      %swap3A_533 = tpu.vector_load %arg8[%swap3A_531, %swap3A_532] {strides = array<i32>} : memref<32x768xf32, #tpu.memory_space<vmem>>, vector<1x16xf32>,
      %swap3A_534 = vector.shape_cast %swap3A_533 : vector<1x16xf32> to vector<16xf32>
      %swap3A_535 = vector.shape_cast %add3A_530 : vector<16xf32> to vector<1x16xf32>
      tpu.vector_store %arg8[%swap3A_531, %swap3A_532], %swap3A_535 {strides = array<i32>} : memref<32x768xf32, #tpu.memory_space<vmem>>, vector<1x16xf32>,
      %get3A_536 = arith.index_cast %scan3A_43 : i32 to index
      %get3A_537 = arith.constant 416 : index
      %get3A_538 = tpu.vector_load %arg8[%get3A_536, %get3A_537] {strides = array<i32>} : memref<32x768xf32, #tpu.memory_space<vmem>>, vector<1x16xf32>,
      %get3A_539 = vector.shape_cast %get3A_538 : vector<1x16xf32> to vector<16xf32>
      %get3A_540 = arith.index_cast %scan3A_43 : i32 to index
      %get3A_541 = arith.constant 416 : index
      %get3A_542 = tpu.vector_load %arg9[%get3A_540, %get3A_541] {strides = array<i32>} : memref<32x768xf32, #tpu.memory_space<vmem>>, vector<1x16xf32>,
      %get3A_543 = vector.shape_cast %get3A_542 : vector<1x16xf32> to vector<16xf32>
      %add3A_544 = arith.addf %get3A_539, %get3A_543 : vector<16xf32>
      %get3A_545 = arith.index_cast %scan3A_43 : i32 to index
      %get3A_546 = arith.constant 416 : index
      %get3A_547 = tpu.vector_load %arg10[%get3A_545, %get3A_546] {strides = array<i32>} : memref<32x768xf32, #tpu.memory_space<vmem>>, vector<1x16xf32>,
      %get3A_548 = vector.shape_cast %get3A_547 : vector<1x16xf32> to vector<16xf32>
      %add3A_549 = arith.addf %add3A_544, %get3A_548 : vector<16xf32>
      %swap3A_550 = arith.index_cast %scan3A_43 : i32 to index
      %swap3A_551 = arith.constant 416 : index
      %swap3A_552 = tpu.vector_load %arg8[%swap3A_550, %swap3A_551] {strides = array<i32>} : memref<32x768xf32, #tpu.memory_space<vmem>>, vector<1x16xf32>,
      %swap3A_553 = vector.shape_cast %swap3A_552 : vector<1x16xf32> to vector<16xf32>
      %swap3A_554 = vector.shape_cast %add3A_549 : vector<16xf32> to vector<1x16xf32>
      tpu.vector_store %arg8[%swap3A_550, %swap3A_551], %swap3A_554 {strides = array<i32>} : memref<32x768xf32, #tpu.memory_space<vmem>>, vector<1x16xf32>,
      %get3A_555 = arith.index_cast %scan3A_43 : i32 to index
      %get3A_556 = arith.constant 432 : index
      %get3A_557 = tpu.vector_load %arg8[%get3A_555, %get3A_556] {strides = array<i32>} : memref<32x768xf32, #tpu.memory_space<vmem>>, vector<1x16xf32>,
      %get3A_558 = vector.shape_cast %get3A_557 : vector<1x16xf32> to vector<16xf32>
      %get3A_559 = arith.index_cast %scan3A_43 : i32 to index
      %get3A_560 = arith.constant 432 : index
      %get3A_561 = tpu.vector_load %arg9[%get3A_559, %get3A_560] {strides = array<i32>} : memref<32x768xf32, #tpu.memory_space<vmem>>, vector<1x16xf32>,
      %get3A_562 = vector.shape_cast %get3A_561 : vector<1x16xf32> to vector<16xf32>
      %add3A_563 = arith.addf %get3A_558, %get3A_562 : vector<16xf32>
      %get3A_564 = arith.index_cast %scan3A_43 : i32 to index
      %get3A_565 = arith.constant 432 : index
      %get3A_566 = tpu.vector_load %arg10[%get3A_564, %get3A_565] {strides = array<i32>} : memref<32x768xf32, #tpu.memory_space<vmem>>, vector<1x16xf32>,
      %get3A_567 = vector.shape_cast %get3A_566 : vector<1x16xf32> to vector<16xf32>
      %add3A_568 = arith.addf %add3A_563, %get3A_567 : vector<16xf32>
      %swap3A_569 = arith.index_cast %scan3A_43 : i32 to index
      %swap3A_570 = arith.constant 432 : index
      %swap3A_571 = tpu.vector_load %arg8[%swap3A_569, %swap3A_570] {strides = array<i32>} : memref<32x768xf32, #tpu.memory_space<vmem>>, vector<1x16xf32>,
      %swap3A_572 = vector.shape_cast %swap3A_571 : vector<1x16xf32> to vector<16xf32>
      %swap3A_573 = vector.shape_cast %add3A_568 : vector<16xf32> to vector<1x16xf32>
      tpu.vector_store %arg8[%swap3A_569, %swap3A_570], %swap3A_573 {strides = array<i32>} : memref<32x768xf32, #tpu.memory_space<vmem>>, vector<1x16xf32>,
      %get3A_574 = arith.index_cast %scan3A_43 : i32 to index
      %get3A_575 = arith.constant 448 : index
      %get3A_576 = tpu.vector_load %arg8[%get3A_574, %get3A_575] {strides = array<i32>} : memref<32x768xf32, #tpu.memory_space<vmem>>, vector<1x16xf32>,
      %get3A_577 = vector.shape_cast %get3A_576 : vector<1x16xf32> to vector<16xf32>
      %get3A_578 = arith.index_cast %scan3A_43 : i32 to index
      %get3A_579 = arith.constant 448 : index
      %get3A_580 = tpu.vector_load %arg9[%get3A_578, %get3A_579] {strides = array<i32>} : memref<32x768xf32, #tpu.memory_space<vmem>>, vector<1x16xf32>,
      %get3A_581 = vector.shape_cast %get3A_580 : vector<1x16xf32> to vector<16xf32>
      %add3A_582 = arith.addf %get3A_577, %get3A_581 : vector<16xf32>
      %get3A_583 = arith.index_cast %scan3A_43 : i32 to index
      %get3A_584 = arith.constant 448 : index
      %get3A_585 = tpu.vector_load %arg10[%get3A_583, %get3A_584] {strides = array<i32>} : memref<32x768xf32, #tpu.memory_space<vmem>>, vector<1x16xf32>,
      %get3A_586 = vector.shape_cast %get3A_585 : vector<1x16xf32> to vector<16xf32>
      %add3A_587 = arith.addf %add3A_582, %get3A_586 : vector<16xf32>
      %swap3A_588 = arith.index_cast %scan3A_43 : i32 to index
      %swap3A_589 = arith.constant 448 : index
      %swap3A_590 = tpu.vector_load %arg8[%swap3A_588, %swap3A_589] {strides = array<i32>} : memref<32x768xf32, #tpu.memory_space<vmem>>, vector<1x16xf32>,
      %swap3A_591 = vector.shape_cast %swap3A_590 : vector<1x16xf32> to vector<16xf32>
      %swap3A_592 = vector.shape_cast %add3A_587 : vector<16xf32> to vector<1x16xf32>
      tpu.vector_store %arg8[%swap3A_588, %swap3A_589], %swap3A_592 {strides = array<i32>} : memref<32x768xf32, #tpu.memory_space<vmem>>, vector<1x16xf32>,
      %get3A_593 = arith.index_cast %scan3A_43 : i32 to index
      %get3A_594 = arith.constant 464 : index
      %get3A_595 = tpu.vector_load %arg8[%get3A_593, %get3A_594] {strides = array<i32>} : memref<32x768xf32, #tpu.memory_space<vmem>>, vector<1x16xf32>,
      %get3A_596 = vector.shape_cast %get3A_595 : vector<1x16xf32> to vector<16xf32>
      %get3A_597 = arith.index_cast %scan3A_43 : i32 to index
      %get3A_598 = arith.constant 464 : index
      %get3A_599 = tpu.vector_load %arg9[%get3A_597, %get3A_598] {strides = array<i32>} : memref<32x768xf32, #tpu.memory_space<vmem>>, vector<1x16xf32>,
      %get3A_600 = vector.shape_cast %get3A_599 : vector<1x16xf32> to vector<16xf32>
      %add3A_601 = arith.addf %get3A_596, %get3A_600 : vector<16xf32>
      %get3A_602 = arith.index_cast %scan3A_43 : i32 to index
      %get3A_603 = arith.constant 464 : index
      %get3A_604 = tpu.vector_load %arg10[%get3A_602, %get3A_603] {strides = array<i32>} : memref<32x768xf32, #tpu.memory_space<vmem>>, vector<1x16xf32>,
      %get3A_605 = vector.shape_cast %get3A_604 : vector<1x16xf32> to vector<16xf32>
      %add3A_606 = arith.addf %add3A_601, %get3A_605 : vector<16xf32>
      %swap3A_607 = arith.index_cast %scan3A_43 : i32 to index
      %swap3A_608 = arith.constant 464 : index
      %swap3A_609 = tpu.vector_load %arg8[%swap3A_607, %swap3A_608] {strides = array<i32>} : memref<32x768xf32, #tpu.memory_space<vmem>>, vector<1x16xf32>,
      %swap3A_610 = vector.shape_cast %swap3A_609 : vector<1x16xf32> to vector<16xf32>
      %swap3A_611 = vector.shape_cast %add3A_606 : vector<16xf32> to vector<1x16xf32>
      tpu.vector_store %arg8[%swap3A_607, %swap3A_608], %swap3A_611 {strides = array<i32>} : memref<32x768xf32, #tpu.memory_space<vmem>>, vector<1x16xf32>,
      %get3A_612 = arith.index_cast %scan3A_43 : i32 to index
      %get3A_613 = arith.constant 480 : index
      %get3A_614 = tpu.vector_load %arg8[%get3A_612, %get3A_613] {strides = array<i32>} : memref<32x768xf32, #tpu.memory_space<vmem>>, vector<1x16xf32>,
      %get3A_615 = vector.shape_cast %get3A_614 : vector<1x16xf32> to vector<16xf32>
      %get3A_616 = arith.index_cast %scan3A_43 : i32 to index
      %get3A_617 = arith.constant 480 : index
      %get3A_618 = tpu.vector_load %arg9[%get3A_616, %get3A_617] {strides = array<i32>} : memref<32x768xf32, #tpu.memory_space<vmem>>, vector<1x16xf32>,
      %get3A_619 = vector.shape_cast %get3A_618 : vector<1x16xf32> to vector<16xf32>
      %add3A_620 = arith.addf %get3A_615, %get3A_619 : vector<16xf32>
      %get3A_621 = arith.index_cast %scan3A_43 : i32 to index
      %get3A_622 = arith.constant 480 : index
      %get3A_623 = tpu.vector_load %arg10[%get3A_621, %get3A_622] {strides = array<i32>} : memref<32x768xf32, #tpu.memory_space<vmem>>, vector<1x16xf32>,
      %get3A_624 = vector.shape_cast %get3A_623 : vector<1x16xf32> to vector<16xf32>
      %add3A_625 = arith.addf %add3A_620, %get3A_624 : vector<16xf32>
      %swap3A_626 = arith.index_cast %scan3A_43 : i32 to index
      %swap3A_627 = arith.constant 480 : index
      %swap3A_628 = tpu.vector_load %arg8[%swap3A_626, %swap3A_627] {strides = array<i32>} : memref<32x768xf32, #tpu.memory_space<vmem>>, vector<1x16xf32>,
      %swap3A_629 = vector.shape_cast %swap3A_628 : vector<1x16xf32> to vector<16xf32>
      %swap3A_630 = vector.shape_cast %add3A_625 : vector<16xf32> to vector<1x16xf32>
      tpu.vector_store %arg8[%swap3A_626, %swap3A_627], %swap3A_630 {strides = array<i32>} : memref<32x768xf32, #tpu.memory_space<vmem>>, vector<1x16xf32>,
      %get3A_631 = arith.index_cast %scan3A_43 : i32 to index
      %get3A_632 = arith.constant 496 : index
      %get3A_633 = tpu.vector_load %arg8[%get3A_631, %get3A_632] {strides = array<i32>} : memref<32x768xf32, #tpu.memory_space<vmem>>, vector<1x16xf32>,
      %get3A_634 = vector.shape_cast %get3A_633 : vector<1x16xf32> to vector<16xf32>
      %get3A_635 = arith.index_cast %scan3A_43 : i32 to index
      %get3A_636 = arith.constant 496 : index
      %get3A_637 = tpu.vector_load %arg9[%get3A_635, %get3A_636] {strides = array<i32>} : memref<32x768xf32, #tpu.memory_space<vmem>>, vector<1x16xf32>,
      %get3A_638 = vector.shape_cast %get3A_637 : vector<1x16xf32> to vector<16xf32>
      %add3A_639 = arith.addf %get3A_634, %get3A_638 : vector<16xf32>
      %get3A_640 = arith.index_cast %scan3A_43 : i32 to index
      %get3A_641 = arith.constant 496 : index
      %get3A_642 = tpu.vector_load %arg10[%get3A_640, %get3A_641] {strides = array<i32>} : memref<32x768xf32, #tpu.memory_space<vmem>>, vector<1x16xf32>,
      %get3A_643 = vector.shape_cast %get3A_642 : vector<1x16xf32> to vector<16xf32>
      %add3A_644 = arith.addf %add3A_639, %get3A_643 : vector<16xf32>
      %swap3A_645 = arith.index_cast %scan3A_43 : i32 to index
      %swap3A_646 = arith.constant 496 : index
      %swap3A_647 = tpu.vector_load %arg8[%swap3A_645, %swap3A_646] {strides = array<i32>} : memref<32x768xf32, #tpu.memory_space<vmem>>, vector<1x16xf32>,
      %swap3A_648 = vector.shape_cast %swap3A_647 : vector<1x16xf32> to vector<16xf32>
      %swap3A_649 = vector.shape_cast %add3A_644 : vector<16xf32> to vector<1x16xf32>
      tpu.vector_store %arg8[%swap3A_645, %swap3A_646], %swap3A_649 {strides = array<i32>} : memref<32x768xf32, #tpu.memory_space<vmem>>, vector<1x16xf32>,
      %get3A_650 = arith.index_cast %scan3A_43 : i32 to index
      %get3A_651 = arith.constant 512 : index
      %get3A_652 = tpu.vector_load %arg8[%get3A_650, %get3A_651] {strides = array<i32>} : memref<32x768xf32, #tpu.memory_space<vmem>>, vector<1x16xf32>,
      %get3A_653 = vector.shape_cast %get3A_652 : vector<1x16xf32> to vector<16xf32>
      %get3A_654 = arith.index_cast %scan3A_43 : i32 to index
      %get3A_655 = arith.constant 512 : index
      %get3A_656 = tpu.vector_load %arg9[%get3A_654, %get3A_655] {strides = array<i32>} : memref<32x768xf32, #tpu.memory_space<vmem>>, vector<1x16xf32>,
      %get3A_657 = vector.shape_cast %get3A_656 : vector<1x16xf32> to vector<16xf32>
      %add3A_658 = arith.addf %get3A_653, %get3A_657 : vector<16xf32>
      %get3A_659 = arith.index_cast %scan3A_43 : i32 to index
      %get3A_660 = arith.constant 512 : index
      %get3A_661 = tpu.vector_load %arg10[%get3A_659, %get3A_660] {strides = array<i32>} : memref<32x768xf32, #tpu.memory_space<vmem>>, vector<1x16xf32>,
      %get3A_662 = vector.shape_cast %get3A_661 : vector<1x16xf32> to vector<16xf32>
      %add3A_663 = arith.addf %add3A_658, %get3A_662 : vector<16xf32>
      %swap3A_664 = arith.index_cast %scan3A_43 : i32 to index
      %swap3A_665 = arith.constant 512 : index
      %swap3A_666 = tpu.vector_load %arg8[%swap3A_664, %swap3A_665] {strides = array<i32>} : memref<32x768xf32, #tpu.memory_space<vmem>>, vector<1x16xf32>,
      %swap3A_667 = vector.shape_cast %swap3A_666 : vector<1x16xf32> to vector<16xf32>
      %swap3A_668 = vector.shape_cast %add3A_663 : vector<16xf32> to vector<1x16xf32>
      tpu.vector_store %arg8[%swap3A_664, %swap3A_665], %swap3A_668 {strides = array<i32>} : memref<32x768xf32, #tpu.memory_space<vmem>>, vector<1x16xf32>,
      %get3A_669 = arith.index_cast %scan3A_43 : i32 to index
      %get3A_670 = arith.constant 528 : index
      %get3A_671 = tpu.vector_load %arg8[%get3A_669, %get3A_670] {strides = array<i32>} : memref<32x768xf32, #tpu.memory_space<vmem>>, vector<1x16xf32>,
      %get3A_672 = vector.shape_cast %get3A_671 : vector<1x16xf32> to vector<16xf32>
      %get3A_673 = arith.index_cast %scan3A_43 : i32 to index
      %get3A_674 = arith.constant 528 : index
      %get3A_675 = tpu.vector_load %arg9[%get3A_673, %get3A_674] {strides = array<i32>} : memref<32x768xf32, #tpu.memory_space<vmem>>, vector<1x16xf32>,
      %get3A_676 = vector.shape_cast %get3A_675 : vector<1x16xf32> to vector<16xf32>
      %add3A_677 = arith.addf %get3A_672, %get3A_676 : vector<16xf32>
      %get3A_678 = arith.index_cast %scan3A_43 : i32 to index
      %get3A_679 = arith.constant 528 : index
      %get3A_680 = tpu.vector_load %arg10[%get3A_678, %get3A_679] {strides = array<i32>} : memref<32x768xf32, #tpu.memory_space<vmem>>, vector<1x16xf32>,
      %get3A_681 = vector.shape_cast %get3A_680 : vector<1x16xf32> to vector<16xf32>
      %add3A_682 = arith.addf %add3A_677, %get3A_681 : vector<16xf32>
      %swap3A_683 = arith.index_cast %scan3A_43 : i32 to index
      %swap3A_684 = arith.constant 528 : index
      %swap3A_685 = tpu.vector_load %arg8[%swap3A_683, %swap3A_684] {strides = array<i32>} : memref<32x768xf32, #tpu.memory_space<vmem>>, vector<1x16xf32>,
      %swap3A_686 = vector.shape_cast %swap3A_685 : vector<1x16xf32> to vector<16xf32>
      %swap3A_687 = vector.shape_cast %add3A_682 : vector<16xf32> to vector<1x16xf32>
      tpu.vector_store %arg8[%swap3A_683, %swap3A_684], %swap3A_687 {strides = array<i32>} : memref<32x768xf32, #tpu.memory_space<vmem>>, vector<1x16xf32>,
      %get3A_688 = arith.index_cast %scan3A_43 : i32 to index
      %get3A_689 = arith.constant 544 : index
      %get3A_690 = tpu.vector_load %arg8[%get3A_688, %get3A_689] {strides = array<i32>} : memref<32x768xf32, #tpu.memory_space<vmem>>, vector<1x16xf32>,
      %get3A_691 = vector.shape_cast %get3A_690 : vector<1x16xf32> to vector<16xf32>
      %get3A_692 = arith.index_cast %scan3A_43 : i32 to index
      %get3A_693 = arith.constant 544 : index
      %get3A_694 = tpu.vector_load %arg9[%get3A_692, %get3A_693] {strides = array<i32>} : memref<32x768xf32, #tpu.memory_space<vmem>>, vector<1x16xf32>,
      %get3A_695 = vector.shape_cast %get3A_694 : vector<1x16xf32> to vector<16xf32>
      %add3A_696 = arith.addf %get3A_691, %get3A_695 : vector<16xf32>
      %get3A_697 = arith.index_cast %scan3A_43 : i32 to index
      %get3A_698 = arith.constant 544 : index
      %get3A_699 = tpu.vector_load %arg10[%get3A_697, %get3A_698] {strides = array<i32>} : memref<32x768xf32, #tpu.memory_space<vmem>>, vector<1x16xf32>,
      %get3A_700 = vector.shape_cast %get3A_699 : vector<1x16xf32> to vector<16xf32>
      %add3A_701 = arith.addf %add3A_696, %get3A_700 : vector<16xf32>
      %swap3A_702 = arith.index_cast %scan3A_43 : i32 to index
      %swap3A_703 = arith.constant 544 : index
      %swap3A_704 = tpu.vector_load %arg8[%swap3A_702, %swap3A_703] {strides = array<i32>} : memref<32x768xf32, #tpu.memory_space<vmem>>, vector<1x16xf32>,
      %swap3A_705 = vector.shape_cast %swap3A_704 : vector<1x16xf32> to vector<16xf32>
      %swap3A_706 = vector.shape_cast %add3A_701 : vector<16xf32> to vector<1x16xf32>
      tpu.vector_store %arg8[%swap3A_702, %swap3A_703], %swap3A_706 {strides = array<i32>} : memref<32x768xf32, #tpu.memory_space<vmem>>, vector<1x16xf32>,
      %get3A_707 = arith.index_cast %scan3A_43 : i32 to index
      %get3A_708 = arith.constant 560 : index
      %get3A_709 = tpu.vector_load %arg8[%get3A_707, %get3A_708] {strides = array<i32>} : memref<32x768xf32, #tpu.memory_space<vmem>>, vector<1x16xf32>,
      %get3A_710 = vector.shape_cast %get3A_709 : vector<1x16xf32> to vector<16xf32>
      %get3A_711 = arith.index_cast %scan3A_43 : i32 to index
      %get3A_712 = arith.constant 560 : index
      %get3A_713 = tpu.vector_load %arg9[%get3A_711, %get3A_712] {strides = array<i32>} : memref<32x768xf32, #tpu.memory_space<vmem>>, vector<1x16xf32>,
      %get3A_714 = vector.shape_cast %get3A_713 : vector<1x16xf32> to vector<16xf32>
      %add3A_715 = arith.addf %get3A_710, %get3A_714 : vector<16xf32>
      %get3A_716 = arith.index_cast %scan3A_43 : i32 to index
      %get3A_717 = arith.constant 560 : index
      %get3A_718 = tpu.vector_load %arg10[%get3A_716, %get3A_717] {strides = array<i32>} : memref<32x768xf32, #tpu.memory_space<vmem>>, vector<1x16xf32>,
      %get3A_719 = vector.shape_cast %get3A_718 : vector<1x16xf32> to vector<16xf32>
      %add3A_720 = arith.addf %add3A_715, %get3A_719 : vector<16xf32>
      %swap3A_721 = arith.index_cast %scan3A_43 : i32 to index
      %swap3A_722 = arith.constant 560 : index
      %swap3A_723 = tpu.vector_load %arg8[%swap3A_721, %swap3A_722] {strides = array<i32>} : memref<32x768xf32, #tpu.memory_space<vmem>>, vector<1x16xf32>,
      %swap3A_724 = vector.shape_cast %swap3A_723 : vector<1x16xf32> to vector<16xf32>
      %swap3A_725 = vector.shape_cast %add3A_720 : vector<16xf32> to vector<1x16xf32>
      tpu.vector_store %arg8[%swap3A_721, %swap3A_722], %swap3A_725 {strides = array<i32>} : memref<32x768xf32, #tpu.memory_space<vmem>>, vector<1x16xf32>,
      %get3A_726 = arith.index_cast %scan3A_43 : i32 to index
      %get3A_727 = arith.constant 576 : index
      %get3A_728 = tpu.vector_load %arg8[%get3A_726, %get3A_727] {strides = array<i32>} : memref<32x768xf32, #tpu.memory_space<vmem>>, vector<1x16xf32>,
      %get3A_729 = vector.shape_cast %get3A_728 : vector<1x16xf32> to vector<16xf32>
      %get3A_730 = arith.index_cast %scan3A_43 : i32 to index
      %get3A_731 = arith.constant 576 : index
      %get3A_732 = tpu.vector_load %arg9[%get3A_730, %get3A_731] {strides = array<i32>} : memref<32x768xf32, #tpu.memory_space<vmem>>, vector<1x16xf32>,
      %get3A_733 = vector.shape_cast %get3A_732 : vector<1x16xf32> to vector<16xf32>
      %add3A_734 = arith.addf %get3A_729, %get3A_733 : vector<16xf32>
      %get3A_735 = arith.index_cast %scan3A_43 : i32 to index
      %get3A_736 = arith.constant 576 : index
      %get3A_737 = tpu.vector_load %arg10[%get3A_735, %get3A_736] {strides = array<i32>} : memref<32x768xf32, #tpu.memory_space<vmem>>, vector<1x16xf32>,
      %get3A_738 = vector.shape_cast %get3A_737 : vector<1x16xf32> to vector<16xf32>
      %add3A_739 = arith.addf %add3A_734, %get3A_738 : vector<16xf32>
      %swap3A_740 = arith.index_cast %scan3A_43 : i32 to index
      %swap3A_741 = arith.constant 576 : index
      %swap3A_742 = tpu.vector_load %arg8[%swap3A_740, %swap3A_741] {strides = array<i32>} : memref<32x768xf32, #tpu.memory_space<vmem>>, vector<1x16xf32>,
      %swap3A_743 = vector.shape_cast %swap3A_742 : vector<1x16xf32> to vector<16xf32>
      %swap3A_744 = vector.shape_cast %add3A_739 : vector<16xf32> to vector<1x16xf32>
      tpu.vector_store %arg8[%swap3A_740, %swap3A_741], %swap3A_744 {strides = array<i32>} : memref<32x768xf32, #tpu.memory_space<vmem>>, vector<1x16xf32>,
      %get3A_745 = arith.index_cast %scan3A_43 : i32 to index
      %get3A_746 = arith.constant 592 : index
      %get3A_747 = tpu.vector_load %arg8[%get3A_745, %get3A_746] {strides = array<i32>} : memref<32x768xf32, #tpu.memory_space<vmem>>, vector<1x16xf32>,
      %get3A_748 = vector.shape_cast %get3A_747 : vector<1x16xf32> to vector<16xf32>
      %get3A_749 = arith.index_cast %scan3A_43 : i32 to index
      %get3A_750 = arith.constant 592 : index
      %get3A_751 = tpu.vector_load %arg9[%get3A_749, %get3A_750] {strides = array<i32>} : memref<32x768xf32, #tpu.memory_space<vmem>>, vector<1x16xf32>,
      %get3A_752 = vector.shape_cast %get3A_751 : vector<1x16xf32> to vector<16xf32>
      %add3A_753 = arith.addf %get3A_748, %get3A_752 : vector<16xf32>
      %get3A_754 = arith.index_cast %scan3A_43 : i32 to index
      %get3A_755 = arith.constant 592 : index
      %get3A_756 = tpu.vector_load %arg10[%get3A_754, %get3A_755] {strides = array<i32>} : memref<32x768xf32, #tpu.memory_space<vmem>>, vector<1x16xf32>,
      %get3A_757 = vector.shape_cast %get3A_756 : vector<1x16xf32> to vector<16xf32>
      %add3A_758 = arith.addf %add3A_753, %get3A_757 : vector<16xf32>
      %swap3A_759 = arith.index_cast %scan3A_43 : i32 to index
      %swap3A_760 = arith.constant 592 : index
      %swap3A_761 = tpu.vector_load %arg8[%swap3A_759, %swap3A_760] {strides = array<i32>} : memref<32x768xf32, #tpu.memory_space<vmem>>, vector<1x16xf32>,
      %swap3A_762 = vector.shape_cast %swap3A_761 : vector<1x16xf32> to vector<16xf32>
      %swap3A_763 = vector.shape_cast %add3A_758 : vector<16xf32> to vector<1x16xf32>
      tpu.vector_store %arg8[%swap3A_759, %swap3A_760], %swap3A_763 {strides = array<i32>} : memref<32x768xf32, #tpu.memory_space<vmem>>, vector<1x16xf32>,
      %get3A_764 = arith.index_cast %scan3A_43 : i32 to index
      %get3A_765 = arith.constant 608 : index
      %get3A_766 = tpu.vector_load %arg8[%get3A_764, %get3A_765] {strides = array<i32>} : memref<32x768xf32, #tpu.memory_space<vmem>>, vector<1x16xf32>,
      %get3A_767 = vector.shape_cast %get3A_766 : vector<1x16xf32> to vector<16xf32>
      %get3A_768 = arith.index_cast %scan3A_43 : i32 to index
      %get3A_769 = arith.constant 608 : index
      %get3A_770 = tpu.vector_load %arg9[%get3A_768, %get3A_769] {strides = array<i32>} : memref<32x768xf32, #tpu.memory_space<vmem>>, vector<1x16xf32>,
      %get3A_771 = vector.shape_cast %get3A_770 : vector<1x16xf32> to vector<16xf32>
      %add3A_772 = arith.addf %get3A_767, %get3A_771 : vector<16xf32>
      %get3A_773 = arith.index_cast %scan3A_43 : i32 to index
      %get3A_774 = arith.constant 608 : index
      %get3A_775 = tpu.vector_load %arg10[%get3A_773, %get3A_774] {strides = array<i32>} : memref<32x768xf32, #tpu.memory_space<vmem>>, vector<1x16xf32>,
      %get3A_776 = vector.shape_cast %get3A_775 : vector<1x16xf32> to vector<16xf32>
      %add3A_777 = arith.addf %add3A_772, %get3A_776 : vector<16xf32>
      %swap3A_778 = arith.index_cast %scan3A_43 : i32 to index
      %swap3A_779 = arith.constant 608 : index
      %swap3A_780 = tpu.vector_load %arg8[%swap3A_778, %swap3A_779] {strides = array<i32>} : memref<32x768xf32, #tpu.memory_space<vmem>>, vector<1x16xf32>,
      %swap3A_781 = vector.shape_cast %swap3A_780 : vector<1x16xf32> to vector<16xf32>
      %swap3A_782 = vector.shape_cast %add3A_777 : vector<16xf32> to vector<1x16xf32>
      tpu.vector_store %arg8[%swap3A_778, %swap3A_779], %swap3A_782 {strides = array<i32>} : memref<32x768xf32, #tpu.memory_space<vmem>>, vector<1x16xf32>,
      %get3A_783 = arith.index_cast %scan3A_43 : i32 to index
      %get3A_784 = arith.constant 624 : index
      %get3A_785 = tpu.vector_load %arg8[%get3A_783, %get3A_784] {strides = array<i32>} : memref<32x768xf32, #tpu.memory_space<vmem>>, vector<1x16xf32>,
      %get3A_786 = vector.shape_cast %get3A_785 : vector<1x16xf32> to vector<16xf32>
      %get3A_787 = arith.index_cast %scan3A_43 : i32 to index
      %get3A_788 = arith.constant 624 : index
      %get3A_789 = tpu.vector_load %arg9[%get3A_787, %get3A_788] {strides = array<i32>} : memref<32x768xf32, #tpu.memory_space<vmem>>, vector<1x16xf32>,
      %get3A_790 = vector.shape_cast %get3A_789 : vector<1x16xf32> to vector<16xf32>
      %add3A_791 = arith.addf %get3A_786, %get3A_790 : vector<16xf32>
      %get3A_792 = arith.index_cast %scan3A_43 : i32 to index
      %get3A_793 = arith.constant 624 : index
      %get3A_794 = tpu.vector_load %arg10[%get3A_792, %get3A_793] {strides = array<i32>} : memref<32x768xf32, #tpu.memory_space<vmem>>, vector<1x16xf32>,
      %get3A_795 = vector.shape_cast %get3A_794 : vector<1x16xf32> to vector<16xf32>
      %add3A_796 = arith.addf %add3A_791, %get3A_795 : vector<16xf32>
      %swap3A_797 = arith.index_cast %scan3A_43 : i32 to index
      %swap3A_798 = arith.constant 624 : index
      %swap3A_799 = tpu.vector_load %arg8[%swap3A_797, %swap3A_798] {strides = array<i32>} : memref<32x768xf32, #tpu.memory_space<vmem>>, vector<1x16xf32>,
      %swap3A_800 = vector.shape_cast %swap3A_799 : vector<1x16xf32> to vector<16xf32>
      %swap3A_801 = vector.shape_cast %add3A_796 : vector<16xf32> to vector<1x16xf32>
      tpu.vector_store %arg8[%swap3A_797, %swap3A_798], %swap3A_801 {strides = array<i32>} : memref<32x768xf32, #tpu.memory_space<vmem>>, vector<1x16xf32>,
      %get3A_802 = arith.index_cast %scan3A_43 : i32 to index
      %get3A_803 = arith.constant 640 : index
      %get3A_804 = tpu.vector_load %arg8[%get3A_802, %get3A_803] {strides = array<i32>} : memref<32x768xf32, #tpu.memory_space<vmem>>, vector<1x16xf32>,
      %get3A_805 = vector.shape_cast %get3A_804 : vector<1x16xf32> to vector<16xf32>
      %get3A_806 = arith.index_cast %scan3A_43 : i32 to index
      %get3A_807 = arith.constant 640 : index
      %get3A_808 = tpu.vector_load %arg9[%get3A_806, %get3A_807] {strides = array<i32>} : memref<32x768xf32, #tpu.memory_space<vmem>>, vector<1x16xf32>,
      %get3A_809 = vector.shape_cast %get3A_808 : vector<1x16xf32> to vector<16xf32>
      %add3A_810 = arith.addf %get3A_805, %get3A_809 : vector<16xf32>
      %get3A_811 = arith.index_cast %scan3A_43 : i32 to index
      %get3A_812 = arith.constant 640 : index
      %get3A_813 = tpu.vector_load %arg10[%get3A_811, %get3A_812] {strides = array<i32>} : memref<32x768xf32, #tpu.memory_space<vmem>>, vector<1x16xf32>,
      %get3A_814 = vector.shape_cast %get3A_813 : vector<1x16xf32> to vector<16xf32>
      %add3A_815 = arith.addf %add3A_810, %get3A_814 : vector<16xf32>
      %swap3A_816 = arith.index_cast %scan3A_43 : i32 to index
      %swap3A_817 = arith.constant 640 : index
      %swap3A_818 = tpu.vector_load %arg8[%swap3A_816, %swap3A_817] {strides = array<i32>} : memref<32x768xf32, #tpu.memory_space<vmem>>, vector<1x16xf32>,
      %swap3A_819 = vector.shape_cast %swap3A_818 : vector<1x16xf32> to vector<16xf32>
      %swap3A_820 = vector.shape_cast %add3A_815 : vector<16xf32> to vector<1x16xf32>
      tpu.vector_store %arg8[%swap3A_816, %swap3A_817], %swap3A_820 {strides = array<i32>} : memref<32x768xf32, #tpu.memory_space<vmem>>, vector<1x16xf32>,
      %get3A_821 = arith.index_cast %scan3A_43 : i32 to index
      %get3A_822 = arith.constant 656 : index
      %get3A_823 = tpu.vector_load %arg8[%get3A_821, %get3A_822] {strides = array<i32>} : memref<32x768xf32, #tpu.memory_space<vmem>>, vector<1x16xf32>,
      %get3A_824 = vector.shape_cast %get3A_823 : vector<1x16xf32> to vector<16xf32>
      %get3A_825 = arith.index_cast %scan3A_43 : i32 to index
      %get3A_826 = arith.constant 656 : index
      %get3A_827 = tpu.vector_load %arg9[%get3A_825, %get3A_826] {strides = array<i32>} : memref<32x768xf32, #tpu.memory_space<vmem>>, vector<1x16xf32>,
      %get3A_828 = vector.shape_cast %get3A_827 : vector<1x16xf32> to vector<16xf32>
      %add3A_829 = arith.addf %get3A_824, %get3A_828 : vector<16xf32>
      %get3A_830 = arith.index_cast %scan3A_43 : i32 to index
      %get3A_831 = arith.constant 656 : index
      %get3A_832 = tpu.vector_load %arg10[%get3A_830, %get3A_831] {strides = array<i32>} : memref<32x768xf32, #tpu.memory_space<vmem>>, vector<1x16xf32>,
      %get3A_833 = vector.shape_cast %get3A_832 : vector<1x16xf32> to vector<16xf32>
      %add3A_834 = arith.addf %add3A_829, %get3A_833 : vector<16xf32>
      %swap3A_835 = arith.index_cast %scan3A_43 : i32 to index
      %swap3A_836 = arith.constant 656 : index
      %swap3A_837 = tpu.vector_load %arg8[%swap3A_835, %swap3A_836] {strides = array<i32>} : memref<32x768xf32, #tpu.memory_space<vmem>>, vector<1x16xf32>,
      %swap3A_838 = vector.shape_cast %swap3A_837 : vector<1x16xf32> to vector<16xf32>
      %swap3A_839 = vector.shape_cast %add3A_834 : vector<16xf32> to vector<1x16xf32>
      tpu.vector_store %arg8[%swap3A_835, %swap3A_836], %swap3A_839 {strides = array<i32>} : memref<32x768xf32, #tpu.memory_space<vmem>>, vector<1x16xf32>,
      %get3A_840 = arith.index_cast %scan3A_43 : i32 to index
      %get3A_841 = arith.constant 672 : index
      %get3A_842 = tpu.vector_load %arg8[%get3A_840, %get3A_841] {strides = array<i32>} : memref<32x768xf32, #tpu.memory_space<vmem>>, vector<1x16xf32>,
      %get3A_843 = vector.shape_cast %get3A_842 : vector<1x16xf32> to vector<16xf32>
      %get3A_844 = arith.index_cast %scan3A_43 : i32 to index
      %get3A_845 = arith.constant 672 : index
      %get3A_846 = tpu.vector_load %arg9[%get3A_844, %get3A_845] {strides = array<i32>} : memref<32x768xf32, #tpu.memory_space<vmem>>, vector<1x16xf32>,
      %get3A_847 = vector.shape_cast %get3A_846 : vector<1x16xf32> to vector<16xf32>
      %add3A_848 = arith.addf %get3A_843, %get3A_847 : vector<16xf32>
      %get3A_849 = arith.index_cast %scan3A_43 : i32 to index
      %get3A_850 = arith.constant 672 : index
      %get3A_851 = tpu.vector_load %arg10[%get3A_849, %get3A_850] {strides = array<i32>} : memref<32x768xf32, #tpu.memory_space<vmem>>, vector<1x16xf32>,
      %get3A_852 = vector.shape_cast %get3A_851 : vector<1x16xf32> to vector<16xf32>
      %add3A_853 = arith.addf %add3A_848, %get3A_852 : vector<16xf32>
      %swap3A_854 = arith.index_cast %scan3A_43 : i32 to index
      %swap3A_855 = arith.constant 672 : index
      %swap3A_856 = tpu.vector_load %arg8[%swap3A_854, %swap3A_855] {strides = array<i32>} : memref<32x768xf32, #tpu.memory_space<vmem>>, vector<1x16xf32>,
      %swap3A_857 = vector.shape_cast %swap3A_856 : vector<1x16xf32> to vector<16xf32>
      %swap3A_858 = vector.shape_cast %add3A_853 : vector<16xf32> to vector<1x16xf32>
      tpu.vector_store %arg8[%swap3A_854, %swap3A_855], %swap3A_858 {strides = array<i32>} : memref<32x768xf32, #tpu.memory_space<vmem>>, vector<1x16xf32>,
      %get3A_859 = arith.index_cast %scan3A_43 : i32 to index
      %get3A_860 = arith.constant 688 : index
      %get3A_861 = tpu.vector_load %arg8[%get3A_859, %get3A_860] {strides = array<i32>} : memref<32x768xf32, #tpu.memory_space<vmem>>, vector<1x16xf32>,
      %get3A_862 = vector.shape_cast %get3A_861 : vector<1x16xf32> to vector<16xf32>
      %get3A_863 = arith.index_cast %scan3A_43 : i32 to index
      %get3A_864 = arith.constant 688 : index
      %get3A_865 = tpu.vector_load %arg9[%get3A_863, %get3A_864] {strides = array<i32>} : memref<32x768xf32, #tpu.memory_space<vmem>>, vector<1x16xf32>,
      %get3A_866 = vector.shape_cast %get3A_865 : vector<1x16xf32> to vector<16xf32>
      %add3A_867 = arith.addf %get3A_862, %get3A_866 : vector<16xf32>
      %get3A_868 = arith.index_cast %scan3A_43 : i32 to index
      %get3A_869 = arith.constant 688 : index
      %get3A_870 = tpu.vector_load %arg10[%get3A_868, %get3A_869] {strides = array<i32>} : memref<32x768xf32, #tpu.memory_space<vmem>>, vector<1x16xf32>,
      %get3A_871 = vector.shape_cast %get3A_870 : vector<1x16xf32> to vector<16xf32>
      %add3A_872 = arith.addf %add3A_867, %get3A_871 : vector<16xf32>
      %swap3A_873 = arith.index_cast %scan3A_43 : i32 to index
      %swap3A_874 = arith.constant 688 : index
      %swap3A_875 = tpu.vector_load %arg8[%swap3A_873, %swap3A_874] {strides = array<i32>} : memref<32x768xf32, #tpu.memory_space<vmem>>, vector<1x16xf32>,
      %swap3A_876 = vector.shape_cast %swap3A_875 : vector<1x16xf32> to vector<16xf32>
      %swap3A_877 = vector.shape_cast %add3A_872 : vector<16xf32> to vector<1x16xf32>
      tpu.vector_store %arg8[%swap3A_873, %swap3A_874], %swap3A_877 {strides = array<i32>} : memref<32x768xf32, #tpu.memory_space<vmem>>, vector<1x16xf32>,
      %get3A_878 = arith.index_cast %scan3A_43 : i32 to index
      %get3A_879 = arith.constant 704 : index
      %get3A_880 = tpu.vector_load %arg8[%get3A_878, %get3A_879] {strides = array<i32>} : memref<32x768xf32, #tpu.memory_space<vmem>>, vector<1x16xf32>,
      %get3A_881 = vector.shape_cast %get3A_880 : vector<1x16xf32> to vector<16xf32>
      %get3A_882 = arith.index_cast %scan3A_43 : i32 to index
      %get3A_883 = arith.constant 704 : index
      %get3A_884 = tpu.vector_load %arg9[%get3A_882, %get3A_883] {strides = array<i32>} : memref<32x768xf32, #tpu.memory_space<vmem>>, vector<1x16xf32>,
      %get3A_885 = vector.shape_cast %get3A_884 : vector<1x16xf32> to vector<16xf32>
      %add3A_886 = arith.addf %get3A_881, %get3A_885 : vector<16xf32>
      %get3A_887 = arith.index_cast %scan3A_43 : i32 to index
      %get3A_888 = arith.constant 704 : index
      %get3A_889 = tpu.vector_load %arg10[%get3A_887, %get3A_888] {strides = array<i32>} : memref<32x768xf32, #tpu.memory_space<vmem>>, vector<1x16xf32>,
      %get3A_890 = vector.shape_cast %get3A_889 : vector<1x16xf32> to vector<16xf32>
      %add3A_891 = arith.addf %add3A_886, %get3A_890 : vector<16xf32>
      %swap3A_892 = arith.index_cast %scan3A_43 : i32 to index
      %swap3A_893 = arith.constant 704 : index
      %swap3A_894 = tpu.vector_load %arg8[%swap3A_892, %swap3A_893] {strides = array<i32>} : memref<32x768xf32, #tpu.memory_space<vmem>>, vector<1x16xf32>,
      %swap3A_895 = vector.shape_cast %swap3A_894 : vector<1x16xf32> to vector<16xf32>
      %swap3A_896 = vector.shape_cast %add3A_891 : vector<16xf32> to vector<1x16xf32>
      tpu.vector_store %arg8[%swap3A_892, %swap3A_893], %swap3A_896 {strides = array<i32>} : memref<32x768xf32, #tpu.memory_space<vmem>>, vector<1x16xf32>,
      %get3A_897 = arith.index_cast %scan3A_43 : i32 to index
      %get3A_898 = arith.constant 720 : index
      %get3A_899 = tpu.vector_load %arg8[%get3A_897, %get3A_898] {strides = array<i32>} : memref<32x768xf32, #tpu.memory_space<vmem>>, vector<1x16xf32>,
      %get3A_900 = vector.shape_cast %get3A_899 : vector<1x16xf32> to vector<16xf32>
      %get3A_901 = arith.index_cast %scan3A_43 : i32 to index
      %get3A_902 = arith.constant 720 : index
      %get3A_903 = tpu.vector_load %arg9[%get3A_901, %get3A_902] {strides = array<i32>} : memref<32x768xf32, #tpu.memory_space<vmem>>, vector<1x16xf32>,
      %get3A_904 = vector.shape_cast %get3A_903 : vector<1x16xf32> to vector<16xf32>
      %add3A_905 = arith.addf %get3A_900, %get3A_904 : vector<16xf32>
      %get3A_906 = arith.index_cast %scan3A_43 : i32 to index
      %get3A_907 = arith.constant 720 : index
      %get3A_908 = tpu.vector_load %arg10[%get3A_906, %get3A_907] {strides = array<i32>} : memref<32x768xf32, #tpu.memory_space<vmem>>, vector<1x16xf32>,
      %get3A_909 = vector.shape_cast %get3A_908 : vector<1x16xf32> to vector<16xf32>
      %add3A_910 = arith.addf %add3A_905, %get3A_909 : vector<16xf32>
      %swap3A_911 = arith.index_cast %scan3A_43 : i32 to index
      %swap3A_912 = arith.constant 720 : index
      %swap3A_913 = tpu.vector_load %arg8[%swap3A_911, %swap3A_912] {strides = array<i32>} : memref<32x768xf32, #tpu.memory_space<vmem>>, vector<1x16xf32>,
      %swap3A_914 = vector.shape_cast %swap3A_913 : vector<1x16xf32> to vector<16xf32>
      %swap3A_915 = vector.shape_cast %add3A_910 : vector<16xf32> to vector<1x16xf32>
      tpu.vector_store %arg8[%swap3A_911, %swap3A_912], %swap3A_915 {strides = array<i32>} : memref<32x768xf32, #tpu.memory_space<vmem>>, vector<1x16xf32>,
      %get3A_916 = arith.index_cast %scan3A_43 : i32 to index
      %get3A_917 = arith.constant 736 : index
      %get3A_918 = tpu.vector_load %arg8[%get3A_916, %get3A_917] {strides = array<i32>} : memref<32x768xf32, #tpu.memory_space<vmem>>, vector<1x16xf32>,
      %get3A_919 = vector.shape_cast %get3A_918 : vector<1x16xf32> to vector<16xf32>
      %get3A_920 = arith.index_cast %scan3A_43 : i32 to index
      %get3A_921 = arith.constant 736 : index
      %get3A_922 = tpu.vector_load %arg9[%get3A_920, %get3A_921] {strides = array<i32>} : memref<32x768xf32, #tpu.memory_space<vmem>>, vector<1x16xf32>,
      %get3A_923 = vector.shape_cast %get3A_922 : vector<1x16xf32> to vector<16xf32>
      %add3A_924 = arith.addf %get3A_919, %get3A_923 : vector<16xf32>
      %get3A_925 = arith.index_cast %scan3A_43 : i32 to index
      %get3A_926 = arith.constant 736 : index
      %get3A_927 = tpu.vector_load %arg10[%get3A_925, %get3A_926] {strides = array<i32>} : memref<32x768xf32, #tpu.memory_space<vmem>>, vector<1x16xf32>,
      %get3A_928 = vector.shape_cast %get3A_927 : vector<1x16xf32> to vector<16xf32>
      %add3A_929 = arith.addf %add3A_924, %get3A_928 : vector<16xf32>
      %swap3A_930 = arith.index_cast %scan3A_43 : i32 to index
      %swap3A_931 = arith.constant 736 : index
      %swap3A_932 = tpu.vector_load %arg8[%swap3A_930, %swap3A_931] {strides = array<i32>} : memref<32x768xf32, #tpu.memory_space<vmem>>, vector<1x16xf32>,
      %swap3A_933 = vector.shape_cast %swap3A_932 : vector<1x16xf32> to vector<16xf32>
      %swap3A_934 = vector.shape_cast %add3A_929 : vector<16xf32> to vector<1x16xf32>
      tpu.vector_store %arg8[%swap3A_930, %swap3A_931], %swap3A_934 {strides = array<i32>} : memref<32x768xf32, #tpu.memory_space<vmem>>, vector<1x16xf32>,
      %get3A_935 = arith.index_cast %scan3A_43 : i32 to index
      %get3A_936 = arith.constant 752 : index
      %get3A_937 = tpu.vector_load %arg8[%get3A_935, %get3A_936] {strides = array<i32>} : memref<32x768xf32, #tpu.memory_space<vmem>>, vector<1x16xf32>,
      %get3A_938 = vector.shape_cast %get3A_937 : vector<1x16xf32> to vector<16xf32>
      %get3A_939 = arith.index_cast %scan3A_43 : i32 to index
      %get3A_940 = arith.constant 752 : index
      %get3A_941 = tpu.vector_load %arg9[%get3A_939, %get3A_940] {strides = array<i32>} : memref<32x768xf32, #tpu.memory_space<vmem>>, vector<1x16xf32>,
      %get3A_942 = vector.shape_cast %get3A_941 : vector<1x16xf32> to vector<16xf32>
      %add3A_943 = arith.addf %get3A_938, %get3A_942 : vector<16xf32>
      %get3A_944 = arith.index_cast %scan3A_43 : i32 to index
      %get3A_945 = arith.constant 752 : index
      %get3A_946 = tpu.vector_load %arg10[%get3A_944, %get3A_945] {strides = array<i32>} : memref<32x768xf32, #tpu.memory_space<vmem>>, vector<1x16xf32>,
      %get3A_947 = vector.shape_cast %get3A_946 : vector<1x16xf32> to vector<16xf32>
      %add3A_948 = arith.addf %add3A_943, %get3A_947 : vector<16xf32>
      %swap3A_949 = arith.index_cast %scan3A_43 : i32 to index
      %swap3A_950 = arith.constant 752 : index
      %swap3A_951 = tpu.vector_load %arg8[%swap3A_949, %swap3A_950] {strides = array<i32>} : memref<32x768xf32, #tpu.memory_space<vmem>>, vector<1x16xf32>,
      %swap3A_952 = vector.shape_cast %swap3A_951 : vector<1x16xf32> to vector<16xf32>
      %swap3A_953 = vector.shape_cast %add3A_948 : vector<16xf32> to vector<1x16xf32>
      tpu.vector_store %arg8[%swap3A_949, %swap3A_950], %swap3A_953 {strides = array<i32>} : memref<32x768xf32, #tpu.memory_space<vmem>>, vector<1x16xf32>,
    }
    %scan3A_42 = arith.constant 32 : i32
    "tpu.region"() ({
      %run_scoped3A_43 = tpu.sem_alloc : memref<!tpu.dma_semaphore, #tpu.memory_space<semaphore_mem>>
      %dma_start3A_44 = arith.constant 0 : i32
      %dma_start3A_45 = tpu.memref_slice %arg5[%add3A_22, %dma_start3A_44] : memref<2048x768xf32, #tpu.memory_space<hbm>> -> memref<32x768xf32, #tpu.memory_space<hbm>>
      %dma_start3A_46 = arith.constant 0 : i32
      %dma_start3A_47 = tpu.memref_slice %arg5[%add3A_22, %dma_start3A_46] : memref<2048x768xf32, #tpu.memory_space<hbm>> -> memref<32x768xf32, #tpu.memory_space<hbm>>
      tpu.enqueue_dma source(%arg8 : memref<32x768xf32, #tpu.memory_space<vmem>>) target(%dma_start3A_47 : memref<32x768xf32, #tpu.memory_space<hbm>>) target_semaphore(%run_scoped3A_43 : memref<!tpu.dma_semaphore, #tpu.memory_space<semaphore_mem>>)
      %dma_wait3A_48 = arith.constant 0 : i32
      %dma_wait3A_49 = tpu.memref_slice %arg5[%add3A_22, %dma_wait3A_48] : memref<2048x768xf32, #tpu.memory_space<hbm>> -> memref<32x768xf32, #tpu.memory_space<hbm>>
      %dma_wait3A_50 = arith.constant 0 : i32
      %dma_wait3A_51 = tpu.memref_slice %arg5[%add3A_22, %dma_wait3A_50] : memref<2048x768xf32, #tpu.memory_space<hbm>> -> memref<32x768xf32, #tpu.memory_space<hbm>>
      tpu.wait_dma2 semaphore(%run_scoped3A_43 : memref<!tpu.dma_semaphore, #tpu.memory_space<semaphore_mem>>) src(%arg8 : memref<32x768xf32, #tpu.memory_space<vmem>>) dst(%dma_wait3A_51 : memref<32x768xf32, #tpu.memory_space<hbm>>)
      tpu.yield
    }) : () -> ()
    return
  }
}

#map = affine_map<(d0, d1) -> (0, 0, 0)>
#map1 = affine_map<(d0, d1) -> (0, 0)>
module attributes {stable_mosaic.version = 14 : i64} {
  func.func @_dispatch_body(%arg0: i32, %arg1: i32, %arg2: memref<2x2048x768xf32, #tpu.memory_space<hbm>>, %arg3: memref<2x2048xi32, #tpu.memory_space<hbm>>, %arg4: memref<6144x768xf32, #tpu.memory_space<hbm>>, %arg5: memref<64xi32, #tpu.memory_space<vmem>>, %arg6: memref<64x768xf32, #tpu.memory_space<vmem>>, %arg7: memref<!tpu.dma_semaphore, #tpu.memory_space<semaphore_mem>>) attributes {dimension_semantics = [#tpu.dimension_semantics<core_parallel>, #tpu.dimension_semantics<subcore_parallel>], iteration_bounds = array<i64: 2, 16>, scalar_prefetch = 0 : i64, scratch_operands = 3 : i64, tpu.core_type = #tpu.core_type<sc_vector_subcore>, window_params = [{transform_indices = #map}, {transform_indices = #map1}, {transform_indices = #map1}]} {
    %mul3A = arith.constant 2 : i32
    %mul3A_0 = arith.muli %arg1, %mul3A : i32
    %add3A = arith.addi %mul3A_0, %arg0 : i32
    %mul3A_1 = arith.constant 64 : i32
    %mul3A_2 = arith.muli %add3A, %mul3A_1 : i32
    %run_scoped3A = arith.constant 0 : i32
    "tpu.region"() ({
      %run_scoped3A_16 = tpu.sem_alloc : memref<!tpu.dma_semaphore, #tpu.memory_space<semaphore_mem>>
      %dma_start3A_17 = tpu.memref_slice %arg3[%run_scoped3A, %mul3A_2] : memref<2x2048xi32, #tpu.memory_space<hbm>> -> memref<1x64xi32, #tpu.memory_space<hbm>>
      %dma_start3A_18 = tpu.memref_squeeze %dma_start3A_17 : memref<1x64xi32, #tpu.memory_space<hbm>> -> memref<64xi32, #tpu.memory_space<hbm>>
      %dma_start3A_19 = tpu.memref_slice %arg3[%run_scoped3A, %mul3A_2] : memref<2x2048xi32, #tpu.memory_space<hbm>> -> memref<1x64xi32, #tpu.memory_space<hbm>>
      %dma_start3A_20 = tpu.memref_squeeze %dma_start3A_19 : memref<1x64xi32, #tpu.memory_space<hbm>> -> memref<64xi32, #tpu.memory_space<hbm>>
      tpu.enqueue_dma source(%dma_start3A_20 : memref<64xi32, #tpu.memory_space<hbm>>) target(%arg5 : memref<64xi32, #tpu.memory_space<vmem>>) target_semaphore(%run_scoped3A_16 : memref<!tpu.dma_semaphore, #tpu.memory_space<semaphore_mem>>)
      %dma_wait3A_21 = tpu.memref_slice %arg3[%run_scoped3A, %mul3A_2] : memref<2x2048xi32, #tpu.memory_space<hbm>> -> memref<1x64xi32, #tpu.memory_space<hbm>>
      %dma_wait3A_22 = tpu.memref_squeeze %dma_wait3A_21 : memref<1x64xi32, #tpu.memory_space<hbm>> -> memref<64xi32, #tpu.memory_space<hbm>>
      %dma_wait3A_23 = tpu.memref_slice %arg3[%run_scoped3A, %mul3A_2] : memref<2x2048xi32, #tpu.memory_space<hbm>> -> memref<1x64xi32, #tpu.memory_space<hbm>>
      %dma_wait3A_24 = tpu.memref_squeeze %dma_wait3A_23 : memref<1x64xi32, #tpu.memory_space<hbm>> -> memref<64xi32, #tpu.memory_space<hbm>>
      tpu.wait_dma2 semaphore(%run_scoped3A_16 : memref<!tpu.dma_semaphore, #tpu.memory_space<semaphore_mem>>) src(%dma_wait3A_24 : memref<64xi32, #tpu.memory_space<hbm>>) dst(%arg5 : memref<64xi32, #tpu.memory_space<vmem>>)
      tpu.yield
    }) : () -> ()
    %run_scoped3A_3 = arith.constant 0 : i32
    "tpu.region"() ({
      %run_scoped3A_16 = tpu.sem_alloc : memref<!tpu.dma_semaphore, #tpu.memory_space<semaphore_mem>>
      %dma_start3A_17 = arith.constant 0 : i32
      %dma_start3A_18 = tpu.memref_slice %arg2[%run_scoped3A_3, %mul3A_2, %dma_start3A_17] : memref<2x2048x768xf32, #tpu.memory_space<hbm>> -> memref<1x64x768xf32, #tpu.memory_space<hbm>>
      %dma_start3A_19 = tpu.memref_squeeze %dma_start3A_18 : memref<1x64x768xf32, #tpu.memory_space<hbm>> -> memref<64x768xf32, #tpu.memory_space<hbm>>
      %dma_start3A_20 = arith.constant 0 : i32
      %dma_start3A_21 = tpu.memref_slice %arg2[%run_scoped3A_3, %mul3A_2, %dma_start3A_20] : memref<2x2048x768xf32, #tpu.memory_space<hbm>> -> memref<1x64x768xf32, #tpu.memory_space<hbm>>
      %dma_start3A_22 = tpu.memref_squeeze %dma_start3A_21 : memref<1x64x768xf32, #tpu.memory_space<hbm>> -> memref<64x768xf32, #tpu.memory_space<hbm>>
      tpu.enqueue_dma source(%dma_start3A_22 : memref<64x768xf32, #tpu.memory_space<hbm>>) target(%arg6 : memref<64x768xf32, #tpu.memory_space<vmem>>) target_semaphore(%run_scoped3A_16 : memref<!tpu.dma_semaphore, #tpu.memory_space<semaphore_mem>>)
      %dma_wait3A_23 = arith.constant 0 : i32
      %dma_wait3A_24 = tpu.memref_slice %arg2[%run_scoped3A_3, %mul3A_2, %dma_wait3A_23] : memref<2x2048x768xf32, #tpu.memory_space<hbm>> -> memref<1x64x768xf32, #tpu.memory_space<hbm>>
      %dma_wait3A_25 = tpu.memref_squeeze %dma_wait3A_24 : memref<1x64x768xf32, #tpu.memory_space<hbm>> -> memref<64x768xf32, #tpu.memory_space<hbm>>
      %dma_wait3A_26 = arith.constant 0 : i32
      %dma_wait3A_27 = tpu.memref_slice %arg2[%run_scoped3A_3, %mul3A_2, %dma_wait3A_26] : memref<2x2048x768xf32, #tpu.memory_space<hbm>> -> memref<1x64x768xf32, #tpu.memory_space<hbm>>
      %dma_wait3A_28 = tpu.memref_squeeze %dma_wait3A_27 : memref<1x64x768xf32, #tpu.memory_space<hbm>> -> memref<64x768xf32, #tpu.memory_space<hbm>>
      tpu.wait_dma2 semaphore(%run_scoped3A_16 : memref<!tpu.dma_semaphore, #tpu.memory_space<semaphore_mem>>) src(%dma_wait3A_28 : memref<64x768xf32, #tpu.memory_space<hbm>>) dst(%arg6 : memref<64x768xf32, #tpu.memory_space<vmem>>)
      tpu.yield
    }) : () -> ()
    %dma_start3A = arith.constant 0 : i32
    %dma_start3A_4 = arith.constant 0 : i32
    %dma_start3A_5 = tpu.memref_slice %arg4[%dma_start3A, %dma_start3A_4] : memref<6144x768xf32, #tpu.memory_space<hbm>> -> memref<6144x768xf32, #tpu.memory_space<hbm>>
    tpu.enqueue_indirect_dma source(%arg6 : memref<64x768xf32, #tpu.memory_space<vmem>>) target(%dma_start3A_5 : memref<6144x768xf32, #tpu.memory_space<hbm>>) offsets(%arg5 : memref<64xi32, #tpu.memory_space<vmem>>) semaphore(%arg7 : memref<!tpu.dma_semaphore, #tpu.memory_space<semaphore_mem>>)
    %dma_wait3A = arith.constant 0 : i32
    %dma_wait3A_6 = arith.constant 0 : i32
    %dma_wait3A_7 = tpu.memref_slice %arg4[%dma_wait3A, %dma_wait3A_6] : memref<6144x768xf32, #tpu.memory_space<hbm>> -> memref<6144x768xf32, #tpu.memory_space<hbm>>
    tpu.wait_indirect_dma semaphore(%arg7 : memref<!tpu.dma_semaphore, #tpu.memory_space<semaphore_mem>>) src(%arg6 : memref<64x768xf32, #tpu.memory_space<vmem>>) dst(%dma_wait3A_7 : memref<6144x768xf32, #tpu.memory_space<hbm>>)
    %run_scoped3A_8 = arith.constant 1 : i32
    "tpu.region"() ({
      %run_scoped3A_16 = tpu.sem_alloc : memref<!tpu.dma_semaphore, #tpu.memory_space<semaphore_mem>>
      %dma_start3A_17 = tpu.memref_slice %arg3[%run_scoped3A_8, %mul3A_2] : memref<2x2048xi32, #tpu.memory_space<hbm>> -> memref<1x64xi32, #tpu.memory_space<hbm>>
      %dma_start3A_18 = tpu.memref_squeeze %dma_start3A_17 : memref<1x64xi32, #tpu.memory_space<hbm>> -> memref<64xi32, #tpu.memory_space<hbm>>
      %dma_start3A_19 = tpu.memref_slice %arg3[%run_scoped3A_8, %mul3A_2] : memref<2x2048xi32, #tpu.memory_space<hbm>> -> memref<1x64xi32, #tpu.memory_space<hbm>>
      %dma_start3A_20 = tpu.memref_squeeze %dma_start3A_19 : memref<1x64xi32, #tpu.memory_space<hbm>> -> memref<64xi32, #tpu.memory_space<hbm>>
      tpu.enqueue_dma source(%dma_start3A_20 : memref<64xi32, #tpu.memory_space<hbm>>) target(%arg5 : memref<64xi32, #tpu.memory_space<vmem>>) target_semaphore(%run_scoped3A_16 : memref<!tpu.dma_semaphore, #tpu.memory_space<semaphore_mem>>)
      %dma_wait3A_21 = tpu.memref_slice %arg3[%run_scoped3A_8, %mul3A_2] : memref<2x2048xi32, #tpu.memory_space<hbm>> -> memref<1x64xi32, #tpu.memory_space<hbm>>
      %dma_wait3A_22 = tpu.memref_squeeze %dma_wait3A_21 : memref<1x64xi32, #tpu.memory_space<hbm>> -> memref<64xi32, #tpu.memory_space<hbm>>
      %dma_wait3A_23 = tpu.memref_slice %arg3[%run_scoped3A_8, %mul3A_2] : memref<2x2048xi32, #tpu.memory_space<hbm>> -> memref<1x64xi32, #tpu.memory_space<hbm>>
      %dma_wait3A_24 = tpu.memref_squeeze %dma_wait3A_23 : memref<1x64xi32, #tpu.memory_space<hbm>> -> memref<64xi32, #tpu.memory_space<hbm>>
      tpu.wait_dma2 semaphore(%run_scoped3A_16 : memref<!tpu.dma_semaphore, #tpu.memory_space<semaphore_mem>>) src(%dma_wait3A_24 : memref<64xi32, #tpu.memory_space<hbm>>) dst(%arg5 : memref<64xi32, #tpu.memory_space<vmem>>)
      tpu.yield
    }) : () -> ()
    %run_scoped3A_9 = arith.constant 1 : i32
    "tpu.region"() ({
      %run_scoped3A_16 = tpu.sem_alloc : memref<!tpu.dma_semaphore, #tpu.memory_space<semaphore_mem>>
      %dma_start3A_17 = arith.constant 0 : i32
      %dma_start3A_18 = tpu.memref_slice %arg2[%run_scoped3A_9, %mul3A_2, %dma_start3A_17] : memref<2x2048x768xf32, #tpu.memory_space<hbm>> -> memref<1x64x768xf32, #tpu.memory_space<hbm>>
      %dma_start3A_19 = tpu.memref_squeeze %dma_start3A_18 : memref<1x64x768xf32, #tpu.memory_space<hbm>> -> memref<64x768xf32, #tpu.memory_space<hbm>>
      %dma_start3A_20 = arith.constant 0 : i32
      %dma_start3A_21 = tpu.memref_slice %arg2[%run_scoped3A_9, %mul3A_2, %dma_start3A_20] : memref<2x2048x768xf32, #tpu.memory_space<hbm>> -> memref<1x64x768xf32, #tpu.memory_space<hbm>>
      %dma_start3A_22 = tpu.memref_squeeze %dma_start3A_21 : memref<1x64x768xf32, #tpu.memory_space<hbm>> -> memref<64x768xf32, #tpu.memory_space<hbm>>
      tpu.enqueue_dma source(%dma_start3A_22 : memref<64x768xf32, #tpu.memory_space<hbm>>) target(%arg6 : memref<64x768xf32, #tpu.memory_space<vmem>>) target_semaphore(%run_scoped3A_16 : memref<!tpu.dma_semaphore, #tpu.memory_space<semaphore_mem>>)
      %dma_wait3A_23 = arith.constant 0 : i32
      %dma_wait3A_24 = tpu.memref_slice %arg2[%run_scoped3A_9, %mul3A_2, %dma_wait3A_23] : memref<2x2048x768xf32, #tpu.memory_space<hbm>> -> memref<1x64x768xf32, #tpu.memory_space<hbm>>
      %dma_wait3A_25 = tpu.memref_squeeze %dma_wait3A_24 : memref<1x64x768xf32, #tpu.memory_space<hbm>> -> memref<64x768xf32, #tpu.memory_space<hbm>>
      %dma_wait3A_26 = arith.constant 0 : i32
      %dma_wait3A_27 = tpu.memref_slice %arg2[%run_scoped3A_9, %mul3A_2, %dma_wait3A_26] : memref<2x2048x768xf32, #tpu.memory_space<hbm>> -> memref<1x64x768xf32, #tpu.memory_space<hbm>>
      %dma_wait3A_28 = tpu.memref_squeeze %dma_wait3A_27 : memref<1x64x768xf32, #tpu.memory_space<hbm>> -> memref<64x768xf32, #tpu.memory_space<hbm>>
      tpu.wait_dma2 semaphore(%run_scoped3A_16 : memref<!tpu.dma_semaphore, #tpu.memory_space<semaphore_mem>>) src(%dma_wait3A_28 : memref<64x768xf32, #tpu.memory_space<hbm>>) dst(%arg6 : memref<64x768xf32, #tpu.memory_space<vmem>>)
      tpu.yield
    }) : () -> ()
    %dma_start3A_10 = arith.constant 0 : i32
    %dma_start3A_11 = arith.constant 0 : i32
    %dma_start3A_12 = tpu.memref_slice %arg4[%dma_start3A_10, %dma_start3A_11] : memref<6144x768xf32, #tpu.memory_space<hbm>> -> memref<6144x768xf32, #tpu.memory_space<hbm>>
    tpu.enqueue_indirect_dma source(%arg6 : memref<64x768xf32, #tpu.memory_space<vmem>>) target(%dma_start3A_12 : memref<6144x768xf32, #tpu.memory_space<hbm>>) offsets(%arg5 : memref<64xi32, #tpu.memory_space<vmem>>) semaphore(%arg7 : memref<!tpu.dma_semaphore, #tpu.memory_space<semaphore_mem>>)
    %dma_wait3A_13 = arith.constant 0 : i32
    %dma_wait3A_14 = arith.constant 0 : i32
    %dma_wait3A_15 = tpu.memref_slice %arg4[%dma_wait3A_13, %dma_wait3A_14] : memref<6144x768xf32, #tpu.memory_space<hbm>> -> memref<6144x768xf32, #tpu.memory_space<hbm>>
    tpu.wait_indirect_dma semaphore(%arg7 : memref<!tpu.dma_semaphore, #tpu.memory_space<semaphore_mem>>) src(%arg6 : memref<64x768xf32, #tpu.memory_space<vmem>>) dst(%dma_wait3A_15 : memref<6144x768xf32, #tpu.memory_space<hbm>>)
    return
  }
}

module attributes {stable_mosaic.version = 14 : i64} {
  func.func @_router_body(%arg0: memref<2048x768xf32, #tpu.memory_space<vmem>>, %arg1: memref<768x8xf32, #tpu.memory_space<vmem>>, %arg2: memref<1x8xf32, #tpu.memory_space<vmem>>, %arg3: memref<8x768xf32, #tpu.memory_space<vmem>>, %arg4: memref<2x2048x768xf32, #tpu.memory_space<vmem>>, %arg5: memref<2048x128xi32, #tpu.memory_space<vmem>>, %arg6: memref<1x8xi32, #tpu.memory_space<vmem>>, %arg7: memref<1x8xi32, #tpu.memory_space<vmem>>, %arg8: memref<2048x768xf32, #tpu.memory_space<vmem>>, %arg9: memref<1x1xf32, #tpu.memory_space<smem>>, %arg10: memref<2048x8xf32, #tpu.memory_space<vmem>>) attributes {dimension_semantics = [], scalar_prefetch = 0 : i64, scratch_operands = 1 : i64, tpu.core_type = #tpu.core_type<tc>} {
    %iota3A = tpu.iota {dimensions = array<i32: 1>} : vector<256x8xi32>
    %iota3A_0 = tpu.iota {dimensions = array<i32: 1>} : vector<256x128xi32>
    %iota3A_1 = tpu.iota {dimensions = array<i32: 0>} : vector<256x256xi32>
    %iota3A_2 = tpu.iota {dimensions = array<i32: 1>} : vector<256x256xi32>
    %ge3A = arith.cmpi sge, %iota3A_1, %iota3A_2 : vector<256x256xi32>
    %convert_element_type3A = arith.extui %ge3A : vector<256x256xi1> to vector<256x256xi32>
    %convert_element_type3A_3 = arith.sitofp %convert_element_type3A : vector<256x256xi32> to vector<256x256xf32>
    %broadcast_in_dim3A = arith.constant 0.000000e+00 : f32
    %broadcast_in_dim3A_4 = vector.broadcast %broadcast_in_dim3A : f32 to vector<1x8xf32>
    %broadcast_in_dim3A_5 = arith.constant 0.000000e+00 : f32
    %broadcast_in_dim3A_6 = vector.broadcast %broadcast_in_dim3A_5 : f32 to vector<1x8xf32>
    %broadcast_in_dim3A_7 = arith.constant 0.000000e+00 : f32
    %broadcast_in_dim3A_8 = vector.broadcast %broadcast_in_dim3A_7 : f32 to vector<1x8xf32>
    %get3A = arith.constant 0 : index
    %get3A_9 = arith.constant 0 : index
    %get3A_10 = vector.load %arg0[%get3A, %get3A_9] : memref<2048x768xf32, #tpu.memory_space<vmem>>, vector<256x768xf32>
    %get3A_11 = arith.constant 0 : index
    %get3A_12 = arith.constant 0 : index
    %get3A_13 = vector.load %arg1[%get3A_11, %get3A_12] : memref<768x8xf32, #tpu.memory_space<vmem>>, vector<768x8xf32>
    %dot_general3A = arith.constant dense<0.000000e+00> : vector<256x8xf32>
    %dot_general3A_14 = tpu.matmul %get3A_10, %get3A_13, %dot_general3A {dimension_numbers = #tpu.dot_dimension_numbers<[1], [0], [0], [1], [0, 0, 1, 1], [], []>, transpose_lhs_hint = false} : vector<256x768xf32>, vector<768x8xf32>, vector<256x8xf32> -> vector<256x8xf32>
    %get3A_15 = arith.constant 0 : index
    %get3A_16 = arith.constant 0 : index
    %get3A_17 = vector.load %arg2[%get3A_15, %get3A_16] : memref<1x8xf32, #tpu.memory_space<vmem>>, vector<1x8xf32>
    %add3A = vector.broadcast %get3A_17 : vector<1x8xf32> to vector<256x8xf32>
    %add3A_18 = arith.addf %dot_general3A_14, %add3A : vector<256x8xf32>
    %reduce_max3A = arith.constant dense<0xFF800000> : vector<256xf32>
    %reduce_max3A_19 = vector.multi_reduction <maximumf>, %add3A_18, %reduce_max3A [1] : vector<256x8xf32> to vector<256xf32>
    %broadcast_in_dim3A_20 = vector.shape_cast %reduce_max3A_19 : vector<256xf32> to vector<256x1xf32>
    %sub3A = vector.broadcast %broadcast_in_dim3A_20 : vector<256x1xf32> to vector<256x8xf32>
    %sub3A_21 = arith.subf %add3A_18, %sub3A : vector<256x8xf32>
    %exp3A = math.exp %sub3A_21 : vector<256x8xf32>
    %reduce_sum3A = arith.constant dense<0.000000e+00> : vector<256xf32>
    %reduce_sum3A_22 = vector.multi_reduction <add>, %exp3A, %reduce_sum3A [1] : vector<256x8xf32> to vector<256xf32>
    %broadcast_in_dim3A_23 = vector.shape_cast %reduce_sum3A_22 : vector<256xf32> to vector<256x1xf32>
    %div3A = vector.broadcast %broadcast_in_dim3A_23 : vector<256x1xf32> to vector<256x8xf32>
    %div3A_24 = arith.divf %exp3A, %div3A : vector<256x8xf32>
    %reduce_max3A_25 = arith.constant dense<0xFF800000> : vector<256xf32>
    %reduce_max3A_26 = vector.multi_reduction <maximumf>, %div3A_24, %reduce_max3A_25 [1] : vector<256x8xf32> to vector<256xf32>
    %broadcast_in_dim3A_27 = vector.shape_cast %reduce_max3A_26 : vector<256xf32> to vector<256x1xf32>
    %eq3A = vector.broadcast %broadcast_in_dim3A_27 : vector<256x1xf32> to vector<256x8xf32>
    %eq3A_28 = arith.cmpf oeq, %div3A_24, %eq3A : vector<256x8xf32>
    %jit3A = arith.constant 8 : i32
    %broadcast_in_dim3A_29 = vector.broadcast %jit3A : i32 to vector<256x8xi32>
    %select_n3A = arith.select %eq3A_28, %iota3A, %broadcast_in_dim3A_29 : vector<256x8xi1>, vector<256x8xi32>
    %reduce_min3A = arith.constant dense<2147483647> : vector<256xi32>
    %reduce_min3A_30 = vector.multi_reduction <minsi>, %select_n3A, %reduce_min3A [1] : vector<256x8xi32> to vector<256xi32>
    %broadcast_in_dim3A_31 = vector.shape_cast %reduce_min3A_30 : vector<256xi32> to vector<256x1xi32>
    %eq3A_32 = vector.broadcast %broadcast_in_dim3A_31 : vector<256x1xi32> to vector<256x8xi32>
    %eq3A_33 = arith.cmpi eq, %iota3A, %eq3A_32 : vector<256x8xi32>
    %jit3A_34 = arith.constant -1.000000e+00 : f32
    %broadcast_in_dim3A_35 = vector.broadcast %jit3A_34 : f32 to vector<256x8xf32>
    %select_n3A_36 = arith.select %eq3A_33, %broadcast_in_dim3A_35, %div3A_24 : vector<256x8xi1>, vector<256x8xf32>
    %reduce_max3A_37 = arith.constant dense<0xFF800000> : vector<256xf32>
    %reduce_max3A_38 = vector.multi_reduction <maximumf>, %select_n3A_36, %reduce_max3A_37 [1] : vector<256x8xf32> to vector<256xf32>
    %broadcast_in_dim3A_39 = vector.shape_cast %reduce_max3A_38 : vector<256xf32> to vector<256x1xf32>
    %eq3A_40 = vector.broadcast %broadcast_in_dim3A_39 : vector<256x1xf32> to vector<256x8xf32>
    %eq3A_41 = arith.cmpf oeq, %select_n3A_36, %eq3A_40 : vector<256x8xf32>
    %jit3A_42 = arith.constant 8 : i32
    %broadcast_in_dim3A_43 = vector.broadcast %jit3A_42 : i32 to vector<256x8xi32>
    %select_n3A_44 = arith.select %eq3A_41, %iota3A, %broadcast_in_dim3A_43 : vector<256x8xi1>, vector<256x8xi32>
    %reduce_min3A_45 = arith.constant dense<2147483647> : vector<256xi32>
    %reduce_min3A_46 = vector.multi_reduction <minsi>, %select_n3A_44, %reduce_min3A_45 [1] : vector<256x8xi32> to vector<256xi32>
    %broadcast_in_dim3A_47 = vector.shape_cast %reduce_min3A_46 : vector<256xi32> to vector<256x1xi32>
    %eq3A_48 = vector.broadcast %broadcast_in_dim3A_47 : vector<256x1xi32> to vector<256x8xi32>
    %eq3A_49 = arith.cmpi eq, %iota3A, %eq3A_48 : vector<256x8xi32>
    %jit3A_50 = arith.constant 0.000000e+00 : f32
    %broadcast_in_dim3A_51 = vector.shape_cast %broadcast_in_dim3A_27 : vector<256x1xf32> to vector<256x1xf32>
    %broadcast_in_dim3A_52 = vector.broadcast %broadcast_in_dim3A_51 : vector<256x1xf32> to vector<256x8xf32>
    %broadcast_in_dim3A_53 = vector.broadcast %jit3A_50 : f32 to vector<256x8xf32>
    %select_n3A_54 = arith.select %eq3A_33, %broadcast_in_dim3A_52, %broadcast_in_dim3A_53 : vector<256x8xi1>, vector<256x8xf32>
    %jit3A_55 = arith.constant 0.000000e+00 : f32
    %broadcast_in_dim3A_56 = vector.shape_cast %broadcast_in_dim3A_39 : vector<256x1xf32> to vector<256x1xf32>
    %broadcast_in_dim3A_57 = vector.broadcast %broadcast_in_dim3A_56 : vector<256x1xf32> to vector<256x8xf32>
    %broadcast_in_dim3A_58 = vector.broadcast %jit3A_55 : f32 to vector<256x8xf32>
    %select_n3A_59 = arith.select %eq3A_49, %broadcast_in_dim3A_57, %broadcast_in_dim3A_58 : vector<256x8xi1>, vector<256x8xf32>
    %add3A_60 = arith.addf %select_n3A_54, %select_n3A_59 : vector<256x8xf32>
    %get3A_61 = arith.constant 0 : index
    %get3A_62 = arith.constant 0 : index
    %get3A_63 = vector.load %arg3[%get3A_61, %get3A_62] : memref<8x768xf32, #tpu.memory_space<vmem>>, vector<8x768xf32>
    %dot_general3A_64 = arith.constant dense<0.000000e+00> : vector<256x768xf32>
    %dot_general3A_65 = tpu.matmul %add3A_60, %get3A_63, %dot_general3A_64 {dimension_numbers = #tpu.dot_dimension_numbers<[1], [0], [0], [1], [0, 0, 1, 1], [], []>, transpose_lhs_hint = false} : vector<256x8xf32>, vector<8x768xf32>, vector<256x768xf32> -> vector<256x768xf32>
    %swap3A = arith.constant 0 : index
    %swap3A_66 = arith.constant 0 : index
    %swap3A_67 = vector.load %arg8[%swap3A, %swap3A_66] : memref<2048x768xf32, #tpu.memory_space<vmem>>, vector<256x768xf32>
    tpu.vector_store %arg8[%swap3A, %swap3A_66], %dot_general3A_65 {strides = array<i32>} : memref<2048x768xf32, #tpu.memory_space<vmem>>, vector<256x768xf32>,
    %mul3A = vector.broadcast %broadcast_in_dim3A_27 : vector<256x1xf32> to vector<256x768xf32>
    %mul3A_68 = arith.mulf %mul3A, %get3A_10 : vector<256x768xf32>
    %swap3A_69 = arith.constant 0 : index
    %swap3A_70 = arith.constant 0 : index
    %swap3A_71 = arith.constant 0 : index
    %swap3A_72 = vector.load %arg4[%swap3A_69, %swap3A_70, %swap3A_71] : memref<2x2048x768xf32, #tpu.memory_space<vmem>>, vector<1x256x768xf32>
    %swap3A_73 = vector.shape_cast %swap3A_72 : vector<1x256x768xf32> to vector<256x768xf32>
    %swap3A_74 = vector.shape_cast %mul3A_68 : vector<256x768xf32> to vector<1x256x768xf32>
    tpu.vector_store %arg4[%swap3A_69, %swap3A_70, %swap3A_71], %swap3A_74 {strides = array<i32>} : memref<2x2048x768xf32, #tpu.memory_space<vmem>>, vector<1x256x768xf32>,
    %mul3A_75 = vector.broadcast %broadcast_in_dim3A_39 : vector<256x1xf32> to vector<256x768xf32>
    %mul3A_76 = arith.mulf %mul3A_75, %get3A_10 : vector<256x768xf32>
    %swap3A_77 = arith.constant 1 : index
    %swap3A_78 = arith.constant 0 : index
    %swap3A_79 = arith.constant 0 : index
    %swap3A_80 = vector.load %arg4[%swap3A_77, %swap3A_78, %swap3A_79] : memref<2x2048x768xf32, #tpu.memory_space<vmem>>, vector<1x256x768xf32>
    %swap3A_81 = vector.shape_cast %swap3A_80 : vector<1x256x768xf32> to vector<256x768xf32>
    %swap3A_82 = vector.shape_cast %mul3A_76 : vector<256x768xf32> to vector<1x256x768xf32>
    tpu.vector_store %arg4[%swap3A_77, %swap3A_78, %swap3A_79], %swap3A_82 {strides = array<i32>} : memref<2x2048x768xf32, #tpu.memory_space<vmem>>, vector<1x256x768xf32>,
    %convert_element_type3A_83 = arith.extui %eq3A_33 : vector<256x8xi1> to vector<256x8xi32>
    %convert_element_type3A_84 = arith.sitofp %convert_element_type3A_83 : vector<256x8xi32> to vector<256x8xf32>
    %convert_element_type3A_85 = arith.extui %eq3A_49 : vector<256x8xi1> to vector<256x8xi32>
    %convert_element_type3A_86 = arith.sitofp %convert_element_type3A_85 : vector<256x8xi32> to vector<256x8xf32>
    %add3A_87 = arith.addf %convert_element_type3A_84, %convert_element_type3A_86 : vector<256x8xf32>
    %dot_general3A_88 = arith.constant dense<0.000000e+00> : vector<256x8xf32>
    %dot_general3A_89 = tpu.matmul %convert_element_type3A_3, %add3A_87, %dot_general3A_88 {dimension_numbers = #tpu.dot_dimension_numbers<[1], [0], [0], [1], [0, 0, 1, 1], [], []>, transpose_lhs_hint = false} : vector<256x256xf32>, vector<256x8xf32>, vector<256x8xf32> -> vector<256x8xf32>
    %add3A_90 = vector.broadcast %broadcast_in_dim3A_4 : vector<1x8xf32> to vector<256x8xf32>
    %add3A_91 = arith.addf %dot_general3A_89, %add3A_90 : vector<256x8xf32>
    %swap3A_92 = arith.constant 0 : index
    %swap3A_93 = arith.constant 0 : index
    %swap3A_94 = vector.load %arg10[%swap3A_92, %swap3A_93] : memref<2048x8xf32, #tpu.memory_space<vmem>>, vector<256x8xf32>
    tpu.vector_store %arg10[%swap3A_92, %swap3A_93], %add3A_91 {strides = array<i32>} : memref<2048x8xf32, #tpu.memory_space<vmem>>, vector<256x8xf32>,
    %slice3A = vector.extract_strided_slice %add3A_91 {offsets = [255, 0], sizes = [1, 8], strides = [1, 1]} : vector<256x8xf32> to vector<1x8xf32>
    %eq3A_95 = arith.constant 0 : i32
    %eq3A_96 = vector.broadcast %eq3A_95 : i32 to vector<256x128xi32>
    %eq3A_97 = arith.cmpi eq, %iota3A_0, %eq3A_96 : vector<256x128xi32>
    %eq3A_98 = arith.constant 1 : i32
    %eq3A_99 = vector.broadcast %eq3A_98 : i32 to vector<256x128xi32>
    %eq3A_100 = arith.cmpi eq, %iota3A_0, %eq3A_99 : vector<256x128xi32>
    %jit3A_101 = arith.constant 0 : i32
    %broadcast_in_dim3A_102 = vector.shape_cast %broadcast_in_dim3A_47 : vector<256x1xi32> to vector<256x1xi32>
    %broadcast_in_dim3A_103 = vector.broadcast %broadcast_in_dim3A_102 : vector<256x1xi32> to vector<256x128xi32>
    %broadcast_in_dim3A_104 = vector.broadcast %jit3A_101 : i32 to vector<256x128xi32>
    %select_n3A_105 = arith.select %eq3A_100, %broadcast_in_dim3A_103, %broadcast_in_dim3A_104 : vector<256x128xi1>, vector<256x128xi32>
    %broadcast_in_dim3A_106 = vector.shape_cast %broadcast_in_dim3A_31 : vector<256x1xi32> to vector<256x1xi32>
    %broadcast_in_dim3A_107 = vector.broadcast %broadcast_in_dim3A_106 : vector<256x1xi32> to vector<256x128xi32>
    %select_n3A_108 = arith.select %eq3A_97, %broadcast_in_dim3A_107, %select_n3A_105 : vector<256x128xi1>, vector<256x128xi32>
    %swap3A_109 = arith.constant 0 : index
    %swap3A_110 = arith.constant 0 : index
    %swap3A_111 = vector.load %arg5[%swap3A_109, %swap3A_110] : memref<2048x128xi32, #tpu.memory_space<vmem>>, vector<256x128xi32>
    tpu.vector_store %arg5[%swap3A_109, %swap3A_110], %select_n3A_108 {strides = array<i32>} : memref<2048x128xi32, #tpu.memory_space<vmem>>, vector<256x128xi32>,
    %reduce_sum3A_112 = arith.constant dense<0.000000e+00> : vector<8xf32>
    %reduce_sum3A_113 = vector.multi_reduction <add>, %add3A_87, %reduce_sum3A_112 [0] : vector<256x8xf32> to vector<8xf32>
    %broadcast_in_dim3A_114 = vector.shape_cast %reduce_sum3A_113 : vector<8xf32> to vector<1x8xf32>
    %add3A_115 = arith.addf %broadcast_in_dim3A_6, %broadcast_in_dim3A_114 : vector<1x8xf32>
    %reduce_sum3A_116 = arith.constant dense<0.000000e+00> : vector<8xf32>
    %reduce_sum3A_117 = vector.multi_reduction <add>, %div3A_24, %reduce_sum3A_116 [0] : vector<256x8xf32> to vector<8xf32>
    %broadcast_in_dim3A_118 = vector.shape_cast %reduce_sum3A_117 : vector<8xf32> to vector<1x8xf32>
    %add3A_119 = arith.addf %broadcast_in_dim3A_8, %broadcast_in_dim3A_118 : vector<1x8xf32>
    %get3A_120 = arith.constant 256 : index
    %get3A_121 = arith.constant 0 : index
    %get3A_122 = vector.load %arg0[%get3A_120, %get3A_121] : memref<2048x768xf32, #tpu.memory_space<vmem>>, vector<256x768xf32>
    %get3A_123 = arith.constant 0 : index
    %get3A_124 = arith.constant 0 : index
    %get3A_125 = vector.load %arg1[%get3A_123, %get3A_124] : memref<768x8xf32, #tpu.memory_space<vmem>>, vector<768x8xf32>
    %dot_general3A_126 = arith.constant dense<0.000000e+00> : vector<256x8xf32>
    %dot_general3A_127 = tpu.matmul %get3A_122, %get3A_125, %dot_general3A_126 {dimension_numbers = #tpu.dot_dimension_numbers<[1], [0], [0], [1], [0, 0, 1, 1], [], []>, transpose_lhs_hint = false} : vector<256x768xf32>, vector<768x8xf32>, vector<256x8xf32> -> vector<256x8xf32>
    %get3A_128 = arith.constant 0 : index
    %get3A_129 = arith.constant 0 : index
    %get3A_130 = vector.load %arg2[%get3A_128, %get3A_129] : memref<1x8xf32, #tpu.memory_space<vmem>>, vector<1x8xf32>
    %add3A_131 = vector.broadcast %get3A_130 : vector<1x8xf32> to vector<256x8xf32>
    %add3A_132 = arith.addf %dot_general3A_127, %add3A_131 : vector<256x8xf32>
    %reduce_max3A_133 = arith.constant dense<0xFF800000> : vector<256xf32>
    %reduce_max3A_134 = vector.multi_reduction <maximumf>, %add3A_132, %reduce_max3A_133 [1] : vector<256x8xf32> to vector<256xf32>
    %broadcast_in_dim3A_135 = vector.shape_cast %reduce_max3A_134 : vector<256xf32> to vector<256x1xf32>
    %sub3A_136 = vector.broadcast %broadcast_in_dim3A_135 : vector<256x1xf32> to vector<256x8xf32>
    %sub3A_137 = arith.subf %add3A_132, %sub3A_136 : vector<256x8xf32>
    %exp3A_138 = math.exp %sub3A_137 : vector<256x8xf32>
    %reduce_sum3A_139 = arith.constant dense<0.000000e+00> : vector<256xf32>
    %reduce_sum3A_140 = vector.multi_reduction <add>, %exp3A_138, %reduce_sum3A_139 [1] : vector<256x8xf32> to vector<256xf32>
    %broadcast_in_dim3A_141 = vector.shape_cast %reduce_sum3A_140 : vector<256xf32> to vector<256x1xf32>
    %div3A_142 = vector.broadcast %broadcast_in_dim3A_141 : vector<256x1xf32> to vector<256x8xf32>
    %div3A_143 = arith.divf %exp3A_138, %div3A_142 : vector<256x8xf32>
    %reduce_max3A_144 = arith.constant dense<0xFF800000> : vector<256xf32>
    %reduce_max3A_145 = vector.multi_reduction <maximumf>, %div3A_143, %reduce_max3A_144 [1] : vector<256x8xf32> to vector<256xf32>
    %broadcast_in_dim3A_146 = vector.shape_cast %reduce_max3A_145 : vector<256xf32> to vector<256x1xf32>
    %eq3A_147 = vector.broadcast %broadcast_in_dim3A_146 : vector<256x1xf32> to vector<256x8xf32>
    %eq3A_148 = arith.cmpf oeq, %div3A_143, %eq3A_147 : vector<256x8xf32>
    %jit3A_149 = arith.constant 8 : i32
    %broadcast_in_dim3A_150 = vector.broadcast %jit3A_149 : i32 to vector<256x8xi32>
    %select_n3A_151 = arith.select %eq3A_148, %iota3A, %broadcast_in_dim3A_150 : vector<256x8xi1>, vector<256x8xi32>
    %reduce_min3A_152 = arith.constant dense<2147483647> : vector<256xi32>
    %reduce_min3A_153 = vector.multi_reduction <minsi>, %select_n3A_151, %reduce_min3A_152 [1] : vector<256x8xi32> to vector<256xi32>
    %broadcast_in_dim3A_154 = vector.shape_cast %reduce_min3A_153 : vector<256xi32> to vector<256x1xi32>
    %eq3A_155 = vector.broadcast %broadcast_in_dim3A_154 : vector<256x1xi32> to vector<256x8xi32>
    %eq3A_156 = arith.cmpi eq, %iota3A, %eq3A_155 : vector<256x8xi32>
    %jit3A_157 = arith.constant -1.000000e+00 : f32
    %broadcast_in_dim3A_158 = vector.broadcast %jit3A_157 : f32 to vector<256x8xf32>
    %select_n3A_159 = arith.select %eq3A_156, %broadcast_in_dim3A_158, %div3A_143 : vector<256x8xi1>, vector<256x8xf32>
    %reduce_max3A_160 = arith.constant dense<0xFF800000> : vector<256xf32>
    %reduce_max3A_161 = vector.multi_reduction <maximumf>, %select_n3A_159, %reduce_max3A_160 [1] : vector<256x8xf32> to vector<256xf32>
    %broadcast_in_dim3A_162 = vector.shape_cast %reduce_max3A_161 : vector<256xf32> to vector<256x1xf32>
    %eq3A_163 = vector.broadcast %broadcast_in_dim3A_162 : vector<256x1xf32> to vector<256x8xf32>
    %eq3A_164 = arith.cmpf oeq, %select_n3A_159, %eq3A_163 : vector<256x8xf32>
    %jit3A_165 = arith.constant 8 : i32
    %broadcast_in_dim3A_166 = vector.broadcast %jit3A_165 : i32 to vector<256x8xi32>
    %select_n3A_167 = arith.select %eq3A_164, %iota3A, %broadcast_in_dim3A_166 : vector<256x8xi1>, vector<256x8xi32>
    %reduce_min3A_168 = arith.constant dense<2147483647> : vector<256xi32>
    %reduce_min3A_169 = vector.multi_reduction <minsi>, %select_n3A_167, %reduce_min3A_168 [1] : vector<256x8xi32> to vector<256xi32>
    %broadcast_in_dim3A_170 = vector.shape_cast %reduce_min3A_169 : vector<256xi32> to vector<256x1xi32>
    %eq3A_171 = vector.broadcast %broadcast_in_dim3A_170 : vector<256x1xi32> to vector<256x8xi32>
    %eq3A_172 = arith.cmpi eq, %iota3A, %eq3A_171 : vector<256x8xi32>
    %jit3A_173 = arith.constant 0.000000e+00 : f32
    %broadcast_in_dim3A_174 = vector.shape_cast %broadcast_in_dim3A_146 : vector<256x1xf32> to vector<256x1xf32>
    %broadcast_in_dim3A_175 = vector.broadcast %broadcast_in_dim3A_174 : vector<256x1xf32> to vector<256x8xf32>
    %broadcast_in_dim3A_176 = vector.broadcast %jit3A_173 : f32 to vector<256x8xf32>
    %select_n3A_177 = arith.select %eq3A_156, %broadcast_in_dim3A_175, %broadcast_in_dim3A_176 : vector<256x8xi1>, vector<256x8xf32>
    %jit3A_178 = arith.constant 0.000000e+00 : f32
    %broadcast_in_dim3A_179 = vector.shape_cast %broadcast_in_dim3A_162 : vector<256x1xf32> to vector<256x1xf32>
    %broadcast_in_dim3A_180 = vector.broadcast %broadcast_in_dim3A_179 : vector<256x1xf32> to vector<256x8xf32>
    %broadcast_in_dim3A_181 = vector.broadcast %jit3A_178 : f32 to vector<256x8xf32>
    %select_n3A_182 = arith.select %eq3A_172, %broadcast_in_dim3A_180, %broadcast_in_dim3A_181 : vector<256x8xi1>, vector<256x8xf32>
    %add3A_183 = arith.addf %select_n3A_177, %select_n3A_182 : vector<256x8xf32>
    %get3A_184 = arith.constant 0 : index
    %get3A_185 = arith.constant 0 : index
    %get3A_186 = vector.load %arg3[%get3A_184, %get3A_185] : memref<8x768xf32, #tpu.memory_space<vmem>>, vector<8x768xf32>
    %dot_general3A_187 = arith.constant dense<0.000000e+00> : vector<256x768xf32>
    %dot_general3A_188 = tpu.matmul %add3A_183, %get3A_186, %dot_general3A_187 {dimension_numbers = #tpu.dot_dimension_numbers<[1], [0], [0], [1], [0, 0, 1, 1], [], []>, transpose_lhs_hint = false} : vector<256x8xf32>, vector<8x768xf32>, vector<256x768xf32> -> vector<256x768xf32>
    %swap3A_189 = arith.constant 256 : index
    %swap3A_190 = arith.constant 0 : index
    %swap3A_191 = vector.load %arg8[%swap3A_189, %swap3A_190] : memref<2048x768xf32, #tpu.memory_space<vmem>>, vector<256x768xf32>
    tpu.vector_store %arg8[%swap3A_189, %swap3A_190], %dot_general3A_188 {strides = array<i32>} : memref<2048x768xf32, #tpu.memory_space<vmem>>, vector<256x768xf32>,
    %mul3A_192 = vector.broadcast %broadcast_in_dim3A_146 : vector<256x1xf32> to vector<256x768xf32>
    %mul3A_193 = arith.mulf %mul3A_192, %get3A_122 : vector<256x768xf32>
    %swap3A_194 = arith.constant 0 : index
    %swap3A_195 = arith.constant 256 : index
    %swap3A_196 = arith.constant 0 : index
    %swap3A_197 = vector.load %arg4[%swap3A_194, %swap3A_195, %swap3A_196] : memref<2x2048x768xf32, #tpu.memory_space<vmem>>, vector<1x256x768xf32>
    %swap3A_198 = vector.shape_cast %swap3A_197 : vector<1x256x768xf32> to vector<256x768xf32>
    %swap3A_199 = vector.shape_cast %mul3A_193 : vector<256x768xf32> to vector<1x256x768xf32>
    tpu.vector_store %arg4[%swap3A_194, %swap3A_195, %swap3A_196], %swap3A_199 {strides = array<i32>} : memref<2x2048x768xf32, #tpu.memory_space<vmem>>, vector<1x256x768xf32>,
    %mul3A_200 = vector.broadcast %broadcast_in_dim3A_162 : vector<256x1xf32> to vector<256x768xf32>
    %mul3A_201 = arith.mulf %mul3A_200, %get3A_122 : vector<256x768xf32>
    %swap3A_202 = arith.constant 1 : index
    %swap3A_203 = arith.constant 256 : index
    %swap3A_204 = arith.constant 0 : index
    %swap3A_205 = vector.load %arg4[%swap3A_202, %swap3A_203, %swap3A_204] : memref<2x2048x768xf32, #tpu.memory_space<vmem>>, vector<1x256x768xf32>
    %swap3A_206 = vector.shape_cast %swap3A_205 : vector<1x256x768xf32> to vector<256x768xf32>
    %swap3A_207 = vector.shape_cast %mul3A_201 : vector<256x768xf32> to vector<1x256x768xf32>
    tpu.vector_store %arg4[%swap3A_202, %swap3A_203, %swap3A_204], %swap3A_207 {strides = array<i32>} : memref<2x2048x768xf32, #tpu.memory_space<vmem>>, vector<1x256x768xf32>,
    %convert_element_type3A_208 = arith.extui %eq3A_156 : vector<256x8xi1> to vector<256x8xi32>
    %convert_element_type3A_209 = arith.sitofp %convert_element_type3A_208 : vector<256x8xi32> to vector<256x8xf32>
    %convert_element_type3A_210 = arith.extui %eq3A_172 : vector<256x8xi1> to vector<256x8xi32>
    %convert_element_type3A_211 = arith.sitofp %convert_element_type3A_210 : vector<256x8xi32> to vector<256x8xf32>
    %add3A_212 = arith.addf %convert_element_type3A_209, %convert_element_type3A_211 : vector<256x8xf32>
    %dot_general3A_213 = arith.constant dense<0.000000e+00> : vector<256x8xf32>
    %dot_general3A_214 = tpu.matmul %convert_element_type3A_3, %add3A_212, %dot_general3A_213 {dimension_numbers = #tpu.dot_dimension_numbers<[1], [0], [0], [1], [0, 0, 1, 1], [], []>, transpose_lhs_hint = false} : vector<256x256xf32>, vector<256x8xf32>, vector<256x8xf32> -> vector<256x8xf32>
    %add3A_215 = vector.broadcast %slice3A : vector<1x8xf32> to vector<256x8xf32>
    %add3A_216 = arith.addf %dot_general3A_214, %add3A_215 : vector<256x8xf32>
    %swap3A_217 = arith.constant 256 : index
    %swap3A_218 = arith.constant 0 : index
    %swap3A_219 = vector.load %arg10[%swap3A_217, %swap3A_218] : memref<2048x8xf32, #tpu.memory_space<vmem>>, vector<256x8xf32>
    tpu.vector_store %arg10[%swap3A_217, %swap3A_218], %add3A_216 {strides = array<i32>} : memref<2048x8xf32, #tpu.memory_space<vmem>>, vector<256x8xf32>,
    %slice3A_220 = vector.extract_strided_slice %add3A_216 {offsets = [255, 0], sizes = [1, 8], strides = [1, 1]} : vector<256x8xf32> to vector<1x8xf32>
    %eq3A_221 = arith.constant 0 : i32
    %eq3A_222 = vector.broadcast %eq3A_221 : i32 to vector<256x128xi32>
    %eq3A_223 = arith.cmpi eq, %iota3A_0, %eq3A_222 : vector<256x128xi32>
    %eq3A_224 = arith.constant 1 : i32
    %eq3A_225 = vector.broadcast %eq3A_224 : i32 to vector<256x128xi32>
    %eq3A_226 = arith.cmpi eq, %iota3A_0, %eq3A_225 : vector<256x128xi32>
    %jit3A_227 = arith.constant 0 : i32
    %broadcast_in_dim3A_228 = vector.shape_cast %broadcast_in_dim3A_170 : vector<256x1xi32> to vector<256x1xi32>
    %broadcast_in_dim3A_229 = vector.broadcast %broadcast_in_dim3A_228 : vector<256x1xi32> to vector<256x128xi32>
    %broadcast_in_dim3A_230 = vector.broadcast %jit3A_227 : i32 to vector<256x128xi32>
    %select_n3A_231 = arith.select %eq3A_226, %broadcast_in_dim3A_229, %broadcast_in_dim3A_230 : vector<256x128xi1>, vector<256x128xi32>
    %broadcast_in_dim3A_232 = vector.shape_cast %broadcast_in_dim3A_154 : vector<256x1xi32> to vector<256x1xi32>
    %broadcast_in_dim3A_233 = vector.broadcast %broadcast_in_dim3A_232 : vector<256x1xi32> to vector<256x128xi32>
    %select_n3A_234 = arith.select %eq3A_223, %broadcast_in_dim3A_233, %select_n3A_231 : vector<256x128xi1>, vector<256x128xi32>
    %swap3A_235 = arith.constant 256 : index
    %swap3A_236 = arith.constant 0 : index
    %swap3A_237 = vector.load %arg5[%swap3A_235, %swap3A_236] : memref<2048x128xi32, #tpu.memory_space<vmem>>, vector<256x128xi32>
    tpu.vector_store %arg5[%swap3A_235, %swap3A_236], %select_n3A_234 {strides = array<i32>} : memref<2048x128xi32, #tpu.memory_space<vmem>>, vector<256x128xi32>,
    %reduce_sum3A_238 = arith.constant dense<0.000000e+00> : vector<8xf32>
    %reduce_sum3A_239 = vector.multi_reduction <add>, %add3A_212, %reduce_sum3A_238 [0] : vector<256x8xf32> to vector<8xf32>
    %broadcast_in_dim3A_240 = vector.shape_cast %reduce_sum3A_239 : vector<8xf32> to vector<1x8xf32>
    %add3A_241 = arith.addf %add3A_115, %broadcast_in_dim3A_240 : vector<1x8xf32>
    %reduce_sum3A_242 = arith.constant dense<0.000000e+00> : vector<8xf32>
    %reduce_sum3A_243 = vector.multi_reduction <add>, %div3A_143, %reduce_sum3A_242 [0] : vector<256x8xf32> to vector<8xf32>
    %broadcast_in_dim3A_244 = vector.shape_cast %reduce_sum3A_243 : vector<8xf32> to vector<1x8xf32>
    %add3A_245 = arith.addf %add3A_119, %broadcast_in_dim3A_244 : vector<1x8xf32>
    %get3A_246 = arith.constant 512 : index
    %get3A_247 = arith.constant 0 : index
    %get3A_248 = vector.load %arg0[%get3A_246, %get3A_247] : memref<2048x768xf32, #tpu.memory_space<vmem>>, vector<256x768xf32>
    %get3A_249 = arith.constant 0 : index
    %get3A_250 = arith.constant 0 : index
    %get3A_251 = vector.load %arg1[%get3A_249, %get3A_250] : memref<768x8xf32, #tpu.memory_space<vmem>>, vector<768x8xf32>
    %dot_general3A_252 = arith.constant dense<0.000000e+00> : vector<256x8xf32>
    %dot_general3A_253 = tpu.matmul %get3A_248, %get3A_251, %dot_general3A_252 {dimension_numbers = #tpu.dot_dimension_numbers<[1], [0], [0], [1], [0, 0, 1, 1], [], []>, transpose_lhs_hint = false} : vector<256x768xf32>, vector<768x8xf32>, vector<256x8xf32> -> vector<256x8xf32>
    %get3A_254 = arith.constant 0 : index
    %get3A_255 = arith.constant 0 : index
    %get3A_256 = vector.load %arg2[%get3A_254, %get3A_255] : memref<1x8xf32, #tpu.memory_space<vmem>>, vector<1x8xf32>
    %add3A_257 = vector.broadcast %get3A_256 : vector<1x8xf32> to vector<256x8xf32>
    %add3A_258 = arith.addf %dot_general3A_253, %add3A_257 : vector<256x8xf32>
    %reduce_max3A_259 = arith.constant dense<0xFF800000> : vector<256xf32>
    %reduce_max3A_260 = vector.multi_reduction <maximumf>, %add3A_258, %reduce_max3A_259 [1] : vector<256x8xf32> to vector<256xf32>
    %broadcast_in_dim3A_261 = vector.shape_cast %reduce_max3A_260 : vector<256xf32> to vector<256x1xf32>
    %sub3A_262 = vector.broadcast %broadcast_in_dim3A_261 : vector<256x1xf32> to vector<256x8xf32>
    %sub3A_263 = arith.subf %add3A_258, %sub3A_262 : vector<256x8xf32>
    %exp3A_264 = math.exp %sub3A_263 : vector<256x8xf32>
    %reduce_sum3A_265 = arith.constant dense<0.000000e+00> : vector<256xf32>
    %reduce_sum3A_266 = vector.multi_reduction <add>, %exp3A_264, %reduce_sum3A_265 [1] : vector<256x8xf32> to vector<256xf32>
    %broadcast_in_dim3A_267 = vector.shape_cast %reduce_sum3A_266 : vector<256xf32> to vector<256x1xf32>
    %div3A_268 = vector.broadcast %broadcast_in_dim3A_267 : vector<256x1xf32> to vector<256x8xf32>
    %div3A_269 = arith.divf %exp3A_264, %div3A_268 : vector<256x8xf32>
    %reduce_max3A_270 = arith.constant dense<0xFF800000> : vector<256xf32>
    %reduce_max3A_271 = vector.multi_reduction <maximumf>, %div3A_269, %reduce_max3A_270 [1] : vector<256x8xf32> to vector<256xf32>
    %broadcast_in_dim3A_272 = vector.shape_cast %reduce_max3A_271 : vector<256xf32> to vector<256x1xf32>
    %eq3A_273 = vector.broadcast %broadcast_in_dim3A_272 : vector<256x1xf32> to vector<256x8xf32>
    %eq3A_274 = arith.cmpf oeq, %div3A_269, %eq3A_273 : vector<256x8xf32>
    %jit3A_275 = arith.constant 8 : i32
    %broadcast_in_dim3A_276 = vector.broadcast %jit3A_275 : i32 to vector<256x8xi32>
    %select_n3A_277 = arith.select %eq3A_274, %iota3A, %broadcast_in_dim3A_276 : vector<256x8xi1>, vector<256x8xi32>
    %reduce_min3A_278 = arith.constant dense<2147483647> : vector<256xi32>
    %reduce_min3A_279 = vector.multi_reduction <minsi>, %select_n3A_277, %reduce_min3A_278 [1] : vector<256x8xi32> to vector<256xi32>
    %broadcast_in_dim3A_280 = vector.shape_cast %reduce_min3A_279 : vector<256xi32> to vector<256x1xi32>
    %eq3A_281 = vector.broadcast %broadcast_in_dim3A_280 : vector<256x1xi32> to vector<256x8xi32>
    %eq3A_282 = arith.cmpi eq, %iota3A, %eq3A_281 : vector<256x8xi32>
    %jit3A_283 = arith.constant -1.000000e+00 : f32
    %broadcast_in_dim3A_284 = vector.broadcast %jit3A_283 : f32 to vector<256x8xf32>
    %select_n3A_285 = arith.select %eq3A_282, %broadcast_in_dim3A_284, %div3A_269 : vector<256x8xi1>, vector<256x8xf32>
    %reduce_max3A_286 = arith.constant dense<0xFF800000> : vector<256xf32>
    %reduce_max3A_287 = vector.multi_reduction <maximumf>, %select_n3A_285, %reduce_max3A_286 [1] : vector<256x8xf32> to vector<256xf32>
    %broadcast_in_dim3A_288 = vector.shape_cast %reduce_max3A_287 : vector<256xf32> to vector<256x1xf32>
    %eq3A_289 = vector.broadcast %broadcast_in_dim3A_288 : vector<256x1xf32> to vector<256x8xf32>
    %eq3A_290 = arith.cmpf oeq, %select_n3A_285, %eq3A_289 : vector<256x8xf32>
    %jit3A_291 = arith.constant 8 : i32
    %broadcast_in_dim3A_292 = vector.broadcast %jit3A_291 : i32 to vector<256x8xi32>
    %select_n3A_293 = arith.select %eq3A_290, %iota3A, %broadcast_in_dim3A_292 : vector<256x8xi1>, vector<256x8xi32>
    %reduce_min3A_294 = arith.constant dense<2147483647> : vector<256xi32>
    %reduce_min3A_295 = vector.multi_reduction <minsi>, %select_n3A_293, %reduce_min3A_294 [1] : vector<256x8xi32> to vector<256xi32>
    %broadcast_in_dim3A_296 = vector.shape_cast %reduce_min3A_295 : vector<256xi32> to vector<256x1xi32>
    %eq3A_297 = vector.broadcast %broadcast_in_dim3A_296 : vector<256x1xi32> to vector<256x8xi32>
    %eq3A_298 = arith.cmpi eq, %iota3A, %eq3A_297 : vector<256x8xi32>
    %jit3A_299 = arith.constant 0.000000e+00 : f32
    %broadcast_in_dim3A_300 = vector.shape_cast %broadcast_in_dim3A_272 : vector<256x1xf32> to vector<256x1xf32>
    %broadcast_in_dim3A_301 = vector.broadcast %broadcast_in_dim3A_300 : vector<256x1xf32> to vector<256x8xf32>
    %broadcast_in_dim3A_302 = vector.broadcast %jit3A_299 : f32 to vector<256x8xf32>
    %select_n3A_303 = arith.select %eq3A_282, %broadcast_in_dim3A_301, %broadcast_in_dim3A_302 : vector<256x8xi1>, vector<256x8xf32>
    %jit3A_304 = arith.constant 0.000000e+00 : f32
    %broadcast_in_dim3A_305 = vector.shape_cast %broadcast_in_dim3A_288 : vector<256x1xf32> to vector<256x1xf32>
    %broadcast_in_dim3A_306 = vector.broadcast %broadcast_in_dim3A_305 : vector<256x1xf32> to vector<256x8xf32>
    %broadcast_in_dim3A_307 = vector.broadcast %jit3A_304 : f32 to vector<256x8xf32>
    %select_n3A_308 = arith.select %eq3A_298, %broadcast_in_dim3A_306, %broadcast_in_dim3A_307 : vector<256x8xi1>, vector<256x8xf32>
    %add3A_309 = arith.addf %select_n3A_303, %select_n3A_308 : vector<256x8xf32>
    %get3A_310 = arith.constant 0 : index
    %get3A_311 = arith.constant 0 : index
    %get3A_312 = vector.load %arg3[%get3A_310, %get3A_311] : memref<8x768xf32, #tpu.memory_space<vmem>>, vector<8x768xf32>
    %dot_general3A_313 = arith.constant dense<0.000000e+00> : vector<256x768xf32>
    %dot_general3A_314 = tpu.matmul %add3A_309, %get3A_312, %dot_general3A_313 {dimension_numbers = #tpu.dot_dimension_numbers<[1], [0], [0], [1], [0, 0, 1, 1], [], []>, transpose_lhs_hint = false} : vector<256x8xf32>, vector<8x768xf32>, vector<256x768xf32> -> vector<256x768xf32>
    %swap3A_315 = arith.constant 512 : index
    %swap3A_316 = arith.constant 0 : index
    %swap3A_317 = vector.load %arg8[%swap3A_315, %swap3A_316] : memref<2048x768xf32, #tpu.memory_space<vmem>>, vector<256x768xf32>
    tpu.vector_store %arg8[%swap3A_315, %swap3A_316], %dot_general3A_314 {strides = array<i32>} : memref<2048x768xf32, #tpu.memory_space<vmem>>, vector<256x768xf32>,
    %mul3A_318 = vector.broadcast %broadcast_in_dim3A_272 : vector<256x1xf32> to vector<256x768xf32>
    %mul3A_319 = arith.mulf %mul3A_318, %get3A_248 : vector<256x768xf32>
    %swap3A_320 = arith.constant 0 : index
    %swap3A_321 = arith.constant 512 : index
    %swap3A_322 = arith.constant 0 : index
    %swap3A_323 = vector.load %arg4[%swap3A_320, %swap3A_321, %swap3A_322] : memref<2x2048x768xf32, #tpu.memory_space<vmem>>, vector<1x256x768xf32>
    %swap3A_324 = vector.shape_cast %swap3A_323 : vector<1x256x768xf32> to vector<256x768xf32>
    %swap3A_325 = vector.shape_cast %mul3A_319 : vector<256x768xf32> to vector<1x256x768xf32>
    tpu.vector_store %arg4[%swap3A_320, %swap3A_321, %swap3A_322], %swap3A_325 {strides = array<i32>} : memref<2x2048x768xf32, #tpu.memory_space<vmem>>, vector<1x256x768xf32>,
    %mul3A_326 = vector.broadcast %broadcast_in_dim3A_288 : vector<256x1xf32> to vector<256x768xf32>
    %mul3A_327 = arith.mulf %mul3A_326, %get3A_248 : vector<256x768xf32>
    %swap3A_328 = arith.constant 1 : index
    %swap3A_329 = arith.constant 512 : index
    %swap3A_330 = arith.constant 0 : index
    %swap3A_331 = vector.load %arg4[%swap3A_328, %swap3A_329, %swap3A_330] : memref<2x2048x768xf32, #tpu.memory_space<vmem>>, vector<1x256x768xf32>
    %swap3A_332 = vector.shape_cast %swap3A_331 : vector<1x256x768xf32> to vector<256x768xf32>
    %swap3A_333 = vector.shape_cast %mul3A_327 : vector<256x768xf32> to vector<1x256x768xf32>
    tpu.vector_store %arg4[%swap3A_328, %swap3A_329, %swap3A_330], %swap3A_333 {strides = array<i32>} : memref<2x2048x768xf32, #tpu.memory_space<vmem>>, vector<1x256x768xf32>,
    %convert_element_type3A_334 = arith.extui %eq3A_282 : vector<256x8xi1> to vector<256x8xi32>
    %convert_element_type3A_335 = arith.sitofp %convert_element_type3A_334 : vector<256x8xi32> to vector<256x8xf32>
    %convert_element_type3A_336 = arith.extui %eq3A_298 : vector<256x8xi1> to vector<256x8xi32>
    %convert_element_type3A_337 = arith.sitofp %convert_element_type3A_336 : vector<256x8xi32> to vector<256x8xf32>
    %add3A_338 = arith.addf %convert_element_type3A_335, %convert_element_type3A_337 : vector<256x8xf32>
    %dot_general3A_339 = arith.constant dense<0.000000e+00> : vector<256x8xf32>
    %dot_general3A_340 = tpu.matmul %convert_element_type3A_3, %add3A_338, %dot_general3A_339 {dimension_numbers = #tpu.dot_dimension_numbers<[1], [0], [0], [1], [0, 0, 1, 1], [], []>, transpose_lhs_hint = false} : vector<256x256xf32>, vector<256x8xf32>, vector<256x8xf32> -> vector<256x8xf32>
    %add3A_341 = vector.broadcast %slice3A_220 : vector<1x8xf32> to vector<256x8xf32>
    %add3A_342 = arith.addf %dot_general3A_340, %add3A_341 : vector<256x8xf32>
    %swap3A_343 = arith.constant 512 : index
    %swap3A_344 = arith.constant 0 : index
    %swap3A_345 = vector.load %arg10[%swap3A_343, %swap3A_344] : memref<2048x8xf32, #tpu.memory_space<vmem>>, vector<256x8xf32>
    tpu.vector_store %arg10[%swap3A_343, %swap3A_344], %add3A_342 {strides = array<i32>} : memref<2048x8xf32, #tpu.memory_space<vmem>>, vector<256x8xf32>,
    %slice3A_346 = vector.extract_strided_slice %add3A_342 {offsets = [255, 0], sizes = [1, 8], strides = [1, 1]} : vector<256x8xf32> to vector<1x8xf32>
    %eq3A_347 = arith.constant 0 : i32
    %eq3A_348 = vector.broadcast %eq3A_347 : i32 to vector<256x128xi32>
    %eq3A_349 = arith.cmpi eq, %iota3A_0, %eq3A_348 : vector<256x128xi32>
    %eq3A_350 = arith.constant 1 : i32
    %eq3A_351 = vector.broadcast %eq3A_350 : i32 to vector<256x128xi32>
    %eq3A_352 = arith.cmpi eq, %iota3A_0, %eq3A_351 : vector<256x128xi32>
    %jit3A_353 = arith.constant 0 : i32
    %broadcast_in_dim3A_354 = vector.shape_cast %broadcast_in_dim3A_296 : vector<256x1xi32> to vector<256x1xi32>
    %broadcast_in_dim3A_355 = vector.broadcast %broadcast_in_dim3A_354 : vector<256x1xi32> to vector<256x128xi32>
    %broadcast_in_dim3A_356 = vector.broadcast %jit3A_353 : i32 to vector<256x128xi32>
    %select_n3A_357 = arith.select %eq3A_352, %broadcast_in_dim3A_355, %broadcast_in_dim3A_356 : vector<256x128xi1>, vector<256x128xi32>
    %broadcast_in_dim3A_358 = vector.shape_cast %broadcast_in_dim3A_280 : vector<256x1xi32> to vector<256x1xi32>
    %broadcast_in_dim3A_359 = vector.broadcast %broadcast_in_dim3A_358 : vector<256x1xi32> to vector<256x128xi32>
    %select_n3A_360 = arith.select %eq3A_349, %broadcast_in_dim3A_359, %select_n3A_357 : vector<256x128xi1>, vector<256x128xi32>
    %swap3A_361 = arith.constant 512 : index
    %swap3A_362 = arith.constant 0 : index
    %swap3A_363 = vector.load %arg5[%swap3A_361, %swap3A_362] : memref<2048x128xi32, #tpu.memory_space<vmem>>, vector<256x128xi32>
    tpu.vector_store %arg5[%swap3A_361, %swap3A_362], %select_n3A_360 {strides = array<i32>} : memref<2048x128xi32, #tpu.memory_space<vmem>>, vector<256x128xi32>,
    %reduce_sum3A_364 = arith.constant dense<0.000000e+00> : vector<8xf32>
    %reduce_sum3A_365 = vector.multi_reduction <add>, %add3A_338, %reduce_sum3A_364 [0] : vector<256x8xf32> to vector<8xf32>
    %broadcast_in_dim3A_366 = vector.shape_cast %reduce_sum3A_365 : vector<8xf32> to vector<1x8xf32>
    %add3A_367 = arith.addf %add3A_241, %broadcast_in_dim3A_366 : vector<1x8xf32>
    %reduce_sum3A_368 = arith.constant dense<0.000000e+00> : vector<8xf32>
    %reduce_sum3A_369 = vector.multi_reduction <add>, %div3A_269, %reduce_sum3A_368 [0] : vector<256x8xf32> to vector<8xf32>
    %broadcast_in_dim3A_370 = vector.shape_cast %reduce_sum3A_369 : vector<8xf32> to vector<1x8xf32>
    %add3A_371 = arith.addf %add3A_245, %broadcast_in_dim3A_370 : vector<1x8xf32>
    %get3A_372 = arith.constant 768 : index
    %get3A_373 = arith.constant 0 : index
    %get3A_374 = vector.load %arg0[%get3A_372, %get3A_373] : memref<2048x768xf32, #tpu.memory_space<vmem>>, vector<256x768xf32>
    %get3A_375 = arith.constant 0 : index
    %get3A_376 = arith.constant 0 : index
    %get3A_377 = vector.load %arg1[%get3A_375, %get3A_376] : memref<768x8xf32, #tpu.memory_space<vmem>>, vector<768x8xf32>
    %dot_general3A_378 = arith.constant dense<0.000000e+00> : vector<256x8xf32>
    %dot_general3A_379 = tpu.matmul %get3A_374, %get3A_377, %dot_general3A_378 {dimension_numbers = #tpu.dot_dimension_numbers<[1], [0], [0], [1], [0, 0, 1, 1], [], []>, transpose_lhs_hint = false} : vector<256x768xf32>, vector<768x8xf32>, vector<256x8xf32> -> vector<256x8xf32>
    %get3A_380 = arith.constant 0 : index
    %get3A_381 = arith.constant 0 : index
    %get3A_382 = vector.load %arg2[%get3A_380, %get3A_381] : memref<1x8xf32, #tpu.memory_space<vmem>>, vector<1x8xf32>
    %add3A_383 = vector.broadcast %get3A_382 : vector<1x8xf32> to vector<256x8xf32>
    %add3A_384 = arith.addf %dot_general3A_379, %add3A_383 : vector<256x8xf32>
    %reduce_max3A_385 = arith.constant dense<0xFF800000> : vector<256xf32>
    %reduce_max3A_386 = vector.multi_reduction <maximumf>, %add3A_384, %reduce_max3A_385 [1] : vector<256x8xf32> to vector<256xf32>
    %broadcast_in_dim3A_387 = vector.shape_cast %reduce_max3A_386 : vector<256xf32> to vector<256x1xf32>
    %sub3A_388 = vector.broadcast %broadcast_in_dim3A_387 : vector<256x1xf32> to vector<256x8xf32>
    %sub3A_389 = arith.subf %add3A_384, %sub3A_388 : vector<256x8xf32>
    %exp3A_390 = math.exp %sub3A_389 : vector<256x8xf32>
    %reduce_sum3A_391 = arith.constant dense<0.000000e+00> : vector<256xf32>
    %reduce_sum3A_392 = vector.multi_reduction <add>, %exp3A_390, %reduce_sum3A_391 [1] : vector<256x8xf32> to vector<256xf32>
    %broadcast_in_dim3A_393 = vector.shape_cast %reduce_sum3A_392 : vector<256xf32> to vector<256x1xf32>
    %div3A_394 = vector.broadcast %broadcast_in_dim3A_393 : vector<256x1xf32> to vector<256x8xf32>
    %div3A_395 = arith.divf %exp3A_390, %div3A_394 : vector<256x8xf32>
    %reduce_max3A_396 = arith.constant dense<0xFF800000> : vector<256xf32>
    %reduce_max3A_397 = vector.multi_reduction <maximumf>, %div3A_395, %reduce_max3A_396 [1] : vector<256x8xf32> to vector<256xf32>
    %broadcast_in_dim3A_398 = vector.shape_cast %reduce_max3A_397 : vector<256xf32> to vector<256x1xf32>
    %eq3A_399 = vector.broadcast %broadcast_in_dim3A_398 : vector<256x1xf32> to vector<256x8xf32>
    %eq3A_400 = arith.cmpf oeq, %div3A_395, %eq3A_399 : vector<256x8xf32>
    %jit3A_401 = arith.constant 8 : i32
    %broadcast_in_dim3A_402 = vector.broadcast %jit3A_401 : i32 to vector<256x8xi32>
    %select_n3A_403 = arith.select %eq3A_400, %iota3A, %broadcast_in_dim3A_402 : vector<256x8xi1>, vector<256x8xi32>
    %reduce_min3A_404 = arith.constant dense<2147483647> : vector<256xi32>
    %reduce_min3A_405 = vector.multi_reduction <minsi>, %select_n3A_403, %reduce_min3A_404 [1] : vector<256x8xi32> to vector<256xi32>
    %broadcast_in_dim3A_406 = vector.shape_cast %reduce_min3A_405 : vector<256xi32> to vector<256x1xi32>
    %eq3A_407 = vector.broadcast %broadcast_in_dim3A_406 : vector<256x1xi32> to vector<256x8xi32>
    %eq3A_408 = arith.cmpi eq, %iota3A, %eq3A_407 : vector<256x8xi32>
    %jit3A_409 = arith.constant -1.000000e+00 : f32
    %broadcast_in_dim3A_410 = vector.broadcast %jit3A_409 : f32 to vector<256x8xf32>
    %select_n3A_411 = arith.select %eq3A_408, %broadcast_in_dim3A_410, %div3A_395 : vector<256x8xi1>, vector<256x8xf32>
    %reduce_max3A_412 = arith.constant dense<0xFF800000> : vector<256xf32>
    %reduce_max3A_413 = vector.multi_reduction <maximumf>, %select_n3A_411, %reduce_max3A_412 [1] : vector<256x8xf32> to vector<256xf32>
    %broadcast_in_dim3A_414 = vector.shape_cast %reduce_max3A_413 : vector<256xf32> to vector<256x1xf32>
    %eq3A_415 = vector.broadcast %broadcast_in_dim3A_414 : vector<256x1xf32> to vector<256x8xf32>
    %eq3A_416 = arith.cmpf oeq, %select_n3A_411, %eq3A_415 : vector<256x8xf32>
    %jit3A_417 = arith.constant 8 : i32
    %broadcast_in_dim3A_418 = vector.broadcast %jit3A_417 : i32 to vector<256x8xi32>
    %select_n3A_419 = arith.select %eq3A_416, %iota3A, %broadcast_in_dim3A_418 : vector<256x8xi1>, vector<256x8xi32>
    %reduce_min3A_420 = arith.constant dense<2147483647> : vector<256xi32>
    %reduce_min3A_421 = vector.multi_reduction <minsi>, %select_n3A_419, %reduce_min3A_420 [1] : vector<256x8xi32> to vector<256xi32>
    %broadcast_in_dim3A_422 = vector.shape_cast %reduce_min3A_421 : vector<256xi32> to vector<256x1xi32>
    %eq3A_423 = vector.broadcast %broadcast_in_dim3A_422 : vector<256x1xi32> to vector<256x8xi32>
    %eq3A_424 = arith.cmpi eq, %iota3A, %eq3A_423 : vector<256x8xi32>
    %jit3A_425 = arith.constant 0.000000e+00 : f32
    %broadcast_in_dim3A_426 = vector.shape_cast %broadcast_in_dim3A_398 : vector<256x1xf32> to vector<256x1xf32>
    %broadcast_in_dim3A_427 = vector.broadcast %broadcast_in_dim3A_426 : vector<256x1xf32> to vector<256x8xf32>
    %broadcast_in_dim3A_428 = vector.broadcast %jit3A_425 : f32 to vector<256x8xf32>
    %select_n3A_429 = arith.select %eq3A_408, %broadcast_in_dim3A_427, %broadcast_in_dim3A_428 : vector<256x8xi1>, vector<256x8xf32>
    %jit3A_430 = arith.constant 0.000000e+00 : f32
    %broadcast_in_dim3A_431 = vector.shape_cast %broadcast_in_dim3A_414 : vector<256x1xf32> to vector<256x1xf32>
    %broadcast_in_dim3A_432 = vector.broadcast %broadcast_in_dim3A_431 : vector<256x1xf32> to vector<256x8xf32>
    %broadcast_in_dim3A_433 = vector.broadcast %jit3A_430 : f32 to vector<256x8xf32>
    %select_n3A_434 = arith.select %eq3A_424, %broadcast_in_dim3A_432, %broadcast_in_dim3A_433 : vector<256x8xi1>, vector<256x8xf32>
    %add3A_435 = arith.addf %select_n3A_429, %select_n3A_434 : vector<256x8xf32>
    %get3A_436 = arith.constant 0 : index
    %get3A_437 = arith.constant 0 : index
    %get3A_438 = vector.load %arg3[%get3A_436, %get3A_437] : memref<8x768xf32, #tpu.memory_space<vmem>>, vector<8x768xf32>
    %dot_general3A_439 = arith.constant dense<0.000000e+00> : vector<256x768xf32>
    %dot_general3A_440 = tpu.matmul %add3A_435, %get3A_438, %dot_general3A_439 {dimension_numbers = #tpu.dot_dimension_numbers<[1], [0], [0], [1], [0, 0, 1, 1], [], []>, transpose_lhs_hint = false} : vector<256x8xf32>, vector<8x768xf32>, vector<256x768xf32> -> vector<256x768xf32>
    %swap3A_441 = arith.constant 768 : index
    %swap3A_442 = arith.constant 0 : index
    %swap3A_443 = vector.load %arg8[%swap3A_441, %swap3A_442] : memref<2048x768xf32, #tpu.memory_space<vmem>>, vector<256x768xf32>
    tpu.vector_store %arg8[%swap3A_441, %swap3A_442], %dot_general3A_440 {strides = array<i32>} : memref<2048x768xf32, #tpu.memory_space<vmem>>, vector<256x768xf32>,
    %mul3A_444 = vector.broadcast %broadcast_in_dim3A_398 : vector<256x1xf32> to vector<256x768xf32>
    %mul3A_445 = arith.mulf %mul3A_444, %get3A_374 : vector<256x768xf32>
    %swap3A_446 = arith.constant 0 : index
    %swap3A_447 = arith.constant 768 : index
    %swap3A_448 = arith.constant 0 : index
    %swap3A_449 = vector.load %arg4[%swap3A_446, %swap3A_447, %swap3A_448] : memref<2x2048x768xf32, #tpu.memory_space<vmem>>, vector<1x256x768xf32>
    %swap3A_450 = vector.shape_cast %swap3A_449 : vector<1x256x768xf32> to vector<256x768xf32>
    %swap3A_451 = vector.shape_cast %mul3A_445 : vector<256x768xf32> to vector<1x256x768xf32>
    tpu.vector_store %arg4[%swap3A_446, %swap3A_447, %swap3A_448], %swap3A_451 {strides = array<i32>} : memref<2x2048x768xf32, #tpu.memory_space<vmem>>, vector<1x256x768xf32>,
    %mul3A_452 = vector.broadcast %broadcast_in_dim3A_414 : vector<256x1xf32> to vector<256x768xf32>
    %mul3A_453 = arith.mulf %mul3A_452, %get3A_374 : vector<256x768xf32>
    %swap3A_454 = arith.constant 1 : index
    %swap3A_455 = arith.constant 768 : index
    %swap3A_456 = arith.constant 0 : index
    %swap3A_457 = vector.load %arg4[%swap3A_454, %swap3A_455, %swap3A_456] : memref<2x2048x768xf32, #tpu.memory_space<vmem>>, vector<1x256x768xf32>
    %swap3A_458 = vector.shape_cast %swap3A_457 : vector<1x256x768xf32> to vector<256x768xf32>
    %swap3A_459 = vector.shape_cast %mul3A_453 : vector<256x768xf32> to vector<1x256x768xf32>
    tpu.vector_store %arg4[%swap3A_454, %swap3A_455, %swap3A_456], %swap3A_459 {strides = array<i32>} : memref<2x2048x768xf32, #tpu.memory_space<vmem>>, vector<1x256x768xf32>,
    %convert_element_type3A_460 = arith.extui %eq3A_408 : vector<256x8xi1> to vector<256x8xi32>
    %convert_element_type3A_461 = arith.sitofp %convert_element_type3A_460 : vector<256x8xi32> to vector<256x8xf32>
    %convert_element_type3A_462 = arith.extui %eq3A_424 : vector<256x8xi1> to vector<256x8xi32>
    %convert_element_type3A_463 = arith.sitofp %convert_element_type3A_462 : vector<256x8xi32> to vector<256x8xf32>
    %add3A_464 = arith.addf %convert_element_type3A_461, %convert_element_type3A_463 : vector<256x8xf32>
    %dot_general3A_465 = arith.constant dense<0.000000e+00> : vector<256x8xf32>
    %dot_general3A_466 = tpu.matmul %convert_element_type3A_3, %add3A_464, %dot_general3A_465 {dimension_numbers = #tpu.dot_dimension_numbers<[1], [0], [0], [1], [0, 0, 1, 1], [], []>, transpose_lhs_hint = false} : vector<256x256xf32>, vector<256x8xf32>, vector<256x8xf32> -> vector<256x8xf32>
    %add3A_467 = vector.broadcast %slice3A_346 : vector<1x8xf32> to vector<256x8xf32>
    %add3A_468 = arith.addf %dot_general3A_466, %add3A_467 : vector<256x8xf32>
    %swap3A_469 = arith.constant 768 : index
    %swap3A_470 = arith.constant 0 : index
    %swap3A_471 = vector.load %arg10[%swap3A_469, %swap3A_470] : memref<2048x8xf32, #tpu.memory_space<vmem>>, vector<256x8xf32>
    tpu.vector_store %arg10[%swap3A_469, %swap3A_470], %add3A_468 {strides = array<i32>} : memref<2048x8xf32, #tpu.memory_space<vmem>>, vector<256x8xf32>,
    %slice3A_472 = vector.extract_strided_slice %add3A_468 {offsets = [255, 0], sizes = [1, 8], strides = [1, 1]} : vector<256x8xf32> to vector<1x8xf32>
    %eq3A_473 = arith.constant 0 : i32
    %eq3A_474 = vector.broadcast %eq3A_473 : i32 to vector<256x128xi32>
    %eq3A_475 = arith.cmpi eq, %iota3A_0, %eq3A_474 : vector<256x128xi32>
    %eq3A_476 = arith.constant 1 : i32
    %eq3A_477 = vector.broadcast %eq3A_476 : i32 to vector<256x128xi32>
    %eq3A_478 = arith.cmpi eq, %iota3A_0, %eq3A_477 : vector<256x128xi32>
    %jit3A_479 = arith.constant 0 : i32
    %broadcast_in_dim3A_480 = vector.shape_cast %broadcast_in_dim3A_422 : vector<256x1xi32> to vector<256x1xi32>
    %broadcast_in_dim3A_481 = vector.broadcast %broadcast_in_dim3A_480 : vector<256x1xi32> to vector<256x128xi32>
    %broadcast_in_dim3A_482 = vector.broadcast %jit3A_479 : i32 to vector<256x128xi32>
    %select_n3A_483 = arith.select %eq3A_478, %broadcast_in_dim3A_481, %broadcast_in_dim3A_482 : vector<256x128xi1>, vector<256x128xi32>
    %broadcast_in_dim3A_484 = vector.shape_cast %broadcast_in_dim3A_406 : vector<256x1xi32> to vector<256x1xi32>
    %broadcast_in_dim3A_485 = vector.broadcast %broadcast_in_dim3A_484 : vector<256x1xi32> to vector<256x128xi32>
    %select_n3A_486 = arith.select %eq3A_475, %broadcast_in_dim3A_485, %select_n3A_483 : vector<256x128xi1>, vector<256x128xi32>
    %swap3A_487 = arith.constant 768 : index
    %swap3A_488 = arith.constant 0 : index
    %swap3A_489 = vector.load %arg5[%swap3A_487, %swap3A_488] : memref<2048x128xi32, #tpu.memory_space<vmem>>, vector<256x128xi32>
    tpu.vector_store %arg5[%swap3A_487, %swap3A_488], %select_n3A_486 {strides = array<i32>} : memref<2048x128xi32, #tpu.memory_space<vmem>>, vector<256x128xi32>,
    %reduce_sum3A_490 = arith.constant dense<0.000000e+00> : vector<8xf32>
    %reduce_sum3A_491 = vector.multi_reduction <add>, %add3A_464, %reduce_sum3A_490 [0] : vector<256x8xf32> to vector<8xf32>
    %broadcast_in_dim3A_492 = vector.shape_cast %reduce_sum3A_491 : vector<8xf32> to vector<1x8xf32>
    %add3A_493 = arith.addf %add3A_367, %broadcast_in_dim3A_492 : vector<1x8xf32>
    %reduce_sum3A_494 = arith.constant dense<0.000000e+00> : vector<8xf32>
    %reduce_sum3A_495 = vector.multi_reduction <add>, %div3A_395, %reduce_sum3A_494 [0] : vector<256x8xf32> to vector<8xf32>
    %broadcast_in_dim3A_496 = vector.shape_cast %reduce_sum3A_495 : vector<8xf32> to vector<1x8xf32>
    %add3A_497 = arith.addf %add3A_371, %broadcast_in_dim3A_496 : vector<1x8xf32>
    %get3A_498 = arith.constant 1024 : index
    %get3A_499 = arith.constant 0 : index
    %get3A_500 = vector.load %arg0[%get3A_498, %get3A_499] : memref<2048x768xf32, #tpu.memory_space<vmem>>, vector<256x768xf32>
    %get3A_501 = arith.constant 0 : index
    %get3A_502 = arith.constant 0 : index
    %get3A_503 = vector.load %arg1[%get3A_501, %get3A_502] : memref<768x8xf32, #tpu.memory_space<vmem>>, vector<768x8xf32>
    %dot_general3A_504 = arith.constant dense<0.000000e+00> : vector<256x8xf32>
    %dot_general3A_505 = tpu.matmul %get3A_500, %get3A_503, %dot_general3A_504 {dimension_numbers = #tpu.dot_dimension_numbers<[1], [0], [0], [1], [0, 0, 1, 1], [], []>, transpose_lhs_hint = false} : vector<256x768xf32>, vector<768x8xf32>, vector<256x8xf32> -> vector<256x8xf32>
    %get3A_506 = arith.constant 0 : index
    %get3A_507 = arith.constant 0 : index
    %get3A_508 = vector.load %arg2[%get3A_506, %get3A_507] : memref<1x8xf32, #tpu.memory_space<vmem>>, vector<1x8xf32>
    %add3A_509 = vector.broadcast %get3A_508 : vector<1x8xf32> to vector<256x8xf32>
    %add3A_510 = arith.addf %dot_general3A_505, %add3A_509 : vector<256x8xf32>
    %reduce_max3A_511 = arith.constant dense<0xFF800000> : vector<256xf32>
    %reduce_max3A_512 = vector.multi_reduction <maximumf>, %add3A_510, %reduce_max3A_511 [1] : vector<256x8xf32> to vector<256xf32>
    %broadcast_in_dim3A_513 = vector.shape_cast %reduce_max3A_512 : vector<256xf32> to vector<256x1xf32>
    %sub3A_514 = vector.broadcast %broadcast_in_dim3A_513 : vector<256x1xf32> to vector<256x8xf32>
    %sub3A_515 = arith.subf %add3A_510, %sub3A_514 : vector<256x8xf32>
    %exp3A_516 = math.exp %sub3A_515 : vector<256x8xf32>
    %reduce_sum3A_517 = arith.constant dense<0.000000e+00> : vector<256xf32>
    %reduce_sum3A_518 = vector.multi_reduction <add>, %exp3A_516, %reduce_sum3A_517 [1] : vector<256x8xf32> to vector<256xf32>
    %broadcast_in_dim3A_519 = vector.shape_cast %reduce_sum3A_518 : vector<256xf32> to vector<256x1xf32>
    %div3A_520 = vector.broadcast %broadcast_in_dim3A_519 : vector<256x1xf32> to vector<256x8xf32>
    %div3A_521 = arith.divf %exp3A_516, %div3A_520 : vector<256x8xf32>
    %reduce_max3A_522 = arith.constant dense<0xFF800000> : vector<256xf32>
    %reduce_max3A_523 = vector.multi_reduction <maximumf>, %div3A_521, %reduce_max3A_522 [1] : vector<256x8xf32> to vector<256xf32>
    %broadcast_in_dim3A_524 = vector.shape_cast %reduce_max3A_523 : vector<256xf32> to vector<256x1xf32>
    %eq3A_525 = vector.broadcast %broadcast_in_dim3A_524 : vector<256x1xf32> to vector<256x8xf32>
    %eq3A_526 = arith.cmpf oeq, %div3A_521, %eq3A_525 : vector<256x8xf32>
    %jit3A_527 = arith.constant 8 : i32
    %broadcast_in_dim3A_528 = vector.broadcast %jit3A_527 : i32 to vector<256x8xi32>
    %select_n3A_529 = arith.select %eq3A_526, %iota3A, %broadcast_in_dim3A_528 : vector<256x8xi1>, vector<256x8xi32>
    %reduce_min3A_530 = arith.constant dense<2147483647> : vector<256xi32>
    %reduce_min3A_531 = vector.multi_reduction <minsi>, %select_n3A_529, %reduce_min3A_530 [1] : vector<256x8xi32> to vector<256xi32>
    %broadcast_in_dim3A_532 = vector.shape_cast %reduce_min3A_531 : vector<256xi32> to vector<256x1xi32>
    %eq3A_533 = vector.broadcast %broadcast_in_dim3A_532 : vector<256x1xi32> to vector<256x8xi32>
    %eq3A_534 = arith.cmpi eq, %iota3A, %eq3A_533 : vector<256x8xi32>
    %jit3A_535 = arith.constant -1.000000e+00 : f32
    %broadcast_in_dim3A_536 = vector.broadcast %jit3A_535 : f32 to vector<256x8xf32>
    %select_n3A_537 = arith.select %eq3A_534, %broadcast_in_dim3A_536, %div3A_521 : vector<256x8xi1>, vector<256x8xf32>
    %reduce_max3A_538 = arith.constant dense<0xFF800000> : vector<256xf32>
    %reduce_max3A_539 = vector.multi_reduction <maximumf>, %select_n3A_537, %reduce_max3A_538 [1] : vector<256x8xf32> to vector<256xf32>
    %broadcast_in_dim3A_540 = vector.shape_cast %reduce_max3A_539 : vector<256xf32> to vector<256x1xf32>
    %eq3A_541 = vector.broadcast %broadcast_in_dim3A_540 : vector<256x1xf32> to vector<256x8xf32>
    %eq3A_542 = arith.cmpf oeq, %select_n3A_537, %eq3A_541 : vector<256x8xf32>
    %jit3A_543 = arith.constant 8 : i32
    %broadcast_in_dim3A_544 = vector.broadcast %jit3A_543 : i32 to vector<256x8xi32>
    %select_n3A_545 = arith.select %eq3A_542, %iota3A, %broadcast_in_dim3A_544 : vector<256x8xi1>, vector<256x8xi32>
    %reduce_min3A_546 = arith.constant dense<2147483647> : vector<256xi32>
    %reduce_min3A_547 = vector.multi_reduction <minsi>, %select_n3A_545, %reduce_min3A_546 [1] : vector<256x8xi32> to vector<256xi32>
    %broadcast_in_dim3A_548 = vector.shape_cast %reduce_min3A_547 : vector<256xi32> to vector<256x1xi32>
    %eq3A_549 = vector.broadcast %broadcast_in_dim3A_548 : vector<256x1xi32> to vector<256x8xi32>
    %eq3A_550 = arith.cmpi eq, %iota3A, %eq3A_549 : vector<256x8xi32>
    %jit3A_551 = arith.constant 0.000000e+00 : f32
    %broadcast_in_dim3A_552 = vector.shape_cast %broadcast_in_dim3A_524 : vector<256x1xf32> to vector<256x1xf32>
    %broadcast_in_dim3A_553 = vector.broadcast %broadcast_in_dim3A_552 : vector<256x1xf32> to vector<256x8xf32>
    %broadcast_in_dim3A_554 = vector.broadcast %jit3A_551 : f32 to vector<256x8xf32>
    %select_n3A_555 = arith.select %eq3A_534, %broadcast_in_dim3A_553, %broadcast_in_dim3A_554 : vector<256x8xi1>, vector<256x8xf32>
    %jit3A_556 = arith.constant 0.000000e+00 : f32
    %broadcast_in_dim3A_557 = vector.shape_cast %broadcast_in_dim3A_540 : vector<256x1xf32> to vector<256x1xf32>
    %broadcast_in_dim3A_558 = vector.broadcast %broadcast_in_dim3A_557 : vector<256x1xf32> to vector<256x8xf32>
    %broadcast_in_dim3A_559 = vector.broadcast %jit3A_556 : f32 to vector<256x8xf32>
    %select_n3A_560 = arith.select %eq3A_550, %broadcast_in_dim3A_558, %broadcast_in_dim3A_559 : vector<256x8xi1>, vector<256x8xf32>
    %add3A_561 = arith.addf %select_n3A_555, %select_n3A_560 : vector<256x8xf32>
    %get3A_562 = arith.constant 0 : index
    %get3A_563 = arith.constant 0 : index
    %get3A_564 = vector.load %arg3[%get3A_562, %get3A_563] : memref<8x768xf32, #tpu.memory_space<vmem>>, vector<8x768xf32>
    %dot_general3A_565 = arith.constant dense<0.000000e+00> : vector<256x768xf32>
    %dot_general3A_566 = tpu.matmul %add3A_561, %get3A_564, %dot_general3A_565 {dimension_numbers = #tpu.dot_dimension_numbers<[1], [0], [0], [1], [0, 0, 1, 1], [], []>, transpose_lhs_hint = false} : vector<256x8xf32>, vector<8x768xf32>, vector<256x768xf32> -> vector<256x768xf32>
    %swap3A_567 = arith.constant 1024 : index
    %swap3A_568 = arith.constant 0 : index
    %swap3A_569 = vector.load %arg8[%swap3A_567, %swap3A_568] : memref<2048x768xf32, #tpu.memory_space<vmem>>, vector<256x768xf32>
    tpu.vector_store %arg8[%swap3A_567, %swap3A_568], %dot_general3A_566 {strides = array<i32>} : memref<2048x768xf32, #tpu.memory_space<vmem>>, vector<256x768xf32>,
    %mul3A_570 = vector.broadcast %broadcast_in_dim3A_524 : vector<256x1xf32> to vector<256x768xf32>
    %mul3A_571 = arith.mulf %mul3A_570, %get3A_500 : vector<256x768xf32>
    %swap3A_572 = arith.constant 0 : index
    %swap3A_573 = arith.constant 1024 : index
    %swap3A_574 = arith.constant 0 : index
    %swap3A_575 = vector.load %arg4[%swap3A_572, %swap3A_573, %swap3A_574] : memref<2x2048x768xf32, #tpu.memory_space<vmem>>, vector<1x256x768xf32>
    %swap3A_576 = vector.shape_cast %swap3A_575 : vector<1x256x768xf32> to vector<256x768xf32>
    %swap3A_577 = vector.shape_cast %mul3A_571 : vector<256x768xf32> to vector<1x256x768xf32>
    tpu.vector_store %arg4[%swap3A_572, %swap3A_573, %swap3A_574], %swap3A_577 {strides = array<i32>} : memref<2x2048x768xf32, #tpu.memory_space<vmem>>, vector<1x256x768xf32>,
    %mul3A_578 = vector.broadcast %broadcast_in_dim3A_540 : vector<256x1xf32> to vector<256x768xf32>
    %mul3A_579 = arith.mulf %mul3A_578, %get3A_500 : vector<256x768xf32>
    %swap3A_580 = arith.constant 1 : index
    %swap3A_581 = arith.constant 1024 : index
    %swap3A_582 = arith.constant 0 : index
    %swap3A_583 = vector.load %arg4[%swap3A_580, %swap3A_581, %swap3A_582] : memref<2x2048x768xf32, #tpu.memory_space<vmem>>, vector<1x256x768xf32>
    %swap3A_584 = vector.shape_cast %swap3A_583 : vector<1x256x768xf32> to vector<256x768xf32>
    %swap3A_585 = vector.shape_cast %mul3A_579 : vector<256x768xf32> to vector<1x256x768xf32>
    tpu.vector_store %arg4[%swap3A_580, %swap3A_581, %swap3A_582], %swap3A_585 {strides = array<i32>} : memref<2x2048x768xf32, #tpu.memory_space<vmem>>, vector<1x256x768xf32>,
    %convert_element_type3A_586 = arith.extui %eq3A_534 : vector<256x8xi1> to vector<256x8xi32>
    %convert_element_type3A_587 = arith.sitofp %convert_element_type3A_586 : vector<256x8xi32> to vector<256x8xf32>
    %convert_element_type3A_588 = arith.extui %eq3A_550 : vector<256x8xi1> to vector<256x8xi32>
    %convert_element_type3A_589 = arith.sitofp %convert_element_type3A_588 : vector<256x8xi32> to vector<256x8xf32>
    %add3A_590 = arith.addf %convert_element_type3A_587, %convert_element_type3A_589 : vector<256x8xf32>
    %dot_general3A_591 = arith.constant dense<0.000000e+00> : vector<256x8xf32>
    %dot_general3A_592 = tpu.matmul %convert_element_type3A_3, %add3A_590, %dot_general3A_591 {dimension_numbers = #tpu.dot_dimension_numbers<[1], [0], [0], [1], [0, 0, 1, 1], [], []>, transpose_lhs_hint = false} : vector<256x256xf32>, vector<256x8xf32>, vector<256x8xf32> -> vector<256x8xf32>
    %add3A_593 = vector.broadcast %slice3A_472 : vector<1x8xf32> to vector<256x8xf32>
    %add3A_594 = arith.addf %dot_general3A_592, %add3A_593 : vector<256x8xf32>
    %swap3A_595 = arith.constant 1024 : index
    %swap3A_596 = arith.constant 0 : index
    %swap3A_597 = vector.load %arg10[%swap3A_595, %swap3A_596] : memref<2048x8xf32, #tpu.memory_space<vmem>>, vector<256x8xf32>
    tpu.vector_store %arg10[%swap3A_595, %swap3A_596], %add3A_594 {strides = array<i32>} : memref<2048x8xf32, #tpu.memory_space<vmem>>, vector<256x8xf32>,
    %slice3A_598 = vector.extract_strided_slice %add3A_594 {offsets = [255, 0], sizes = [1, 8], strides = [1, 1]} : vector<256x8xf32> to vector<1x8xf32>
    %eq3A_599 = arith.constant 0 : i32
    %eq3A_600 = vector.broadcast %eq3A_599 : i32 to vector<256x128xi32>
    %eq3A_601 = arith.cmpi eq, %iota3A_0, %eq3A_600 : vector<256x128xi32>
    %eq3A_602 = arith.constant 1 : i32
    %eq3A_603 = vector.broadcast %eq3A_602 : i32 to vector<256x128xi32>
    %eq3A_604 = arith.cmpi eq, %iota3A_0, %eq3A_603 : vector<256x128xi32>
    %jit3A_605 = arith.constant 0 : i32
    %broadcast_in_dim3A_606 = vector.shape_cast %broadcast_in_dim3A_548 : vector<256x1xi32> to vector<256x1xi32>
    %broadcast_in_dim3A_607 = vector.broadcast %broadcast_in_dim3A_606 : vector<256x1xi32> to vector<256x128xi32>
    %broadcast_in_dim3A_608 = vector.broadcast %jit3A_605 : i32 to vector<256x128xi32>
    %select_n3A_609 = arith.select %eq3A_604, %broadcast_in_dim3A_607, %broadcast_in_dim3A_608 : vector<256x128xi1>, vector<256x128xi32>
    %broadcast_in_dim3A_610 = vector.shape_cast %broadcast_in_dim3A_532 : vector<256x1xi32> to vector<256x1xi32>
    %broadcast_in_dim3A_611 = vector.broadcast %broadcast_in_dim3A_610 : vector<256x1xi32> to vector<256x128xi32>
    %select_n3A_612 = arith.select %eq3A_601, %broadcast_in_dim3A_611, %select_n3A_609 : vector<256x128xi1>, vector<256x128xi32>
    %swap3A_613 = arith.constant 1024 : index
    %swap3A_614 = arith.constant 0 : index
    %swap3A_615 = vector.load %arg5[%swap3A_613, %swap3A_614] : memref<2048x128xi32, #tpu.memory_space<vmem>>, vector<256x128xi32>
    tpu.vector_store %arg5[%swap3A_613, %swap3A_614], %select_n3A_612 {strides = array<i32>} : memref<2048x128xi32, #tpu.memory_space<vmem>>, vector<256x128xi32>,
    %reduce_sum3A_616 = arith.constant dense<0.000000e+00> : vector<8xf32>
    %reduce_sum3A_617 = vector.multi_reduction <add>, %add3A_590, %reduce_sum3A_616 [0] : vector<256x8xf32> to vector<8xf32>
    %broadcast_in_dim3A_618 = vector.shape_cast %reduce_sum3A_617 : vector<8xf32> to vector<1x8xf32>
    %add3A_619 = arith.addf %add3A_493, %broadcast_in_dim3A_618 : vector<1x8xf32>
    %reduce_sum3A_620 = arith.constant dense<0.000000e+00> : vector<8xf32>
    %reduce_sum3A_621 = vector.multi_reduction <add>, %div3A_521, %reduce_sum3A_620 [0] : vector<256x8xf32> to vector<8xf32>
    %broadcast_in_dim3A_622 = vector.shape_cast %reduce_sum3A_621 : vector<8xf32> to vector<1x8xf32>
    %add3A_623 = arith.addf %add3A_497, %broadcast_in_dim3A_622 : vector<1x8xf32>
    %get3A_624 = arith.constant 1280 : index
    %get3A_625 = arith.constant 0 : index
    %get3A_626 = vector.load %arg0[%get3A_624, %get3A_625] : memref<2048x768xf32, #tpu.memory_space<vmem>>, vector<256x768xf32>
    %get3A_627 = arith.constant 0 : index
    %get3A_628 = arith.constant 0 : index
    %get3A_629 = vector.load %arg1[%get3A_627, %get3A_628] : memref<768x8xf32, #tpu.memory_space<vmem>>, vector<768x8xf32>
    %dot_general3A_630 = arith.constant dense<0.000000e+00> : vector<256x8xf32>
    %dot_general3A_631 = tpu.matmul %get3A_626, %get3A_629, %dot_general3A_630 {dimension_numbers = #tpu.dot_dimension_numbers<[1], [0], [0], [1], [0, 0, 1, 1], [], []>, transpose_lhs_hint = false} : vector<256x768xf32>, vector<768x8xf32>, vector<256x8xf32> -> vector<256x8xf32>
    %get3A_632 = arith.constant 0 : index
    %get3A_633 = arith.constant 0 : index
    %get3A_634 = vector.load %arg2[%get3A_632, %get3A_633] : memref<1x8xf32, #tpu.memory_space<vmem>>, vector<1x8xf32>
    %add3A_635 = vector.broadcast %get3A_634 : vector<1x8xf32> to vector<256x8xf32>
    %add3A_636 = arith.addf %dot_general3A_631, %add3A_635 : vector<256x8xf32>
    %reduce_max3A_637 = arith.constant dense<0xFF800000> : vector<256xf32>
    %reduce_max3A_638 = vector.multi_reduction <maximumf>, %add3A_636, %reduce_max3A_637 [1] : vector<256x8xf32> to vector<256xf32>
    %broadcast_in_dim3A_639 = vector.shape_cast %reduce_max3A_638 : vector<256xf32> to vector<256x1xf32>
    %sub3A_640 = vector.broadcast %broadcast_in_dim3A_639 : vector<256x1xf32> to vector<256x8xf32>
    %sub3A_641 = arith.subf %add3A_636, %sub3A_640 : vector<256x8xf32>
    %exp3A_642 = math.exp %sub3A_641 : vector<256x8xf32>
    %reduce_sum3A_643 = arith.constant dense<0.000000e+00> : vector<256xf32>
    %reduce_sum3A_644 = vector.multi_reduction <add>, %exp3A_642, %reduce_sum3A_643 [1] : vector<256x8xf32> to vector<256xf32>
    %broadcast_in_dim3A_645 = vector.shape_cast %reduce_sum3A_644 : vector<256xf32> to vector<256x1xf32>
    %div3A_646 = vector.broadcast %broadcast_in_dim3A_645 : vector<256x1xf32> to vector<256x8xf32>
    %div3A_647 = arith.divf %exp3A_642, %div3A_646 : vector<256x8xf32>
    %reduce_max3A_648 = arith.constant dense<0xFF800000> : vector<256xf32>
    %reduce_max3A_649 = vector.multi_reduction <maximumf>, %div3A_647, %reduce_max3A_648 [1] : vector<256x8xf32> to vector<256xf32>
    %broadcast_in_dim3A_650 = vector.shape_cast %reduce_max3A_649 : vector<256xf32> to vector<256x1xf32>
    %eq3A_651 = vector.broadcast %broadcast_in_dim3A_650 : vector<256x1xf32> to vector<256x8xf32>
    %eq3A_652 = arith.cmpf oeq, %div3A_647, %eq3A_651 : vector<256x8xf32>
    %jit3A_653 = arith.constant 8 : i32
    %broadcast_in_dim3A_654 = vector.broadcast %jit3A_653 : i32 to vector<256x8xi32>
    %select_n3A_655 = arith.select %eq3A_652, %iota3A, %broadcast_in_dim3A_654 : vector<256x8xi1>, vector<256x8xi32>
    %reduce_min3A_656 = arith.constant dense<2147483647> : vector<256xi32>
    %reduce_min3A_657 = vector.multi_reduction <minsi>, %select_n3A_655, %reduce_min3A_656 [1] : vector<256x8xi32> to vector<256xi32>
    %broadcast_in_dim3A_658 = vector.shape_cast %reduce_min3A_657 : vector<256xi32> to vector<256x1xi32>
    %eq3A_659 = vector.broadcast %broadcast_in_dim3A_658 : vector<256x1xi32> to vector<256x8xi32>
    %eq3A_660 = arith.cmpi eq, %iota3A, %eq3A_659 : vector<256x8xi32>
    %jit3A_661 = arith.constant -1.000000e+00 : f32
    %broadcast_in_dim3A_662 = vector.broadcast %jit3A_661 : f32 to vector<256x8xf32>
    %select_n3A_663 = arith.select %eq3A_660, %broadcast_in_dim3A_662, %div3A_647 : vector<256x8xi1>, vector<256x8xf32>
    %reduce_max3A_664 = arith.constant dense<0xFF800000> : vector<256xf32>
    %reduce_max3A_665 = vector.multi_reduction <maximumf>, %select_n3A_663, %reduce_max3A_664 [1] : vector<256x8xf32> to vector<256xf32>
    %broadcast_in_dim3A_666 = vector.shape_cast %reduce_max3A_665 : vector<256xf32> to vector<256x1xf32>
    %eq3A_667 = vector.broadcast %broadcast_in_dim3A_666 : vector<256x1xf32> to vector<256x8xf32>
    %eq3A_668 = arith.cmpf oeq, %select_n3A_663, %eq3A_667 : vector<256x8xf32>
    %jit3A_669 = arith.constant 8 : i32
    %broadcast_in_dim3A_670 = vector.broadcast %jit3A_669 : i32 to vector<256x8xi32>
    %select_n3A_671 = arith.select %eq3A_668, %iota3A, %broadcast_in_dim3A_670 : vector<256x8xi1>, vector<256x8xi32>
    %reduce_min3A_672 = arith.constant dense<2147483647> : vector<256xi32>
    %reduce_min3A_673 = vector.multi_reduction <minsi>, %select_n3A_671, %reduce_min3A_672 [1] : vector<256x8xi32> to vector<256xi32>
    %broadcast_in_dim3A_674 = vector.shape_cast %reduce_min3A_673 : vector<256xi32> to vector<256x1xi32>
    %eq3A_675 = vector.broadcast %broadcast_in_dim3A_674 : vector<256x1xi32> to vector<256x8xi32>
    %eq3A_676 = arith.cmpi eq, %iota3A, %eq3A_675 : vector<256x8xi32>
    %jit3A_677 = arith.constant 0.000000e+00 : f32
    %broadcast_in_dim3A_678 = vector.shape_cast %broadcast_in_dim3A_650 : vector<256x1xf32> to vector<256x1xf32>
    %broadcast_in_dim3A_679 = vector.broadcast %broadcast_in_dim3A_678 : vector<256x1xf32> to vector<256x8xf32>
    %broadcast_in_dim3A_680 = vector.broadcast %jit3A_677 : f32 to vector<256x8xf32>
    %select_n3A_681 = arith.select %eq3A_660, %broadcast_in_dim3A_679, %broadcast_in_dim3A_680 : vector<256x8xi1>, vector<256x8xf32>
    %jit3A_682 = arith.constant 0.000000e+00 : f32
    %broadcast_in_dim3A_683 = vector.shape_cast %broadcast_in_dim3A_666 : vector<256x1xf32> to vector<256x1xf32>
    %broadcast_in_dim3A_684 = vector.broadcast %broadcast_in_dim3A_683 : vector<256x1xf32> to vector<256x8xf32>
    %broadcast_in_dim3A_685 = vector.broadcast %jit3A_682 : f32 to vector<256x8xf32>
    %select_n3A_686 = arith.select %eq3A_676, %broadcast_in_dim3A_684, %broadcast_in_dim3A_685 : vector<256x8xi1>, vector<256x8xf32>
    %add3A_687 = arith.addf %select_n3A_681, %select_n3A_686 : vector<256x8xf32>
    %get3A_688 = arith.constant 0 : index
    %get3A_689 = arith.constant 0 : index
    %get3A_690 = vector.load %arg3[%get3A_688, %get3A_689] : memref<8x768xf32, #tpu.memory_space<vmem>>, vector<8x768xf32>
    %dot_general3A_691 = arith.constant dense<0.000000e+00> : vector<256x768xf32>
    %dot_general3A_692 = tpu.matmul %add3A_687, %get3A_690, %dot_general3A_691 {dimension_numbers = #tpu.dot_dimension_numbers<[1], [0], [0], [1], [0, 0, 1, 1], [], []>, transpose_lhs_hint = false} : vector<256x8xf32>, vector<8x768xf32>, vector<256x768xf32> -> vector<256x768xf32>
    %swap3A_693 = arith.constant 1280 : index
    %swap3A_694 = arith.constant 0 : index
    %swap3A_695 = vector.load %arg8[%swap3A_693, %swap3A_694] : memref<2048x768xf32, #tpu.memory_space<vmem>>, vector<256x768xf32>
    tpu.vector_store %arg8[%swap3A_693, %swap3A_694], %dot_general3A_692 {strides = array<i32>} : memref<2048x768xf32, #tpu.memory_space<vmem>>, vector<256x768xf32>,
    %mul3A_696 = vector.broadcast %broadcast_in_dim3A_650 : vector<256x1xf32> to vector<256x768xf32>
    %mul3A_697 = arith.mulf %mul3A_696, %get3A_626 : vector<256x768xf32>
    %swap3A_698 = arith.constant 0 : index
    %swap3A_699 = arith.constant 1280 : index
    %swap3A_700 = arith.constant 0 : index
    %swap3A_701 = vector.load %arg4[%swap3A_698, %swap3A_699, %swap3A_700] : memref<2x2048x768xf32, #tpu.memory_space<vmem>>, vector<1x256x768xf32>
    %swap3A_702 = vector.shape_cast %swap3A_701 : vector<1x256x768xf32> to vector<256x768xf32>
    %swap3A_703 = vector.shape_cast %mul3A_697 : vector<256x768xf32> to vector<1x256x768xf32>
    tpu.vector_store %arg4[%swap3A_698, %swap3A_699, %swap3A_700], %swap3A_703 {strides = array<i32>} : memref<2x2048x768xf32, #tpu.memory_space<vmem>>, vector<1x256x768xf32>,
    %mul3A_704 = vector.broadcast %broadcast_in_dim3A_666 : vector<256x1xf32> to vector<256x768xf32>
    %mul3A_705 = arith.mulf %mul3A_704, %get3A_626 : vector<256x768xf32>
    %swap3A_706 = arith.constant 1 : index
    %swap3A_707 = arith.constant 1280 : index
    %swap3A_708 = arith.constant 0 : index
    %swap3A_709 = vector.load %arg4[%swap3A_706, %swap3A_707, %swap3A_708] : memref<2x2048x768xf32, #tpu.memory_space<vmem>>, vector<1x256x768xf32>
    %swap3A_710 = vector.shape_cast %swap3A_709 : vector<1x256x768xf32> to vector<256x768xf32>
    %swap3A_711 = vector.shape_cast %mul3A_705 : vector<256x768xf32> to vector<1x256x768xf32>
    tpu.vector_store %arg4[%swap3A_706, %swap3A_707, %swap3A_708], %swap3A_711 {strides = array<i32>} : memref<2x2048x768xf32, #tpu.memory_space<vmem>>, vector<1x256x768xf32>,
    %convert_element_type3A_712 = arith.extui %eq3A_660 : vector<256x8xi1> to vector<256x8xi32>
    %convert_element_type3A_713 = arith.sitofp %convert_element_type3A_712 : vector<256x8xi32> to vector<256x8xf32>
    %convert_element_type3A_714 = arith.extui %eq3A_676 : vector<256x8xi1> to vector<256x8xi32>
    %convert_element_type3A_715 = arith.sitofp %convert_element_type3A_714 : vector<256x8xi32> to vector<256x8xf32>
    %add3A_716 = arith.addf %convert_element_type3A_713, %convert_element_type3A_715 : vector<256x8xf32>
    %dot_general3A_717 = arith.constant dense<0.000000e+00> : vector<256x8xf32>
    %dot_general3A_718 = tpu.matmul %convert_element_type3A_3, %add3A_716, %dot_general3A_717 {dimension_numbers = #tpu.dot_dimension_numbers<[1], [0], [0], [1], [0, 0, 1, 1], [], []>, transpose_lhs_hint = false} : vector<256x256xf32>, vector<256x8xf32>, vector<256x8xf32> -> vector<256x8xf32>
    %add3A_719 = vector.broadcast %slice3A_598 : vector<1x8xf32> to vector<256x8xf32>
    %add3A_720 = arith.addf %dot_general3A_718, %add3A_719 : vector<256x8xf32>
    %swap3A_721 = arith.constant 1280 : index
    %swap3A_722 = arith.constant 0 : index
    %swap3A_723 = vector.load %arg10[%swap3A_721, %swap3A_722] : memref<2048x8xf32, #tpu.memory_space<vmem>>, vector<256x8xf32>
    tpu.vector_store %arg10[%swap3A_721, %swap3A_722], %add3A_720 {strides = array<i32>} : memref<2048x8xf32, #tpu.memory_space<vmem>>, vector<256x8xf32>,
    %slice3A_724 = vector.extract_strided_slice %add3A_720 {offsets = [255, 0], sizes = [1, 8], strides = [1, 1]} : vector<256x8xf32> to vector<1x8xf32>
    %eq3A_725 = arith.constant 0 : i32
    %eq3A_726 = vector.broadcast %eq3A_725 : i32 to vector<256x128xi32>
    %eq3A_727 = arith.cmpi eq, %iota3A_0, %eq3A_726 : vector<256x128xi32>
    %eq3A_728 = arith.constant 1 : i32
    %eq3A_729 = vector.broadcast %eq3A_728 : i32 to vector<256x128xi32>
    %eq3A_730 = arith.cmpi eq, %iota3A_0, %eq3A_729 : vector<256x128xi32>
    %jit3A_731 = arith.constant 0 : i32
    %broadcast_in_dim3A_732 = vector.shape_cast %broadcast_in_dim3A_674 : vector<256x1xi32> to vector<256x1xi32>
    %broadcast_in_dim3A_733 = vector.broadcast %broadcast_in_dim3A_732 : vector<256x1xi32> to vector<256x128xi32>
    %broadcast_in_dim3A_734 = vector.broadcast %jit3A_731 : i32 to vector<256x128xi32>
    %select_n3A_735 = arith.select %eq3A_730, %broadcast_in_dim3A_733, %broadcast_in_dim3A_734 : vector<256x128xi1>, vector<256x128xi32>
    %broadcast_in_dim3A_736 = vector.shape_cast %broadcast_in_dim3A_658 : vector<256x1xi32> to vector<256x1xi32>
    %broadcast_in_dim3A_737 = vector.broadcast %broadcast_in_dim3A_736 : vector<256x1xi32> to vector<256x128xi32>
    %select_n3A_738 = arith.select %eq3A_727, %broadcast_in_dim3A_737, %select_n3A_735 : vector<256x128xi1>, vector<256x128xi32>
    %swap3A_739 = arith.constant 1280 : index
    %swap3A_740 = arith.constant 0 : index
    %swap3A_741 = vector.load %arg5[%swap3A_739, %swap3A_740] : memref<2048x128xi32, #tpu.memory_space<vmem>>, vector<256x128xi32>
    tpu.vector_store %arg5[%swap3A_739, %swap3A_740], %select_n3A_738 {strides = array<i32>} : memref<2048x128xi32, #tpu.memory_space<vmem>>, vector<256x128xi32>,
    %reduce_sum3A_742 = arith.constant dense<0.000000e+00> : vector<8xf32>
    %reduce_sum3A_743 = vector.multi_reduction <add>, %add3A_716, %reduce_sum3A_742 [0] : vector<256x8xf32> to vector<8xf32>
    %broadcast_in_dim3A_744 = vector.shape_cast %reduce_sum3A_743 : vector<8xf32> to vector<1x8xf32>
    %add3A_745 = arith.addf %add3A_619, %broadcast_in_dim3A_744 : vector<1x8xf32>
    %reduce_sum3A_746 = arith.constant dense<0.000000e+00> : vector<8xf32>
    %reduce_sum3A_747 = vector.multi_reduction <add>, %div3A_647, %reduce_sum3A_746 [0] : vector<256x8xf32> to vector<8xf32>
    %broadcast_in_dim3A_748 = vector.shape_cast %reduce_sum3A_747 : vector<8xf32> to vector<1x8xf32>
    %add3A_749 = arith.addf %add3A_623, %broadcast_in_dim3A_748 : vector<1x8xf32>
    %get3A_750 = arith.constant 1536 : index
    %get3A_751 = arith.constant 0 : index
    %get3A_752 = vector.load %arg0[%get3A_750, %get3A_751] : memref<2048x768xf32, #tpu.memory_space<vmem>>, vector<256x768xf32>
    %get3A_753 = arith.constant 0 : index
    %get3A_754 = arith.constant 0 : index
    %get3A_755 = vector.load %arg1[%get3A_753, %get3A_754] : memref<768x8xf32, #tpu.memory_space<vmem>>, vector<768x8xf32>
    %dot_general3A_756 = arith.constant dense<0.000000e+00> : vector<256x8xf32>
    %dot_general3A_757 = tpu.matmul %get3A_752, %get3A_755, %dot_general3A_756 {dimension_numbers = #tpu.dot_dimension_numbers<[1], [0], [0], [1], [0, 0, 1, 1], [], []>, transpose_lhs_hint = false} : vector<256x768xf32>, vector<768x8xf32>, vector<256x8xf32> -> vector<256x8xf32>
    %get3A_758 = arith.constant 0 : index
    %get3A_759 = arith.constant 0 : index
    %get3A_760 = vector.load %arg2[%get3A_758, %get3A_759] : memref<1x8xf32, #tpu.memory_space<vmem>>, vector<1x8xf32>
    %add3A_761 = vector.broadcast %get3A_760 : vector<1x8xf32> to vector<256x8xf32>
    %add3A_762 = arith.addf %dot_general3A_757, %add3A_761 : vector<256x8xf32>
    %reduce_max3A_763 = arith.constant dense<0xFF800000> : vector<256xf32>
    %reduce_max3A_764 = vector.multi_reduction <maximumf>, %add3A_762, %reduce_max3A_763 [1] : vector<256x8xf32> to vector<256xf32>
    %broadcast_in_dim3A_765 = vector.shape_cast %reduce_max3A_764 : vector<256xf32> to vector<256x1xf32>
    %sub3A_766 = vector.broadcast %broadcast_in_dim3A_765 : vector<256x1xf32> to vector<256x8xf32>
    %sub3A_767 = arith.subf %add3A_762, %sub3A_766 : vector<256x8xf32>
    %exp3A_768 = math.exp %sub3A_767 : vector<256x8xf32>
    %reduce_sum3A_769 = arith.constant dense<0.000000e+00> : vector<256xf32>
    %reduce_sum3A_770 = vector.multi_reduction <add>, %exp3A_768, %reduce_sum3A_769 [1] : vector<256x8xf32> to vector<256xf32>
    %broadcast_in_dim3A_771 = vector.shape_cast %reduce_sum3A_770 : vector<256xf32> to vector<256x1xf32>
    %div3A_772 = vector.broadcast %broadcast_in_dim3A_771 : vector<256x1xf32> to vector<256x8xf32>
    %div3A_773 = arith.divf %exp3A_768, %div3A_772 : vector<256x8xf32>
    %reduce_max3A_774 = arith.constant dense<0xFF800000> : vector<256xf32>
    %reduce_max3A_775 = vector.multi_reduction <maximumf>, %div3A_773, %reduce_max3A_774 [1] : vector<256x8xf32> to vector<256xf32>
    %broadcast_in_dim3A_776 = vector.shape_cast %reduce_max3A_775 : vector<256xf32> to vector<256x1xf32>
    %eq3A_777 = vector.broadcast %broadcast_in_dim3A_776 : vector<256x1xf32> to vector<256x8xf32>
    %eq3A_778 = arith.cmpf oeq, %div3A_773, %eq3A_777 : vector<256x8xf32>
    %jit3A_779 = arith.constant 8 : i32
    %broadcast_in_dim3A_780 = vector.broadcast %jit3A_779 : i32 to vector<256x8xi32>
    %select_n3A_781 = arith.select %eq3A_778, %iota3A, %broadcast_in_dim3A_780 : vector<256x8xi1>, vector<256x8xi32>
    %reduce_min3A_782 = arith.constant dense<2147483647> : vector<256xi32>
    %reduce_min3A_783 = vector.multi_reduction <minsi>, %select_n3A_781, %reduce_min3A_782 [1] : vector<256x8xi32> to vector<256xi32>
    %broadcast_in_dim3A_784 = vector.shape_cast %reduce_min3A_783 : vector<256xi32> to vector<256x1xi32>
    %eq3A_785 = vector.broadcast %broadcast_in_dim3A_784 : vector<256x1xi32> to vector<256x8xi32>
    %eq3A_786 = arith.cmpi eq, %iota3A, %eq3A_785 : vector<256x8xi32>
    %jit3A_787 = arith.constant -1.000000e+00 : f32
    %broadcast_in_dim3A_788 = vector.broadcast %jit3A_787 : f32 to vector<256x8xf32>
    %select_n3A_789 = arith.select %eq3A_786, %broadcast_in_dim3A_788, %div3A_773 : vector<256x8xi1>, vector<256x8xf32>
    %reduce_max3A_790 = arith.constant dense<0xFF800000> : vector<256xf32>
    %reduce_max3A_791 = vector.multi_reduction <maximumf>, %select_n3A_789, %reduce_max3A_790 [1] : vector<256x8xf32> to vector<256xf32>
    %broadcast_in_dim3A_792 = vector.shape_cast %reduce_max3A_791 : vector<256xf32> to vector<256x1xf32>
    %eq3A_793 = vector.broadcast %broadcast_in_dim3A_792 : vector<256x1xf32> to vector<256x8xf32>
    %eq3A_794 = arith.cmpf oeq, %select_n3A_789, %eq3A_793 : vector<256x8xf32>
    %jit3A_795 = arith.constant 8 : i32
    %broadcast_in_dim3A_796 = vector.broadcast %jit3A_795 : i32 to vector<256x8xi32>
    %select_n3A_797 = arith.select %eq3A_794, %iota3A, %broadcast_in_dim3A_796 : vector<256x8xi1>, vector<256x8xi32>
    %reduce_min3A_798 = arith.constant dense<2147483647> : vector<256xi32>
    %reduce_min3A_799 = vector.multi_reduction <minsi>, %select_n3A_797, %reduce_min3A_798 [1] : vector<256x8xi32> to vector<256xi32>
    %broadcast_in_dim3A_800 = vector.shape_cast %reduce_min3A_799 : vector<256xi32> to vector<256x1xi32>
    %eq3A_801 = vector.broadcast %broadcast_in_dim3A_800 : vector<256x1xi32> to vector<256x8xi32>
    %eq3A_802 = arith.cmpi eq, %iota3A, %eq3A_801 : vector<256x8xi32>
    %jit3A_803 = arith.constant 0.000000e+00 : f32
    %broadcast_in_dim3A_804 = vector.shape_cast %broadcast_in_dim3A_776 : vector<256x1xf32> to vector<256x1xf32>
    %broadcast_in_dim3A_805 = vector.broadcast %broadcast_in_dim3A_804 : vector<256x1xf32> to vector<256x8xf32>
    %broadcast_in_dim3A_806 = vector.broadcast %jit3A_803 : f32 to vector<256x8xf32>
    %select_n3A_807 = arith.select %eq3A_786, %broadcast_in_dim3A_805, %broadcast_in_dim3A_806 : vector<256x8xi1>, vector<256x8xf32>
    %jit3A_808 = arith.constant 0.000000e+00 : f32
    %broadcast_in_dim3A_809 = vector.shape_cast %broadcast_in_dim3A_792 : vector<256x1xf32> to vector<256x1xf32>
    %broadcast_in_dim3A_810 = vector.broadcast %broadcast_in_dim3A_809 : vector<256x1xf32> to vector<256x8xf32>
    %broadcast_in_dim3A_811 = vector.broadcast %jit3A_808 : f32 to vector<256x8xf32>
    %select_n3A_812 = arith.select %eq3A_802, %broadcast_in_dim3A_810, %broadcast_in_dim3A_811 : vector<256x8xi1>, vector<256x8xf32>
    %add3A_813 = arith.addf %select_n3A_807, %select_n3A_812 : vector<256x8xf32>
    %get3A_814 = arith.constant 0 : index
    %get3A_815 = arith.constant 0 : index
    %get3A_816 = vector.load %arg3[%get3A_814, %get3A_815] : memref<8x768xf32, #tpu.memory_space<vmem>>, vector<8x768xf32>
    %dot_general3A_817 = arith.constant dense<0.000000e+00> : vector<256x768xf32>
    %dot_general3A_818 = tpu.matmul %add3A_813, %get3A_816, %dot_general3A_817 {dimension_numbers = #tpu.dot_dimension_numbers<[1], [0], [0], [1], [0, 0, 1, 1], [], []>, transpose_lhs_hint = false} : vector<256x8xf32>, vector<8x768xf32>, vector<256x768xf32> -> vector<256x768xf32>
    %swap3A_819 = arith.constant 1536 : index
    %swap3A_820 = arith.constant 0 : index
    %swap3A_821 = vector.load %arg8[%swap3A_819, %swap3A_820] : memref<2048x768xf32, #tpu.memory_space<vmem>>, vector<256x768xf32>
    tpu.vector_store %arg8[%swap3A_819, %swap3A_820], %dot_general3A_818 {strides = array<i32>} : memref<2048x768xf32, #tpu.memory_space<vmem>>, vector<256x768xf32>,
    %mul3A_822 = vector.broadcast %broadcast_in_dim3A_776 : vector<256x1xf32> to vector<256x768xf32>
    %mul3A_823 = arith.mulf %mul3A_822, %get3A_752 : vector<256x768xf32>
    %swap3A_824 = arith.constant 0 : index
    %swap3A_825 = arith.constant 1536 : index
    %swap3A_826 = arith.constant 0 : index
    %swap3A_827 = vector.load %arg4[%swap3A_824, %swap3A_825, %swap3A_826] : memref<2x2048x768xf32, #tpu.memory_space<vmem>>, vector<1x256x768xf32>
    %swap3A_828 = vector.shape_cast %swap3A_827 : vector<1x256x768xf32> to vector<256x768xf32>
    %swap3A_829 = vector.shape_cast %mul3A_823 : vector<256x768xf32> to vector<1x256x768xf32>
    tpu.vector_store %arg4[%swap3A_824, %swap3A_825, %swap3A_826], %swap3A_829 {strides = array<i32>} : memref<2x2048x768xf32, #tpu.memory_space<vmem>>, vector<1x256x768xf32>,
    %mul3A_830 = vector.broadcast %broadcast_in_dim3A_792 : vector<256x1xf32> to vector<256x768xf32>
    %mul3A_831 = arith.mulf %mul3A_830, %get3A_752 : vector<256x768xf32>
    %swap3A_832 = arith.constant 1 : index
    %swap3A_833 = arith.constant 1536 : index
    %swap3A_834 = arith.constant 0 : index
    %swap3A_835 = vector.load %arg4[%swap3A_832, %swap3A_833, %swap3A_834] : memref<2x2048x768xf32, #tpu.memory_space<vmem>>, vector<1x256x768xf32>
    %swap3A_836 = vector.shape_cast %swap3A_835 : vector<1x256x768xf32> to vector<256x768xf32>
    %swap3A_837 = vector.shape_cast %mul3A_831 : vector<256x768xf32> to vector<1x256x768xf32>
    tpu.vector_store %arg4[%swap3A_832, %swap3A_833, %swap3A_834], %swap3A_837 {strides = array<i32>} : memref<2x2048x768xf32, #tpu.memory_space<vmem>>, vector<1x256x768xf32>,
    %convert_element_type3A_838 = arith.extui %eq3A_786 : vector<256x8xi1> to vector<256x8xi32>
    %convert_element_type3A_839 = arith.sitofp %convert_element_type3A_838 : vector<256x8xi32> to vector<256x8xf32>
    %convert_element_type3A_840 = arith.extui %eq3A_802 : vector<256x8xi1> to vector<256x8xi32>
    %convert_element_type3A_841 = arith.sitofp %convert_element_type3A_840 : vector<256x8xi32> to vector<256x8xf32>
    %add3A_842 = arith.addf %convert_element_type3A_839, %convert_element_type3A_841 : vector<256x8xf32>
    %dot_general3A_843 = arith.constant dense<0.000000e+00> : vector<256x8xf32>
    %dot_general3A_844 = tpu.matmul %convert_element_type3A_3, %add3A_842, %dot_general3A_843 {dimension_numbers = #tpu.dot_dimension_numbers<[1], [0], [0], [1], [0, 0, 1, 1], [], []>, transpose_lhs_hint = false} : vector<256x256xf32>, vector<256x8xf32>, vector<256x8xf32> -> vector<256x8xf32>
    %add3A_845 = vector.broadcast %slice3A_724 : vector<1x8xf32> to vector<256x8xf32>
    %add3A_846 = arith.addf %dot_general3A_844, %add3A_845 : vector<256x8xf32>
    %swap3A_847 = arith.constant 1536 : index
    %swap3A_848 = arith.constant 0 : index
    %swap3A_849 = vector.load %arg10[%swap3A_847, %swap3A_848] : memref<2048x8xf32, #tpu.memory_space<vmem>>, vector<256x8xf32>
    tpu.vector_store %arg10[%swap3A_847, %swap3A_848], %add3A_846 {strides = array<i32>} : memref<2048x8xf32, #tpu.memory_space<vmem>>, vector<256x8xf32>,
    %slice3A_850 = vector.extract_strided_slice %add3A_846 {offsets = [255, 0], sizes = [1, 8], strides = [1, 1]} : vector<256x8xf32> to vector<1x8xf32>
    %eq3A_851 = arith.constant 0 : i32
    %eq3A_852 = vector.broadcast %eq3A_851 : i32 to vector<256x128xi32>
    %eq3A_853 = arith.cmpi eq, %iota3A_0, %eq3A_852 : vector<256x128xi32>
    %eq3A_854 = arith.constant 1 : i32
    %eq3A_855 = vector.broadcast %eq3A_854 : i32 to vector<256x128xi32>
    %eq3A_856 = arith.cmpi eq, %iota3A_0, %eq3A_855 : vector<256x128xi32>
    %jit3A_857 = arith.constant 0 : i32
    %broadcast_in_dim3A_858 = vector.shape_cast %broadcast_in_dim3A_800 : vector<256x1xi32> to vector<256x1xi32>
    %broadcast_in_dim3A_859 = vector.broadcast %broadcast_in_dim3A_858 : vector<256x1xi32> to vector<256x128xi32>
    %broadcast_in_dim3A_860 = vector.broadcast %jit3A_857 : i32 to vector<256x128xi32>
    %select_n3A_861 = arith.select %eq3A_856, %broadcast_in_dim3A_859, %broadcast_in_dim3A_860 : vector<256x128xi1>, vector<256x128xi32>
    %broadcast_in_dim3A_862 = vector.shape_cast %broadcast_in_dim3A_784 : vector<256x1xi32> to vector<256x1xi32>
    %broadcast_in_dim3A_863 = vector.broadcast %broadcast_in_dim3A_862 : vector<256x1xi32> to vector<256x128xi32>
    %select_n3A_864 = arith.select %eq3A_853, %broadcast_in_dim3A_863, %select_n3A_861 : vector<256x128xi1>, vector<256x128xi32>
    %swap3A_865 = arith.constant 1536 : index
    %swap3A_866 = arith.constant 0 : index
    %swap3A_867 = vector.load %arg5[%swap3A_865, %swap3A_866] : memref<2048x128xi32, #tpu.memory_space<vmem>>, vector<256x128xi32>
    tpu.vector_store %arg5[%swap3A_865, %swap3A_866], %select_n3A_864 {strides = array<i32>} : memref<2048x128xi32, #tpu.memory_space<vmem>>, vector<256x128xi32>,
    %reduce_sum3A_868 = arith.constant dense<0.000000e+00> : vector<8xf32>
    %reduce_sum3A_869 = vector.multi_reduction <add>, %add3A_842, %reduce_sum3A_868 [0] : vector<256x8xf32> to vector<8xf32>
    %broadcast_in_dim3A_870 = vector.shape_cast %reduce_sum3A_869 : vector<8xf32> to vector<1x8xf32>
    %add3A_871 = arith.addf %add3A_745, %broadcast_in_dim3A_870 : vector<1x8xf32>
    %reduce_sum3A_872 = arith.constant dense<0.000000e+00> : vector<8xf32>
    %reduce_sum3A_873 = vector.multi_reduction <add>, %div3A_773, %reduce_sum3A_872 [0] : vector<256x8xf32> to vector<8xf32>
    %broadcast_in_dim3A_874 = vector.shape_cast %reduce_sum3A_873 : vector<8xf32> to vector<1x8xf32>
    %add3A_875 = arith.addf %add3A_749, %broadcast_in_dim3A_874 : vector<1x8xf32>
    %get3A_876 = arith.constant 1792 : index
    %get3A_877 = arith.constant 0 : index
    %get3A_878 = vector.load %arg0[%get3A_876, %get3A_877] : memref<2048x768xf32, #tpu.memory_space<vmem>>, vector<256x768xf32>
    %get3A_879 = arith.constant 0 : index
    %get3A_880 = arith.constant 0 : index
    %get3A_881 = vector.load %arg1[%get3A_879, %get3A_880] : memref<768x8xf32, #tpu.memory_space<vmem>>, vector<768x8xf32>
    %dot_general3A_882 = arith.constant dense<0.000000e+00> : vector<256x8xf32>
    %dot_general3A_883 = tpu.matmul %get3A_878, %get3A_881, %dot_general3A_882 {dimension_numbers = #tpu.dot_dimension_numbers<[1], [0], [0], [1], [0, 0, 1, 1], [], []>, transpose_lhs_hint = false} : vector<256x768xf32>, vector<768x8xf32>, vector<256x8xf32> -> vector<256x8xf32>
    %get3A_884 = arith.constant 0 : index
    %get3A_885 = arith.constant 0 : index
    %get3A_886 = vector.load %arg2[%get3A_884, %get3A_885] : memref<1x8xf32, #tpu.memory_space<vmem>>, vector<1x8xf32>
    %add3A_887 = vector.broadcast %get3A_886 : vector<1x8xf32> to vector<256x8xf32>
    %add3A_888 = arith.addf %dot_general3A_883, %add3A_887 : vector<256x8xf32>
    %reduce_max3A_889 = arith.constant dense<0xFF800000> : vector<256xf32>
    %reduce_max3A_890 = vector.multi_reduction <maximumf>, %add3A_888, %reduce_max3A_889 [1] : vector<256x8xf32> to vector<256xf32>
    %broadcast_in_dim3A_891 = vector.shape_cast %reduce_max3A_890 : vector<256xf32> to vector<256x1xf32>
    %sub3A_892 = vector.broadcast %broadcast_in_dim3A_891 : vector<256x1xf32> to vector<256x8xf32>
    %sub3A_893 = arith.subf %add3A_888, %sub3A_892 : vector<256x8xf32>
    %exp3A_894 = math.exp %sub3A_893 : vector<256x8xf32>
    %reduce_sum3A_895 = arith.constant dense<0.000000e+00> : vector<256xf32>
    %reduce_sum3A_896 = vector.multi_reduction <add>, %exp3A_894, %reduce_sum3A_895 [1] : vector<256x8xf32> to vector<256xf32>
    %broadcast_in_dim3A_897 = vector.shape_cast %reduce_sum3A_896 : vector<256xf32> to vector<256x1xf32>
    %div3A_898 = vector.broadcast %broadcast_in_dim3A_897 : vector<256x1xf32> to vector<256x8xf32>
    %div3A_899 = arith.divf %exp3A_894, %div3A_898 : vector<256x8xf32>
    %reduce_max3A_900 = arith.constant dense<0xFF800000> : vector<256xf32>
    %reduce_max3A_901 = vector.multi_reduction <maximumf>, %div3A_899, %reduce_max3A_900 [1] : vector<256x8xf32> to vector<256xf32>
    %broadcast_in_dim3A_902 = vector.shape_cast %reduce_max3A_901 : vector<256xf32> to vector<256x1xf32>
    %eq3A_903 = vector.broadcast %broadcast_in_dim3A_902 : vector<256x1xf32> to vector<256x8xf32>
    %eq3A_904 = arith.cmpf oeq, %div3A_899, %eq3A_903 : vector<256x8xf32>
    %jit3A_905 = arith.constant 8 : i32
    %broadcast_in_dim3A_906 = vector.broadcast %jit3A_905 : i32 to vector<256x8xi32>
    %select_n3A_907 = arith.select %eq3A_904, %iota3A, %broadcast_in_dim3A_906 : vector<256x8xi1>, vector<256x8xi32>
    %reduce_min3A_908 = arith.constant dense<2147483647> : vector<256xi32>
    %reduce_min3A_909 = vector.multi_reduction <minsi>, %select_n3A_907, %reduce_min3A_908 [1] : vector<256x8xi32> to vector<256xi32>
    %broadcast_in_dim3A_910 = vector.shape_cast %reduce_min3A_909 : vector<256xi32> to vector<256x1xi32>
    %eq3A_911 = vector.broadcast %broadcast_in_dim3A_910 : vector<256x1xi32> to vector<256x8xi32>
    %eq3A_912 = arith.cmpi eq, %iota3A, %eq3A_911 : vector<256x8xi32>
    %jit3A_913 = arith.constant -1.000000e+00 : f32
    %broadcast_in_dim3A_914 = vector.broadcast %jit3A_913 : f32 to vector<256x8xf32>
    %select_n3A_915 = arith.select %eq3A_912, %broadcast_in_dim3A_914, %div3A_899 : vector<256x8xi1>, vector<256x8xf32>
    %reduce_max3A_916 = arith.constant dense<0xFF800000> : vector<256xf32>
    %reduce_max3A_917 = vector.multi_reduction <maximumf>, %select_n3A_915, %reduce_max3A_916 [1] : vector<256x8xf32> to vector<256xf32>
    %broadcast_in_dim3A_918 = vector.shape_cast %reduce_max3A_917 : vector<256xf32> to vector<256x1xf32>
    %eq3A_919 = vector.broadcast %broadcast_in_dim3A_918 : vector<256x1xf32> to vector<256x8xf32>
    %eq3A_920 = arith.cmpf oeq, %select_n3A_915, %eq3A_919 : vector<256x8xf32>
    %jit3A_921 = arith.constant 8 : i32
    %broadcast_in_dim3A_922 = vector.broadcast %jit3A_921 : i32 to vector<256x8xi32>
    %select_n3A_923 = arith.select %eq3A_920, %iota3A, %broadcast_in_dim3A_922 : vector<256x8xi1>, vector<256x8xi32>
    %reduce_min3A_924 = arith.constant dense<2147483647> : vector<256xi32>
    %reduce_min3A_925 = vector.multi_reduction <minsi>, %select_n3A_923, %reduce_min3A_924 [1] : vector<256x8xi32> to vector<256xi32>
    %broadcast_in_dim3A_926 = vector.shape_cast %reduce_min3A_925 : vector<256xi32> to vector<256x1xi32>
    %eq3A_927 = vector.broadcast %broadcast_in_dim3A_926 : vector<256x1xi32> to vector<256x8xi32>
    %eq3A_928 = arith.cmpi eq, %iota3A, %eq3A_927 : vector<256x8xi32>
    %jit3A_929 = arith.constant 0.000000e+00 : f32
    %broadcast_in_dim3A_930 = vector.shape_cast %broadcast_in_dim3A_902 : vector<256x1xf32> to vector<256x1xf32>
    %broadcast_in_dim3A_931 = vector.broadcast %broadcast_in_dim3A_930 : vector<256x1xf32> to vector<256x8xf32>
    %broadcast_in_dim3A_932 = vector.broadcast %jit3A_929 : f32 to vector<256x8xf32>
    %select_n3A_933 = arith.select %eq3A_912, %broadcast_in_dim3A_931, %broadcast_in_dim3A_932 : vector<256x8xi1>, vector<256x8xf32>
    %jit3A_934 = arith.constant 0.000000e+00 : f32
    %broadcast_in_dim3A_935 = vector.shape_cast %broadcast_in_dim3A_918 : vector<256x1xf32> to vector<256x1xf32>
    %broadcast_in_dim3A_936 = vector.broadcast %broadcast_in_dim3A_935 : vector<256x1xf32> to vector<256x8xf32>
    %broadcast_in_dim3A_937 = vector.broadcast %jit3A_934 : f32 to vector<256x8xf32>
    %select_n3A_938 = arith.select %eq3A_928, %broadcast_in_dim3A_936, %broadcast_in_dim3A_937 : vector<256x8xi1>, vector<256x8xf32>
    %add3A_939 = arith.addf %select_n3A_933, %select_n3A_938 : vector<256x8xf32>
    %get3A_940 = arith.constant 0 : index
    %get3A_941 = arith.constant 0 : index
    %get3A_942 = vector.load %arg3[%get3A_940, %get3A_941] : memref<8x768xf32, #tpu.memory_space<vmem>>, vector<8x768xf32>
    %dot_general3A_943 = arith.constant dense<0.000000e+00> : vector<256x768xf32>
    %dot_general3A_944 = tpu.matmul %add3A_939, %get3A_942, %dot_general3A_943 {dimension_numbers = #tpu.dot_dimension_numbers<[1], [0], [0], [1], [0, 0, 1, 1], [], []>, transpose_lhs_hint = false} : vector<256x8xf32>, vector<8x768xf32>, vector<256x768xf32> -> vector<256x768xf32>
    %swap3A_945 = arith.constant 1792 : index
    %swap3A_946 = arith.constant 0 : index
    %swap3A_947 = vector.load %arg8[%swap3A_945, %swap3A_946] : memref<2048x768xf32, #tpu.memory_space<vmem>>, vector<256x768xf32>
    tpu.vector_store %arg8[%swap3A_945, %swap3A_946], %dot_general3A_944 {strides = array<i32>} : memref<2048x768xf32, #tpu.memory_space<vmem>>, vector<256x768xf32>,
    %mul3A_948 = vector.broadcast %broadcast_in_dim3A_902 : vector<256x1xf32> to vector<256x768xf32>
    %mul3A_949 = arith.mulf %mul3A_948, %get3A_878 : vector<256x768xf32>
    %swap3A_950 = arith.constant 0 : index
    %swap3A_951 = arith.constant 1792 : index
    %swap3A_952 = arith.constant 0 : index
    %swap3A_953 = vector.load %arg4[%swap3A_950, %swap3A_951, %swap3A_952] : memref<2x2048x768xf32, #tpu.memory_space<vmem>>, vector<1x256x768xf32>
    %swap3A_954 = vector.shape_cast %swap3A_953 : vector<1x256x768xf32> to vector<256x768xf32>
    %swap3A_955 = vector.shape_cast %mul3A_949 : vector<256x768xf32> to vector<1x256x768xf32>
    tpu.vector_store %arg4[%swap3A_950, %swap3A_951, %swap3A_952], %swap3A_955 {strides = array<i32>} : memref<2x2048x768xf32, #tpu.memory_space<vmem>>, vector<1x256x768xf32>,
    %mul3A_956 = vector.broadcast %broadcast_in_dim3A_918 : vector<256x1xf32> to vector<256x768xf32>
    %mul3A_957 = arith.mulf %mul3A_956, %get3A_878 : vector<256x768xf32>
    %swap3A_958 = arith.constant 1 : index
    %swap3A_959 = arith.constant 1792 : index
    %swap3A_960 = arith.constant 0 : index
    %swap3A_961 = vector.load %arg4[%swap3A_958, %swap3A_959, %swap3A_960] : memref<2x2048x768xf32, #tpu.memory_space<vmem>>, vector<1x256x768xf32>
    %swap3A_962 = vector.shape_cast %swap3A_961 : vector<1x256x768xf32> to vector<256x768xf32>
    %swap3A_963 = vector.shape_cast %mul3A_957 : vector<256x768xf32> to vector<1x256x768xf32>
    tpu.vector_store %arg4[%swap3A_958, %swap3A_959, %swap3A_960], %swap3A_963 {strides = array<i32>} : memref<2x2048x768xf32, #tpu.memory_space<vmem>>, vector<1x256x768xf32>,
    %convert_element_type3A_964 = arith.extui %eq3A_912 : vector<256x8xi1> to vector<256x8xi32>
    %convert_element_type3A_965 = arith.sitofp %convert_element_type3A_964 : vector<256x8xi32> to vector<256x8xf32>
    %convert_element_type3A_966 = arith.extui %eq3A_928 : vector<256x8xi1> to vector<256x8xi32>
    %convert_element_type3A_967 = arith.sitofp %convert_element_type3A_966 : vector<256x8xi32> to vector<256x8xf32>
    %add3A_968 = arith.addf %convert_element_type3A_965, %convert_element_type3A_967 : vector<256x8xf32>
    %dot_general3A_969 = arith.constant dense<0.000000e+00> : vector<256x8xf32>
    %dot_general3A_970 = tpu.matmul %convert_element_type3A_3, %add3A_968, %dot_general3A_969 {dimension_numbers = #tpu.dot_dimension_numbers<[1], [0], [0], [1], [0, 0, 1, 1], [], []>, transpose_lhs_hint = false} : vector<256x256xf32>, vector<256x8xf32>, vector<256x8xf32> -> vector<256x8xf32>
    %add3A_971 = vector.broadcast %slice3A_850 : vector<1x8xf32> to vector<256x8xf32>
    %add3A_972 = arith.addf %dot_general3A_970, %add3A_971 : vector<256x8xf32>
    %swap3A_973 = arith.constant 1792 : index
    %swap3A_974 = arith.constant 0 : index
    %swap3A_975 = vector.load %arg10[%swap3A_973, %swap3A_974] : memref<2048x8xf32, #tpu.memory_space<vmem>>, vector<256x8xf32>
    tpu.vector_store %arg10[%swap3A_973, %swap3A_974], %add3A_972 {strides = array<i32>} : memref<2048x8xf32, #tpu.memory_space<vmem>>, vector<256x8xf32>,
    %slice3A_976 = vector.extract_strided_slice %add3A_972 {offsets = [255, 0], sizes = [1, 8], strides = [1, 1]} : vector<256x8xf32> to vector<1x8xf32>
    %eq3A_977 = arith.constant 0 : i32
    %eq3A_978 = vector.broadcast %eq3A_977 : i32 to vector<256x128xi32>
    %eq3A_979 = arith.cmpi eq, %iota3A_0, %eq3A_978 : vector<256x128xi32>
    %eq3A_980 = arith.constant 1 : i32
    %eq3A_981 = vector.broadcast %eq3A_980 : i32 to vector<256x128xi32>
    %eq3A_982 = arith.cmpi eq, %iota3A_0, %eq3A_981 : vector<256x128xi32>
    %jit3A_983 = arith.constant 0 : i32
    %broadcast_in_dim3A_984 = vector.shape_cast %broadcast_in_dim3A_926 : vector<256x1xi32> to vector<256x1xi32>
    %broadcast_in_dim3A_985 = vector.broadcast %broadcast_in_dim3A_984 : vector<256x1xi32> to vector<256x128xi32>
    %broadcast_in_dim3A_986 = vector.broadcast %jit3A_983 : i32 to vector<256x128xi32>
    %select_n3A_987 = arith.select %eq3A_982, %broadcast_in_dim3A_985, %broadcast_in_dim3A_986 : vector<256x128xi1>, vector<256x128xi32>
    %broadcast_in_dim3A_988 = vector.shape_cast %broadcast_in_dim3A_910 : vector<256x1xi32> to vector<256x1xi32>
    %broadcast_in_dim3A_989 = vector.broadcast %broadcast_in_dim3A_988 : vector<256x1xi32> to vector<256x128xi32>
    %select_n3A_990 = arith.select %eq3A_979, %broadcast_in_dim3A_989, %select_n3A_987 : vector<256x128xi1>, vector<256x128xi32>
    %swap3A_991 = arith.constant 1792 : index
    %swap3A_992 = arith.constant 0 : index
    %swap3A_993 = vector.load %arg5[%swap3A_991, %swap3A_992] : memref<2048x128xi32, #tpu.memory_space<vmem>>, vector<256x128xi32>
    tpu.vector_store %arg5[%swap3A_991, %swap3A_992], %select_n3A_990 {strides = array<i32>} : memref<2048x128xi32, #tpu.memory_space<vmem>>, vector<256x128xi32>,
    %reduce_sum3A_994 = arith.constant dense<0.000000e+00> : vector<8xf32>
    %reduce_sum3A_995 = vector.multi_reduction <add>, %add3A_968, %reduce_sum3A_994 [0] : vector<256x8xf32> to vector<8xf32>
    %broadcast_in_dim3A_996 = vector.shape_cast %reduce_sum3A_995 : vector<8xf32> to vector<1x8xf32>
    %add3A_997 = arith.addf %add3A_871, %broadcast_in_dim3A_996 : vector<1x8xf32>
    %reduce_sum3A_998 = arith.constant dense<0.000000e+00> : vector<8xf32>
    %reduce_sum3A_999 = vector.multi_reduction <add>, %div3A_899, %reduce_sum3A_998 [0] : vector<256x8xf32> to vector<8xf32>
    %broadcast_in_dim3A_1000 = vector.shape_cast %reduce_sum3A_999 : vector<8xf32> to vector<1x8xf32>
    %add3A_1001 = arith.addf %add3A_875, %broadcast_in_dim3A_1000 : vector<1x8xf32>
    %add3A_1002 = arith.constant 2.550000e+02 : f32
    %add3A_1003 = vector.broadcast %add3A_1002 : f32 to vector<1x8xf32>
    %add3A_1004 = arith.addf %slice3A_976, %add3A_1003 : vector<1x8xf32>
    %div3A_1005 = arith.constant 2.560000e+02 : f32
    %div3A_1006 = vector.broadcast %div3A_1005 : f32 to vector<1x8xf32>
    %div3A_1007 = arith.divf %add3A_1004, %div3A_1006 : vector<1x8xf32>
    %floor3A = math.floor %div3A_1007 : vector<1x8xf32>
    %mul3A_1008 = arith.constant 2.560000e+02 : f32
    %mul3A_1009 = vector.broadcast %mul3A_1008 : f32 to vector<1x8xf32>
    %mul3A_1010 = arith.mulf %floor3A, %mul3A_1009 : vector<1x8xf32>
    %iota3A_1011 = tpu.iota {dimensions = array<i32: 0>} : vector<8x8xi32>
    %iota3A_1012 = tpu.iota {dimensions = array<i32: 1>} : vector<8x8xi32>
    %lt3A = arith.cmpi slt, %iota3A_1011, %iota3A_1012 : vector<8x8xi32>
    %convert_element_type3A_1013 = arith.extui %lt3A : vector<8x8xi1> to vector<8x8xi32>
    %convert_element_type3A_1014 = arith.sitofp %convert_element_type3A_1013 : vector<8x8xi32> to vector<8x8xf32>
    %dot_general3A_1015 = arith.constant dense<0.000000e+00> : vector<1x8xf32>
    %dot_general3A_1016 = tpu.matmul %mul3A_1010, %convert_element_type3A_1014, %dot_general3A_1015 {dimension_numbers = #tpu.dot_dimension_numbers<[1], [0], [0], [1], [0, 0, 1, 1], [], []>, transpose_lhs_hint = false} : vector<1x8xf32>, vector<8x8xf32>, vector<1x8xf32> -> vector<1x8xf32>
    %convert_element_type3A_1017 = arith.fptosi %slice3A_976 : vector<1x8xf32> to vector<1x8xi32>
    %swap3A_1018 = arith.constant 0 : index
    %swap3A_1019 = arith.constant 0 : index
    %swap3A_1020 = vector.load %arg6[%swap3A_1018, %swap3A_1019] : memref<1x8xi32, #tpu.memory_space<vmem>>, vector<1x8xi32>
    tpu.vector_store %arg6[%swap3A_1018, %swap3A_1019], %convert_element_type3A_1017 {strides = array<i32>} : memref<1x8xi32, #tpu.memory_space<vmem>>, vector<1x8xi32>,
    %convert_element_type3A_1021 = arith.fptosi %dot_general3A_1016 : vector<1x8xf32> to vector<1x8xi32>
    %swap3A_1022 = arith.constant 0 : index
    %swap3A_1023 = arith.constant 0 : index
    %swap3A_1024 = vector.load %arg7[%swap3A_1022, %swap3A_1023] : memref<1x8xi32, #tpu.memory_space<vmem>>, vector<1x8xi32>
    tpu.vector_store %arg7[%swap3A_1022, %swap3A_1023], %convert_element_type3A_1021 {strides = array<i32>} : memref<1x8xi32, #tpu.memory_space<vmem>>, vector<1x8xi32>,
    %div3A_1025 = arith.constant 4.096000e+03 : f32
    %div3A_1026 = vector.broadcast %div3A_1025 : f32 to vector<1x8xf32>
    %div3A_1027 = arith.divf %add3A_997, %div3A_1026 : vector<1x8xf32>
    %div3A_1028 = arith.constant 2.048000e+03 : f32
    %div3A_1029 = vector.broadcast %div3A_1028 : f32 to vector<1x8xf32>
    %div3A_1030 = arith.divf %add3A_1001, %div3A_1029 : vector<1x8xf32>
    %mul3A_1031 = arith.mulf %div3A_1027, %div3A_1030 : vector<1x8xf32>
    %reduce_sum3A_1032 = vector.shape_cast %mul3A_1031 : vector<1x8xf32> to vector<1x1x8xf32>
    %reduce_sum3A_1033 = arith.constant dense<0.000000e+00> : vector<1xf32>
    %reduce_sum3A_1034 = vector.multi_reduction <add>, %reduce_sum3A_1032, %reduce_sum3A_1033 [1, 2] : vector<1x1x8xf32> to vector<1xf32>
    %reduce_sum3A_1035 = vector.shape_cast %reduce_sum3A_1034 : vector<1xf32> to vector<1x1x1xf32>
    %reduce_sum3A_1036 = vector.extract %reduce_sum3A_1035[0, 0, 0] : f32 from vector<1x1x1xf32>
    %mul3A_1037 = arith.constant 8.000000e+00 : f32
    %mul3A_1038 = arith.mulf %mul3A_1037, %reduce_sum3A_1036 : f32
    %swap3A_1039 = arith.constant 0 : index
    %swap3A_1040 = arith.constant 0 : index
    %swap3A_1041 = memref.load %arg9[%swap3A_1039, %swap3A_1040] : memref<1x1xf32, #tpu.memory_space<smem>>
    memref.store %mul3A_1038, %arg9[%swap3A_1039, %swap3A_1040] : memref<1x1xf32, #tpu.memory_space<smem>>
    %get3A_1042 = arith.constant 0 : index
    %get3A_1043 = arith.constant 0 : index
    %get3A_1044 = vector.load %arg5[%get3A_1042, %get3A_1043] : memref<2048x128xi32, #tpu.memory_space<vmem>>, vector<256x1xi32>
    %get3A_1045 = arith.constant 0 : index
    %get3A_1046 = arith.constant 1 : index
    %get3A_1047 = vector.load %arg5[%get3A_1045, %get3A_1046] : memref<2048x128xi32, #tpu.memory_space<vmem>>, vector<256x1xi32>
    %eq3A_1048 = vector.broadcast %get3A_1044 : vector<256x1xi32> to vector<256x8xi32>
    %eq3A_1049 = arith.cmpi eq, %iota3A, %eq3A_1048 : vector<256x8xi32>
    %eq3A_1050 = vector.broadcast %get3A_1047 : vector<256x1xi32> to vector<256x8xi32>
    %eq3A_1051 = arith.cmpi eq, %iota3A, %eq3A_1050 : vector<256x8xi32>
    %get3A_1052 = arith.constant 0 : index
    %get3A_1053 = arith.constant 0 : index
    %get3A_1054 = vector.load %arg10[%get3A_1052, %get3A_1053] : memref<2048x8xf32, #tpu.memory_space<vmem>>, vector<256x8xf32>
    %add3A_1055 = vector.broadcast %dot_general3A_1016 : vector<1x8xf32> to vector<256x8xf32>
    %add3A_1056 = arith.addf %add3A_1055, %get3A_1054 : vector<256x8xf32>
    %sub3A_1057 = arith.constant 1.000000e+00 : f32
    %sub3A_1058 = vector.broadcast %sub3A_1057 : f32 to vector<256x8xf32>
    %sub3A_1059 = arith.subf %add3A_1056, %sub3A_1058 : vector<256x8xf32>
    %jit3A_1060 = arith.constant 0.000000e+00 : f32
    %broadcast_in_dim3A_1061 = vector.broadcast %jit3A_1060 : f32 to vector<256x8xf32>
    %select_n3A_1062 = arith.select %eq3A_1049, %sub3A_1059, %broadcast_in_dim3A_1061 : vector<256x8xi1>, vector<256x8xf32>
    %reduce_sum3A_1063 = arith.constant dense<0.000000e+00> : vector<256xf32>
    %reduce_sum3A_1064 = vector.multi_reduction <add>, %select_n3A_1062, %reduce_sum3A_1063 [1] : vector<256x8xf32> to vector<256xf32>
    %broadcast_in_dim3A_1065 = vector.shape_cast %reduce_sum3A_1064 : vector<256xf32> to vector<256x1xf32>
    %jit3A_1066 = arith.constant 0.000000e+00 : f32
    %broadcast_in_dim3A_1067 = vector.broadcast %jit3A_1066 : f32 to vector<256x8xf32>
    %select_n3A_1068 = arith.select %eq3A_1051, %sub3A_1059, %broadcast_in_dim3A_1067 : vector<256x8xi1>, vector<256x8xf32>
    %reduce_sum3A_1069 = arith.constant dense<0.000000e+00> : vector<256xf32>
    %reduce_sum3A_1070 = vector.multi_reduction <add>, %select_n3A_1068, %reduce_sum3A_1069 [1] : vector<256x8xf32> to vector<256xf32>
    %broadcast_in_dim3A_1071 = vector.shape_cast %reduce_sum3A_1070 : vector<256xf32> to vector<256x1xf32>
    %eq3A_1072 = arith.constant 0 : i32
    %eq3A_1073 = vector.broadcast %eq3A_1072 : i32 to vector<256x128xi32>
    %eq3A_1074 = arith.cmpi eq, %iota3A_0, %eq3A_1073 : vector<256x128xi32>
    %convert_element_type3A_1075 = arith.fptosi %broadcast_in_dim3A_1065 : vector<256x1xf32> to vector<256x1xi32>
    %eq3A_1076 = arith.constant 1 : i32
    %eq3A_1077 = vector.broadcast %eq3A_1076 : i32 to vector<256x128xi32>
    %eq3A_1078 = arith.cmpi eq, %iota3A_0, %eq3A_1077 : vector<256x128xi32>
    %convert_element_type3A_1079 = arith.fptosi %broadcast_in_dim3A_1071 : vector<256x1xf32> to vector<256x1xi32>
    %jit3A_1080 = arith.constant 0 : i32
    %broadcast_in_dim3A_1081 = vector.shape_cast %convert_element_type3A_1079 : vector<256x1xi32> to vector<256x1xi32>
    %broadcast_in_dim3A_1082 = vector.broadcast %broadcast_in_dim3A_1081 : vector<256x1xi32> to vector<256x128xi32>
    %broadcast_in_dim3A_1083 = vector.broadcast %jit3A_1080 : i32 to vector<256x128xi32>
    %select_n3A_1084 = arith.select %eq3A_1078, %broadcast_in_dim3A_1082, %broadcast_in_dim3A_1083 : vector<256x128xi1>, vector<256x128xi32>
    %broadcast_in_dim3A_1085 = vector.shape_cast %convert_element_type3A_1075 : vector<256x1xi32> to vector<256x1xi32>
    %broadcast_in_dim3A_1086 = vector.broadcast %broadcast_in_dim3A_1085 : vector<256x1xi32> to vector<256x128xi32>
    %select_n3A_1087 = arith.select %eq3A_1074, %broadcast_in_dim3A_1086, %select_n3A_1084 : vector<256x128xi1>, vector<256x128xi32>
    %swap3A_1088 = arith.constant 0 : index
    %swap3A_1089 = arith.constant 0 : index
    %swap3A_1090 = vector.load %arg5[%swap3A_1088, %swap3A_1089] : memref<2048x128xi32, #tpu.memory_space<vmem>>, vector<256x128xi32>
    tpu.vector_store %arg5[%swap3A_1088, %swap3A_1089], %select_n3A_1087 {strides = array<i32>} : memref<2048x128xi32, #tpu.memory_space<vmem>>, vector<256x128xi32>,
    %get3A_1091 = arith.constant 256 : index
    %get3A_1092 = arith.constant 0 : index
    %get3A_1093 = vector.load %arg5[%get3A_1091, %get3A_1092] : memref<2048x128xi32, #tpu.memory_space<vmem>>, vector<256x1xi32>
    %get3A_1094 = arith.constant 256 : index
    %get3A_1095 = arith.constant 1 : index
    %get3A_1096 = vector.load %arg5[%get3A_1094, %get3A_1095] : memref<2048x128xi32, #tpu.memory_space<vmem>>, vector<256x1xi32>
    %eq3A_1097 = vector.broadcast %get3A_1093 : vector<256x1xi32> to vector<256x8xi32>
    %eq3A_1098 = arith.cmpi eq, %iota3A, %eq3A_1097 : vector<256x8xi32>
    %eq3A_1099 = vector.broadcast %get3A_1096 : vector<256x1xi32> to vector<256x8xi32>
    %eq3A_1100 = arith.cmpi eq, %iota3A, %eq3A_1099 : vector<256x8xi32>
    %get3A_1101 = arith.constant 256 : index
    %get3A_1102 = arith.constant 0 : index
    %get3A_1103 = vector.load %arg10[%get3A_1101, %get3A_1102] : memref<2048x8xf32, #tpu.memory_space<vmem>>, vector<256x8xf32>
    %add3A_1104 = vector.broadcast %dot_general3A_1016 : vector<1x8xf32> to vector<256x8xf32>
    %add3A_1105 = arith.addf %add3A_1104, %get3A_1103 : vector<256x8xf32>
    %sub3A_1106 = arith.constant 1.000000e+00 : f32
    %sub3A_1107 = vector.broadcast %sub3A_1106 : f32 to vector<256x8xf32>
    %sub3A_1108 = arith.subf %add3A_1105, %sub3A_1107 : vector<256x8xf32>
    %jit3A_1109 = arith.constant 0.000000e+00 : f32
    %broadcast_in_dim3A_1110 = vector.broadcast %jit3A_1109 : f32 to vector<256x8xf32>
    %select_n3A_1111 = arith.select %eq3A_1098, %sub3A_1108, %broadcast_in_dim3A_1110 : vector<256x8xi1>, vector<256x8xf32>
    %reduce_sum3A_1112 = arith.constant dense<0.000000e+00> : vector<256xf32>
    %reduce_sum3A_1113 = vector.multi_reduction <add>, %select_n3A_1111, %reduce_sum3A_1112 [1] : vector<256x8xf32> to vector<256xf32>
    %broadcast_in_dim3A_1114 = vector.shape_cast %reduce_sum3A_1113 : vector<256xf32> to vector<256x1xf32>
    %jit3A_1115 = arith.constant 0.000000e+00 : f32
    %broadcast_in_dim3A_1116 = vector.broadcast %jit3A_1115 : f32 to vector<256x8xf32>
    %select_n3A_1117 = arith.select %eq3A_1100, %sub3A_1108, %broadcast_in_dim3A_1116 : vector<256x8xi1>, vector<256x8xf32>
    %reduce_sum3A_1118 = arith.constant dense<0.000000e+00> : vector<256xf32>
    %reduce_sum3A_1119 = vector.multi_reduction <add>, %select_n3A_1117, %reduce_sum3A_1118 [1] : vector<256x8xf32> to vector<256xf32>
    %broadcast_in_dim3A_1120 = vector.shape_cast %reduce_sum3A_1119 : vector<256xf32> to vector<256x1xf32>
    %eq3A_1121 = arith.constant 0 : i32
    %eq3A_1122 = vector.broadcast %eq3A_1121 : i32 to vector<256x128xi32>
    %eq3A_1123 = arith.cmpi eq, %iota3A_0, %eq3A_1122 : vector<256x128xi32>
    %convert_element_type3A_1124 = arith.fptosi %broadcast_in_dim3A_1114 : vector<256x1xf32> to vector<256x1xi32>
    %eq3A_1125 = arith.constant 1 : i32
    %eq3A_1126 = vector.broadcast %eq3A_1125 : i32 to vector<256x128xi32>
    %eq3A_1127 = arith.cmpi eq, %iota3A_0, %eq3A_1126 : vector<256x128xi32>
    %convert_element_type3A_1128 = arith.fptosi %broadcast_in_dim3A_1120 : vector<256x1xf32> to vector<256x1xi32>
    %jit3A_1129 = arith.constant 0 : i32
    %broadcast_in_dim3A_1130 = vector.shape_cast %convert_element_type3A_1128 : vector<256x1xi32> to vector<256x1xi32>
    %broadcast_in_dim3A_1131 = vector.broadcast %broadcast_in_dim3A_1130 : vector<256x1xi32> to vector<256x128xi32>
    %broadcast_in_dim3A_1132 = vector.broadcast %jit3A_1129 : i32 to vector<256x128xi32>
    %select_n3A_1133 = arith.select %eq3A_1127, %broadcast_in_dim3A_1131, %broadcast_in_dim3A_1132 : vector<256x128xi1>, vector<256x128xi32>
    %broadcast_in_dim3A_1134 = vector.shape_cast %convert_element_type3A_1124 : vector<256x1xi32> to vector<256x1xi32>
    %broadcast_in_dim3A_1135 = vector.broadcast %broadcast_in_dim3A_1134 : vector<256x1xi32> to vector<256x128xi32>
    %select_n3A_1136 = arith.select %eq3A_1123, %broadcast_in_dim3A_1135, %select_n3A_1133 : vector<256x128xi1>, vector<256x128xi32>
    %swap3A_1137 = arith.constant 256 : index
    %swap3A_1138 = arith.constant 0 : index
    %swap3A_1139 = vector.load %arg5[%swap3A_1137, %swap3A_1138] : memref<2048x128xi32, #tpu.memory_space<vmem>>, vector<256x128xi32>
    tpu.vector_store %arg5[%swap3A_1137, %swap3A_1138], %select_n3A_1136 {strides = array<i32>} : memref<2048x128xi32, #tpu.memory_space<vmem>>, vector<256x128xi32>,
    %get3A_1140 = arith.constant 512 : index
    %get3A_1141 = arith.constant 0 : index
    %get3A_1142 = vector.load %arg5[%get3A_1140, %get3A_1141] : memref<2048x128xi32, #tpu.memory_space<vmem>>, vector<256x1xi32>
    %get3A_1143 = arith.constant 512 : index
    %get3A_1144 = arith.constant 1 : index
    %get3A_1145 = vector.load %arg5[%get3A_1143, %get3A_1144] : memref<2048x128xi32, #tpu.memory_space<vmem>>, vector<256x1xi32>
    %eq3A_1146 = vector.broadcast %get3A_1142 : vector<256x1xi32> to vector<256x8xi32>
    %eq3A_1147 = arith.cmpi eq, %iota3A, %eq3A_1146 : vector<256x8xi32>
    %eq3A_1148 = vector.broadcast %get3A_1145 : vector<256x1xi32> to vector<256x8xi32>
    %eq3A_1149 = arith.cmpi eq, %iota3A, %eq3A_1148 : vector<256x8xi32>
    %get3A_1150 = arith.constant 512 : index
    %get3A_1151 = arith.constant 0 : index
    %get3A_1152 = vector.load %arg10[%get3A_1150, %get3A_1151] : memref<2048x8xf32, #tpu.memory_space<vmem>>, vector<256x8xf32>
    %add3A_1153 = vector.broadcast %dot_general3A_1016 : vector<1x8xf32> to vector<256x8xf32>
    %add3A_1154 = arith.addf %add3A_1153, %get3A_1152 : vector<256x8xf32>
    %sub3A_1155 = arith.constant 1.000000e+00 : f32
    %sub3A_1156 = vector.broadcast %sub3A_1155 : f32 to vector<256x8xf32>
    %sub3A_1157 = arith.subf %add3A_1154, %sub3A_1156 : vector<256x8xf32>
    %jit3A_1158 = arith.constant 0.000000e+00 : f32
    %broadcast_in_dim3A_1159 = vector.broadcast %jit3A_1158 : f32 to vector<256x8xf32>
    %select_n3A_1160 = arith.select %eq3A_1147, %sub3A_1157, %broadcast_in_dim3A_1159 : vector<256x8xi1>, vector<256x8xf32>
    %reduce_sum3A_1161 = arith.constant dense<0.000000e+00> : vector<256xf32>
    %reduce_sum3A_1162 = vector.multi_reduction <add>, %select_n3A_1160, %reduce_sum3A_1161 [1] : vector<256x8xf32> to vector<256xf32>
    %broadcast_in_dim3A_1163 = vector.shape_cast %reduce_sum3A_1162 : vector<256xf32> to vector<256x1xf32>
    %jit3A_1164 = arith.constant 0.000000e+00 : f32
    %broadcast_in_dim3A_1165 = vector.broadcast %jit3A_1164 : f32 to vector<256x8xf32>
    %select_n3A_1166 = arith.select %eq3A_1149, %sub3A_1157, %broadcast_in_dim3A_1165 : vector<256x8xi1>, vector<256x8xf32>
    %reduce_sum3A_1167 = arith.constant dense<0.000000e+00> : vector<256xf32>
    %reduce_sum3A_1168 = vector.multi_reduction <add>, %select_n3A_1166, %reduce_sum3A_1167 [1] : vector<256x8xf32> to vector<256xf32>
    %broadcast_in_dim3A_1169 = vector.shape_cast %reduce_sum3A_1168 : vector<256xf32> to vector<256x1xf32>
    %eq3A_1170 = arith.constant 0 : i32
    %eq3A_1171 = vector.broadcast %eq3A_1170 : i32 to vector<256x128xi32>
    %eq3A_1172 = arith.cmpi eq, %iota3A_0, %eq3A_1171 : vector<256x128xi32>
    %convert_element_type3A_1173 = arith.fptosi %broadcast_in_dim3A_1163 : vector<256x1xf32> to vector<256x1xi32>
    %eq3A_1174 = arith.constant 1 : i32
    %eq3A_1175 = vector.broadcast %eq3A_1174 : i32 to vector<256x128xi32>
    %eq3A_1176 = arith.cmpi eq, %iota3A_0, %eq3A_1175 : vector<256x128xi32>
    %convert_element_type3A_1177 = arith.fptosi %broadcast_in_dim3A_1169 : vector<256x1xf32> to vector<256x1xi32>
    %jit3A_1178 = arith.constant 0 : i32
    %broadcast_in_dim3A_1179 = vector.shape_cast %convert_element_type3A_1177 : vector<256x1xi32> to vector<256x1xi32>
    %broadcast_in_dim3A_1180 = vector.broadcast %broadcast_in_dim3A_1179 : vector<256x1xi32> to vector<256x128xi32>
    %broadcast_in_dim3A_1181 = vector.broadcast %jit3A_1178 : i32 to vector<256x128xi32>
    %select_n3A_1182 = arith.select %eq3A_1176, %broadcast_in_dim3A_1180, %broadcast_in_dim3A_1181 : vector<256x128xi1>, vector<256x128xi32>
    %broadcast_in_dim3A_1183 = vector.shape_cast %convert_element_type3A_1173 : vector<256x1xi32> to vector<256x1xi32>
    %broadcast_in_dim3A_1184 = vector.broadcast %broadcast_in_dim3A_1183 : vector<256x1xi32> to vector<256x128xi32>
    %select_n3A_1185 = arith.select %eq3A_1172, %broadcast_in_dim3A_1184, %select_n3A_1182 : vector<256x128xi1>, vector<256x128xi32>
    %swap3A_1186 = arith.constant 512 : index
    %swap3A_1187 = arith.constant 0 : index
    %swap3A_1188 = vector.load %arg5[%swap3A_1186, %swap3A_1187] : memref<2048x128xi32, #tpu.memory_space<vmem>>, vector<256x128xi32>
    tpu.vector_store %arg5[%swap3A_1186, %swap3A_1187], %select_n3A_1185 {strides = array<i32>} : memref<2048x128xi32, #tpu.memory_space<vmem>>, vector<256x128xi32>,
    %get3A_1189 = arith.constant 768 : index
    %get3A_1190 = arith.constant 0 : index
    %get3A_1191 = vector.load %arg5[%get3A_1189, %get3A_1190] : memref<2048x128xi32, #tpu.memory_space<vmem>>, vector<256x1xi32>
    %get3A_1192 = arith.constant 768 : index
    %get3A_1193 = arith.constant 1 : index
    %get3A_1194 = vector.load %arg5[%get3A_1192, %get3A_1193] : memref<2048x128xi32, #tpu.memory_space<vmem>>, vector<256x1xi32>
    %eq3A_1195 = vector.broadcast %get3A_1191 : vector<256x1xi32> to vector<256x8xi32>
    %eq3A_1196 = arith.cmpi eq, %iota3A, %eq3A_1195 : vector<256x8xi32>
    %eq3A_1197 = vector.broadcast %get3A_1194 : vector<256x1xi32> to vector<256x8xi32>
    %eq3A_1198 = arith.cmpi eq, %iota3A, %eq3A_1197 : vector<256x8xi32>
    %get3A_1199 = arith.constant 768 : index
    %get3A_1200 = arith.constant 0 : index
    %get3A_1201 = vector.load %arg10[%get3A_1199, %get3A_1200] : memref<2048x8xf32, #tpu.memory_space<vmem>>, vector<256x8xf32>
    %add3A_1202 = vector.broadcast %dot_general3A_1016 : vector<1x8xf32> to vector<256x8xf32>
    %add3A_1203 = arith.addf %add3A_1202, %get3A_1201 : vector<256x8xf32>
    %sub3A_1204 = arith.constant 1.000000e+00 : f32
    %sub3A_1205 = vector.broadcast %sub3A_1204 : f32 to vector<256x8xf32>
    %sub3A_1206 = arith.subf %add3A_1203, %sub3A_1205 : vector<256x8xf32>
    %jit3A_1207 = arith.constant 0.000000e+00 : f32
    %broadcast_in_dim3A_1208 = vector.broadcast %jit3A_1207 : f32 to vector<256x8xf32>
    %select_n3A_1209 = arith.select %eq3A_1196, %sub3A_1206, %broadcast_in_dim3A_1208 : vector<256x8xi1>, vector<256x8xf32>
    %reduce_sum3A_1210 = arith.constant dense<0.000000e+00> : vector<256xf32>
    %reduce_sum3A_1211 = vector.multi_reduction <add>, %select_n3A_1209, %reduce_sum3A_1210 [1] : vector<256x8xf32> to vector<256xf32>
    %broadcast_in_dim3A_1212 = vector.shape_cast %reduce_sum3A_1211 : vector<256xf32> to vector<256x1xf32>
    %jit3A_1213 = arith.constant 0.000000e+00 : f32
    %broadcast_in_dim3A_1214 = vector.broadcast %jit3A_1213 : f32 to vector<256x8xf32>
    %select_n3A_1215 = arith.select %eq3A_1198, %sub3A_1206, %broadcast_in_dim3A_1214 : vector<256x8xi1>, vector<256x8xf32>
    %reduce_sum3A_1216 = arith.constant dense<0.000000e+00> : vector<256xf32>
    %reduce_sum3A_1217 = vector.multi_reduction <add>, %select_n3A_1215, %reduce_sum3A_1216 [1] : vector<256x8xf32> to vector<256xf32>
    %broadcast_in_dim3A_1218 = vector.shape_cast %reduce_sum3A_1217 : vector<256xf32> to vector<256x1xf32>
    %eq3A_1219 = arith.constant 0 : i32
    %eq3A_1220 = vector.broadcast %eq3A_1219 : i32 to vector<256x128xi32>
    %eq3A_1221 = arith.cmpi eq, %iota3A_0, %eq3A_1220 : vector<256x128xi32>
    %convert_element_type3A_1222 = arith.fptosi %broadcast_in_dim3A_1212 : vector<256x1xf32> to vector<256x1xi32>
    %eq3A_1223 = arith.constant 1 : i32
    %eq3A_1224 = vector.broadcast %eq3A_1223 : i32 to vector<256x128xi32>
    %eq3A_1225 = arith.cmpi eq, %iota3A_0, %eq3A_1224 : vector<256x128xi32>
    %convert_element_type3A_1226 = arith.fptosi %broadcast_in_dim3A_1218 : vector<256x1xf32> to vector<256x1xi32>
    %jit3A_1227 = arith.constant 0 : i32
    %broadcast_in_dim3A_1228 = vector.shape_cast %convert_element_type3A_1226 : vector<256x1xi32> to vector<256x1xi32>
    %broadcast_in_dim3A_1229 = vector.broadcast %broadcast_in_dim3A_1228 : vector<256x1xi32> to vector<256x128xi32>
    %broadcast_in_dim3A_1230 = vector.broadcast %jit3A_1227 : i32 to vector<256x128xi32>
    %select_n3A_1231 = arith.select %eq3A_1225, %broadcast_in_dim3A_1229, %broadcast_in_dim3A_1230 : vector<256x128xi1>, vector<256x128xi32>
    %broadcast_in_dim3A_1232 = vector.shape_cast %convert_element_type3A_1222 : vector<256x1xi32> to vector<256x1xi32>
    %broadcast_in_dim3A_1233 = vector.broadcast %broadcast_in_dim3A_1232 : vector<256x1xi32> to vector<256x128xi32>
    %select_n3A_1234 = arith.select %eq3A_1221, %broadcast_in_dim3A_1233, %select_n3A_1231 : vector<256x128xi1>, vector<256x128xi32>
    %swap3A_1235 = arith.constant 768 : index
    %swap3A_1236 = arith.constant 0 : index
    %swap3A_1237 = vector.load %arg5[%swap3A_1235, %swap3A_1236] : memref<2048x128xi32, #tpu.memory_space<vmem>>, vector<256x128xi32>
    tpu.vector_store %arg5[%swap3A_1235, %swap3A_1236], %select_n3A_1234 {strides = array<i32>} : memref<2048x128xi32, #tpu.memory_space<vmem>>, vector<256x128xi32>,
    %get3A_1238 = arith.constant 1024 : index
    %get3A_1239 = arith.constant 0 : index
    %get3A_1240 = vector.load %arg5[%get3A_1238, %get3A_1239] : memref<2048x128xi32, #tpu.memory_space<vmem>>, vector<256x1xi32>
    %get3A_1241 = arith.constant 1024 : index
    %get3A_1242 = arith.constant 1 : index
    %get3A_1243 = vector.load %arg5[%get3A_1241, %get3A_1242] : memref<2048x128xi32, #tpu.memory_space<vmem>>, vector<256x1xi32>
    %eq3A_1244 = vector.broadcast %get3A_1240 : vector<256x1xi32> to vector<256x8xi32>
    %eq3A_1245 = arith.cmpi eq, %iota3A, %eq3A_1244 : vector<256x8xi32>
    %eq3A_1246 = vector.broadcast %get3A_1243 : vector<256x1xi32> to vector<256x8xi32>
    %eq3A_1247 = arith.cmpi eq, %iota3A, %eq3A_1246 : vector<256x8xi32>
    %get3A_1248 = arith.constant 1024 : index
    %get3A_1249 = arith.constant 0 : index
    %get3A_1250 = vector.load %arg10[%get3A_1248, %get3A_1249] : memref<2048x8xf32, #tpu.memory_space<vmem>>, vector<256x8xf32>
    %add3A_1251 = vector.broadcast %dot_general3A_1016 : vector<1x8xf32> to vector<256x8xf32>
    %add3A_1252 = arith.addf %add3A_1251, %get3A_1250 : vector<256x8xf32>
    %sub3A_1253 = arith.constant 1.000000e+00 : f32
    %sub3A_1254 = vector.broadcast %sub3A_1253 : f32 to vector<256x8xf32>
    %sub3A_1255 = arith.subf %add3A_1252, %sub3A_1254 : vector<256x8xf32>
    %jit3A_1256 = arith.constant 0.000000e+00 : f32
    %broadcast_in_dim3A_1257 = vector.broadcast %jit3A_1256 : f32 to vector<256x8xf32>
    %select_n3A_1258 = arith.select %eq3A_1245, %sub3A_1255, %broadcast_in_dim3A_1257 : vector<256x8xi1>, vector<256x8xf32>
    %reduce_sum3A_1259 = arith.constant dense<0.000000e+00> : vector<256xf32>
    %reduce_sum3A_1260 = vector.multi_reduction <add>, %select_n3A_1258, %reduce_sum3A_1259 [1] : vector<256x8xf32> to vector<256xf32>
    %broadcast_in_dim3A_1261 = vector.shape_cast %reduce_sum3A_1260 : vector<256xf32> to vector<256x1xf32>
    %jit3A_1262 = arith.constant 0.000000e+00 : f32
    %broadcast_in_dim3A_1263 = vector.broadcast %jit3A_1262 : f32 to vector<256x8xf32>
    %select_n3A_1264 = arith.select %eq3A_1247, %sub3A_1255, %broadcast_in_dim3A_1263 : vector<256x8xi1>, vector<256x8xf32>
    %reduce_sum3A_1265 = arith.constant dense<0.000000e+00> : vector<256xf32>
    %reduce_sum3A_1266 = vector.multi_reduction <add>, %select_n3A_1264, %reduce_sum3A_1265 [1] : vector<256x8xf32> to vector<256xf32>
    %broadcast_in_dim3A_1267 = vector.shape_cast %reduce_sum3A_1266 : vector<256xf32> to vector<256x1xf32>
    %eq3A_1268 = arith.constant 0 : i32
    %eq3A_1269 = vector.broadcast %eq3A_1268 : i32 to vector<256x128xi32>
    %eq3A_1270 = arith.cmpi eq, %iota3A_0, %eq3A_1269 : vector<256x128xi32>
    %convert_element_type3A_1271 = arith.fptosi %broadcast_in_dim3A_1261 : vector<256x1xf32> to vector<256x1xi32>
    %eq3A_1272 = arith.constant 1 : i32
    %eq3A_1273 = vector.broadcast %eq3A_1272 : i32 to vector<256x128xi32>
    %eq3A_1274 = arith.cmpi eq, %iota3A_0, %eq3A_1273 : vector<256x128xi32>
    %convert_element_type3A_1275 = arith.fptosi %broadcast_in_dim3A_1267 : vector<256x1xf32> to vector<256x1xi32>
    %jit3A_1276 = arith.constant 0 : i32
    %broadcast_in_dim3A_1277 = vector.shape_cast %convert_element_type3A_1275 : vector<256x1xi32> to vector<256x1xi32>
    %broadcast_in_dim3A_1278 = vector.broadcast %broadcast_in_dim3A_1277 : vector<256x1xi32> to vector<256x128xi32>
    %broadcast_in_dim3A_1279 = vector.broadcast %jit3A_1276 : i32 to vector<256x128xi32>
    %select_n3A_1280 = arith.select %eq3A_1274, %broadcast_in_dim3A_1278, %broadcast_in_dim3A_1279 : vector<256x128xi1>, vector<256x128xi32>
    %broadcast_in_dim3A_1281 = vector.shape_cast %convert_element_type3A_1271 : vector<256x1xi32> to vector<256x1xi32>
    %broadcast_in_dim3A_1282 = vector.broadcast %broadcast_in_dim3A_1281 : vector<256x1xi32> to vector<256x128xi32>
    %select_n3A_1283 = arith.select %eq3A_1270, %broadcast_in_dim3A_1282, %select_n3A_1280 : vector<256x128xi1>, vector<256x128xi32>
    %swap3A_1284 = arith.constant 1024 : index
    %swap3A_1285 = arith.constant 0 : index
    %swap3A_1286 = vector.load %arg5[%swap3A_1284, %swap3A_1285] : memref<2048x128xi32, #tpu.memory_space<vmem>>, vector<256x128xi32>
    tpu.vector_store %arg5[%swap3A_1284, %swap3A_1285], %select_n3A_1283 {strides = array<i32>} : memref<2048x128xi32, #tpu.memory_space<vmem>>, vector<256x128xi32>,
    %get3A_1287 = arith.constant 1280 : index
    %get3A_1288 = arith.constant 0 : index
    %get3A_1289 = vector.load %arg5[%get3A_1287, %get3A_1288] : memref<2048x128xi32, #tpu.memory_space<vmem>>, vector<256x1xi32>
    %get3A_1290 = arith.constant 1280 : index
    %get3A_1291 = arith.constant 1 : index
    %get3A_1292 = vector.load %arg5[%get3A_1290, %get3A_1291] : memref<2048x128xi32, #tpu.memory_space<vmem>>, vector<256x1xi32>
    %eq3A_1293 = vector.broadcast %get3A_1289 : vector<256x1xi32> to vector<256x8xi32>
    %eq3A_1294 = arith.cmpi eq, %iota3A, %eq3A_1293 : vector<256x8xi32>
    %eq3A_1295 = vector.broadcast %get3A_1292 : vector<256x1xi32> to vector<256x8xi32>
    %eq3A_1296 = arith.cmpi eq, %iota3A, %eq3A_1295 : vector<256x8xi32>
    %get3A_1297 = arith.constant 1280 : index
    %get3A_1298 = arith.constant 0 : index
    %get3A_1299 = vector.load %arg10[%get3A_1297, %get3A_1298] : memref<2048x8xf32, #tpu.memory_space<vmem>>, vector<256x8xf32>
    %add3A_1300 = vector.broadcast %dot_general3A_1016 : vector<1x8xf32> to vector<256x8xf32>
    %add3A_1301 = arith.addf %add3A_1300, %get3A_1299 : vector<256x8xf32>
    %sub3A_1302 = arith.constant 1.000000e+00 : f32
    %sub3A_1303 = vector.broadcast %sub3A_1302 : f32 to vector<256x8xf32>
    %sub3A_1304 = arith.subf %add3A_1301, %sub3A_1303 : vector<256x8xf32>
    %jit3A_1305 = arith.constant 0.000000e+00 : f32
    %broadcast_in_dim3A_1306 = vector.broadcast %jit3A_1305 : f32 to vector<256x8xf32>
    %select_n3A_1307 = arith.select %eq3A_1294, %sub3A_1304, %broadcast_in_dim3A_1306 : vector<256x8xi1>, vector<256x8xf32>
    %reduce_sum3A_1308 = arith.constant dense<0.000000e+00> : vector<256xf32>
    %reduce_sum3A_1309 = vector.multi_reduction <add>, %select_n3A_1307, %reduce_sum3A_1308 [1] : vector<256x8xf32> to vector<256xf32>
    %broadcast_in_dim3A_1310 = vector.shape_cast %reduce_sum3A_1309 : vector<256xf32> to vector<256x1xf32>
    %jit3A_1311 = arith.constant 0.000000e+00 : f32
    %broadcast_in_dim3A_1312 = vector.broadcast %jit3A_1311 : f32 to vector<256x8xf32>
    %select_n3A_1313 = arith.select %eq3A_1296, %sub3A_1304, %broadcast_in_dim3A_1312 : vector<256x8xi1>, vector<256x8xf32>
    %reduce_sum3A_1314 = arith.constant dense<0.000000e+00> : vector<256xf32>
    %reduce_sum3A_1315 = vector.multi_reduction <add>, %select_n3A_1313, %reduce_sum3A_1314 [1] : vector<256x8xf32> to vector<256xf32>
    %broadcast_in_dim3A_1316 = vector.shape_cast %reduce_sum3A_1315 : vector<256xf32> to vector<256x1xf32>
    %eq3A_1317 = arith.constant 0 : i32
    %eq3A_1318 = vector.broadcast %eq3A_1317 : i32 to vector<256x128xi32>
    %eq3A_1319 = arith.cmpi eq, %iota3A_0, %eq3A_1318 : vector<256x128xi32>
    %convert_element_type3A_1320 = arith.fptosi %broadcast_in_dim3A_1310 : vector<256x1xf32> to vector<256x1xi32>
    %eq3A_1321 = arith.constant 1 : i32
    %eq3A_1322 = vector.broadcast %eq3A_1321 : i32 to vector<256x128xi32>
    %eq3A_1323 = arith.cmpi eq, %iota3A_0, %eq3A_1322 : vector<256x128xi32>
    %convert_element_type3A_1324 = arith.fptosi %broadcast_in_dim3A_1316 : vector<256x1xf32> to vector<256x1xi32>
    %jit3A_1325 = arith.constant 0 : i32
    %broadcast_in_dim3A_1326 = vector.shape_cast %convert_element_type3A_1324 : vector<256x1xi32> to vector<256x1xi32>
    %broadcast_in_dim3A_1327 = vector.broadcast %broadcast_in_dim3A_1326 : vector<256x1xi32> to vector<256x128xi32>
    %broadcast_in_dim3A_1328 = vector.broadcast %jit3A_1325 : i32 to vector<256x128xi32>
    %select_n3A_1329 = arith.select %eq3A_1323, %broadcast_in_dim3A_1327, %broadcast_in_dim3A_1328 : vector<256x128xi1>, vector<256x128xi32>
    %broadcast_in_dim3A_1330 = vector.shape_cast %convert_element_type3A_1320 : vector<256x1xi32> to vector<256x1xi32>
    %broadcast_in_dim3A_1331 = vector.broadcast %broadcast_in_dim3A_1330 : vector<256x1xi32> to vector<256x128xi32>
    %select_n3A_1332 = arith.select %eq3A_1319, %broadcast_in_dim3A_1331, %select_n3A_1329 : vector<256x128xi1>, vector<256x128xi32>
    %swap3A_1333 = arith.constant 1280 : index
    %swap3A_1334 = arith.constant 0 : index
    %swap3A_1335 = vector.load %arg5[%swap3A_1333, %swap3A_1334] : memref<2048x128xi32, #tpu.memory_space<vmem>>, vector<256x128xi32>
    tpu.vector_store %arg5[%swap3A_1333, %swap3A_1334], %select_n3A_1332 {strides = array<i32>} : memref<2048x128xi32, #tpu.memory_space<vmem>>, vector<256x128xi32>,
    %get3A_1336 = arith.constant 1536 : index
    %get3A_1337 = arith.constant 0 : index
    %get3A_1338 = vector.load %arg5[%get3A_1336, %get3A_1337] : memref<2048x128xi32, #tpu.memory_space<vmem>>, vector<256x1xi32>
    %get3A_1339 = arith.constant 1536 : index
    %get3A_1340 = arith.constant 1 : index
    %get3A_1341 = vector.load %arg5[%get3A_1339, %get3A_1340] : memref<2048x128xi32, #tpu.memory_space<vmem>>, vector<256x1xi32>
    %eq3A_1342 = vector.broadcast %get3A_1338 : vector<256x1xi32> to vector<256x8xi32>
    %eq3A_1343 = arith.cmpi eq, %iota3A, %eq3A_1342 : vector<256x8xi32>
    %eq3A_1344 = vector.broadcast %get3A_1341 : vector<256x1xi32> to vector<256x8xi32>
    %eq3A_1345 = arith.cmpi eq, %iota3A, %eq3A_1344 : vector<256x8xi32>
    %get3A_1346 = arith.constant 1536 : index
    %get3A_1347 = arith.constant 0 : index
    %get3A_1348 = vector.load %arg10[%get3A_1346, %get3A_1347] : memref<2048x8xf32, #tpu.memory_space<vmem>>, vector<256x8xf32>
    %add3A_1349 = vector.broadcast %dot_general3A_1016 : vector<1x8xf32> to vector<256x8xf32>
    %add3A_1350 = arith.addf %add3A_1349, %get3A_1348 : vector<256x8xf32>
    %sub3A_1351 = arith.constant 1.000000e+00 : f32
    %sub3A_1352 = vector.broadcast %sub3A_1351 : f32 to vector<256x8xf32>
    %sub3A_1353 = arith.subf %add3A_1350, %sub3A_1352 : vector<256x8xf32>
    %jit3A_1354 = arith.constant 0.000000e+00 : f32
    %broadcast_in_dim3A_1355 = vector.broadcast %jit3A_1354 : f32 to vector<256x8xf32>
    %select_n3A_1356 = arith.select %eq3A_1343, %sub3A_1353, %broadcast_in_dim3A_1355 : vector<256x8xi1>, vector<256x8xf32>
    %reduce_sum3A_1357 = arith.constant dense<0.000000e+00> : vector<256xf32>
    %reduce_sum3A_1358 = vector.multi_reduction <add>, %select_n3A_1356, %reduce_sum3A_1357 [1] : vector<256x8xf32> to vector<256xf32>
    %broadcast_in_dim3A_1359 = vector.shape_cast %reduce_sum3A_1358 : vector<256xf32> to vector<256x1xf32>
    %jit3A_1360 = arith.constant 0.000000e+00 : f32
    %broadcast_in_dim3A_1361 = vector.broadcast %jit3A_1360 : f32 to vector<256x8xf32>
    %select_n3A_1362 = arith.select %eq3A_1345, %sub3A_1353, %broadcast_in_dim3A_1361 : vector<256x8xi1>, vector<256x8xf32>
    %reduce_sum3A_1363 = arith.constant dense<0.000000e+00> : vector<256xf32>
    %reduce_sum3A_1364 = vector.multi_reduction <add>, %select_n3A_1362, %reduce_sum3A_1363 [1] : vector<256x8xf32> to vector<256xf32>
    %broadcast_in_dim3A_1365 = vector.shape_cast %reduce_sum3A_1364 : vector<256xf32> to vector<256x1xf32>
    %eq3A_1366 = arith.constant 0 : i32
    %eq3A_1367 = vector.broadcast %eq3A_1366 : i32 to vector<256x128xi32>
    %eq3A_1368 = arith.cmpi eq, %iota3A_0, %eq3A_1367 : vector<256x128xi32>
    %convert_element_type3A_1369 = arith.fptosi %broadcast_in_dim3A_1359 : vector<256x1xf32> to vector<256x1xi32>
    %eq3A_1370 = arith.constant 1 : i32
    %eq3A_1371 = vector.broadcast %eq3A_1370 : i32 to vector<256x128xi32>
    %eq3A_1372 = arith.cmpi eq, %iota3A_0, %eq3A_1371 : vector<256x128xi32>
    %convert_element_type3A_1373 = arith.fptosi %broadcast_in_dim3A_1365 : vector<256x1xf32> to vector<256x1xi32>
    %jit3A_1374 = arith.constant 0 : i32
    %broadcast_in_dim3A_1375 = vector.shape_cast %convert_element_type3A_1373 : vector<256x1xi32> to vector<256x1xi32>
    %broadcast_in_dim3A_1376 = vector.broadcast %broadcast_in_dim3A_1375 : vector<256x1xi32> to vector<256x128xi32>
    %broadcast_in_dim3A_1377 = vector.broadcast %jit3A_1374 : i32 to vector<256x128xi32>
    %select_n3A_1378 = arith.select %eq3A_1372, %broadcast_in_dim3A_1376, %broadcast_in_dim3A_1377 : vector<256x128xi1>, vector<256x128xi32>
    %broadcast_in_dim3A_1379 = vector.shape_cast %convert_element_type3A_1369 : vector<256x1xi32> to vector<256x1xi32>
    %broadcast_in_dim3A_1380 = vector.broadcast %broadcast_in_dim3A_1379 : vector<256x1xi32> to vector<256x128xi32>
    %select_n3A_1381 = arith.select %eq3A_1368, %broadcast_in_dim3A_1380, %select_n3A_1378 : vector<256x128xi1>, vector<256x128xi32>
    %swap3A_1382 = arith.constant 1536 : index
    %swap3A_1383 = arith.constant 0 : index
    %swap3A_1384 = vector.load %arg5[%swap3A_1382, %swap3A_1383] : memref<2048x128xi32, #tpu.memory_space<vmem>>, vector<256x128xi32>
    tpu.vector_store %arg5[%swap3A_1382, %swap3A_1383], %select_n3A_1381 {strides = array<i32>} : memref<2048x128xi32, #tpu.memory_space<vmem>>, vector<256x128xi32>,
    %get3A_1385 = arith.constant 1792 : index
    %get3A_1386 = arith.constant 0 : index
    %get3A_1387 = vector.load %arg5[%get3A_1385, %get3A_1386] : memref<2048x128xi32, #tpu.memory_space<vmem>>, vector<256x1xi32>
    %get3A_1388 = arith.constant 1792 : index
    %get3A_1389 = arith.constant 1 : index
    %get3A_1390 = vector.load %arg5[%get3A_1388, %get3A_1389] : memref<2048x128xi32, #tpu.memory_space<vmem>>, vector<256x1xi32>
    %eq3A_1391 = vector.broadcast %get3A_1387 : vector<256x1xi32> to vector<256x8xi32>
    %eq3A_1392 = arith.cmpi eq, %iota3A, %eq3A_1391 : vector<256x8xi32>
    %eq3A_1393 = vector.broadcast %get3A_1390 : vector<256x1xi32> to vector<256x8xi32>
    %eq3A_1394 = arith.cmpi eq, %iota3A, %eq3A_1393 : vector<256x8xi32>
    %get3A_1395 = arith.constant 1792 : index
    %get3A_1396 = arith.constant 0 : index
    %get3A_1397 = vector.load %arg10[%get3A_1395, %get3A_1396] : memref<2048x8xf32, #tpu.memory_space<vmem>>, vector<256x8xf32>
    %add3A_1398 = vector.broadcast %dot_general3A_1016 : vector<1x8xf32> to vector<256x8xf32>
    %add3A_1399 = arith.addf %add3A_1398, %get3A_1397 : vector<256x8xf32>
    %sub3A_1400 = arith.constant 1.000000e+00 : f32
    %sub3A_1401 = vector.broadcast %sub3A_1400 : f32 to vector<256x8xf32>
    %sub3A_1402 = arith.subf %add3A_1399, %sub3A_1401 : vector<256x8xf32>
    %jit3A_1403 = arith.constant 0.000000e+00 : f32
    %broadcast_in_dim3A_1404 = vector.broadcast %jit3A_1403 : f32 to vector<256x8xf32>
    %select_n3A_1405 = arith.select %eq3A_1392, %sub3A_1402, %broadcast_in_dim3A_1404 : vector<256x8xi1>, vector<256x8xf32>
    %reduce_sum3A_1406 = arith.constant dense<0.000000e+00> : vector<256xf32>
    %reduce_sum3A_1407 = vector.multi_reduction <add>, %select_n3A_1405, %reduce_sum3A_1406 [1] : vector<256x8xf32> to vector<256xf32>
    %broadcast_in_dim3A_1408 = vector.shape_cast %reduce_sum3A_1407 : vector<256xf32> to vector<256x1xf32>
    %jit3A_1409 = arith.constant 0.000000e+00 : f32
    %broadcast_in_dim3A_1410 = vector.broadcast %jit3A_1409 : f32 to vector<256x8xf32>
    %select_n3A_1411 = arith.select %eq3A_1394, %sub3A_1402, %broadcast_in_dim3A_1410 : vector<256x8xi1>, vector<256x8xf32>
    %reduce_sum3A_1412 = arith.constant dense<0.000000e+00> : vector<256xf32>
    %reduce_sum3A_1413 = vector.multi_reduction <add>, %select_n3A_1411, %reduce_sum3A_1412 [1] : vector<256x8xf32> to vector<256xf32>
    %broadcast_in_dim3A_1414 = vector.shape_cast %reduce_sum3A_1413 : vector<256xf32> to vector<256x1xf32>
    %eq3A_1415 = arith.constant 0 : i32
    %eq3A_1416 = vector.broadcast %eq3A_1415 : i32 to vector<256x128xi32>
    %eq3A_1417 = arith.cmpi eq, %iota3A_0, %eq3A_1416 : vector<256x128xi32>
    %convert_element_type3A_1418 = arith.fptosi %broadcast_in_dim3A_1408 : vector<256x1xf32> to vector<256x1xi32>
    %eq3A_1419 = arith.constant 1 : i32
    %eq3A_1420 = vector.broadcast %eq3A_1419 : i32 to vector<256x128xi32>
    %eq3A_1421 = arith.cmpi eq, %iota3A_0, %eq3A_1420 : vector<256x128xi32>
    %convert_element_type3A_1422 = arith.fptosi %broadcast_in_dim3A_1414 : vector<256x1xf32> to vector<256x1xi32>
    %jit3A_1423 = arith.constant 0 : i32
    %broadcast_in_dim3A_1424 = vector.shape_cast %convert_element_type3A_1422 : vector<256x1xi32> to vector<256x1xi32>
    %broadcast_in_dim3A_1425 = vector.broadcast %broadcast_in_dim3A_1424 : vector<256x1xi32> to vector<256x128xi32>
    %broadcast_in_dim3A_1426 = vector.broadcast %jit3A_1423 : i32 to vector<256x128xi32>
    %select_n3A_1427 = arith.select %eq3A_1421, %broadcast_in_dim3A_1425, %broadcast_in_dim3A_1426 : vector<256x128xi1>, vector<256x128xi32>
    %broadcast_in_dim3A_1428 = vector.shape_cast %convert_element_type3A_1418 : vector<256x1xi32> to vector<256x1xi32>
    %broadcast_in_dim3A_1429 = vector.broadcast %broadcast_in_dim3A_1428 : vector<256x1xi32> to vector<256x128xi32>
    %select_n3A_1430 = arith.select %eq3A_1417, %broadcast_in_dim3A_1429, %select_n3A_1427 : vector<256x128xi1>, vector<256x128xi32>
    %swap3A_1431 = arith.constant 1792 : index
    %swap3A_1432 = arith.constant 0 : index
    %swap3A_1433 = vector.load %arg5[%swap3A_1431, %swap3A_1432] : memref<2048x128xi32, #tpu.memory_space<vmem>>, vector<256x128xi32>
    tpu.vector_store %arg5[%swap3A_1431, %swap3A_1432], %select_n3A_1430 {strides = array<i32>} : memref<2048x128xi32, #tpu.memory_space<vmem>>, vector<256x128xi32>,
    return
  }
}

module attributes {stable_mosaic.version = 14 : i64} {
  func.func @_gemm_body(%arg0: i32, %arg1: memref<24xi32, #tpu.memory_space<smem>>, %arg2: memref<24xi32, #tpu.memory_space<smem>>, %arg3: memref<256x768xf32, #tpu.memory_space<vmem>>, %arg4: memref<1x768x768xf32, #tpu.memory_space<vmem>>, %arg5: memref<256x768xf32, #tpu.memory_space<vmem>>) attributes {dimension_semantics = [#tpu.dimension_semantics<arbitrary>], iteration_bounds = array<i64: 24>, scalar_prefetch = 2 : i64, scratch_operands = 0 : i64, tpu.core_type = #tpu.core_type<tc>, window_params = [{transform_indices = @transform_0, window_bounds = array<i64: 256, 768>}, {transform_indices = @transform_1, window_bounds = array<i64: 1, 768, 768>}, {transform_indices = @transform_2, window_bounds = array<i64: 256, 768>}]} {
    %get3A = arith.index_cast %arg0 : i32 to index
    %get3A_0 = memref.load %arg2[%get3A] : memref<24xi32, #tpu.memory_space<smem>>
    %eq3A = arith.constant 1 : i32
    %eq3A_1 = arith.cmpi eq, %get3A_0, %eq3A : i32
    %convert_element_type3A = arith.extui %eq3A_1 : i1 to i32
    %cond3A = arith.constant 0 : i32
    %cond3A_2 = arith.cmpi ne, %convert_element_type3A, %cond3A : i32
    scf.if %cond3A_2 {
      %get3A_3 = arith.constant 0 : index
      %get3A_4 = arith.constant 0 : index
      %get3A_5 = vector.load %arg3[%get3A_3, %get3A_4] : memref<256x768xf32, #tpu.memory_space<vmem>>, vector<256x768xf32>
      %get3A_6 = arith.constant 0 : index
      %get3A_7 = arith.constant 0 : index
      %get3A_8 = arith.constant 0 : index
      %get3A_9 = vector.load %arg4[%get3A_6, %get3A_7, %get3A_8] : memref<1x768x768xf32, #tpu.memory_space<vmem>>, vector<1x768x768xf32>
      %get3A_10 = vector.shape_cast %get3A_9 : vector<1x768x768xf32> to vector<768x768xf32>
      %dot_general3A = arith.constant dense<0.000000e+00> : vector<256x768xf32>
      %dot_general3A_11 = tpu.matmul %get3A_5, %get3A_10, %dot_general3A {dimension_numbers = #tpu.dot_dimension_numbers<[1], [0], [0], [1], [0, 0, 1, 1], [], []>, transpose_lhs_hint = false} : vector<256x768xf32>, vector<768x768xf32>, vector<256x768xf32> -> vector<256x768xf32>
      %swap3A = arith.constant 0 : index
      %swap3A_12 = arith.constant 0 : index
      %swap3A_13 = vector.load %arg5[%swap3A, %swap3A_12] : memref<256x768xf32, #tpu.memory_space<vmem>>, vector<256x768xf32>
      tpu.vector_store %arg5[%swap3A, %swap3A_12], %dot_general3A_11 {strides = array<i32>} : memref<256x768xf32, #tpu.memory_space<vmem>>, vector<256x768xf32>,
    } else {
    }
    return
  }
  func.func @transform_0(%arg0: i32, %arg1: memref<24xi32, #tpu.memory_space<smem>>, %arg2: memref<24xi32, #tpu.memory_space<smem>>) -> (i32, i32) {
    %c0_i32 = arith.constant 0 : i32
    %c0_i32_0 = arith.constant 0 : i32
    return %arg0, %c0_i32 : i32, i32
  }
  func.func @transform_1(%arg0: i32, %arg1: memref<24xi32, #tpu.memory_space<smem>>, %arg2: memref<24xi32, #tpu.memory_space<smem>>) -> (i32, i32, i32) {
    %get3A = arith.index_cast %arg0 : i32 to index
    %get3A_0 = memref.load %arg1[%get3A] : memref<24xi32, #tpu.memory_space<smem>>
    %c0_i32 = arith.constant 0 : i32
    %c0_i32_1 = arith.constant 0 : i32
    %c0_i32_2 = arith.constant 0 : i32
    return %get3A_0, %c0_i32, %c0_i32_1 : i32, i32, i32
  }
  func.func @transform_2(%arg0: i32, %arg1: memref<24xi32, #tpu.memory_space<smem>>, %arg2: memref<24xi32, #tpu.memory_space<smem>>) -> (i32, i32) {
    %c0_i32 = arith.constant 0 : i32
    %c0_i32_0 = arith.constant 0 : i32
    return %arg0, %c0_i32 : i32, i32
  }
}

</mosaic_0001>

<sc_bundles>
// kernel: kernel.6.cloned.1.call-start
scs
__scs_entry_jumppad:
0x0: {  	(pc) =	sbr.rel $0x88, $3  }
0x1: {  	(tag) =	ssettag $0x0;
	lr =	simm.s32 $0x1  }
0x2: {  	[smem:$0x3F9C] =	sst lr;
	_ =	strace $0xD0000000  }
0x3: {  	_ = 	snop  }
0x4: {  	_ = 	snop  }
0x5: {  	_ = 	snop  }
0x6: {  	_ = 	snop  }
0x7: {  	_ = 	snop  }
__scs_overlays_trampoline_lowered:
0x8: {  	[smem:$0x3FAB] =	sst s0  }
0x9: {  	[smem:$0x3FAC] =	sst s1  }
0xa: {  	[smem:$0x3FAD] =	sst s2  }
0xb: {  	[smem:$0x3FAE] =	sst s3  }
0xc: {  	[smem:$0x3FAF] =	sst s4  }
0xd: {  	[smem:$0x3FB0] =	sst s5  }
0xe: {  	[smem:$0x3FB1] =	sst s6  }
0xf: {  	[smem:$0x3FB2] =	sst s7  }
0x10: {  	[smem:$0x3FB3] =	sst s8  }
0x11: {  	[smem:$0x3FB4] =	sst s9;
	s0 =	simm.s32 @!p0 $0x0  }
0x12: {  	s1 =	sld [smem:$0x3F9A];
	s0 =	simm.s32 @p0 $0x1  }
0x13: {  	[smem:$0x3FB5] =	sst s0;
	s0 =	simm.s32 @!p1 $0x0  }
0x14: {  	s2 =	sld [smem:$0x3F99];
	s0 =	simm.s32 @p1 $0x1  }
0x15: {  	[smem:$0x3FB6] =	sst s0;
	s0 =	simm.s32 @!p2 $0x0  }
0x16: {  	s3 =	sld [smem:$0x3FDB];
	s0 =	simm.s32 @p2 $0x1  }
0x17: {  	s4 =	simm.s32 $0x1BF5;
	[smem:$0x3FB8] =	sst s0  }
0x18: {  	s0 =	sld [smem:$0x3F9B];
	_ =	swait.ge [sflag:s4], $0x0  }
0x19: {  	s7 =	sld [smem:$0x3F9C]  }
0x1a: {  	s8 =	sadd.s32 $0xFFFFE003, lr  }
0x1b: {  	s9 =	sadd.s32 $0xFFFFFEF7, lr;
	s5 =	simm.s32 $0xFFFFFFFF;
	p2 =	slt.u32 s8, $0xFFFFF086  }
0x1c: {  	p1 =	slt.u32 s9, $0xF7A;
	s5 =	simm.s32 @!p2 $0x0  }
0x1d: {  	s5 =	simm.s32 @p1 $0x1;
	p0 =	seq.s32 s7, s2  }
0x1e: {  	s7 =	smul.u32 @!p0 $0xF7A, s2;
	p2 =	seq.s32 @!p0 s5, $0x0  }
0x1f: {  	s9 =	smul.u32 $0xF7A, s1;
	s8 =	simm.s32 @!p0 $0x1BF5;
	p2 =	por !p2, p0  }
0x20: {  	[sflag:s8] =	ssyncset.s32 @!p0 $0xFFFFF086;
	s6 =	sadd.s32 @!p0 s3, s7;
	s7 =	simm.s32 @!p0 $0x108  }
0x21: {  	s3 =	sadd.s32 s3, s9;
	s6 =	sadd.s32 @!p0 $0x88, s6;
	s7 =	simm.s32 @p2 $0x1082  }
0x22: {  	[simem:s7], [sflag:s8] =	dma.local @!p0 [hbm:s6], $0xF7A  }
0x23: {  	s9 =	sor.u32 $0xD0000000, s2;
	s6 =	simm.s32 $0x108;
	_ =	swait.ge @!p0 [sflag:s8], $0x0  }
0x24: {  	s3 =	sadd.s32 $0x88, s3;
	s6 =	simm.s32 @!p1 $0x1082;
	[sflag:s4] =	ssyncset.s32 $0xFFFFF086  }
0x25: {  	[simem:s6], [sflag:s4] =	dma.local [hbm:s3], $0xF7A  }
0x26: {  	[smem:$0x3F9C] =	sst s1;
	(tag) =	ssettag s2;
	_ =	strace s9  }
0x27: {  	s1 =	sld [smem:$0x3FAC]  }
0x28: {  	s2 =	sld [smem:$0x3FAD]  }
0x29: {  	s4 =	sld [smem:$0x3FAF]  }
0x2a: {  	p0 =	seq.s32 s5, $0x0;
	s5 =	sld [smem:$0x3FB0]  }
0x2b: {  	s6 =	sld [smem:$0x3FB1]  }
0x2c: {  	s7 =	sld [smem:$0x3FB2]  }
0x2d: {  	s3 =	simm.s32 $0x108;
	s8 =	sld [smem:$0x3FB3]  }
0x2e: {  	s3 =	simm.s32 @!p0 $0x1082;
	s9 =	sld [smem:$0x3FB4]  }
0x2f: {  	lr =	sadd.s32 s0, s3;
	s0 =	sld [smem:$0x3FAB]  }
0x30: {  	s3 =	sld [smem:$0x3FAE]  }
0x31: {  	[smem:$0x3FB7] =	sst s10  }
0x32: {  	s10 =	sld [smem:$0x3FB5];
	_ =	sdelay $0x3  }
0x33: {  	p0 =	seq.s32 s10, $0x1;
	s10 =	sld [smem:$0x3FB7];
	_ =	sdelay $0x3  }
0x34: {  	[smem:$0x3FB7] =	sst s10  }
0x35: {  	s10 =	sld [smem:$0x3FB6];
	_ =	sdelay $0x3  }
0x36: {  	p1 =	seq.s32 s10, $0x1;
	s10 =	sld [smem:$0x3FB7];
	_ =	sdelay $0x3  }
0x37: {  	[smem:$0x3FB7] =	sst s10  }
0x38: {  	s10 =	sld [smem:$0x3FB8]  }
0x39: {  	_ = 	snop;
	(pc) =	sbr.ind lr, $3  }
0x3a: {  	_ = 	snop  }
0x3b: {  	_ = 	snop  }
0x3c: {  	p2 =	seq.s32 s10, $0x1;
	s10 =	sld [smem:$0x3FB7]  }
0x3d: {  	_ =	shalt  }
0x3e: {  	_ =	shalt  }
0x3f: {  	_ =	shalt  }
0x40: {  	_ =	shalt  }
0x41: {  	_ =	shalt  }
0x42: {  	_ =	shalt  }
0x43: {  	_ =	shalt  }
0x44: {  	_ =	shalt  }
0x45: {  	_ =	shalt  }
0x46: {  	_ =	shalt  }
0x47: {  	_ =	shalt  }
0x48: {  	_ =	shalt  }
0x49: {  	_ =	shalt  }
0x4a: {  	_ =	shalt  }
0x4b: {  	_ =	shalt  }
0x4c: {  	_ =	shalt  }
0x4d: {  	_ =	shalt  }
0x4e: {  	_ =	shalt  }
0x4f: {  	_ =	shalt  }
0x50: {  	_ =	shalt  }
0x51: {  	_ =	shalt  }
0x52: {  	_ =	shalt  }
0x53: {  	_ =	shalt  }
0x54: {  	_ =	shalt  }
0x55: {  	_ =	shalt  }
0x56: {  	_ =	shalt  }
0x57: {  	_ =	shalt  }
0x58: {  	_ =	shalt  }
0x59: {  	_ =	shalt  }
0x5a: {  	_ =	shalt  }
0x5b: {  	_ =	shalt  }
0x5c: {  	_ =	shalt  }
0x5d: {  	_ =	shalt  }
0x5e: {  	_ =	shalt  }
0x5f: {  	_ =	shalt  }
0x60: {  	_ =	shalt  }
0x61: {  	_ =	shalt  }
0x62: {  	_ =	shalt  }
0x63: {  	_ =	shalt  }
0x64: {  	_ =	shalt  }
0x65: {  	_ =	shalt  }
0x66: {  	_ =	shalt  }
0x67: {  	_ =	shalt  }
0x68: {  	_ =	shalt  }
0x69: {  	_ =	shalt  }
0x6a: {  	_ =	shalt  }
0x6b: {  	_ =	shalt  }
0x6c: {  	_ =	shalt  }
0x6d: {  	_ =	shalt  }
0x6e: {  	_ =	shalt  }
0x6f: {  	_ =	shalt  }
0x70: {  	_ =	shalt  }
0x71: {  	_ =	shalt  }
0x72: {  	_ =	shalt  }
0x73: {  	_ =	shalt  }
0x74: {  	_ =	shalt  }
0x75: {  	_ =	shalt  }
0x76: {  	_ =	shalt  }
0x77: {  	_ =	shalt  }
0x78: {  	_ =	shalt  }
0x79: {  	_ =	shalt  }
0x7a: {  	_ =	shalt  }
0x7b: {  	_ =	shalt  }
0x7c: {  	_ =	shalt  }
0x7d: {  	_ =	shalt  }
0x7e: {  	_ =	shalt  }
0x7f: {  	_ =	shalt  }
0x80: {  	_ =	shalt  }
0x81: {  	_ =	shalt  }
0x82: {  	_ =	shalt  }
0x83: {  	_ =	shalt  }
0x84: {  	_ =	shalt  }
0x85: {  	_ =	shalt  }
0x86: {  	_ =	shalt  }
0x87: {  	_ =	shalt  }
.Lfunc_end0:
.L_simem_size_0:
called_computation_lowered:
.L_overlay_start_0:
0x88: {  	s2 =	sld [smem:$0x3FD9]  }
0x89: {  	s3 =	sld [smem:$0x3FFE];
	_ =	sdelay $0x1  }
0x8a: {  	s1 =	srdreg.scid  }
0x8b: {  	s0 =	sand.u32 $0x1, s1  }
0x8c: {  	s16 =	sshll.u32 s0, $0xA;
	s2 =	sadd.s32 s3, s2  }
0x8d: {  	s2 =	sadd.s32 s2, s16  }
0x8e: {  	[smem:$0x3FC3] =	sst s2  }
0x8f: {  	_ = 	snop  }
0x90: {  	(tm) =	ssettm $0x1  }
0x91: {  	s17 =	sld [smem:$0x3FFB];
	_ =	sdelay $0x3  }
0x92: {  	_ =	strace s17  }
0x93: {  	s2 =	sld [smem:$0x3FFC];
	_ =	sdelay $0x3  }
0x94: {  	_ =	strace s2  }
0x95: {  	s2 =	sld [smem:$0x3FFD];
	_ =	sdelay $0x3  }
0x96: {  	_ =	strace s2  }
0x97: {  	_ =	strace $0x8FFFFFFF  }
0x98: {  	s18 =	sld [smem:$0x3FDB];
	_ =	sdelay $0x1  }
0x99: {  	s19 =	simm.s32 $_scs_section_size  }
0x9a: {  	s4 =	simm.s32 $_size__tile_overlayer_lowered;
	s5 =	simm.s32 $_tile_overlayer_lowered  }
0x9b: {  	s22 =	simm.s32 $0x1BFF;
	s21 =	sshll.u32 s5, $0x1;
	s2 =	sadd.s32 s19, s18  }
0x9c: {  	s6 =	simm.s32 $0x0;
	s20 =	sshll.u32 s4, $0x1;
	s4 =	sadd.s32 s21, s2  }
0x9d: {  	[timem:s6], [sflag:s22] =	dma.local [hbm:s4], s20  }
0x9e: {  	_ =	swait.ge [sflag:s22], s20  }
0x9f: {  	s3 =	ssub.s32 $0x0, s20;
	[sflag:s22] =	ssyncset.done $0x0  }
0xa0: {  	[sflag:s22] =	ssyncadd.s32 s3;
	_ =	sdelay $0x1  }
0xa1: {  	s23 =	simm.s32 $0x1B8B  }
0xa2: {  	_ =	swait.ge [sflag:s23], $0x1  }
0xa3: {  	[sflag:s23] =	ssyncset.done $0x0  }
0xa4: {  	s25 =	simm.s32 $0x1B8E;
	s24 =	sld [smem:$0x3FFE];
	[sflag:s23] =	ssyncadd.s32 $0xFFFFFFFF  }
0xa5: {  	s26 =	simm.s32 $execute0_lowered;
	[smem:$0x3FD2] =	sst s25  }
0xa6: {  	s4 =	sshll.u32 s26, $0x1;
	_ =	strace $0x80000046;
	[dreg:$0x1] =	wrdreg $0xFFFFFFFF  }
0xa7: {  	s28 =	simm.s32 $_size_execute0_lowered;
	s2 =	sadd.s32 s2, s4;
	[dreg:$0x0] =	wrdreg $0x0  }
0xa8: {  	s4 =	sshll.u32 s28, $0x1;
	[dreg:$0x2] =	wrdreg s2  }
0xa9: {  	[dreg:$0x3] =	wrdreg s4  }
0xaa: {  	[dreg:$0x4] =	wrdreg $0xC0  }
0xab: {  	_ =	task [dreg:s6], $0x5FFFF  }
0xac: {  	[dreg:$0x1] =	wrdreg $0xFFFFFFFF  }
0xad: {  	[dreg:$0x0] =	wrdreg $0x60  }
0xae: {  	[dreg:$0x2] =	wrdreg s24  }
0xaf: {  	[dreg:$0x3] =	wrdreg $0x9  }
0xb0: {  	_ =	task.clear_ibuf [dreg:s6], $0x4FFFF;
	_ =	strace $0x90000046  }
0xb1: {  	s29 =	simm.s32 $0x9;
	_ =	strace $0x80000048  }
0xb2: {  	_ =	swait.ge [sflag:s29], $0x1  }
0xb3: {  	[sflag:s29] =	ssyncadd.s32 $0xFFFFFFFF  }
0xb4: {  	_ =	strace $0x90000048  }
0xb5: {  	_ =	sfence  }
0xb6: {  	s30 =	sld [smem:$0x0];
	_ =	sdelay $0x2  }
0xb7: {  	s31 =	sshll.u32 s1, $0xD;
	s1 =	sshrl.u32 s1, $0x2  }
0xb8: {  	s3 =	sand.u32 $0x4000, s31;
	s1 =	sadd.s32 s1, s30  }
0xb9: {  	s0 =	sor.u32 s3, s0;
	s1 =	sshll.u32 s1, $0x11  }
0xba: {  	s0 =	sor.u32 s1, s0  }
0xbb: {  	s0 =	sadd.s32 $0x8F2B, s0  }
0xbc: {  	[sflag:s0] =	ssyncadd.remote.s32 $0x1  }
0xbd: {  	_ =	sfence.sel $0xFFFF  }
0xbe: {  	[dreg:$0x0] =	wrdreg $0xFFFFFFFF;
	(pc) =	sbr.abs _section_cstart, $3  }
0xbf: {  	[dreg:$0x1] =	wrdreg $0xFFFFFFFF  }
0xc0: {  	_ =	task.clear_ibuf [dreg:s6], $0x2FFFF;
	_ =	strace $0x9FFFFFFF  }
0xc1: {  	(tm) =	ssettm $0x7FFFFFFF  }
tec
execute0_lowered:
.L_overlay_start_1:
0x0: {  	(tag) =	ssettag $0x1  }
0x1: {  	s0 =	srdreg.scid  }
0x2: {  	s1 =	stileid.u32;
	s5 =	rddreg [dreg:$0x0]  }
0x3: {  	s2 =	simm.s32 $0x0;
	s10 =	simm.s32 $0x880;
	s11 =	simm.s32 $0x1080  }
0x4: {  	s12 =	simm.s32 $0x1880;
	s13 =	simm.s32 $0x2080;
	s14 =	simm.s32 $0x2880  }
0x5: {  	s15 =	simm.s32 $0x3080;
	s16 =	simm.s32 $0x3880;
	s17 =	simm.s32 $0x4080  }
0x6: {  	s18 =	simm.s32 $0x4880;
	s19 =	simm.s32 $0x5080;
	s20 =	simm.s32 $0x5880  }
0x7: {  	s21 =	simm.s32 $0x6080;
	s22 =	simm.s32 $0x6880;
	s28 =	simm.s32 $0x9080  }
0x8: {  	s29 =	simm.s32 $0x9880;
	s30 =	simm.s32 $0xA080;
	s31 =	simm.s32 $0xA880  }
0x9: {  	s0 =	sand.u32 $0x1, s0;
	s1 =	sshll.u32 s1, $0x7;
	[smem:$0x7FF] =	sst s2  }
0xa: {  	s8 =	sadd.s32 $0x90A00, s5;
	s4 =	sshll.u32 s0, $0x6;
	s0 =	ssub.s32 $0x2, s0  }
0xb: {  	_ =	strace $0x80000047;
	s1 =	sor.u32 s4, s1;
	s25 =	sshrl.u32 s0, $0x1  }
0xc: {  	s3 =	sshrl.u32 s1, $0x3;
	s1 =	sshll.u32 s1, $0x1;
	s0 =	ssub.s32 s0, s25  }
0xd: {  	s3 =	smul.u32 $0x1800, s3;
	s6 =	sand.u32 $0xF00, s1;
	s1 =	sor.u32 s4, s1  }
0xe: {  	s25 =	simm.s32 $0x8080;
	s6 =	sor.u32 s4, s6;
	s1 =	sshrl.u32 s1, $0x3  }
0xf: {  	s4 =	sadd.s32 $0x90D00, s5;
	s3 =	sshrl.u32 s3, $0x3;
	s6 =	sshrl.u32 s6, $0x3  }
0x10: {  	s1 =	sor.u32 $0x10, s1;
	s7 =	sadd.s32 s3, s5;
	s3 =	sadd.s32 $0x90C00, s5  }
0x11: {  	s23 =	sadd.s32 s8, s6;
	s1 =	sadd.s32 s8, s1;
	s5 =	sadd.s32 $0x90E00, s5  }
0x12: {  	s6 =	smax.u32 s0, $0x1;
	[dreg:$0x2] =	wrdreg s23;
	s24 =	sadd.s32 $0xA00, s7  }
0x13: {  	v2 =	vlaneseq.u32;
	[dreg:$0x4] =	wrdreg s1;
	s26 =	sadd.s32 $0x30A00, s7;
	s7 =	simm.s32 $0x2  }
0x14: {  	vm0 =	vmmov $0xffff;
	v1 =	vshrl.u32 v2, $0x3;
	s1 =	simm.s32 $0x1;
	s23 =	simm.s32 $0x7080;
	[dreg:$0x3] =	wrdreg s24  }
0x15: {  	v0 =	vand.u32 $0x7, v2;
	v2 =	vor.u32 $0x8, v2;
	v1 =	vmul.u32 $0x8, v1;
	[dreg:$0x5] =	wrdreg s26;
	s24 =	simm.s32 $0x7880;
	s26 =	simm.s32 $0x8880  }
.LBB2_1:
0x16: {  	s9 =	rddreg [dreg:$0x2]  }
0x17: {  	[tilespmem:s2], [sflag:$0x2] =	stream.linear.gather [hbm4b:s9+s2], $0x40, $0x38;
	[tilespmem:$0xC080] =	vst v63  }
0x18: {  	_ =	swait.ge [sflag:s7], $0x40  }
0x19: {  	[sflag:s7] =	ssyncset.done $0x0  }
0x1a: {  	s0 =	simm.s32 $0x80;
	s8 =	rddreg [dreg:$0x3];
	[sflag:s7] =	ssyncadd.s32 $0xFFFFFFC0  }
0x1b: {  	[tilespmem:s0], [sflag:$0x2] =	stream.linear.gather [hbm4b:s8+s2], $0xC000, $0x38;
	[tilespmem:$0xC080] =	vst v63  }
0x1c: {  	_ =	swait.ge [sflag:s7], $0xC000  }
0x1d: {  	[sflag:s7] =	ssyncset.done $0x0  }
0x1e: {  	[sflag:s7] =	ssyncadd.s32 $0xFFFF4000  }
0x1f: {  	v3 =	vld [tilespmem:$0x0];
	_ =	sdelay $0x4  }
0x20: {  	v4 =	vshrl.u32 v3, $0x3  }
0x21: {  	v4 =	vmul.u32 $0x30, v4  }
0x22: {  	v3 =	vand.u32 $0x7, v3  }
0x23: {  	v3 =	vor.u32 v3, v4  }
0x24: {  	v4 =	vperm.xlane v3, v0;
	_ =	sdelay $0x1  }
0x25: {  	v4 =	vadd.s32 v1, v4;
	_ =	sdelay $0x3  }
0x26: {  	v3 =	vperm.xlane v3, v2  }
0x27: {  	[hbm4b:s3+s2] =	stream.indirect_vreg.scatter [tilespmem:s0], [sflag:$0x1], $0x80, v4, vm0, $0xb8;
	[tilespmem:$0xC080] =	vst v63  }
0x28: {  	v3 =	vadd.s32 v1, v3  }
0x29: {  	[hbm4b:s4+s2] =	stream.indirect_vreg.scatter [tilespmem:s10], [sflag:$0x1], $0x80, v4, vm0, $0xb8;
	[tilespmem:$0xC080] =	vst v63  }
0x2a: {  	_ = 	snop  }
0x2b: {  	[hbm4b:s5+s2] =	stream.indirect_vreg.scatter [tilespmem:s11], [sflag:$0x1], $0x80, v4, vm0, $0xb8;
	[tilespmem:$0xC080] =	vst v63  }
0x2c: {  	_ = 	snop  }
0x2d: {  	[hbm4b:s3+s2] =	stream.indirect_vreg.scatter [tilespmem:s12], [sflag:$0x1], $0x80, v3, vm0, $0xb8;
	[tilespmem:$0xC080] =	vst v63  }
0x2e: {  	_ = 	snop  }
0x2f: {  	[hbm4b:s4+s2] =	stream.indirect_vreg.scatter [tilespmem:s13], [sflag:$0x1], $0x80, v3, vm0, $0xb8;
	[tilespmem:$0xC080] =	vst v63  }
0x30: {  	_ = 	snop  }
0x31: {  	[hbm4b:s5+s2] =	stream.indirect_vreg.scatter [tilespmem:s14], [sflag:$0x1], $0x80, v3, vm0, $0xb8;
	[tilespmem:$0xC080] =	vst v63  }
0x32: {  	v3 =	vld [tilespmem:$0x10];
	_ =	sdelay $0x4  }
0x33: {  	v57 =	vshrl.u32 v3, $0x3  }
0x34: {  	v4 =	vmul.u32 $0x30, v57  }
0x35: {  	v3 =	vand.u32 $0x7, v3  }
0x36: {  	v3 =	vor.u32 v3, v4  }
0x37: {  	v4 =	vperm.xlane v3, v0;
	_ =	sdelay $0x1  }
0x38: {  	v4 =	vadd.s32 v1, v4;
	_ =	sdelay $0x3  }
0x39: {  	v3 =	vperm.xlane v3, v2  }
0x3a: {  	[hbm4b:s3+s2] =	stream.indirect_vreg.scatter [tilespmem:s15], [sflag:$0x1], $0x80, v4, vm0, $0xb8;
	[tilespmem:$0xC080] =	vst v63  }
0x3b: {  	v3 =	vadd.s32 v1, v3  }
0x3c: {  	[hbm4b:s4+s2] =	stream.indirect_vreg.scatter [tilespmem:s16], [sflag:$0x1], $0x80, v4, vm0, $0xb8;
	[tilespmem:$0xC080] =	vst v63  }
0x3d: {  	_ = 	snop  }
0x3e: {  	[hbm4b:s5+s2] =	stream.indirect_vreg.scatter [tilespmem:s17], [sflag:$0x1], $0x80, v4, vm0, $0xb8;
	[tilespmem:$0xC080] =	vst v63  }
0x3f: {  	_ = 	snop  }
0x40: {  	[hbm4b:s3+s2] =	stream.indirect_vreg.scatter [tilespmem:s18], [sflag:$0x1], $0x80, v3, vm0, $0xb8;
	[tilespmem:$0xC080] =	vst v63  }
0x41: {  	_ = 	snop  }
0x42: {  	[hbm4b:s4+s2] =	stream.indirect_vreg.scatter [tilespmem:s19], [sflag:$0x1], $0x80, v3, vm0, $0xb8;
	[tilespmem:$0xC080] =	vst v63  }
0x43: {  	_ = 	snop  }
0x44: {  	[hbm4b:s5+s2] =	stream.indirect_vreg.scatter [tilespmem:s20], [sflag:$0x1], $0x80, v3, vm0, $0xb8;
	[tilespmem:$0xC080] =	vst v63  }
0x45: {  	v3 =	vld [tilespmem:$0x20];
	_ =	sdelay $0x4  }
0x46: {  	v58 =	vshrl.u32 v3, $0x3  }
0x47: {  	v4 =	vmul.u32 $0x30, v58  }
0x48: {  	v3 =	vand.u32 $0x7, v3  }
0x49: {  	v3 =	vor.u32 v3, v4  }
0x4a: {  	v4 =	vperm.xlane v3, v0;
	_ =	sdelay $0x1  }
0x4b: {  	v4 =	vadd.s32 v1, v4;
	_ =	sdelay $0x3  }
0x4c: {  	v3 =	vperm.xlane v3, v2  }
0x4d: {  	[hbm4b:s3+s2] =	stream.indirect_vreg.scatter [tilespmem:s21], [sflag:$0x1], $0x80, v4, vm0, $0xb8;
	[tilespmem:$0xC080] =	vst v63  }
0x4e: {  	v3 =	vadd.s32 v1, v3  }
0x4f: {  	[hbm4b:s4+s2] =	stream.indirect_vreg.scatter [tilespmem:s22], [sflag:$0x1], $0x80, v4, vm0, $0xb8;
	[tilespmem:$0xC080] =	vst v63  }
0x50: {  	_ = 	snop  }
0x51: {  	[hbm4b:s5+s2] =	stream.indirect_vreg.scatter [tilespmem:s23], [sflag:$0x1], $0x80, v4, vm0, $0xb8;
	[tilespmem:$0xC080] =	vst v63  }
0x52: {  	_ = 	snop  }
0x53: {  	[hbm4b:s3+s2] =	stream.indirect_vreg.scatter [tilespmem:s24], [sflag:$0x1], $0x80, v3, vm0, $0xb8;
	[tilespmem:$0xC080] =	vst v63  }
0x54: {  	_ = 	snop  }
0x55: {  	[hbm4b:s4+s2] =	stream.indirect_vreg.scatter [tilespmem:s25], [sflag:$0x1], $0x80, v3, vm0, $0xb8;
	[tilespmem:$0xC080] =	vst v63  }
0x56: {  	_ = 	snop  }
0x57: {  	[hbm4b:s5+s2] =	stream.indirect_vreg.scatter [tilespmem:s26], [sflag:$0x1], $0x80, v3, vm0, $0xb8;
	[tilespmem:$0xC080] =	vst v63  }
0x58: {  	v3 =	vld [tilespmem:$0x30];
	_ =	sdelay $0x4  }
0x59: {  	v59 =	vshrl.u32 v3, $0x3  }
0x5a: {  	v4 =	vmul.u32 $0x30, v59  }
0x5b: {  	v3 =	vand.u32 $0x7, v3  }
0x5c: {  	v3 =	vor.u32 v3, v4  }
0x5d: {  	v4 =	vperm.xlane v3, v0;
	_ =	sdelay $0x1  }
0x5e: {  	v4 =	vadd.s32 v1, v4;
	_ =	sdelay $0x3  }
0x5f: {  	v3 =	vperm.xlane v3, v2  }
0x60: {  	[hbm4b:s3+s2] =	stream.indirect_vreg.scatter [tilespmem:s28], [sflag:$0x1], $0x80, v4, vm0, $0xb8;
	[tilespmem:$0xC080] =	vst v63  }
0x61: {  	v3 =	vadd.s32 v1, v3  }
0x62: {  	[hbm4b:s4+s2] =	stream.indirect_vreg.scatter [tilespmem:s29], [sflag:$0x1], $0x80, v4, vm0, $0xb8;
	[tilespmem:$0xC080] =	vst v63  }
0x63: {  	_ = 	snop  }
0x64: {  	[hbm4b:s5+s2] =	stream.indirect_vreg.scatter [tilespmem:s30], [sflag:$0x1], $0x80, v4, vm0, $0xb8;
	[tilespmem:$0xC080] =	vst v63  }
0x65: {  	_ = 	snop  }
0x66: {  	[hbm4b:s3+s2] =	stream.indirect_vreg.scatter [tilespmem:s31], [sflag:$0x1], $0x80, v3, vm0, $0xb8;
	[tilespmem:$0xC080] =	vst v63  }
0x67: {  	s8 =	simm.s32 $0xB080  }
0x68: {  	[hbm4b:s4+s2] =	stream.indirect_vreg.scatter [tilespmem:s8], [sflag:$0x1], $0x80, v3, vm0, $0xb8;
	[tilespmem:$0xC080] =	vst v63  }
0x69: {  	s8 =	simm.s32 $0xB880  }
0x6a: {  	[hbm4b:s5+s2] =	stream.indirect_vreg.scatter [tilespmem:s8], [sflag:$0x1], $0x80, v3, vm0, $0xb8;
	[tilespmem:$0xC080] =	vst v63  }
0x6b: {  	_ =	swait.ge [sflag:s1], $0xC000  }
0x6c: {  	[sflag:s1] =	ssyncset.done $0x0  }
0x6d: {  	s9 =	rddreg [dreg:$0x4];
	[sflag:s1] =	ssyncadd.s32 $0xFFFF4000  }
0x6e: {  	[tilespmem:s2], [sflag:$0x2] =	stream.linear.gather [hbm4b:s9+s2], $0x40, $0x38;
	[tilespmem:$0xC080] =	vst v63  }
0x6f: {  	_ =	swait.ge [sflag:s7], $0x40  }
0x70: {  	[sflag:s7] =	ssyncset.done $0x0  }
0x71: {  	s9 =	rddreg [dreg:$0x5];
	[sflag:s7] =	ssyncadd.s32 $0xFFFFFFC0  }
0x72: {  	[tilespmem:s0], [sflag:$0x2] =	stream.linear.gather [hbm4b:s9+s2], $0xC000, $0x38;
	[tilespmem:$0xC080] =	vst v63  }
0x73: {  	_ =	swait.ge [sflag:s7], $0xC000  }
0x74: {  	[sflag:s7] =	ssyncset.done $0x0  }
0x75: {  	[sflag:s7] =	ssyncadd.s32 $0xFFFF4000  }
0x76: {  	v3 =	vld [tilespmem:$0x0];
	_ =	sdelay $0x4  }
0x77: {  	v60 =	vshrl.u32 v3, $0x3  }
0x78: {  	v4 =	vmul.u32 $0x30, v60  }
0x79: {  	v3 =	vand.u32 $0x7, v3  }
0x7a: {  	v3 =	vor.u32 v3, v4  }
0x7b: {  	v4 =	vperm.xlane v3, v0;
	_ =	sdelay $0x1  }
0x7c: {  	v4 =	vadd.s32 v1, v4;
	_ =	sdelay $0x3  }
0x7d: {  	v3 =	vperm.xlane v3, v2  }
0x7e: {  	[hbm4b:s3+s2] =	stream.indirect_vreg.scatter [tilespmem:s0], [sflag:$0x1], $0x80, v4, vm0, $0xb8;
	[tilespmem:$0xC080] =	vst v63  }
0x7f: {  	v3 =	vadd.s32 v1, v3  }
0x80: {  	[hbm4b:s4+s2] =	stream.indirect_vreg.scatter [tilespmem:s10], [sflag:$0x1], $0x80, v4, vm0, $0xb8;
	[tilespmem:$0xC080] =	vst v63  }
0x81: {  	_ = 	snop  }
0x82: {  	[hbm4b:s5+s2] =	stream.indirect_vreg.scatter [tilespmem:s11], [sflag:$0x1], $0x80, v4, vm0, $0xb8;
	[tilespmem:$0xC080] =	vst v63  }
0x83: {  	_ = 	snop  }
0x84: {  	[hbm4b:s3+s2] =	stream.indirect_vreg.scatter [tilespmem:s12], [sflag:$0x1], $0x80, v3, vm0, $0xb8;
	[tilespmem:$0xC080] =	vst v63  }
0x85: {  	_ = 	snop  }
0x86: {  	[hbm4b:s4+s2] =	stream.indirect_vreg.scatter [tilespmem:s13], [sflag:$0x1], $0x80, v3, vm0, $0xb8;
	[tilespmem:$0xC080] =	vst v63  }
0x87: {  	_ = 	snop  }
0x88: {  	[hbm4b:s5+s2] =	stream.indirect_vreg.scatter [tilespmem:s14], [sflag:$0x1], $0x80, v3, vm0, $0xb8;
	[tilespmem:$0xC080] =	vst v63  }
0x89: {  	v3 =	vld [tilespmem:$0x10];
	_ =	sdelay $0x4  }
0x8a: {  	v61 =	vshrl.u32 v3, $0x3  }
0x8b: {  	v4 =	vmul.u32 $0x30, v61  }
0x8c: {  	v3 =	vand.u32 $0x7, v3  }
0x8d: {  	v3 =	vor.u32 v3, v4  }
0x8e: {  	v4 =	vperm.xlane v3, v0;
	_ =	sdelay $0x1  }
0x8f: {  	v4 =	vadd.s32 v1, v4;
	_ =	sdelay $0x3  }
0x90: {  	v3 =	vperm.xlane v3, v2  }
0x91: {  	[hbm4b:s3+s2] =	stream.indirect_vreg.scatter [tilespmem:s15], [sflag:$0x1], $0x80, v4, vm0, $0xb8;
	[tilespmem:$0xC080] =	vst v63  }
0x92: {  	v3 =	vadd.s32 v1, v3  }
0x93: {  	[hbm4b:s4+s2] =	stream.indirect_vreg.scatter [tilespmem:s16], [sflag:$0x1], $0x80, v4, vm0, $0xb8;
	[tilespmem:$0xC080] =	vst v63  }
0x94: {  	_ = 	snop  }
0x95: {  	[hbm4b:s5+s2] =	stream.indirect_vreg.scatter [tilespmem:s17], [sflag:$0x1], $0x80, v4, vm0, $0xb8;
	[tilespmem:$0xC080] =	vst v63  }
0x96: {  	_ = 	snop  }
0x97: {  	[hbm4b:s3+s2] =	stream.indirect_vreg.scatter [tilespmem:s18], [sflag:$0x1], $0x80, v3, vm0, $0xb8;
	[tilespmem:$0xC080] =	vst v63  }
0x98: {  	_ = 	snop  }
0x99: {  	[hbm4b:s4+s2] =	stream.indirect_vreg.scatter [tilespmem:s19], [sflag:$0x1], $0x80, v3, vm0, $0xb8;
	[tilespmem:$0xC080] =	vst v63  }
0x9a: {  	_ = 	snop  }
0x9b: {  	[hbm4b:s5+s2] =	stream.indirect_vreg.scatter [tilespmem:s20], [sflag:$0x1], $0x80, v3, vm0, $0xb8;
	[tilespmem:$0xC080] =	vst v63  }
0x9c: {  	v3 =	vld [tilespmem:$0x20];
	_ =	sdelay $0x4  }
0x9d: {  	v62 =	vshrl.u32 v3, $0x3  }
0x9e: {  	v4 =	vmul.u32 $0x30, v62  }
0x9f: {  	v3 =	vand.u32 $0x7, v3  }
0xa0: {  	v3 =	vor.u32 v3, v4  }
0xa1: {  	v4 =	vperm.xlane v3, v0;
	_ =	sdelay $0x1  }
0xa2: {  	v4 =	vadd.s32 v1, v4;
	_ =	sdelay $0x3  }
0xa3: {  	v3 =	vperm.xlane v3, v2  }
0xa4: {  	[hbm4b:s3+s2] =	stream.indirect_vreg.scatter [tilespmem:s21], [sflag:$0x1], $0x80, v4, vm0, $0xb8;
	[tilespmem:$0xC080] =	vst v63  }
0xa5: {  	v3 =	vadd.s32 v1, v3  }
0xa6: {  	[hbm4b:s4+s2] =	stream.indirect_vreg.scatter [tilespmem:s22], [sflag:$0x1], $0x80, v4, vm0, $0xb8;
	[tilespmem:$0xC080] =	vst v63  }
0xa7: {  	_ = 	snop  }
0xa8: {  	[hbm4b:s5+s2] =	stream.indirect_vreg.scatter [tilespmem:s23], [sflag:$0x1], $0x80, v4, vm0, $0xb8;
	[tilespmem:$0xC080] =	vst v63  }
0xa9: {  	_ = 	snop  }
0xaa: {  	[hbm4b:s3+s2] =	stream.indirect_vreg.scatter [tilespmem:s24], [sflag:$0x1], $0x80, v3, vm0, $0xb8;
	[tilespmem:$0xC080] =	vst v63  }
0xab: {  	_ = 	snop  }
0xac: {  	[hbm4b:s4+s2] =	stream.indirect_vreg.scatter [tilespmem:s25], [sflag:$0x1], $0x80, v3, vm0, $0xb8;
	[tilespmem:$0xC080] =	vst v63  }
0xad: {  	_ = 	snop  }
0xae: {  	[hbm4b:s5+s2] =	stream.indirect_vreg.scatter [tilespmem:s26], [sflag:$0x1], $0x80, v3, vm0, $0xb8;
	[tilespmem:$0xC080] =	vst v63  }
0xaf: {  	v3 =	vld [tilespmem:$0x30];
	_ =	sdelay $0x4  }
0xb0: {  	v63 =	vshrl.u32 v3, $0x3  }
0xb1: {  	v4 =	vmul.u32 $0x30, v63  }
0xb2: {  	v3 =	vand.u32 $0x7, v3  }
0xb3: {  	v3 =	vor.u32 v3, v4  }
0xb4: {  	v4 =	vperm.xlane v3, v0;
	_ =	sdelay $0x1  }
0xb5: {  	v4 =	vadd.s32 v1, v4;
	_ =	sdelay $0x3  }
0xb6: {  	v3 =	vperm.xlane v3, v2  }
0xb7: {  	[hbm4b:s3+s2] =	stream.indirect_vreg.scatter [tilespmem:s28], [sflag:$0x1], $0x80, v4, vm0, $0xb8;
	[tilespmem:$0xC080] =	vst v63  }
0xb8: {  	v3 =	vadd.s32 v1, v3  }
0xb9: {  	[hbm4b:s4+s2] =	stream.indirect_vreg.scatter [tilespmem:s29], [sflag:$0x1], $0x80, v4, vm0, $0xb8;
	[tilespmem:$0xC080] =	vst v63  }
0xba: {  	_ = 	snop  }
0xbb: {  	[hbm4b:s5+s2] =	stream.indirect_vreg.scatter [tilespmem:s30], [sflag:$0x1], $0x80, v4, vm0, $0xb8;
	[tilespmem:$0xC080] =	vst v63  }
0xbc: {  	_ = 	snop  }
0xbd: {  	[hbm4b:s3+s2] =	stream.indirect_vreg.scatter [tilespmem:s31], [sflag:$0x1], $0x80, v3, vm0, $0xb8;
	[tilespmem:$0xC080] =	vst v63  }
0xbe: {  	p0 =	sne.s32 s6, $0x1;
	s9 =	simm.s32 $0xB080  }
0xbf: {  	[hbm4b:s4+s2] =	stream.indirect_vreg.scatter [tilespmem:s9], [sflag:$0x1], $0x80, v3, vm0, $0xb8;
	[tilespmem:$0xC080] =	vst v63  }
.Ltmp0:
0xc0: {  	_ = 	snop;
	(pc) =	sbr.rel @p0 .LBB2_1-.Ltmp0, $4  }
0xc1: {  	[hbm4b:s5+s2] =	stream.indirect_vreg.scatter [tilespmem:s8], [sflag:$0x1], $0x80, v3, vm0, $0xb8;
	[tilespmem:$0xC080] =	vst v63  }
0xc2: {  	_ =	swait.ge [sflag:s1], $0xC000  }
0xc3: {  	[sflag:s1] =	ssyncset.done $0x0  }
0xc4: {  	s6 =	sadd.s32 $0xFFFFFFFF, s6;
	[sflag:s1] =	ssyncadd.s32 $0xFFFF4000  }
0xc5: {  	_ =	sfence.sel $0x180000  }
0xc6: {  	[bflag:$0x0] =	sbarrier.arrive $0xFFFF  }
0xc7: {  	_ =	strace $0x90000047  }
0xc8: {  	s0 =	stileid.u32;
	[bflag:$0x2] =	sbarrier.arrive $0xFFFF  }
0xc9: {  	p0 =	sne.s32 s0, $0x0;
	s0 =	rddreg [dreg:$0x1]  }
0xca: {  	s0 =	sadd.s32 @!p0 $0x100000, s0  }
0xcb: {  	[sflag:s0] =	ssyncadd.tile.s32 @!p0 $0x1;
	_ =	shalt  }
.Lfunc_end2:
_tile_overlayer_lowered:
.L_overlay_start_2:
0xcc: {  	(tag) =	ssettag $0x2  }
0xcd: {  	s0 =	rddreg [dreg:$0x0];
	s2 =	stileid.u32  }
0xce: {  	s1 =	rddreg [dreg:$0x1];
	p0 =	sne.s32 s2, $0x0  }
0xcf: {  	s3 =	rddreg [dreg:$0x2];
	[bflag:$0x3] =	sbarrier.arrive $0xFFFF;
	s2 =	simm.s32 @!p0 $0x1C02  }
0xd0: {  	[timem:s3], [sflag:s2] =	dma.local @!p0 [hbm:s0], s1  }
0xd1: {  	s0 =	simm.s32 @!p0 $0x2  }
0xd2: {  	_ =	swait.ge @!p0 [sflag:s0], s1  }
0xd3: {  	s1 =	ssub.s32 @!p0 $0x0, s1;
	[sflag:s0] =	ssyncset.done @!p0 $0x0  }
0xd4: {  	[sflag:s0] =	ssyncadd.s32 @!p0 s1  }
0xd5: {  	[bflag:$0x3] =	sbarrier.arrive $0xFFFF  }
0xd6: {  	_ =	shalt  }

// kernel: kernel.9.cloned.1.call-start
scs
__scs_entry_jumppad:
0x0: {  	(pc) =	sbr.rel $0x88, $3  }
0x1: {  	(tag) =	ssettag $0x0;
	lr =	simm.s32 $0x1  }
0x2: {  	[smem:$0x3F9C] =	sst lr;
	_ =	strace $0xD0000000  }
0x3: {  	_ = 	snop  }
0x4: {  	_ = 	snop  }
0x5: {  	_ = 	snop  }
0x6: {  	_ = 	snop  }
0x7: {  	_ = 	snop  }
__scs_overlays_trampoline_lowered:
0x8: {  	[smem:$0x3FAB] =	sst s0  }
0x9: {  	[smem:$0x3FAC] =	sst s1  }
0xa: {  	[smem:$0x3FAD] =	sst s2  }
0xb: {  	[smem:$0x3FAE] =	sst s3  }
0xc: {  	[smem:$0x3FAF] =	sst s4  }
0xd: {  	[smem:$0x3FB0] =	sst s5  }
0xe: {  	[smem:$0x3FB1] =	sst s6  }
0xf: {  	[smem:$0x3FB2] =	sst s7  }
0x10: {  	[smem:$0x3FB3] =	sst s8  }
0x11: {  	[smem:$0x3FB4] =	sst s9;
	s0 =	simm.s32 @!p0 $0x0  }
0x12: {  	s1 =	sld [smem:$0x3F9A];
	s0 =	simm.s32 @p0 $0x1  }
0x13: {  	[smem:$0x3FB5] =	sst s0;
	s0 =	simm.s32 @!p1 $0x0  }
0x14: {  	s2 =	sld [smem:$0x3F99];
	s0 =	simm.s32 @p1 $0x1  }
0x15: {  	[smem:$0x3FB6] =	sst s0;
	s0 =	simm.s32 @!p2 $0x0  }
0x16: {  	s3 =	sld [smem:$0x3FDB];
	s0 =	simm.s32 @p2 $0x1  }
0x17: {  	s4 =	simm.s32 $0x1BF5;
	[smem:$0x3FB8] =	sst s0  }
0x18: {  	s0 =	sld [smem:$0x3F9B];
	_ =	swait.ge [sflag:s4], $0x0  }
0x19: {  	s7 =	sld [smem:$0x3F9C]  }
0x1a: {  	s8 =	sadd.s32 $0xFFFFE003, lr  }
0x1b: {  	s9 =	sadd.s32 $0xFFFFFEF7, lr;
	s5 =	simm.s32 $0xFFFFFFFF;
	p2 =	slt.u32 s8, $0xFFFFF086  }
0x1c: {  	p1 =	slt.u32 s9, $0xF7A;
	s5 =	simm.s32 @!p2 $0x0  }
0x1d: {  	s5 =	simm.s32 @p1 $0x1;
	p0 =	seq.s32 s7, s2  }
0x1e: {  	s7 =	smul.u32 @!p0 $0xF7A, s2;
	p2 =	seq.s32 @!p0 s5, $0x0  }
0x1f: {  	s9 =	smul.u32 $0xF7A, s1;
	s8 =	simm.s32 @!p0 $0x1BF5;
	p2 =	por !p2, p0  }
0x20: {  	[sflag:s8] =	ssyncset.s32 @!p0 $0xFFFFF086;
	s6 =	sadd.s32 @!p0 s3, s7;
	s7 =	simm.s32 @!p0 $0x108  }
0x21: {  	s3 =	sadd.s32 s3, s9;
	s6 =	sadd.s32 @!p0 $0x88, s6;
	s7 =	simm.s32 @p2 $0x1082  }
0x22: {  	[simem:s7], [sflag:s8] =	dma.local @!p0 [hbm:s6], $0xF7A  }
0x23: {  	s9 =	sor.u32 $0xD0000000, s2;
	s6 =	simm.s32 $0x108;
	_ =	swait.ge @!p0 [sflag:s8], $0x0  }
0x24: {  	s3 =	sadd.s32 $0x88, s3;
	s6 =	simm.s32 @!p1 $0x1082;
	[sflag:s4] =	ssyncset.s32 $0xFFFFF086  }
0x25: {  	[simem:s6], [sflag:s4] =	dma.local [hbm:s3], $0xF7A  }
0x26: {  	[smem:$0x3F9C] =	sst s1;
	(tag) =	ssettag s2;
	_ =	strace s9  }
0x27: {  	s1 =	sld [smem:$0x3FAC]  }
0x28: {  	s2 =	sld [smem:$0x3FAD]  }
0x29: {  	s4 =	sld [smem:$0x3FAF]  }
0x2a: {  	p0 =	seq.s32 s5, $0x0;
	s5 =	sld [smem:$0x3FB0]  }
0x2b: {  	s6 =	sld [smem:$0x3FB1]  }
0x2c: {  	s7 =	sld [smem:$0x3FB2]  }
0x2d: {  	s3 =	simm.s32 $0x108;
	s8 =	sld [smem:$0x3FB3]  }
0x2e: {  	s3 =	simm.s32 @!p0 $0x1082;
	s9 =	sld [smem:$0x3FB4]  }
0x2f: {  	lr =	sadd.s32 s0, s3;
	s0 =	sld [smem:$0x3FAB]  }
0x30: {  	s3 =	sld [smem:$0x3FAE]  }
0x31: {  	[smem:$0x3FB7] =	sst s10  }
0x32: {  	s10 =	sld [smem:$0x3FB5];
	_ =	sdelay $0x3  }
0x33: {  	p0 =	seq.s32 s10, $0x1;
	s10 =	sld [smem:$0x3FB7];
	_ =	sdelay $0x3  }
0x34: {  	[smem:$0x3FB7] =	sst s10  }
0x35: {  	s10 =	sld [smem:$0x3FB6];
	_ =	sdelay $0x3  }
0x36: {  	p1 =	seq.s32 s10, $0x1;
	s10 =	sld [smem:$0x3FB7];
	_ =	sdelay $0x3  }
0x37: {  	[smem:$0x3FB7] =	sst s10  }
0x38: {  	s10 =	sld [smem:$0x3FB8]  }
0x39: {  	_ = 	snop;
	(pc) =	sbr.ind lr, $3  }
0x3a: {  	_ = 	snop  }
0x3b: {  	_ = 	snop  }
0x3c: {  	p2 =	seq.s32 s10, $0x1;
	s10 =	sld [smem:$0x3FB7]  }
0x3d: {  	_ =	shalt  }
0x3e: {  	_ =	shalt  }
0x3f: {  	_ =	shalt  }
0x40: {  	_ =	shalt  }
0x41: {  	_ =	shalt  }
0x42: {  	_ =	shalt  }
0x43: {  	_ =	shalt  }
0x44: {  	_ =	shalt  }
0x45: {  	_ =	shalt  }
0x46: {  	_ =	shalt  }
0x47: {  	_ =	shalt  }
0x48: {  	_ =	shalt  }
0x49: {  	_ =	shalt  }
0x4a: {  	_ =	shalt  }
0x4b: {  	_ =	shalt  }
0x4c: {  	_ =	shalt  }
0x4d: {  	_ =	shalt  }
0x4e: {  	_ =	shalt  }
0x4f: {  	_ =	shalt  }
0x50: {  	_ =	shalt  }
0x51: {  	_ =	shalt  }
0x52: {  	_ =	shalt  }
0x53: {  	_ =	shalt  }
0x54: {  	_ =	shalt  }
0x55: {  	_ =	shalt  }
0x56: {  	_ =	shalt  }
0x57: {  	_ =	shalt  }
0x58: {  	_ =	shalt  }
0x59: {  	_ =	shalt  }
0x5a: {  	_ =	shalt  }
0x5b: {  	_ =	shalt  }
0x5c: {  	_ =	shalt  }
0x5d: {  	_ =	shalt  }
0x5e: {  	_ =	shalt  }
0x5f: {  	_ =	shalt  }
0x60: {  	_ =	shalt  }
0x61: {  	_ =	shalt  }
0x62: {  	_ =	shalt  }
0x63: {  	_ =	shalt  }
0x64: {  	_ =	shalt  }
0x65: {  	_ =	shalt  }
0x66: {  	_ =	shalt  }
0x67: {  	_ =	shalt  }
0x68: {  	_ =	shalt  }
0x69: {  	_ =	shalt  }
0x6a: {  	_ =	shalt  }
0x6b: {  	_ =	shalt  }
0x6c: {  	_ =	shalt  }
0x6d: {  	_ =	shalt  }
0x6e: {  	_ =	shalt  }
0x6f: {  	_ =	shalt  }
0x70: {  	_ =	shalt  }
0x71: {  	_ =	shalt  }
0x72: {  	_ =	shalt  }
0x73: {  	_ =	shalt  }
0x74: {  	_ =	shalt  }
0x75: {  	_ =	shalt  }
0x76: {  	_ =	shalt  }
0x77: {  	_ =	shalt  }
0x78: {  	_ =	shalt  }
0x79: {  	_ =	shalt  }
0x7a: {  	_ =	shalt  }
0x7b: {  	_ =	shalt  }
0x7c: {  	_ =	shalt  }
0x7d: {  	_ =	shalt  }
0x7e: {  	_ =	shalt  }
0x7f: {  	_ =	shalt  }
0x80: {  	_ =	shalt  }
0x81: {  	_ =	shalt  }
0x82: {  	_ =	shalt  }
0x83: {  	_ =	shalt  }
0x84: {  	_ =	shalt  }
0x85: {  	_ =	shalt  }
0x86: {  	_ =	shalt  }
0x87: {  	_ =	shalt  }
.Lfunc_end0:
.L_simem_size_0:
called_computation.1_lowered:
.L_overlay_start_0:
0x88: {  	s2 =	sld [smem:$0x3FD9]  }
0x89: {  	s3 =	sld [smem:$0x3FFE];
	_ =	sdelay $0x1  }
0x8a: {  	s1 =	srdreg.scid  }
0x8b: {  	s0 =	sand.u32 $0x1, s1  }
0x8c: {  	s14 =	sshll.u32 s0, $0xA;
	s2 =	sadd.s32 s3, s2  }
0x8d: {  	s2 =	sadd.s32 s2, s14  }
0x8e: {  	[smem:$0x3FC3] =	sst s2  }
0x8f: {  	_ = 	snop  }
0x90: {  	s2 =	sld [smem:$0x3FD0];
	_ =	sdelay $0x2  }
0x91: {  	s15 =	simm.s32 $0xA;
	s4 =	simm.s32 $0x10  }
0x92: {  	[smem:s4], [sflag:s15] =	dma.local [hbm:s2], $0x1  }
0x93: {  	_ =	swait.eq [sflag:s15], $0x1  }
0x94: {  	[sflag:s15] =	ssyncset.done $0x0  }
0x95: {  	[sflag:s15] =	ssyncadd.s32 $0xFFFFFFFF  }
0x96: {  	s16 =	sld [smem:$0x10];
	(tm) =	ssettm $0x1  }
0x97: {  	s17 =	sld [smem:$0x3FFB];
	_ =	sdelay $0x3  }
0x98: {  	_ =	strace s17  }
0x99: {  	s3 =	sld [smem:$0x3FFC];
	_ =	sdelay $0x3  }
0x9a: {  	_ =	strace s3  }
0x9b: {  	s3 =	sld [smem:$0x3FFD];
	_ =	sdelay $0x3  }
0x9c: {  	_ =	strace s3  }
0x9d: {  	_ =	strace $0x8FFFFFFF  }
0x9e: {  	s18 =	sld [smem:$0x3FDB];
	_ =	sdelay $0x1  }
0x9f: {  	s19 =	simm.s32 $_scs_section_size  }
0xa0: {  	s5 =	simm.s32 $_size__tile_overlayer_lowered;
	s6 =	simm.s32 $_tile_overlayer_lowered  }
0xa1: {  	s22 =	simm.s32 $0x1BFF;
	s21 =	sshll.u32 s6, $0x1;
	s3 =	sadd.s32 s19, s18  }
0xa2: {  	s7 =	simm.s32 $0x0;
	s20 =	sshll.u32 s5, $0x1;
	s5 =	sadd.s32 s21, s3  }
0xa3: {  	[timem:s7], [sflag:s22] =	dma.local [hbm:s5], s20  }
0xa4: {  	_ =	swait.ge [sflag:s22], s20  }
0xa5: {  	s4 =	ssub.s32 $0x0, s20;
	[sflag:s22] =	ssyncset.done $0x0  }
0xa6: {  	[sflag:s22] =	ssyncadd.s32 s4;
	_ =	sdelay $0x1  }
0xa7: {  	s23 =	simm.s32 $0x1B8B  }
0xa8: {  	_ =	swait.ge [sflag:s23], $0x1  }
0xa9: {  	[sflag:s23] =	ssyncset.done $0x0  }
0xaa: {  	s25 =	simm.s32 $0x1B8E;
	s24 =	sld [smem:$0x3FFE];
	[sflag:s23] =	ssyncadd.s32 $0xFFFFFFFF  }
0xab: {  	s26 =	simm.s32 $execute0_lowered;
	[smem:$0x3FD2] =	sst s25  }
0xac: {  	s5 =	sshll.u32 s26, $0x1;
	_ =	strace $0x80000049;
	[dreg:$0x1] =	wrdreg $0xFFFFFFFF  }
0xad: {  	s28 =	simm.s32 $_size_execute0_lowered;
	s3 =	sadd.s32 s3, s5;
	[dreg:$0x0] =	wrdreg $0x0  }
0xae: {  	s5 =	sshll.u32 s28, $0x1;
	[dreg:$0x2] =	wrdreg s3  }
0xaf: {  	[dreg:$0x3] =	wrdreg s5  }
0xb0: {  	[dreg:$0x4] =	wrdreg $0xC0  }
0xb1: {  	_ =	task [dreg:s7], $0x5FFFF  }
0xb2: {  	[dreg:$0x1] =	wrdreg $0xFFFFFFFF  }
0xb3: {  	[dreg:$0x0] =	wrdreg $0x60  }
0xb4: {  	[dreg:$0x2] =	wrdreg s24  }
0xb5: {  	[dreg:$0x3] =	wrdreg s16  }
0xb6: {  	[dreg:$0x4] =	wrdreg $0x9  }
0xb7: {  	_ =	task.clear_ibuf [dreg:s7], $0x5FFFF;
	_ =	strace $0x90000049  }
0xb8: {  	s29 =	simm.s32 $0x9;
	_ =	strace $0x8000004B  }
0xb9: {  	_ =	swait.ge [sflag:s29], $0x1  }
0xba: {  	[sflag:s29] =	ssyncadd.s32 $0xFFFFFFFF  }
0xbb: {  	_ =	strace $0x9000004B  }
0xbc: {  	_ =	sfence  }
0xbd: {  	s30 =	sld [smem:$0x0];
	_ =	sdelay $0x2  }
0xbe: {  	s31 =	sshll.u32 s1, $0xD;
	s1 =	sshrl.u32 s1, $0x2  }
0xbf: {  	s3 =	sand.u32 $0x4000, s31;
	s1 =	sadd.s32 s1, s30  }
0xc0: {  	s0 =	sor.u32 s3, s0;
	s1 =	sshll.u32 s1, $0x11  }
0xc1: {  	s0 =	sor.u32 s1, s0  }
0xc2: {  	s0 =	sadd.s32 $0x8F2B, s0  }
0xc3: {  	[sflag:s0] =	ssyncadd.remote.s32 $0x1  }
0xc4: {  	_ =	sfence.sel $0xFFFF  }
0xc5: {  	[dreg:$0x0] =	wrdreg $0xFFFFFFFF;
	(pc) =	sbr.abs _section_cstart, $3  }
0xc6: {  	[dreg:$0x1] =	wrdreg $0xFFFFFFFF  }
0xc7: {  	_ =	task.clear_ibuf [dreg:s7], $0x2FFFF;
	_ =	strace $0x9FFFFFFF  }
0xc8: {  	(tm) =	ssettm $0x7FFFFFFF  }
0xc9: {  	_ =	shalt  }
tec
execute0_lowered:
.L_overlay_start_1:
0x0: {  	(tag) =	ssettag $0x1  }
0x1: {  	s0 =	rddreg [dreg:$0x0]  }
0x2: {  	s1 =	rddreg [dreg:$0x1]  }
0x3: {  	s3 =	srdreg.scid;
	s2 =	simm.s32 $0x0;
	s5 =	stileid.u32  }
0x4: {  	s15 =	simm.s32 $0x2;
	s17 =	simm.s32 $0x100;
	s30 =	simm.s32 $0x1  }
0x5: {  	s16 =	simm.s32 $0x7900;
	s18 =	simm.s32 $0x8100;
	s19 =	simm.s32 $0x8900  }
0x6: {  	s20 =	simm.s32 $0x9900;
	s21 =	simm.s32 $0xA100;
	s22 =	simm.s32 $0xA900  }
0x7: {  	s23 =	simm.s32 $0xB900;
	s24 =	simm.s32 $0xC100;
	s25 =	simm.s32 $0x0  }
0x8: {  	s4 =	sand.u32 $0x1, s3;
	[smem:$0x7FF] =	sst s2;
	s5 =	sshll.u32 s5, $0x7  }
0x9: {  	s3 =	sadd.s32 $0x90C00, s0;
	s8 =	sadd.s32 $0x90A00, s0;
	s6 =	sshll.u32 s4, $0x6  }
0xa: {  	s12 =	sadd.s32 $0x60A00, s0;
	s4 =	ssub.s32 $0x2, s4;
	s5 =	sor.u32 s6, s5  }
0xb: {  	_ =	strace $0x8000004A;
	s7 =	sshrl.u32 s4, $0x1;
	s9 =	sshll.u32 s5, $0x1  }
0xc: {  	s4 =	ssub.s32 s4, s7;
	s11 =	sshrl.u32 s5, $0x3;
	s5 =	sor.u32 $0x20, s5  }
0xd: {  	s10 =	sand.u32 $0xF00, s9;
	s11 =	smul.u32 $0x300, s11;
	s31 =	sand.u32 $0x60, s5  }
0xe: {  	s5 =	sshrl.u32 s5, $0x3;
	s14 =	smax.u32 s4, $0x1;
	s4 =	simm.s32 $0x9100  }
0xf: {  	s28 =	sor.u32 s6, s10;
	s6 =	sor.u32 s6, s9;
	s10 =	sor.u32 s31, s10  }
0x10: {  	s5 =	smul.u32 $0x300, s5;
	s7 =	sshrl.u32 s28, $0x3;
	s6 =	sshrl.u32 s6, $0x3  }
0x11: {  	s29 =	sadd.s32 s12, s11;
	s10 =	sshrl.u32 s10, $0x3;
	s7 =	sadd.s32 s8, s7  }
0x12: {  	s6 =	sor.u32 $0x10, s6;
	[dreg:$0x5] =	wrdreg s29;
	s10 =	sadd.s32 s8, s10  }
0x13: {  	v0 =	vlaneseq.u32;
	[dreg:$0x3] =	wrdreg s7;
	s6 =	sadd.s32 s8, s6;
	s7 =	sadd.s32 $0x90E00, s0  }
0x14: {  	v1 =	vand.u32 $0x7, v0;
	v63 =	vshrl.u32 v0, $0x3;
	[dreg:$0x4] =	wrdreg s6;
	s6 =	sadd.s32 $0x90D00, s0;
	s0 =	sor.u32 s9, s31  }
0x15: {  	v0 =	vor.u32 $0x8, v0;
	[tilespmem:$0x1FFD0] =	vst v1;
	v1 =	vmul.u32 $0x8, v63;
	s12 =	sadd.s32 s12, s5;
	s13 =	sadd.s32 s1, s5;
	s0 =	sshrl.u32 s0, $0x3  }
0x16: {  	[tilespmem:$0x1FFF0] =	vst v0;
	s5 =	simm.s32 $0xB100;
	s9 =	sadd.s32 s1, s11;
	s0 =	sor.u32 $0x10, s0  }
0x17: {  	vm0 =	vmmov $0xffff;
	[tilespmem:$0x1FFE0] =	vst v1;
	s1 =	simm.s32 $0x7100;
	s11 =	sadd.s32 s8, s0;
	s0 =	simm.s32 $0x6900  }
.LBB2_1:
0x18: {  	s8 =	rddreg [dreg:$0x3]  }
0x19: {  	[tilespmem:s2], [sflag:$0x2] =	stream.linear.gather [hbm4b:s8+s2], $0x20, $0x38;
	[tilespmem:$0x12100] =	vst v63  }
0x1a: {  	_ =	swait.ge [sflag:s15], $0x20  }
0x1b: {  	[sflag:s15] =	ssyncset.done $0x0  }
0x1c: {  	s26 =	simm.s32 $0x80;
	s31 =	rddreg [dreg:$0x4];
	[sflag:s15] =	ssyncadd.s32 $0xFFFFFFE0  }
0x1d: {  	[tilespmem:s26], [sflag:$0x2] =	stream.linear.gather [hbm4b:s31+s2], $0x20, $0x38;
	[tilespmem:$0x12100] =	vst v63  }
0x1e: {  	_ =	swait.ge [sflag:s15], $0x20  }
0x1f: {  	[sflag:s15] =	ssyncset.done $0x0  }
0x20: {  	[sflag:s15] =	ssyncadd.s32 $0xFFFFFFE0  }
0x21: {  	v0 =	vld [tilespmem:$0x0];
	_ =	sdelay $0x3  }
0x22: {  	v2 =	vld [tilespmem:$0x1FFD0]  }
0x23: {  	v1 =	vshrl.u32 v0, $0x3  }
0x24: {  	v3 =	vld [tilespmem:$0x1FFE0];
	v1 =	vmul.u32 $0x30, v1  }
0x25: {  	v0 =	vand.u32 $0x7, v0  }
0x26: {  	v0 =	vor.u32 v0, v1  }
0x27: {  	v1 =	vperm.xlane v0, v2  }
0x28: {  	v4 =	vld [tilespmem:$0x1FFF0]  }
0x29: {  	v1 =	vadd.s32 v3, v1;
	_ =	sdelay $0x3  }
0x2a: {  	v0 =	vperm.xlane v0, v4  }
0x2b: {  	[tilespmem:s17], [sflag:$0x1] =	stream.indirect_vreg.gather [hbm4b:s3+s2], $0x80, v1, vm0, $0xb8;
	[tilespmem:$0x12100] =	vst v63  }
0x2c: {  	s26 =	simm.s32 $0x900;
	v0 =	vadd.s32 v3, v0  }
0x2d: {  	[tilespmem:s26], [sflag:$0x1] =	stream.indirect_vreg.gather [hbm4b:s6+s2], $0x80, v1, vm0, $0xb8;
	[tilespmem:$0x12100] =	vst v63  }
0x2e: {  	s29 =	simm.s32 $0x1100  }
0x2f: {  	[tilespmem:s29], [sflag:$0x1] =	stream.indirect_vreg.gather [hbm4b:s7+s2], $0x80, v1, vm0, $0xb8;
	[tilespmem:$0x12100] =	vst v63  }
0x30: {  	s31 =	simm.s32 $0x1900  }
0x31: {  	[tilespmem:s31], [sflag:$0x1] =	stream.indirect_vreg.gather [hbm4b:s3+s2], $0x80, v0, vm0, $0xb8;
	[tilespmem:$0x12100] =	vst v63  }
0x32: {  	s26 =	simm.s32 $0x2100  }
0x33: {  	[tilespmem:s26], [sflag:$0x1] =	stream.indirect_vreg.gather [hbm4b:s6+s2], $0x80, v0, vm0, $0xb8;
	[tilespmem:$0x12100] =	vst v63  }
0x34: {  	s29 =	simm.s32 $0x2900  }
0x35: {  	[tilespmem:s29], [sflag:$0x1] =	stream.indirect_vreg.gather [hbm4b:s7+s2], $0x80, v0, vm0, $0xb8;
	[tilespmem:$0x12100] =	vst v63  }
0x36: {  	v0 =	vld [tilespmem:$0x10];
	_ =	sdelay $0x4  }
0x37: {  	v1 =	vshrl.u32 v0, $0x3  }
0x38: {  	v1 =	vmul.u32 $0x30, v1  }
0x39: {  	v0 =	vand.u32 $0x7, v0  }
0x3a: {  	v0 =	vor.u32 v0, v1  }
0x3b: {  	v1 =	vperm.xlane v0, v2;
	_ =	sdelay $0x1  }
0x3c: {  	v1 =	vadd.s32 v3, v1;
	_ =	sdelay $0x3  }
0x3d: {  	s31 =	simm.s32 $0x3100;
	v0 =	vperm.xlane v0, v4  }
0x3e: {  	[tilespmem:s31], [sflag:$0x1] =	stream.indirect_vreg.gather [hbm4b:s3+s2], $0x80, v1, vm0, $0xb8;
	[tilespmem:$0x12100] =	vst v63  }
0x3f: {  	s26 =	simm.s32 $0x3900;
	v0 =	vadd.s32 v3, v0  }
0x40: {  	[tilespmem:s26], [sflag:$0x1] =	stream.indirect_vreg.gather [hbm4b:s6+s2], $0x80, v1, vm0, $0xb8;
	[tilespmem:$0x12100] =	vst v63  }
0x41: {  	s29 =	simm.s32 $0x4100  }
0x42: {  	[tilespmem:s29], [sflag:$0x1] =	stream.indirect_vreg.gather [hbm4b:s7+s2], $0x80, v1, vm0, $0xb8;
	[tilespmem:$0x12100] =	vst v63  }
0x43: {  	s31 =	simm.s32 $0x4900  }
0x44: {  	[tilespmem:s31], [sflag:$0x1] =	stream.indirect_vreg.gather [hbm4b:s3+s2], $0x80, v0, vm0, $0xb8;
	[tilespmem:$0x12100] =	vst v63  }
0x45: {  	s26 =	simm.s32 $0x5100  }
0x46: {  	[tilespmem:s26], [sflag:$0x1] =	stream.indirect_vreg.gather [hbm4b:s6+s2], $0x80, v0, vm0, $0xb8;
	[tilespmem:$0x12100] =	vst v63  }
0x47: {  	s29 =	simm.s32 $0x5900  }
0x48: {  	[tilespmem:s29], [sflag:$0x1] =	stream.indirect_vreg.gather [hbm4b:s7+s2], $0x80, v0, vm0, $0xb8;
	[tilespmem:$0x12100] =	vst v63  }
0x49: {  	_ =	swait.ge [sflag:s30], $0x6000  }
0x4a: {  	[sflag:s30] =	ssyncset.done $0x0  }
0x4b: {  	[sflag:s30] =	ssyncadd.s32 $0xFFFFA000  }
0x4c: {  	v0 =	vld [tilespmem:$0x80];
	_ =	sdelay $0x4  }
0x4d: {  	v1 =	vshrl.u32 v0, $0x3  }
0x4e: {  	v1 =	vmul.u32 $0x30, v1  }
0x4f: {  	v0 =	vand.u32 $0x7, v0  }
0x50: {  	v0 =	vor.u32 v0, v1  }
0x51: {  	v1 =	vperm.xlane v0, v2;
	_ =	sdelay $0x1  }
0x52: {  	v1 =	vadd.s32 v3, v1;
	_ =	sdelay $0x3  }
0x53: {  	s31 =	simm.s32 $0x6100;
	v0 =	vperm.xlane v0, v4  }
0x54: {  	[tilespmem:s31], [sflag:$0x1] =	stream.indirect_vreg.gather [hbm4b:s3+s2], $0x80, v1, vm0, $0xb8;
	[tilespmem:$0x12100] =	vst v63  }
0x55: {  	v0 =	vadd.s32 v3, v0  }
0x56: {  	[tilespmem:s0], [sflag:$0x1] =	stream.indirect_vreg.gather [hbm4b:s6+s2], $0x80, v1, vm0, $0xb8;
	[tilespmem:$0x12100] =	vst v63  }
0x57: {  	_ = 	snop  }
0x58: {  	[tilespmem:s1], [sflag:$0x1] =	stream.indirect_vreg.gather [hbm4b:s7+s2], $0x80, v1, vm0, $0xb8;
	[tilespmem:$0x12100] =	vst v63  }
0x59: {  	_ = 	snop  }
0x5a: {  	[tilespmem:s16], [sflag:$0x1] =	stream.indirect_vreg.gather [hbm4b:s3+s2], $0x80, v0, vm0, $0xb8;
	[tilespmem:$0x12100] =	vst v63  }
0x5b: {  	_ = 	snop  }
0x5c: {  	[tilespmem:s18], [sflag:$0x1] =	stream.indirect_vreg.gather [hbm4b:s6+s2], $0x80, v0, vm0, $0xb8;
	[tilespmem:$0x12100] =	vst v63  }
0x5d: {  	_ = 	snop  }
0x5e: {  	[tilespmem:s19], [sflag:$0x1] =	stream.indirect_vreg.gather [hbm4b:s7+s2], $0x80, v0, vm0, $0xb8;
	[tilespmem:$0x12100] =	vst v63  }
0x5f: {  	v0 =	vld [tilespmem:$0x90];
	_ =	sdelay $0x4  }
0x60: {  	v1 =	vshrl.u32 v0, $0x3  }
0x61: {  	v1 =	vmul.u32 $0x30, v1  }
0x62: {  	v0 =	vand.u32 $0x7, v0  }
0x63: {  	v0 =	vor.u32 v0, v1  }
0x64: {  	v1 =	vperm.xlane v0, v2;
	_ =	sdelay $0x1  }
0x65: {  	v1 =	vadd.s32 v3, v1;
	_ =	sdelay $0x3  }
0x66: {  	v0 =	vperm.xlane v0, v4  }
0x67: {  	[tilespmem:s4], [sflag:$0x1] =	stream.indirect_vreg.gather [hbm4b:s3+s2], $0x80, v1, vm0, $0xb8;
	[tilespmem:$0x12100] =	vst v63  }
0x68: {  	v0 =	vadd.s32 v3, v0  }
0x69: {  	[tilespmem:s20], [sflag:$0x1] =	stream.indirect_vreg.gather [hbm4b:s6+s2], $0x80, v1, vm0, $0xb8;
	[tilespmem:$0x12100] =	vst v63  }
0x6a: {  	_ = 	snop  }
0x6b: {  	[tilespmem:s21], [sflag:$0x1] =	stream.indirect_vreg.gather [hbm4b:s7+s2], $0x80, v1, vm0, $0xb8;
	[tilespmem:$0x12100] =	vst v63  }
0x6c: {  	_ = 	snop  }
0x6d: {  	[tilespmem:s22], [sflag:$0x1] =	stream.indirect_vreg.gather [hbm4b:s3+s2], $0x80, v0, vm0, $0xb8;
	[tilespmem:$0x12100] =	vst v63  }
0x6e: {  	_ = 	snop  }
0x6f: {  	[tilespmem:s5], [sflag:$0x1] =	stream.indirect_vreg.gather [hbm4b:s6+s2], $0x80, v0, vm0, $0xb8;
	[tilespmem:$0x12100] =	vst v63  }
0x70: {  	_ = 	snop  }
0x71: {  	[tilespmem:s23], [sflag:$0x1] =	stream.indirect_vreg.gather [hbm4b:s7+s2], $0x80, v0, vm0, $0xb8;
	[tilespmem:$0x12100] =	vst v63  }
0x72: {  	_ =	swait.ge [sflag:s30], $0x6000  }
0x73: {  	[sflag:s30] =	ssyncset.done $0x0  }
0x74: {  	s29 =	simm.s32 $0x0;
	s26 =	rddreg [dreg:$0x5];
	[sflag:s30] =	ssyncadd.s32 $0xFFFFA000  }
0x75: {  	[tilespmem:s24], [sflag:$0x2] =	stream.linear.gather [hbm4b:s26+s2], $0x6000, $0x38;
	[tilespmem:$0x12100] =	vst v63  }
0x76: {  	s8 =	smul.u32 $0x1800, s29;
	_ =	swait.ge [sflag:s15], $0x6000  }
0x77: {  	s31 =	sand.u32 $0x380, s2;
	[sflag:s15] =	ssyncset.done $0x0  }
0x78: {  	s26 =	sor.u32 s31, s8;
	[sflag:s15] =	ssyncadd.s32 $0xFFFFA000  }
0x79: {  	v0 =	vld [tilespmem:s26+$0xC570];
	_ =	sdelay $0x4  }
0x7a: {  	[tilespmem:$0x1FE00] =	vst v0;
	v0 =	vld [tilespmem:s26+$0xC900];
	_ =	sdelay $0x4  }
0x7b: {  	[tilespmem:$0x1FE10] =	vst v0;
	v0 =	vld [tilespmem:s26+$0xC910];
	_ =	sdelay $0x4  }
0x7c: {  	[tilespmem:$0x1FE20] =	vst v0;
	v0 =	vld [tilespmem:s26+$0xC920];
	_ =	sdelay $0x4  }
0x7d: {  	[tilespmem:$0x1FE30] =	vst v0;
	v0 =	vld [tilespmem:s26+$0xC930];
	_ =	sdelay $0x4  }
0x7e: {  	[tilespmem:$0x1FE40] =	vst v0;
	v0 =	vld [tilespmem:s26+$0xC940];
	_ =	sdelay $0x4  }
0x7f: {  	[tilespmem:$0x1FE50] =	vst v0;
	v0 =	vld [tilespmem:s26+$0xC950];
	_ =	sdelay $0x4  }
0x80: {  	[tilespmem:$0x1FE60] =	vst v0;
	v0 =	vld [tilespmem:s26+$0xC960];
	_ =	sdelay $0x4  }
0x81: {  	[tilespmem:$0x1FE70] =	vst v0;
	v0 =	vld [tilespmem:s26+$0xC970];
	_ =	sdelay $0x4  }
0x82: {  	[tilespmem:$0x1FE80] =	vst v0;
	v0 =	vld [tilespmem:s26+$0xCD00];
	_ =	sdelay $0x4  }
0x83: {  	[tilespmem:$0x1FE90] =	vst v0;
	v0 =	vld [tilespmem:s26+$0xCD10];
	_ =	sdelay $0x4  }
0x84: {  	[tilespmem:$0x1FEA0] =	vst v0;
	v0 =	vld [tilespmem:s26+$0xCD20];
	_ =	sdelay $0x4  }
0x85: {  	[tilespmem:$0x1FEB0] =	vst v0;
	v0 =	vld [tilespmem:s26+$0xCD30];
	_ =	sdelay $0x4  }
0x86: {  	[tilespmem:$0x1FEC0] =	vst v0;
	v0 =	vld [tilespmem:s26+$0xCD40];
	_ =	sdelay $0x4  }
0x87: {  	[tilespmem:$0x1FED0] =	vst v0;
	v0 =	vld [tilespmem:s26+$0xCD50];
	_ =	sdelay $0x4  }
0x88: {  	[tilespmem:$0x1FEE0] =	vst v0;
	v0 =	vld [tilespmem:s26+$0xCD60];
	_ =	sdelay $0x4  }
0x89: {  	[tilespmem:$0x1FEF0] =	vst v0;
	v0 =	vld [tilespmem:s26+$0xCD70];
	_ =	sdelay $0x4  }
0x8a: {  	[tilespmem:$0x1FF10] =	vst v0;
	v0 =	vld [tilespmem:s26+$0xD100];
	_ =	sdelay $0x4  }
0x8b: {  	[tilespmem:$0x1FF30] =	vst v0;
	v0 =	vld [tilespmem:s26+$0xD110];
	_ =	sdelay $0x4  }
0x8c: {  	[tilespmem:$0x1FF50] =	vst v0;
	v0 =	vld [tilespmem:s26+$0xD120];
	_ =	sdelay $0x4  }
0x8d: {  	[tilespmem:$0x1FF70] =	vst v0;
	v0 =	vld [tilespmem:s26+$0xD130];
	_ =	sdelay $0x4  }
0x8e: {  	[tilespmem:$0x1FF90] =	vst v0;
	v0 =	vld [tilespmem:s26+$0xD140];
	_ =	sdelay $0x4  }
0x8f: {  	[tilespmem:$0x1FFB0] =	vst v0;
	v0 =	vld [tilespmem:s26+$0xD150];
	_ =	sdelay $0x2  }
0x90: {  	v14 =	vld [tilespmem:s26+$0xC100]  }
0x91: {  	v53 =	vld [tilespmem:s26+$0xC110]  }
0x92: {  	[tilespmem:$0x1FDB0] =	vst v0;
	v0 =	vld [tilespmem:s26+$0xD160]  }
0x93: {  	v54 =	vld [tilespmem:s26+$0xC120]  }
0x94: {  	v55 =	vld [tilespmem:s26+$0xC130]  }
0x95: {  	v56 =	vld [tilespmem:s26+$0xC140]  }
0x96: {  	v57 =	vld [tilespmem:s26+$0xC150]  }
0x97: {  	[tilespmem:$0x1FDC0] =	vst v0;
	v0 =	vld [tilespmem:s26+$0xD170]  }
0x98: {  	v58 =	vld [tilespmem:s26+$0xC160]  }
0x99: {  	v59 =	vld [tilespmem:s26+$0xC170]  }
0x9a: {  	v60 =	vld [tilespmem:s26+$0xC500]  }
0x9b: {  	v61 =	vld [tilespmem:s26+$0xC510]  }
0x9c: {  	[tilespmem:$0x1FDD0] =	vst v0;
	v0 =	vld [tilespmem:s26+$0xD500]  }
0x9d: {  	v51 =	vld [tilespmem:s26+$0xC520]  }
0x9e: {  	v37 =	vld [tilespmem:s26+$0xC530]  }
0x9f: {  	v38 =	vld [tilespmem:s26+$0xC540]  }
0xa0: {  	v41 =	vld [tilespmem:s26+$0xC550]  }
0xa1: {  	[tilespmem:$0x1FDE0] =	vst v0;
	v0 =	vld [tilespmem:s26+$0xD510]  }
0xa2: {  	v39 =	vld [tilespmem:s26+$0xC560]  }
0xa3: {  	v48 =	vld [tilespmem:s26+$0xD520]  }
0xa4: {  	v46 =	vld [tilespmem:s26+$0xD530]  }
0xa5: {  	v44 =	vld [tilespmem:s26+$0xD540]  }
0xa6: {  	[tilespmem:$0x1FDF0] =	vst v0;
	v0 =	vld [tilespmem:s26+$0x7100]  }
0xa7: {  	v42 =	vld [tilespmem:s26+$0xD550]  }
0xa8: {  	v62 =	vld [tilespmem:s26+$0x6100]  }
0xa9: {  	v63 =	vld [tilespmem:s26+$0x6110]  }
0xaa: {  	v5 =	vld [tilespmem:s26+$0x6120]  }
0xab: {  	[tilespmem:$0x1FF00] =	vst v0;
	v0 =	vld [tilespmem:s26+$0x7110]  }
0xac: {  	v6 =	vld [tilespmem:s26+$0x6130]  }
0xad: {  	v7 =	vld [tilespmem:s26+$0x6140]  }
0xae: {  	v8 =	vld [tilespmem:s26+$0x6150]  }
0xaf: {  	v21 =	vld [tilespmem:s26+$0x6160]  }
0xb0: {  	[tilespmem:$0x1FF20] =	vst v0;
	v0 =	vld [tilespmem:s26+$0x7120]  }
0xb1: {  	v22 =	vld [tilespmem:s26+$0x6170]  }
0xb2: {  	v23 =	vld [tilespmem:s26+$0x6500]  }
0xb3: {  	v24 =	vld [tilespmem:s26+$0x6510]  }
0xb4: {  	v25 =	vld [tilespmem:s26+$0x6520]  }
0xb5: {  	[tilespmem:$0x1FF40] =	vst v0;
	v0 =	vld [tilespmem:s26+$0x7130]  }
0xb6: {  	v26 =	vld [tilespmem:s26+$0x6530]  }
0xb7: {  	v27 =	vld [tilespmem:s26+$0x6540]  }
0xb8: {  	v28 =	vld [tilespmem:s26+$0x6550]  }
0xb9: {  	v29 =	vld [tilespmem:s26+$0x6560]  }
0xba: {  	[tilespmem:$0x1FF60] =	vst v0;
	v0 =	vld [tilespmem:s26+$0x7140]  }
0xbb: {  	v30 =	vld [tilespmem:s26+$0x6570]  }
0xbc: {  	v31 =	vld [tilespmem:s26+$0x6900]  }
0xbd: {  	v32 =	vld [tilespmem:s26+$0x6910]  }
0xbe: {  	v33 =	vld [tilespmem:s26+$0x6920]  }
0xbf: {  	[tilespmem:$0x1FF80] =	vst v0;
	v0 =	vld [tilespmem:s26+$0x7150]  }
0xc0: {  	v34 =	vld [tilespmem:s26+$0x6930]  }
0xc1: {  	v35 =	vld [tilespmem:s26+$0x6940]  }
0xc2: {  	v9 =	vld [tilespmem:s26+$0x6950]  }
0xc3: {  	v10 =	vld [tilespmem:s26+$0x6960]  }
0xc4: {  	[tilespmem:$0x1FFA0] =	vst v0;
	v0 =	vld [tilespmem:s26+$0x7160]  }
0xc5: {  	v11 =	vld [tilespmem:s26+$0x6970]  }
0xc6: {  	v12 =	vld [tilespmem:s26+$0x6D00]  }
0xc7: {  	v36 =	vld [tilespmem:s26+$0x6D10]  }
0xc8: {  	v52 =	vld [tilespmem:s26+$0x6D20]  }
0xc9: {  	[tilespmem:$0x1FFC0] =	vst v0;
	v0 =	vld [tilespmem:s26+$0x100]  }
0xca: {  	v1 =	vld [tilespmem:s26+$0x110]  }
0xcb: {  	v2 =	vld [tilespmem:s26+$0x120]  }
0xcc: {  	v49 =	vld [tilespmem:s26+$0x6D30]  }
0xcd: {  	v4 =	vld [tilespmem:s26+$0x140]  }
0xce: {  	v47 =	vld [tilespmem:s26+$0x6D40];
	v0 =	vadd.f32 v62, v0  }
0xcf: {  	v1 =	vadd.f32 v63, v1;
	v63 =	vld [tilespmem:s26+$0x160]  }
0xd0: {  	v45 =	vld [tilespmem:s26+$0x6D50];
	v2 =	vadd.f32 v5, v2;
	v0 =	vadd.f32 v14, v0  }
0xd1: {  	v3 =	vld [tilespmem:s26+$0x130]  }
0xd2: {  	v43 =	vld [tilespmem:s26+$0x6D60];
	[tilespmem:s26+$0x100] =	vst v0;
	v0 =	vadd.f32 v54, v2;
	v2 =	vadd.f32 v7, v4  }
0xd3: {  	v62 =	vld [tilespmem:s26+$0x150]  }
0xd4: {  	v40 =	vld [tilespmem:s26+$0x6D70];
	[tilespmem:s26+$0x120] =	vst v0;
	v0 =	vadd.f32 v56, v2;
	v2 =	vadd.f32 v21, v63  }
0xd5: {  	v5 =	vld [tilespmem:s26+$0x170];
	v1 =	vadd.f32 v53, v1  }
0xd6: {  	v20 =	vld [tilespmem:s26+$0x7170];
	v3 =	vadd.f32 v6, v3;
	[tilespmem:s26+$0x140] =	vst v0;
	v0 =	vadd.f32 v58, v2  }
0xd7: {  	v6 =	vld [tilespmem:s26+$0x510];
	[tilespmem:s26+$0x110] =	vst v1  }
0xd8: {  	v1 =	vadd.f32 v55, v3;
	v3 =	vadd.f32 v8, v62;
	[tilespmem:s26+$0x160] =	vst v0;
	v0 =	vld [tilespmem:s26+$0x530]  }
0xd9: {  	v19 =	vld [tilespmem:s26+$0x7500]  }
0xda: {  	v18 =	vld [tilespmem:s26+$0x7510];
	[tilespmem:s26+$0x130] =	vst v1;
	v1 =	vadd.f32 v57, v3;
	v3 =	vadd.f32 v22, v5  }
0xdb: {  	v4 =	vld [tilespmem:s26+$0x500]  }
0xdc: {  	v17 =	vld [tilespmem:s26+$0x7520];
	[tilespmem:s26+$0x150] =	vst v1;
	v1 =	vadd.f32 v59, v3;
	v3 =	vadd.f32 v24, v6  }
0xdd: {  	v16 =	vld [tilespmem:s26+$0x7530];
	v0 =	vadd.f32 v26, v0  }
0xde: {  	v2 =	vld [tilespmem:s26+$0x520];
	v3 =	vadd.f32 v61, v3  }
0xdf: {  	v15 =	vld [tilespmem:s26+$0x7540];
	v0 =	vadd.f32 v37, v0  }
0xe0: {  	v4 =	vadd.f32 v23, v4;
	[tilespmem:s26+$0x510] =	vst v3;
	v3 =	vld [tilespmem:s26+$0x560]  }
0xe1: {  	[tilespmem:s26+$0x530] =	vst v0;
	v0 =	vld [tilespmem:s26+$0x940]  }
0xe2: {  	v13 =	vld [tilespmem:s26+$0x7550];
	v4 =	vadd.f32 v60, v4  }
0xe3: {  	v53 =	vld [tilespmem:$0x1FE50];
	v2 =	vadd.f32 v25, v2  }
0xe4: {  	[tilespmem:s26+$0x500] =	vst v4;
	v4 =	vld [tilespmem:s26+$0x550]  }
0xe5: {  	v50 =	vld [tilespmem:s26+$0x7560];
	v2 =	vadd.f32 v51, v2;
	v3 =	vadd.f32 v29, v3  }
0xe6: {  	v62 =	vld [tilespmem:$0x1FEE0];
	v0 =	vadd.f32 v35, v0  }
0xe7: {  	[tilespmem:s26+$0x520] =	vst v2;
	v2 =	vld [tilespmem:s26+$0x570];
	v3 =	vadd.f32 v39, v3  }
0xe8: {  	v21 =	vld [tilespmem:$0x1FE00];
	v0 =	vadd.f32 v53, v0  }
0xe9: {  	v4 =	vadd.f32 v28, v4;
	[tilespmem:s26+$0x560] =	vst v3;
	v3 =	vld [tilespmem:s26+$0x970]  }
0xea: {  	[tilespmem:s26+$0x940] =	vst v0;
	v0 =	vld [tilespmem:s26+$0xD50]  }
0xeb: {  	v56 =	vld [tilespmem:$0x1FE80];
	v4 =	vadd.f32 v41, v4  }
0xec: {  	v5 =	vld [tilespmem:s26+$0x900];
	v2 =	vadd.f32 v30, v2  }
0xed: {  	[tilespmem:s26+$0x550] =	vst v4;
	v4 =	vld [tilespmem:s26+$0x960]  }
0xee: {  	v2 =	vadd.f32 v21, v2;
	v21 =	vld [tilespmem:$0x1FE10];
	v3 =	vadd.f32 v11, v3  }
0xef: {  	v55 =	vld [tilespmem:$0x1FE70];
	v0 =	vadd.f32 v45, v0  }
0xf0: {  	v58 =	vld [tilespmem:$0x1FEA0];
	v3 =	vadd.f32 v56, v3  }
0xf1: {  	v6 =	vld [tilespmem:s26+$0x910];
	v5 =	vadd.f32 v31, v5;
	v0 =	vadd.f32 v62, v0  }
0xf2: {  	v4 =	vadd.f32 v10, v4;
	[tilespmem:s26+$0x970] =	vst v3;
	v3 =	vld [tilespmem:s26+$0x1100]  }
0xf3: {  	v5 =	vadd.f32 v21, v5;
	[tilespmem:s26+$0xD50] =	vst v0;
	v0 =	vld [tilespmem:$0x1FF00]  }
0xf4: {  	v21 =	vld [tilespmem:$0x1FE20];
	v4 =	vadd.f32 v55, v4  }
0xf5: {  	[tilespmem:s26+$0x900] =	vst v5;
	v5 =	vld [tilespmem:s26+$0xD10]  }
0xf6: {  	[tilespmem:s26+$0x960] =	vst v4;
	v4 =	vld [tilespmem:s26+$0xD70]  }
0xf7: {  	[tilespmem:s26+$0x570] =	vst v2;
	v2 =	vld [tilespmem:s26+$0xD00]  }
0xf8: {  	v0 =	vadd.f32 v0, v3;
	v3 =	vld [tilespmem:$0x1FF10]  }
0xf9: {  	v7 =	vld [tilespmem:s26+$0x920];
	v6 =	vadd.f32 v32, v6  }
0xfa: {  	v57 =	vld [tilespmem:$0x1FE90];
	v5 =	vadd.f32 v36, v5  }
0xfb: {  	v59 =	vld [tilespmem:$0x1FEB0];
	v6 =	vadd.f32 v21, v6;
	v4 =	vadd.f32 v40, v4  }
0xfc: {  	[tilespmem:s26+$0x170] =	vst v1;
	v1 =	vld [tilespmem:s26+$0x540];
	v5 =	vadd.f32 v58, v5  }
0xfd: {  	v2 =	vadd.f32 v12, v2;
	[tilespmem:s26+$0x910] =	vst v6;
	v6 =	vld [tilespmem:s26+$0xD20];
	v3 =	vadd.f32 v3, v4  }
0xfe: {  	[tilespmem:s26+$0xD10] =	vst v5;
	v5 =	vld [tilespmem:s26+$0x1120]  }
0xff: {  	v2 =	vadd.f32 v57, v2;
	[tilespmem:s26+$0xD70] =	vst v3;
	v3 =	vld [tilespmem:$0x1FF40]  }
0x100: {  	v21 =	vld [tilespmem:$0x1FE30]  }
0x101: {  	v1 =	vadd.f32 v27, v1;
	[tilespmem:s26+$0xD00] =	vst v2;
	v2 =	vld [tilespmem:s26+$0x1110]  }
0x102: {  	v4 =	vld [tilespmem:$0x1FF20]  }
0x103: {  	v8 =	vld [tilespmem:s26+$0x930];
	v7 =	vadd.f32 v33, v7;
	v1 =	vadd.f32 v38, v1  }
0x104: {  	v6 =	vadd.f32 v52, v6;
	v3 =	vadd.f32 v3, v5;
	v5 =	vld [tilespmem:$0x1FF50]  }
0x105: {  	[tilespmem:s26+$0x540] =	vst v1;
	v1 =	vld [tilespmem:s26+$0x950];
	v7 =	vadd.f32 v21, v7  }
0x106: {  	v21 =	vld [tilespmem:$0x1FE40];
	v6 =	vadd.f32 v59, v6  }
0x107: {  	[tilespmem:s26+$0x920] =	vst v7;
	v7 =	vld [tilespmem:s26+$0xD30];
	v4 =	vadd.f32 v4, v2  }
0x108: {  	[tilespmem:s26+$0xD20] =	vst v6;
	v6 =	vld [tilespmem:s26+$0x1130]  }
0x109: {  	v4 =	vadd.f32 v5, v4;
	v5 =	vld [tilespmem:$0x1FF60]  }
0x10a: {  	v54 =	vld [tilespmem:$0x1FE60]  }
0x10b: {  	v8 =	vadd.f32 v34, v8;
	v60 =	vld [tilespmem:$0x1FEC0]  }
0x10c: {  	v14 =	vld [tilespmem:s26+$0x7570]  }
0x10d: {  	v63 =	vld [tilespmem:$0x1FEF0];
	v1 =	vadd.f32 v9, v1;
	v8 =	vadd.f32 v21, v8  }
0x10e: {  	v7 =	vadd.f32 v49, v7;
	v5 =	vadd.f32 v5, v6;
	v6 =	vld [tilespmem:$0x1FF70]  }
0x10f: {  	v1 =	vadd.f32 v54, v1;
	[tilespmem:s26+$0x930] =	vst v8;
	v8 =	vld [tilespmem:s26+$0xD40]  }
0x110: {  	v61 =	vld [tilespmem:$0x1FED0];
	v7 =	vadd.f32 v60, v7  }
0x111: {  	[tilespmem:s26+$0x950] =	vst v1;
	v1 =	vld [tilespmem:s26+$0xD60]  }
0x112: {  	[tilespmem:s26+$0xD30] =	vst v7;
	v7 =	vld [tilespmem:s26+$0x1140]  }
0x113: {  	[tilespmem:s26+$0x1110] =	vst v4;
	v4 =	vld [tilespmem:$0x1FF80];
	v3 =	vadd.f32 v6, v3  }
0x114: {  	v8 =	vadd.f32 v47, v8;
	v6 =	vld [tilespmem:$0x1FF90]  }
0x115: {  	[tilespmem:s26+$0x1120] =	vst v3;
	v3 =	vld [tilespmem:$0x1FFB0]  }
0x116: {  	v2 =	vld [tilespmem:$0x1FF30];
	v8 =	vadd.f32 v61, v8  }
0x117: {  	v22 =	vld [tilespmem:s26+$0x1160];
	v1 =	vadd.f32 v43, v1  }
0x118: {  	[tilespmem:s26+$0xD40] =	vst v8;
	v8 =	vld [tilespmem:s26+$0x1150];
	v21 =	vadd.f32 v4, v7  }
0x119: {  	v1 =	vadd.f32 v63, v1;
	v7 =	vadd.f32 v6, v5;
	v5 =	vld [tilespmem:$0x1FFA0]  }
0x11a: {  	v21 =	vadd.f32 v3, v21;
	v3 =	vld [tilespmem:$0x1FFC0]  }
0x11b: {  	[tilespmem:s26+$0xD60] =	vst v1;
	v1 =	vld [tilespmem:s26+$0x1170];
	v0 =	vadd.f32 v2, v0  }
0x11c: {  	v2 =	vld [tilespmem:s26+$0x1500]  }
0x11d: {  	[tilespmem:s26+$0x1100] =	vst v0;
	v0 =	vld [tilespmem:s26+$0x1510]  }
0x11e: {  	v4 =	vld [tilespmem:s26+$0x1520]  }
0x11f: {  	s28 =	simm.s32 $0x0;
	s8 =	simm.s32 $0x1;
	v6 =	vadd.f32 v5, v8;
	v5 =	vadd.f32 v3, v22;
	v3 =	vld [tilespmem:s26+$0x1530]  }
.LBB2_2:
0x120: {  	[tilespmem:s26+$0x1130] =	vst v7;
	v7 =	vld [tilespmem:$0x1FDB0];
	_ =	sdelay $0x4  }
0x121: {  	v6 =	vadd.f32 v7, v6  }
0x122: {  	v8 =	vld [tilespmem:$0x1FDC0]  }
0x123: {  	[tilespmem:s26+$0x1150] =	vst v6;
	v6 =	vld [tilespmem:$0x1FDD0];
	_ =	sdelay $0x2  }
0x124: {  	v1 =	vadd.f32 v20, v1  }
0x125: {  	v5 =	vadd.f32 v8, v5  }
0x126: {  	v1 =	vadd.f32 v6, v1  }
0x127: {  	[tilespmem:s26+$0x1160] =	vst v5;
	v5 =	vld [tilespmem:$0x1FDE0]  }
0x128: {  	[tilespmem:s26+$0x1170] =	vst v1;
	v1 =	vld [tilespmem:$0x1FDF0]  }
0x129: {  	v7 =	vld [tilespmem:s26+$0x1540]  }
0x12a: {  	v2 =	vadd.f32 v19, v2;
	v8 =	vld [tilespmem:s26+$0x1550]  }
0x12b: {  	s29 =	sshrl.u32 s8, $0x3;
	v0 =	vadd.f32 v18, v0;
	v6 =	vld [tilespmem:s26+$0x1560]  }
0x12c: {  	s28 =	sadd.s32 $0x80, s28;
	s29 =	smul.u32 $0x1800, s29;
	v4 =	vadd.f32 v17, v4;
	v2 =	vadd.f32 v5, v2;
	v5 =	vld [tilespmem:s26+$0x1570]  }
0x12d: {  	[tilespmem:s26+$0x1140] =	vst v21;
	s31 =	sand.u32 $0x380, s28;
	v0 =	vadd.f32 v1, v0;
	v1 =	vadd.f32 v16, v3;
	v3 =	vld [tilespmem:s26+$0xD560]  }
0x12e: {  	s29 =	sor.u32 s31, s29;
	[tilespmem:s26+$0x1500] =	vst v2;
	v2 =	vadd.f32 v48, v4;
	v4 =	vadd.f32 v15, v7;
	v7 =	vld [tilespmem:s26+$0xD570]  }
0x12f: {  	v53 =	vld [tilespmem:s29+$0xC100];
	[tilespmem:s26+$0x1510] =	vst v0;
	v0 =	vadd.f32 v46, v1;
	v1 =	vadd.f32 v13, v8  }
0x130: {  	v55 =	vld [tilespmem:s29+$0xC110];
	[tilespmem:s26+$0x1520] =	vst v2;
	v2 =	vadd.f32 v44, v4;
	v4 =	vadd.f32 v50, v6  }
0x131: {  	v56 =	vld [tilespmem:s29+$0xC120];
	[tilespmem:s26+$0x1530] =	vst v0;
	v0 =	vadd.f32 v42, v1;
	v1 =	vadd.f32 v14, v5  }
0x132: {  	v57 =	vld [tilespmem:s29+$0xC130];
	[tilespmem:s26+$0x1540] =	vst v2;
	v2 =	vadd.f32 v3, v4  }
0x133: {  	v54 =	vld [tilespmem:s29+$0xC140];
	[tilespmem:s26+$0x1550] =	vst v0;
	v0 =	vadd.f32 v7, v1  }
0x134: {  	v52 =	vld [tilespmem:s29+$0xC150];
	[tilespmem:s26+$0x1560] =	vst v2  }
0x135: {  	v51 =	vld [tilespmem:s29+$0xC160];
	[tilespmem:s26+$0x1570] =	vst v0;
	s26 =	smov.u32 s29  }
0x136: {  	v0 =	vld [tilespmem:s26+$0xC170];
	_ =	sdelay $0x4  }
0x137: {  	[tilespmem:$0x1FBD0] =	vst v0;
	v0 =	vld [tilespmem:s26+$0xC500];
	_ =	sdelay $0x4  }
0x138: {  	[tilespmem:$0x1FBE0] =	vst v0;
	v0 =	vld [tilespmem:s26+$0xC510];
	_ =	sdelay $0x4  }
0x139: {  	[tilespmem:$0x1FBF0] =	vst v0;
	v0 =	vld [tilespmem:s26+$0xC520];
	_ =	sdelay $0x4  }
0x13a: {  	[tilespmem:$0x1FC00] =	vst v0;
	v0 =	vld [tilespmem:s26+$0xC530];
	_ =	sdelay $0x4  }
0x13b: {  	[tilespmem:$0x1FC10] =	vst v0;
	v0 =	vld [tilespmem:s26+$0xC540];
	_ =	sdelay $0x4  }
0x13c: {  	[tilespmem:$0x1FC20] =	vst v0;
	v0 =	vld [tilespmem:s26+$0xC550];
	_ =	sdelay $0x4  }
0x13d: {  	[tilespmem:$0x1FC30] =	vst v0;
	v0 =	vld [tilespmem:s26+$0xC560];
	_ =	sdelay $0x4  }
0x13e: {  	[tilespmem:$0x1FC40] =	vst v0;
	v0 =	vld [tilespmem:s26+$0xC570];
	_ =	sdelay $0x2  }
0x13f: {  	v49 =	vld [tilespmem:s26+$0xD520]  }
0x140: {  	v48 =	vld [tilespmem:s26+$0xD530]  }
0x141: {  	[tilespmem:$0x1FC50] =	vst v0;
	v0 =	vld [tilespmem:s26+$0xC900]  }
0x142: {  	v47 =	vld [tilespmem:s26+$0xD540]  }
0x143: {  	v46 =	vld [tilespmem:s26+$0xD550]  }
0x144: {  	v36 =	vld [tilespmem:s26+$0x6100]  }
0x145: {  	v9 =	vld [tilespmem:s26+$0x6110]  }
0x146: {  	[tilespmem:$0x1FC60] =	vst v0;
	v0 =	vld [tilespmem:s26+$0xC910]  }
0x147: {  	v37 =	vld [tilespmem:s26+$0x6120]  }
0x148: {  	v10 =	vld [tilespmem:s26+$0x6130]  }
0x149: {  	v38 =	vld [tilespmem:s26+$0x6140]  }
0x14a: {  	v11 =	vld [tilespmem:s26+$0x6150]  }
0x14b: {  	[tilespmem:$0x1FC70] =	vst v0;
	v0 =	vld [tilespmem:s26+$0xC920]  }
0x14c: {  	v39 =	vld [tilespmem:s26+$0x6160]  }
0x14d: {  	v12 =	vld [tilespmem:s26+$0x6170]  }
0x14e: {  	v40 =	vld [tilespmem:s26+$0x6500]  }
0x14f: {  	v35 =	vld [tilespmem:s26+$0x6510]  }
0x150: {  	[tilespmem:$0x1FC80] =	vst v0;
	v0 =	vld [tilespmem:s26+$0xC930]  }
0x151: {  	v8 =	vld [tilespmem:s26+$0x6520]  }
0x152: {  	v34 =	vld [tilespmem:s26+$0x6530]  }
0x153: {  	v7 =	vld [tilespmem:s26+$0x6540]  }
0x154: {  	v33 =	vld [tilespmem:s26+$0x6550]  }
0x155: {  	[tilespmem:$0x1FC90] =	vst v0;
	v0 =	vld [tilespmem:s26+$0xC940]  }
0x156: {  	v6 =	vld [tilespmem:s26+$0x6560]  }
0x157: {  	v32 =	vld [tilespmem:s26+$0x6570]  }
0x158: {  	v5 =	vld [tilespmem:s26+$0x6900]  }
0x159: {  	v4 =	vld [tilespmem:s26+$0x6910]  }
0x15a: {  	[tilespmem:$0x1FCA0] =	vst v0;
	v0 =	vld [tilespmem:s26+$0xC950]  }
0x15b: {  	v31 =	vld [tilespmem:s26+$0x6920]  }
0x15c: {  	v30 =	vld [tilespmem:s26+$0x6930]  }
0x15d: {  	v29 =	vld [tilespmem:s26+$0x6940]  }
0x15e: {  	v28 =	vld [tilespmem:s26+$0x6950]  }
0x15f: {  	[tilespmem:$0x1FCB0] =	vst v0;
	v0 =	vld [tilespmem:s26+$0xC960]  }
0x160: {  	v41 =	vld [tilespmem:s26+$0x100]  }
0x161: {  	v42 =	vld [tilespmem:s26+$0x110]  }
0x162: {  	v43 =	vld [tilespmem:s26+$0x120]  }
0x163: {  	v44 =	vld [tilespmem:s26+$0x130]  }
0x164: {  	[tilespmem:$0x1FCC0] =	vst v0;
	v0 =	vld [tilespmem:s26+$0xC970]  }
0x165: {  	v45 =	vld [tilespmem:s26+$0x140]  }
0x166: {  	v36 =	vadd.f32 v36, v41;
	v41 =	vld [tilespmem:s26+$0x150]  }
0x167: {  	v27 =	vld [tilespmem:s26+$0x6960]  }
0x168: {  	v26 =	vld [tilespmem:s26+$0x6970];
	v9 =	vadd.f32 v9, v42  }
0x169: {  	v37 =	vadd.f32 v37, v43;
	v36 =	vadd.f32 v53, v36;
	[tilespmem:$0x1FCD0] =	vst v0;
	v0 =	vld [tilespmem:s26+$0xCD00]  }
0x16a: {  	v25 =	vld [tilespmem:s26+$0x6D00];
	v10 =	vadd.f32 v10, v44;
	v53 =	vadd.f32 v38, v45  }
0x16b: {  	v44 =	vld [tilespmem:s26+$0x500];
	[tilespmem:s26+$0x100] =	vst v36;
	v36 =	vadd.f32 v56, v37;
	v56 =	vadd.f32 v11, v41  }
0x16c: {  	v24 =	vld [tilespmem:s26+$0x6D10];
	v9 =	vadd.f32 v55, v9;
	v55 =	vadd.f32 v57, v10  }
0x16d: {  	v57 =	vadd.f32 v54, v53;
	v54 =	vadd.f32 v52, v56;
	v52 =	vld [tilespmem:$0x1FBE0]  }
0x16e: {  	[tilespmem:$0x1FCE0] =	vst v0;
	v0 =	vld [tilespmem:s26+$0xCD10]  }
0x16f: {  	v23 =	vld [tilespmem:s26+$0x6D20]  }
0x170: {  	v43 =	vld [tilespmem:s26+$0x170];
	[tilespmem:s26+$0x140] =	vst v57;
	v57 =	vadd.f32 v40, v44  }
0x171: {  	v11 =	vld [tilespmem:s26+$0x520]  }
0x172: {  	[tilespmem:s26+$0x120] =	vst v36;
	v36 =	vadd.f32 v52, v57;
	v57 =	vld [tilespmem:$0x1FC00]  }
0x173: {  	[tilespmem:$0x1FCF0] =	vst v0;
	v0 =	vld [tilespmem:s26+$0xCD20]  }
0x174: {  	v22 =	vld [tilespmem:s26+$0x6D30]  }
0x175: {  	v21 =	vld [tilespmem:s26+$0x6D40]  }
0x176: {  	v42 =	vld [tilespmem:s26+$0x160];
	v8 =	vadd.f32 v8, v11  }
0x177: {  	[tilespmem:s26+$0x130] =	vst v55;
	v55 =	vadd.f32 v12, v43;
	v12 =	vld [tilespmem:s26+$0x540]  }
0x178: {  	v8 =	vadd.f32 v57, v8;
	[tilespmem:$0x1FD00] =	vst v0;
	v0 =	vld [tilespmem:s26+$0xCD30]  }
0x179: {  	v3 =	vld [tilespmem:s26+$0x6D50]  }
0x17a: {  	[tilespmem:s26+$0x520] =	vst v8;
	v8 =	vld [tilespmem:$0x1FC20]  }
0x17b: {  	v1 =	vld [tilespmem:s26+$0x6D60]  }
0x17c: {  	v2 =	vld [tilespmem:s26+$0x6D70]  }
0x17d: {  	v53 =	vadd.f32 v39, v42;
	v7 =	vadd.f32 v7, v12;
	[tilespmem:$0x1FD10] =	vst v0;
	v0 =	vld [tilespmem:s26+$0xCD40]  }
0x17e: {  	v63 =	vld [tilespmem:s26+$0x7110]  }
0x17f: {  	v56 =	vadd.f32 v51, v53;
	v51 =	vld [tilespmem:s26+$0x560];
	v7 =	vadd.f32 v8, v7  }
0x180: {  	v62 =	vld [tilespmem:s26+$0x7120]  }
0x181: {  	[tilespmem:s26+$0x540] =	vst v7;
	v7 =	vld [tilespmem:$0x1FC40]  }
0x182: {  	[tilespmem:$0x1FD20] =	vst v0;
	v0 =	vld [tilespmem:s26+$0xCD50]  }
0x183: {  	v61 =	vld [tilespmem:s26+$0x7130]  }
0x184: {  	v45 =	vld [tilespmem:s26+$0x550];
	v6 =	vadd.f32 v6, v51  }
0x185: {  	[tilespmem:s26+$0x160] =	vst v56;
	v56 =	vld [tilespmem:s26+$0x900]  }
0x186: {  	v12 =	vld [tilespmem:s26+$0x910];
	v6 =	vadd.f32 v7, v6  }
0x187: {  	[tilespmem:$0x1FD30] =	vst v0;
	v0 =	vld [tilespmem:s26+$0xCD60]  }
0x188: {  	[tilespmem:s26+$0x560] =	vst v6;
	v6 =	vld [tilespmem:$0x1FC60]  }
0x189: {  	v51 =	vld [tilespmem:$0x1FC70]  }
0x18a: {  	v39 =	vld [tilespmem:s26+$0x530]  }
0x18b: {  	v44 =	vmov v47;
	v47 =	vld [tilespmem:$0x1FBD0];
	v5 =	vadd.f32 v5, v56  }
0x18c: {  	v4 =	vadd.f32 v4, v12;
	[tilespmem:$0x1FD40] =	vst v0;
	v0 =	vld [tilespmem:s26+$0xCD70]  }
0x18d: {  	v40 =	vld [tilespmem:s26+$0x920];
	v5 =	vadd.f32 v6, v5  }
0x18e: {  	v8 =	vld [tilespmem:s26+$0x930];
	v4 =	vadd.f32 v51, v4  }
0x18f: {  	[tilespmem:s26+$0x900] =	vst v5;
	v5 =	vld [tilespmem:$0x1FC80]  }
0x190: {  	[tilespmem:s26+$0x910] =	vst v4;
	v4 =	vld [tilespmem:$0x1FC90]  }
0x191: {  	[tilespmem:$0x1FD50] =	vst v0;
	v0 =	vld [tilespmem:s26+$0xD100]  }
0x192: {  	v38 =	vld [tilespmem:s26+$0x510];
	[tilespmem:s26+$0x110] =	vst v9;
	v9 =	vadd.f32 v47, v55  }
0x193: {  	[tilespmem:s26+$0x150] =	vst v54;
	v54 =	vld [tilespmem:$0x1FBF0];
	v55 =	vadd.f32 v34, v39;
	v6 =	vadd.f32 v31, v40  }
0x194: {  	v39 =	vadd.f32 v33, v45;
	v45 =	vld [tilespmem:s26+$0x940];
	v8 =	vadd.f32 v30, v8  }
0x195: {  	v7 =	vld [tilespmem:s26+$0x950];
	v5 =	vadd.f32 v5, v6  }
0x196: {  	v4 =	vadd.f32 v4, v8;
	[tilespmem:$0x1FD60] =	vst v0;
	v0 =	vld [tilespmem:s26+$0xD110]  }
0x197: {  	[tilespmem:s26+$0x920] =	vst v5;
	v5 =	vld [tilespmem:$0x1FCA0]  }
0x198: {  	[tilespmem:s26+$0x930] =	vst v4;
	v4 =	vld [tilespmem:$0x1FCB0]  }
0x199: {  	v60 =	vld [tilespmem:s26+$0x7140]  }
0x19a: {  	v42 =	vmov v46;
	v53 =	vld [tilespmem:s26+$0x570];
	v6 =	vadd.f32 v29, v45  }
0x19b: {  	v46 =	vmovc v48;
	v48 =	vmov v49;
	v49 =	vadd.f32 v35, v38;
	v7 =	vadd.f32 v28, v7;
	[tilespmem:$0x1FD70] =	vst v0;
	v0 =	vld [tilespmem:s26+$0xD120]  }
0x19c: {  	v12 =	vld [tilespmem:s26+$0x970];
	v5 =	vadd.f32 v5, v6  }
0x19d: {  	[tilespmem:s26+$0x170] =	vst v9;
	v9 =	vadd.f32 v54, v49;
	v49 =	vld [tilespmem:s26+$0x960];
	v4 =	vadd.f32 v4, v7  }
0x19e: {  	[tilespmem:s26+$0x940] =	vst v5;
	v5 =	vld [tilespmem:$0x1FCC0]  }
0x19f: {  	[tilespmem:s26+$0x950] =	vst v4;
	v4 =	vld [tilespmem:$0x1FCD0]  }
0x1a0: {  	[tilespmem:$0x1FD80] =	vst v0;
	v0 =	vld [tilespmem:s26+$0xD130]  }
0x1a1: {  	v59 =	vld [tilespmem:s26+$0x7150]  }
0x1a2: {  	v58 =	vld [tilespmem:s26+$0x7160];
	v6 =	vadd.f32 v27, v49  }
0x1a3: {  	v52 =	vld [tilespmem:s26+$0xD00];
	v7 =	vadd.f32 v26, v12  }
0x1a4: {  	v43 =	vadd.f32 v32, v53;
	v53 =	vld [tilespmem:s26+$0xD10];
	v5 =	vadd.f32 v5, v6  }
0x1a5: {  	v4 =	vadd.f32 v4, v7;
	[tilespmem:$0x1FD90] =	vst v0;
	v0 =	vld [tilespmem:s26+$0xD140]  }
0x1a6: {  	[tilespmem:s26+$0x960] =	vst v5;
	v5 =	vld [tilespmem:$0x1FCE0]  }
0x1a7: {  	[tilespmem:s26+$0x970] =	vst v4;
	v4 =	vld [tilespmem:$0x1FCF0]  }
0x1a8: {  	v20 =	vld [tilespmem:s26+$0x7170]  }
0x1a9: {  	v54 =	vld [tilespmem:s26+$0xD30];
	v6 =	vadd.f32 v25, v52  }
0x1aa: {  	v7 =	vadd.f32 v24, v53;
	[tilespmem:$0x1FDA0] =	vst v0;
	v0 =	vld [tilespmem:s26+$0xD150]  }
0x1ab: {  	v38 =	vld [tilespmem:$0x1FC10];
	v5 =	vadd.f32 v5, v6  }
0x1ac: {  	v8 =	vld [tilespmem:s26+$0xD20];
	v4 =	vadd.f32 v4, v7  }
0x1ad: {  	[tilespmem:s26+$0xD00] =	vst v5;
	v5 =	vld [tilespmem:$0x1FD00]  }
0x1ae: {  	[tilespmem:s26+$0xD10] =	vst v4;
	v4 =	vld [tilespmem:$0x1FD10]  }
0x1af: {  	[tilespmem:$0x1FDB0] =	vst v0;
	v0 =	vld [tilespmem:s26+$0xD160]  }
0x1b0: {  	v19 =	vld [tilespmem:s26+$0x7500]  }
0x1b1: {  	v18 =	vld [tilespmem:s26+$0x7510];
	v6 =	vadd.f32 v23, v8  }
0x1b2: {  	[tilespmem:s26+$0x510] =	vst v9;
	v9 =	vadd.f32 v38, v55;
	v55 =	vld [tilespmem:s26+$0xD50];
	v7 =	vadd.f32 v22, v54  }
0x1b3: {  	v12 =	vld [tilespmem:s26+$0xD40];
	v5 =	vadd.f32 v5, v6  }
0x1b4: {  	v4 =	vadd.f32 v4, v7;
	[tilespmem:$0x1FDC0] =	vst v0;
	v0 =	vld [tilespmem:s26+$0xD170]  }
0x1b5: {  	[tilespmem:s26+$0xD20] =	vst v5;
	v5 =	vld [tilespmem:$0x1FD20]  }
0x1b6: {  	[tilespmem:s26+$0xD30] =	vst v4;
	v4 =	vld [tilespmem:$0x1FD30]  }
0x1b7: {  	v17 =	vld [tilespmem:s26+$0x7520]  }
0x1b8: {  	v16 =	vld [tilespmem:s26+$0x7530];
	v6 =	vadd.f32 v21, v12  }
0x1b9: {  	v3 =	vadd.f32 v3, v55;
	[tilespmem:$0x1FDD0] =	vst v0;
	v0 =	vld [tilespmem:s26+$0xD500]  }
0x1ba: {  	v56 =	vld [tilespmem:s26+$0xD60];
	v5 =	vadd.f32 v5, v6  }
0x1bb: {  	v8 =	vld [tilespmem:s26+$0xD70];
	v3 =	vadd.f32 v4, v3  }
0x1bc: {  	[tilespmem:s26+$0xD40] =	vst v5;
	v5 =	vld [tilespmem:$0x1FD40]  }
0x1bd: {  	[tilespmem:s26+$0xD50] =	vst v3;
	v3 =	vld [tilespmem:$0x1FD50]  }
0x1be: {  	[tilespmem:$0x1FDE0] =	vst v0;
	v0 =	vld [tilespmem:s26+$0xD510]  }
0x1bf: {  	v15 =	vld [tilespmem:s26+$0x7540]  }
0x1c0: {  	v13 =	vld [tilespmem:s26+$0x7550];
	v2 =	vadd.f32 v2, v8  }
0x1c1: {  	v1 =	vadd.f32 v1, v56;
	v57 =	vld [tilespmem:s26+$0x1100]  }
0x1c2: {  	v12 =	vld [tilespmem:s26+$0x1110];
	v2 =	vadd.f32 v3, v2  }
0x1c3: {  	v1 =	vadd.f32 v5, v1;
	[tilespmem:$0x1FDF0] =	vst v0;
	v0 =	vld [tilespmem:s26+$0x7100]  }
0x1c4: {  	[tilespmem:s26+$0xD70] =	vst v2;
	v2 =	vld [tilespmem:$0x1FD70]  }
0x1c5: {  	[tilespmem:s26+$0xD60] =	vst v1;
	v1 =	vld [tilespmem:$0x1FD60]  }
0x1c6: {  	v50 =	vld [tilespmem:s26+$0x7560]  }
0x1c7: {  	v14 =	vld [tilespmem:s26+$0x7570];
	v3 =	vadd.f32 v63, v12  }
0x1c8: {  	v41 =	vld [tilespmem:$0x1FC30];
	v0 =	vadd.f32 v0, v57  }
0x1c9: {  	v7 =	vld [tilespmem:s26+$0x1120];
	v3 =	vadd.f32 v2, v3  }
0x1ca: {  	v6 =	vld [tilespmem:s26+$0x1130];
	v0 =	vadd.f32 v1, v0  }
0x1cb: {  	[tilespmem:s26+$0x1110] =	vst v3;
	v3 =	vld [tilespmem:$0x1FD90]  }
0x1cc: {  	[tilespmem:s26+$0x1100] =	vst v0;
	v0 =	vld [tilespmem:$0x1FD80]  }
0x1cd: {  	v4 =	vld [tilespmem:s26+$0x1140]  }
0x1ce: {  	v47 =	vld [tilespmem:$0x1FC50]  }
0x1cf: {  	v8 =	vld [tilespmem:s26+$0x1160];
	v7 =	vadd.f32 v62, v7;
	v6 =	vadd.f32 v61, v6  }
0x1d0: {  	[tilespmem:s26+$0x530] =	vst v9;
	v9 =	vadd.f32 v41, v39;
	v5 =	vld [tilespmem:s26+$0x1150]  }
0x1d1: {  	p0 =	sne.s32 s8, $0x1F;
	v62 =	vadd.f32 v0, v7;
	v7 =	vadd.f32 v3, v6;
	v3 =	vld [tilespmem:$0x1FDA0]  }
.Ltmp0:
0x1d2: {  	v63 =	vadd.f32 v60, v4;
	v4 =	vld [tilespmem:s26+$0x1520];
	(pc) =	sbr.rel @p0 .LBB2_2-.Ltmp0, $4  }
0x1d3: {  	[tilespmem:s26+$0x550] =	vst v9;
	v9 =	vadd.f32 v47, v43;
	v2 =	vld [tilespmem:s26+$0x1500]  }
0x1d4: {  	[tilespmem:s26+$0x500] =	vst v36;
	v1 =	vld [tilespmem:s26+$0x1170]  }
0x1d5: {  	[tilespmem:s26+$0x570] =	vst v9;
	v0 =	vld [tilespmem:s26+$0x1510];
	v6 =	vadd.f32 v59, v5  }
0x1d6: {  	s8 =	sadd.s32 $0x1, s8;
	v5 =	vadd.f32 v58, v8;
	[tilespmem:s26+$0x1120] =	vst v62;
	v21 =	vadd.f32 v3, v63;
	v3 =	vld [tilespmem:s26+$0x1530]  }
0x1d7: {  	v9 =	vld [tilespmem:$0x1FDC0];
	_ =	sdelay $0x4  }
0x1d8: {  	v5 =	vadd.f32 v9, v5;
	v9 =	vld [tilespmem:$0x1FDD0];
	_ =	sdelay $0x2  }
0x1d9: {  	v1 =	vadd.f32 v20, v1  }
0x1da: {  	v8 =	vld [tilespmem:$0x1FDB0]  }
0x1db: {  	v1 =	vadd.f32 v9, v1;
	v9 =	vld [tilespmem:$0x1FDE0];
	_ =	sdelay $0x2  }
0x1dc: {  	v2 =	vadd.f32 v19, v2;
	_ =	sdelay $0x1  }
0x1dd: {  	v6 =	vadd.f32 v8, v6;
	v2 =	vadd.f32 v9, v2;
	v9 =	vld [tilespmem:$0x1FDF0]  }
0x1de: {  	[tilespmem:s26+$0x1130] =	vst v7;
	v7 =	vld [tilespmem:s26+$0x1540]  }
0x1df: {  	v8 =	vld [tilespmem:s26+$0x1550];
	[tilespmem:s26+$0x1150] =	vst v6  }
0x1e0: {  	v0 =	vadd.f32 v18, v0;
	v6 =	vld [tilespmem:s26+$0x1560];
	[tilespmem:s26+$0x1160] =	vst v5  }
0x1e1: {  	v5 =	vld [tilespmem:s26+$0x1570];
	[tilespmem:s26+$0x1170] =	vst v1;
	v1 =	vadd.f32 v17, v4  }
0x1e2: {  	[tilespmem:s26+$0x1140] =	vst v21;
	v3 =	vadd.f32 v16, v3;
	v4 =	vld [tilespmem:s26+$0xD560];
	v0 =	vadd.f32 v9, v0  }
0x1e3: {  	v1 =	vadd.f32 v48, v1;
	[tilespmem:s26+$0x1500] =	vst v2;
	v2 =	vadd.f32 v15, v7;
	v7 =	vld [tilespmem:s26+$0xD570]  }
0x1e4: {  	[tilespmem:s26+$0x1510] =	vst v0;
	v0 =	vadd.f32 v46, v3;
	v3 =	vadd.f32 v13, v8  }
0x1e5: {  	[tilespmem:s26+$0x1520] =	vst v1;
	v1 =	vadd.f32 v44, v2;
	v2 =	vadd.f32 v50, v6  }
0x1e6: {  	[tilespmem:s26+$0x1530] =	vst v0;
	v0 =	vadd.f32 v42, v3;
	v3 =	vadd.f32 v14, v5  }
0x1e7: {  	[tilespmem:s26+$0x1540] =	vst v1;
	v1 =	vadd.f32 v4, v2  }
0x1e8: {  	[tilespmem:s26+$0x1550] =	vst v0;
	v0 =	vadd.f32 v7, v3  }
0x1e9: {  	[tilespmem:s26+$0x1560] =	vst v1  }
0x1ea: {  	[tilespmem:s26+$0x1570] =	vst v0;
	s26 =	simm.s32 $0x0  }
0x1eb: {  	[hbm4b:s9+s26] =	stream.linear.scatter [tilespmem:s17], [sflag:$0x2], $0x6000, $0x38;
	[tilespmem:$0x12100] =	vst v63  }
0x1ec: {  	_ =	swait.ge [sflag:s15], $0x6000  }
0x1ed: {  	[sflag:s15] =	ssyncset.done $0x0  }
0x1ee: {  	[sflag:s15] =	ssyncadd.s32 $0xFFFFA000  }
0x1ef: {  	[tilespmem:s26], [sflag:$0x2] =	stream.linear.gather [hbm4b:s10+s26], $0x20, $0x38;
	[tilespmem:$0x12100] =	vst v63  }
0x1f0: {  	_ =	swait.ge [sflag:s15], $0x20  }
0x1f1: {  	[sflag:s15] =	ssyncset.done $0x0  }
0x1f2: {  	s8 =	simm.s32 $0x80;
	[sflag:s15] =	ssyncadd.s32 $0xFFFFFFE0  }
0x1f3: {  	[tilespmem:s8], [sflag:$0x2] =	stream.linear.gather [hbm4b:s11+s26], $0x20, $0x38;
	[tilespmem:$0x12100] =	vst v63  }
0x1f4: {  	_ =	swait.ge [sflag:s15], $0x20  }
0x1f5: {  	[sflag:s15] =	ssyncset.done $0x0  }
0x1f6: {  	[sflag:s15] =	ssyncadd.s32 $0xFFFFFFE0  }
0x1f7: {  	v0 =	vld [tilespmem:$0x0];
	_ =	sdelay $0x3  }
0x1f8: {  	v2 =	vld [tilespmem:$0x1FFD0]  }
0x1f9: {  	v1 =	vshrl.u32 v0, $0x3  }
0x1fa: {  	v3 =	vld [tilespmem:$0x1FFE0];
	v1 =	vmul.u32 $0x30, v1  }
0x1fb: {  	v0 =	vand.u32 $0x7, v0  }
0x1fc: {  	v0 =	vor.u32 v0, v1  }
0x1fd: {  	v1 =	vperm.xlane v0, v2  }
0x1fe: {  	v4 =	vld [tilespmem:$0x1FFF0]  }
0x1ff: {  	v1 =	vadd.s32 v3, v1;
	_ =	sdelay $0x3  }
0x200: {  	v0 =	vperm.xlane v0, v4  }
0x201: {  	[tilespmem:s17], [sflag:$0x1] =	stream.indirect_vreg.gather [hbm4b:s3+s26], $0x80, v1, vm0, $0xb8;
	[tilespmem:$0x12100] =	vst v63  }
0x202: {  	s31 =	simm.s32 $0x900;
	v0 =	vadd.s32 v3, v0  }
0x203: {  	[tilespmem:s31], [sflag:$0x1] =	stream.indirect_vreg.gather [hbm4b:s6+s26], $0x80, v1, vm0, $0xb8;
	[tilespmem:$0x12100] =	vst v63  }
0x204: {  	s29 =	simm.s32 $0x1100  }
0x205: {  	[tilespmem:s29], [sflag:$0x1] =	stream.indirect_vreg.gather [hbm4b:s7+s26], $0x80, v1, vm0, $0xb8;
	[tilespmem:$0x12100] =	vst v63  }
0x206: {  	s31 =	simm.s32 $0x1900  }
0x207: {  	[tilespmem:s31], [sflag:$0x1] =	stream.indirect_vreg.gather [hbm4b:s3+s26], $0x80, v0, vm0, $0xb8;
	[tilespmem:$0x12100] =	vst v63  }
0x208: {  	s29 =	simm.s32 $0x2100  }
0x209: {  	[tilespmem:s29], [sflag:$0x1] =	stream.indirect_vreg.gather [hbm4b:s6+s26], $0x80, v0, vm0, $0xb8;
	[tilespmem:$0x12100] =	vst v63  }
0x20a: {  	s31 =	simm.s32 $0x2900  }
0x20b: {  	[tilespmem:s31], [sflag:$0x1] =	stream.indirect_vreg.gather [hbm4b:s7+s26], $0x80, v0, vm0, $0xb8;
	[tilespmem:$0x12100] =	vst v63  }
0x20c: {  	v0 =	vld [tilespmem:$0x10];
	_ =	sdelay $0x4  }
0x20d: {  	v1 =	vshrl.u32 v0, $0x3  }
0x20e: {  	v1 =	vmul.u32 $0x30, v1  }
0x20f: {  	v0 =	vand.u32 $0x7, v0  }
0x210: {  	v0 =	vor.u32 v0, v1  }
0x211: {  	v1 =	vperm.xlane v0, v2;
	_ =	sdelay $0x1  }
0x212: {  	v1 =	vadd.s32 v3, v1;
	_ =	sdelay $0x3  }
0x213: {  	s29 =	simm.s32 $0x3100;
	v0 =	vperm.xlane v0, v4  }
0x214: {  	[tilespmem:s29], [sflag:$0x1] =	stream.indirect_vreg.gather [hbm4b:s3+s26], $0x80, v1, vm0, $0xb8;
	[tilespmem:$0x12100] =	vst v63  }
0x215: {  	s31 =	simm.s32 $0x3900;
	v0 =	vadd.s32 v3, v0  }
0x216: {  	[tilespmem:s31], [sflag:$0x1] =	stream.indirect_vreg.gather [hbm4b:s6+s26], $0x80, v1, vm0, $0xb8;
	[tilespmem:$0x12100] =	vst v63  }
0x217: {  	s29 =	simm.s32 $0x4100  }
0x218: {  	[tilespmem:s29], [sflag:$0x1] =	stream.indirect_vreg.gather [hbm4b:s7+s26], $0x80, v1, vm0, $0xb8;
	[tilespmem:$0x12100] =	vst v63  }
0x219: {  	s31 =	simm.s32 $0x4900  }
0x21a: {  	[tilespmem:s31], [sflag:$0x1] =	stream.indirect_vreg.gather [hbm4b:s3+s26], $0x80, v0, vm0, $0xb8;
	[tilespmem:$0x12100] =	vst v63  }
0x21b: {  	s29 =	simm.s32 $0x5100  }
0x21c: {  	[tilespmem:s29], [sflag:$0x1] =	stream.indirect_vreg.gather [hbm4b:s6+s26], $0x80, v0, vm0, $0xb8;
	[tilespmem:$0x12100] =	vst v63  }
0x21d: {  	s31 =	simm.s32 $0x5900  }
0x21e: {  	[tilespmem:s31], [sflag:$0x1] =	stream.indirect_vreg.gather [hbm4b:s7+s26], $0x80, v0, vm0, $0xb8;
	[tilespmem:$0x12100] =	vst v63  }
0x21f: {  	_ =	swait.ge [sflag:s30], $0x6000  }
0x220: {  	[sflag:s30] =	ssyncset.done $0x0  }
0x221: {  	[sflag:s30] =	ssyncadd.s32 $0xFFFFA000  }
0x222: {  	v0 =	vld [tilespmem:$0x80];
	_ =	sdelay $0x4  }
0x223: {  	v1 =	vshrl.u32 v0, $0x3  }
0x224: {  	v1 =	vmul.u32 $0x30, v1  }
0x225: {  	v0 =	vand.u32 $0x7, v0  }
0x226: {  	v0 =	vor.u32 v0, v1  }
0x227: {  	v1 =	vperm.xlane v0, v2;
	_ =	sdelay $0x1  }
0x228: {  	v1 =	vadd.s32 v3, v1;
	_ =	sdelay $0x3  }
0x229: {  	s29 =	simm.s32 $0x6100;
	v0 =	vperm.xlane v0, v4  }
0x22a: {  	[tilespmem:s29], [sflag:$0x1] =	stream.indirect_vreg.gather [hbm4b:s3+s26], $0x80, v1, vm0, $0xb8;
	[tilespmem:$0x12100] =	vst v63  }
0x22b: {  	v0 =	vadd.s32 v3, v0  }
0x22c: {  	[tilespmem:s0], [sflag:$0x1] =	stream.indirect_vreg.gather [hbm4b:s6+s26], $0x80, v1, vm0, $0xb8;
	[tilespmem:$0x12100] =	vst v63  }
0x22d: {  	_ = 	snop  }
0x22e: {  	[tilespmem:s1], [sflag:$0x1] =	stream.indirect_vreg.gather [hbm4b:s7+s26], $0x80, v1, vm0, $0xb8;
	[tilespmem:$0x12100] =	vst v63  }
0x22f: {  	_ = 	snop  }
0x230: {  	[tilespmem:s16], [sflag:$0x1] =	stream.indirect_vreg.gather [hbm4b:s3+s26], $0x80, v0, vm0, $0xb8;
	[tilespmem:$0x12100] =	vst v63  }
0x231: {  	_ = 	snop  }
0x232: {  	[tilespmem:s18], [sflag:$0x1] =	stream.indirect_vreg.gather [hbm4b:s6+s26], $0x80, v0, vm0, $0xb8;
	[tilespmem:$0x12100] =	vst v63  }
0x233: {  	_ = 	snop  }
0x234: {  	[tilespmem:s19], [sflag:$0x1] =	stream.indirect_vreg.gather [hbm4b:s7+s26], $0x80, v0, vm0, $0xb8;
	[tilespmem:$0x12100] =	vst v63  }
0x235: {  	v0 =	vld [tilespmem:$0x90];
	_ =	sdelay $0x4  }
0x236: {  	v1 =	vshrl.u32 v0, $0x3  }
0x237: {  	v1 =	vmul.u32 $0x30, v1  }
0x238: {  	v0 =	vand.u32 $0x7, v0  }
0x239: {  	v0 =	vor.u32 v0, v1  }
0x23a: {  	v1 =	vperm.xlane v0, v2;
	_ =	sdelay $0x1  }
0x23b: {  	v1 =	vadd.s32 v3, v1;
	_ =	sdelay $0x3  }
0x23c: {  	v0 =	vperm.xlane v0, v4  }
0x23d: {  	[tilespmem:s4], [sflag:$0x1] =	stream.indirect_vreg.gather [hbm4b:s3+s26], $0x80, v1, vm0, $0xb8;
	[tilespmem:$0x12100] =	vst v63  }
0x23e: {  	v0 =	vadd.s32 v3, v0  }
0x23f: {  	[tilespmem:s20], [sflag:$0x1] =	stream.indirect_vreg.gather [hbm4b:s6+s26], $0x80, v1, vm0, $0xb8;
	[tilespmem:$0x12100] =	vst v63  }
0x240: {  	_ = 	snop  }
0x241: {  	[tilespmem:s21], [sflag:$0x1] =	stream.indirect_vreg.gather [hbm4b:s7+s26], $0x80, v1, vm0, $0xb8;
	[tilespmem:$0x12100] =	vst v63  }
0x242: {  	_ = 	snop  }
0x243: {  	[tilespmem:s22], [sflag:$0x1] =	stream.indirect_vreg.gather [hbm4b:s3+s26], $0x80, v0, vm0, $0xb8;
	[tilespmem:$0x12100] =	vst v63  }
0x244: {  	_ = 	snop  }
0x245: {  	[tilespmem:s5], [sflag:$0x1] =	stream.indirect_vreg.gather [hbm4b:s6+s26], $0x80, v0, vm0, $0xb8;
	[tilespmem:$0x12100] =	vst v63  }
0x246: {  	_ = 	snop  }
0x247: {  	[tilespmem:s23], [sflag:$0x1] =	stream.indirect_vreg.gather [hbm4b:s7+s26], $0x80, v0, vm0, $0xb8;
	[tilespmem:$0x12100] =	vst v63  }
0x248: {  	_ =	swait.ge [sflag:s30], $0x6000  }
0x249: {  	[sflag:s30] =	ssyncset.done $0x0  }
0x24a: {  	s31 =	simm.s32 $0x0;
	[sflag:s30] =	ssyncadd.s32 $0xFFFFA000  }
0x24b: {  	[tilespmem:s24], [sflag:$0x2] =	stream.linear.gather [hbm4b:s12+s26], $0x6000, $0x38;
	[tilespmem:$0x12100] =	vst v63  }
0x24c: {  	s8 =	smul.u32 $0x1800, s31;
	_ =	swait.ge [sflag:s15], $0x6000  }
0x24d: {  	s28 =	sand.u32 $0x380, s26;
	[sflag:s15] =	ssyncset.done $0x0  }
0x24e: {  	s8 =	sor.u32 s28, s8;
	[sflag:s15] =	ssyncadd.s32 $0xFFFFA000  }
0x24f: {  	v0 =	vld [tilespmem:s8+$0xC570];
	_ =	sdelay $0x4  }
0x250: {  	[tilespmem:$0x1FA00] =	vst v0;
	v0 =	vld [tilespmem:s8+$0xC900];
	_ =	sdelay $0x4  }
0x251: {  	[tilespmem:$0x1FA10] =	vst v0;
	v0 =	vld [tilespmem:s8+$0xC910];
	_ =	sdelay $0x4  }
0x252: {  	[tilespmem:$0x1FA20] =	vst v0;
	v0 =	vld [tilespmem:s8+$0xC920];
	_ =	sdelay $0x4  }
0x253: {  	[tilespmem:$0x1FA30] =	vst v0;
	v0 =	vld [tilespmem:s8+$0xC930];
	_ =	sdelay $0x4  }
0x254: {  	[tilespmem:$0x1FA40] =	vst v0;
	v0 =	vld [tilespmem:s8+$0xC940];
	_ =	sdelay $0x4  }
0x255: {  	[tilespmem:$0x1FA50] =	vst v0;
	v0 =	vld [tilespmem:s8+$0xC950];
	_ =	sdelay $0x4  }
0x256: {  	[tilespmem:$0x1FA60] =	vst v0;
	v0 =	vld [tilespmem:s8+$0xC960];
	_ =	sdelay $0x4  }
0x257: {  	[tilespmem:$0x1FA70] =	vst v0;
	v0 =	vld [tilespmem:s8+$0xC970];
	_ =	sdelay $0x4  }
0x258: {  	[tilespmem:$0x1FA80] =	vst v0;
	v0 =	vld [tilespmem:s8+$0xCD00];
	_ =	sdelay $0x4  }
0x259: {  	[tilespmem:$0x1FA90] =	vst v0;
	v0 =	vld [tilespmem:s8+$0xCD10];
	_ =	sdelay $0x4  }
0x25a: {  	[tilespmem:$0x1FAA0] =	vst v0;
	v0 =	vld [tilespmem:s8+$0xCD20];
	_ =	sdelay $0x4  }
0x25b: {  	[tilespmem:$0x1FAB0] =	vst v0;
	v0 =	vld [tilespmem:s8+$0xCD30];
	_ =	sdelay $0x4  }
0x25c: {  	[tilespmem:$0x1FAC0] =	vst v0;
	v0 =	vld [tilespmem:s8+$0xCD40];
	_ =	sdelay $0x4  }
0x25d: {  	[tilespmem:$0x1FAD0] =	vst v0;
	v0 =	vld [tilespmem:s8+$0xCD50];
	_ =	sdelay $0x4  }
0x25e: {  	[tilespmem:$0x1FAE0] =	vst v0;
	v0 =	vld [tilespmem:s8+$0xCD60];
	_ =	sdelay $0x4  }
0x25f: {  	[tilespmem:$0x1FAF0] =	vst v0;
	v0 =	vld [tilespmem:s8+$0xCD70];
	_ =	sdelay $0x4  }
0x260: {  	[tilespmem:$0x1FB10] =	vst v0;
	v0 =	vld [tilespmem:s8+$0xD100];
	_ =	sdelay $0x4  }
0x261: {  	[tilespmem:$0x1FB30] =	vst v0;
	v0 =	vld [tilespmem:s8+$0xD110];
	_ =	sdelay $0x4  }
0x262: {  	[tilespmem:$0x1FB50] =	vst v0;
	v0 =	vld [tilespmem:s8+$0xD120];
	_ =	sdelay $0x4  }
0x263: {  	[tilespmem:$0x1FB70] =	vst v0;
	v0 =	vld [tilespmem:s8+$0xD130];
	_ =	sdelay $0x4  }
0x264: {  	[tilespmem:$0x1FB90] =	vst v0;
	v0 =	vld [tilespmem:s8+$0xD140];
	_ =	sdelay $0x4  }
0x265: {  	[tilespmem:$0x1FBB0] =	vst v0;
	v0 =	vld [tilespmem:s8+$0xD150];
	_ =	sdelay $0x4  }
0x266: {  	[tilespmem:$0x1F9B0] =	vst v0;
	v0 =	vld [tilespmem:s8+$0xD160];
	_ =	sdelay $0x4  }
0x267: {  	[tilespmem:$0x1F9C0] =	vst v0;
	v0 =	vld [tilespmem:s8+$0xD170];
	_ =	sdelay $0x4  }
0x268: {  	[tilespmem:$0x1F9D0] =	vst v0;
	v0 =	vld [tilespmem:s8+$0xD500];
	_ =	sdelay $0x4  }
0x269: {  	[tilespmem:$0x1F9E0] =	vst v0;
	v0 =	vld [tilespmem:s8+$0xD510];
	_ =	sdelay $0x4  }
0x26a: {  	[tilespmem:$0x1F9F0] =	vst v0;
	v0 =	vld [tilespmem:s8+$0x7100];
	_ =	sdelay $0x4  }
0x26b: {  	[tilespmem:$0x1FB00] =	vst v0;
	v0 =	vld [tilespmem:s8+$0x7110];
	_ =	sdelay $0x4  }
0x26c: {  	[tilespmem:$0x1FB20] =	vst v0;
	v0 =	vld [tilespmem:s8+$0x7120];
	_ =	sdelay $0x1  }
0x26d: {  	v14 =	vld [tilespmem:s8+$0xC100]  }
0x26e: {  	v53 =	vld [tilespmem:s8+$0xC110]  }
0x26f: {  	v54 =	vld [tilespmem:s8+$0xC120]  }
0x270: {  	[tilespmem:$0x1FB40] =	vst v0;
	v0 =	vld [tilespmem:s8+$0x7130]  }
0x271: {  	v55 =	vld [tilespmem:s8+$0xC130]  }
0x272: {  	v56 =	vld [tilespmem:s8+$0xC140]  }
0x273: {  	v57 =	vld [tilespmem:s8+$0xC150]  }
0x274: {  	v58 =	vld [tilespmem:s8+$0xC160]  }
0x275: {  	[tilespmem:$0x1FB60] =	vst v0;
	v0 =	vld [tilespmem:s8+$0x7140]  }
0x276: {  	v59 =	vld [tilespmem:s8+$0xC170]  }
0x277: {  	v60 =	vld [tilespmem:s8+$0xC500]  }
0x278: {  	v61 =	vld [tilespmem:s8+$0xC510]  }
0x279: {  	v37 =	vld [tilespmem:s8+$0xC520]  }
0x27a: {  	[tilespmem:$0x1FB80] =	vst v0;
	v0 =	vld [tilespmem:s8+$0x7150]  }
0x27b: {  	v49 =	vld [tilespmem:s8+$0xC530]  }
0x27c: {  	v45 =	vld [tilespmem:s8+$0xC540]  }
0x27d: {  	v41 =	vld [tilespmem:s8+$0xC550]  }
0x27e: {  	v62 =	vld [tilespmem:s8+$0x6100]  }
0x27f: {  	[tilespmem:$0x1FBA0] =	vst v0;
	v0 =	vld [tilespmem:s8+$0x7160]  }
0x280: {  	v63 =	vld [tilespmem:s8+$0x6110]  }
0x281: {  	v5 =	vld [tilespmem:s8+$0x6120]  }
0x282: {  	v6 =	vld [tilespmem:s8+$0x6130]  }
0x283: {  	v7 =	vld [tilespmem:s8+$0x6140]  }
0x284: {  	[tilespmem:$0x1FBC0] =	vst v0;
	v0 =	vld [tilespmem:s8+$0x100]  }
0x285: {  	v1 =	vld [tilespmem:s8+$0x110]  }
0x286: {  	v2 =	vld [tilespmem:s8+$0x120]  }
0x287: {  	v3 =	vld [tilespmem:s8+$0x130]  }
0x288: {  	v8 =	vld [tilespmem:s8+$0x6150]  }
0x289: {  	v0 =	vadd.f32 v62, v0;
	v62 =	vld [tilespmem:s8+$0x150]  }
0x28a: {  	v22 =	vld [tilespmem:s8+$0x6170];
	v1 =	vadd.f32 v63, v1  }
0x28b: {  	v2 =	vadd.f32 v5, v2;
	v5 =	vld [tilespmem:s8+$0x170]  }
0x28c: {  	v4 =	vld [tilespmem:s8+$0x140];
	v3 =	vadd.f32 v6, v3;
	v1 =	vadd.f32 v53, v1  }
0x28d: {  	v21 =	vld [tilespmem:s8+$0x6160]  }
0x28e: {  	v63 =	vld [tilespmem:s8+$0x160];
	[tilespmem:s8+$0x110] =	vst v1;
	v1 =	vadd.f32 v55, v3;
	v3 =	vadd.f32 v8, v62  }
0x28f: {  	v39 =	vld [tilespmem:s8+$0xC560];
	v0 =	vadd.f32 v14, v0  }
0x290: {  	v23 =	vld [tilespmem:s8+$0x6500];
	[tilespmem:s8+$0x130] =	vst v1;
	v1 =	vadd.f32 v57, v3;
	v3 =	vadd.f32 v22, v5  }
0x291: {  	v24 =	vld [tilespmem:s8+$0x6510];
	[tilespmem:s8+$0x100] =	vst v0;
	v0 =	vadd.f32 v54, v2;
	v2 =	vadd.f32 v7, v4  }
0x292: {  	v25 =	vld [tilespmem:s8+$0x6520];
	[tilespmem:s8+$0x150] =	vst v1;
	v1 =	vadd.f32 v59, v3  }
0x293: {  	v27 =	vld [tilespmem:s8+$0x6540];
	[tilespmem:s8+$0x120] =	vst v0;
	v0 =	vadd.f32 v56, v2;
	v2 =	vadd.f32 v21, v63  }
0x294: {  	[tilespmem:s8+$0x170] =	vst v1;
	v1 =	vld [tilespmem:s8+$0x540]  }
0x295: {  	v26 =	vld [tilespmem:s8+$0x6530];
	[tilespmem:s8+$0x140] =	vst v0;
	v0 =	vadd.f32 v58, v2  }
0x296: {  	v28 =	vld [tilespmem:s8+$0x6550]  }
0x297: {  	[tilespmem:s8+$0x160] =	vst v0;
	v0 =	vld [tilespmem:s8+$0x530]  }
0x298: {  	v4 =	vld [tilespmem:s8+$0x500]  }
0x299: {  	v29 =	vld [tilespmem:s8+$0x6560];
	v1 =	vadd.f32 v27, v1  }
0x29a: {  	v30 =	vld [tilespmem:s8+$0x6570]  }
0x29b: {  	v9 =	vld [tilespmem:s8+$0x6950];
	v1 =	vadd.f32 v45, v1  }
0x29c: {  	v6 =	vld [tilespmem:s8+$0x510];
	v0 =	vadd.f32 v26, v0  }
0x29d: {  	v4 =	vadd.f32 v23, v4;
	[tilespmem:s8+$0x540] =	vst v1;
	v1 =	vld [tilespmem:s8+$0x950]  }
0x29e: {  	v35 =	vld [tilespmem:s8+$0x6940];
	v0 =	vadd.f32 v49, v0  }
0x29f: {  	v2 =	vld [tilespmem:s8+$0x520];
	v4 =	vadd.f32 v60, v4  }
0x2a0: {  	[tilespmem:s8+$0x530] =	vst v0;
	v0 =	vld [tilespmem:s8+$0x940]  }
0x2a1: {  	[tilespmem:s8+$0x500] =	vst v4;
	v4 =	vld [tilespmem:s8+$0x550]  }
0x2a2: {  	v3 =	vadd.f32 v24, v6;
	v1 =	vadd.f32 v9, v1;
	v9 =	vld [tilespmem:$0x1FA50]  }
0x2a3: {  	v31 =	vld [tilespmem:s8+$0x6900]  }
0x2a4: {  	v32 =	vld [tilespmem:s8+$0x6910];
	v3 =	vadd.f32 v61, v3  }
0x2a5: {  	v33 =	vld [tilespmem:s8+$0x6920];
	v0 =	vadd.f32 v35, v0  }
0x2a6: {  	[tilespmem:s8+$0x510] =	vst v3;
	v3 =	vld [tilespmem:s8+$0x560];
	v4 =	vadd.f32 v28, v4  }
0x2a7: {  	v2 =	vadd.f32 v25, v2;
	v0 =	vadd.f32 v9, v0;
	v9 =	vld [tilespmem:$0x1FA60]  }
0x2a8: {  	v34 =	vld [tilespmem:s8+$0x6930];
	v4 =	vadd.f32 v41, v4  }
0x2a9: {  	v10 =	vld [tilespmem:s8+$0x6960];
	v2 =	vadd.f32 v37, v2  }
0x2aa: {  	[tilespmem:s8+$0x550] =	vst v4;
	v4 =	vld [tilespmem:s8+$0x960]  }
0x2ab: {  	[tilespmem:s8+$0x520] =	vst v2;
	v2 =	vld [tilespmem:s8+$0x570];
	v3 =	vadd.f32 v29, v3  }
0x2ac: {  	v1 =	vadd.f32 v9, v1;
	v9 =	vld [tilespmem:$0x1FA70]  }
0x2ad: {  	v21 =	vld [tilespmem:$0x1FA00];
	v3 =	vadd.f32 v39, v3  }
0x2ae: {  	v11 =	vld [tilespmem:s8+$0x6970]  }
0x2af: {  	[tilespmem:s8+$0x560] =	vst v3;
	v3 =	vld [tilespmem:s8+$0x970];
	v4 =	vadd.f32 v10, v4  }
0x2b0: {  	v5 =	vld [tilespmem:s8+$0x900];
	v2 =	vadd.f32 v30, v2  }
0x2b1: {  	v4 =	vadd.f32 v9, v4;
	v9 =	vld [tilespmem:$0x1FA80]  }
0x2b2: {  	v2 =	vadd.f32 v21, v2;
	v21 =	vld [tilespmem:$0x1FA10]  }
0x2b3: {  	v12 =	vld [tilespmem:s8+$0x6D00]  }
0x2b4: {  	[tilespmem:s8+$0x570] =	vst v2;
	v2 =	vld [tilespmem:s8+$0xD00];
	v3 =	vadd.f32 v11, v3  }
0x2b5: {  	v6 =	vld [tilespmem:s8+$0x910];
	v5 =	vadd.f32 v31, v5  }
0x2b6: {  	v3 =	vadd.f32 v9, v3;
	v9 =	vld [tilespmem:$0x1FA90]  }
0x2b7: {  	v5 =	vadd.f32 v21, v5;
	v21 =	vld [tilespmem:$0x1FA20]  }
0x2b8: {  	v36 =	vld [tilespmem:s8+$0x6D10]  }
0x2b9: {  	[tilespmem:s8+$0x900] =	vst v5;
	v5 =	vld [tilespmem:s8+$0xD10];
	v2 =	vadd.f32 v12, v2  }
0x2ba: {  	v7 =	vld [tilespmem:s8+$0x920];
	v6 =	vadd.f32 v32, v6  }
0x2bb: {  	v2 =	vadd.f32 v9, v2;
	v9 =	vld [tilespmem:$0x1FAA0]  }
0x2bc: {  	v6 =	vadd.f32 v21, v6;
	v21 =	vld [tilespmem:$0x1FA30]  }
0x2bd: {  	v52 =	vld [tilespmem:s8+$0x6D20]  }
0x2be: {  	[tilespmem:s8+$0x910] =	vst v6;
	v6 =	vld [tilespmem:s8+$0xD20];
	v5 =	vadd.f32 v36, v5  }
0x2bf: {  	v8 =	vld [tilespmem:s8+$0x930];
	v7 =	vadd.f32 v33, v7  }
0x2c0: {  	v5 =	vadd.f32 v9, v5;
	v9 =	vld [tilespmem:$0x1FAB0]  }
0x2c1: {  	v7 =	vadd.f32 v21, v7;
	v21 =	vld [tilespmem:$0x1FA40]  }
0x2c2: {  	v51 =	vld [tilespmem:s8+$0x6D30]  }
0x2c3: {  	[tilespmem:s8+$0x920] =	vst v7;
	v7 =	vld [tilespmem:s8+$0xD30];
	v6 =	vadd.f32 v52, v6  }
0x2c4: {  	v8 =	vadd.f32 v34, v8  }
0x2c5: {  	v6 =	vadd.f32 v9, v6;
	v9 =	vld [tilespmem:$0x1FAC0]  }
0x2c6: {  	v8 =	vadd.f32 v21, v8  }
0x2c7: {  	v38 =	vld [tilespmem:s8+$0x6D40]  }
0x2c8: {  	[tilespmem:s8+$0x930] =	vst v8;
	v8 =	vld [tilespmem:s8+$0xD40];
	v7 =	vadd.f32 v51, v7;
	_ =	sdelay $0x1  }
0x2c9: {  	v7 =	vadd.f32 v9, v7;
	v9 =	vld [tilespmem:$0x1FAD0];
	_ =	sdelay $0x1  }
0x2ca: {  	v47 =	vld [tilespmem:s8+$0x6D50]  }
0x2cb: {  	[tilespmem:s8+$0x940] =	vst v0;
	v0 =	vld [tilespmem:s8+$0xD50];
	v8 =	vadd.f32 v38, v8;
	_ =	sdelay $0x1  }
0x2cc: {  	v8 =	vadd.f32 v9, v8;
	v9 =	vld [tilespmem:$0x1FAE0];
	_ =	sdelay $0x2  }
0x2cd: {  	v0 =	vadd.f32 v47, v0;
	_ =	sdelay $0x1  }
0x2ce: {  	v0 =	vadd.f32 v9, v0  }
0x2cf: {  	[tilespmem:s8+$0x970] =	vst v3;
	v3 =	vld [tilespmem:s8+$0x1100]  }
0x2d0: {  	[tilespmem:s8+$0xD50] =	vst v0;
	v0 =	vld [tilespmem:$0x1FB00];
	_ =	sdelay $0x1  }
0x2d1: {  	v40 =	vld [tilespmem:s8+$0x6D70]  }
0x2d2: {  	[tilespmem:s8+$0x960] =	vst v4;
	v4 =	vld [tilespmem:s8+$0xD70];
	_ =	sdelay $0x1  }
0x2d3: {  	v0 =	vadd.f32 v0, v3;
	v3 =	vld [tilespmem:$0x1FB10];
	_ =	sdelay $0x2  }
0x2d4: {  	v4 =	vadd.f32 v40, v4;
	_ =	sdelay $0x1  }
0x2d5: {  	v48 =	vld [tilespmem:s8+$0xD520];
	v3 =	vadd.f32 v3, v4  }
0x2d6: {  	[tilespmem:s8+$0xD10] =	vst v5;
	v5 =	vld [tilespmem:s8+$0x1120]  }
0x2d7: {  	[tilespmem:s8+$0xD70] =	vst v3;
	v3 =	vld [tilespmem:$0x1FB40]  }
0x2d8: {  	v46 =	vld [tilespmem:s8+$0xD530]  }
0x2d9: {  	[tilespmem:s8+$0xD00] =	vst v2;
	v2 =	vld [tilespmem:s8+$0x1110]  }
0x2da: {  	v4 =	vld [tilespmem:$0x1FB20]  }
0x2db: {  	v44 =	vld [tilespmem:s8+$0xD540]  }
0x2dc: {  	v3 =	vadd.f32 v3, v5;
	v5 =	vld [tilespmem:$0x1FB50]  }
0x2dd: {  	v42 =	vld [tilespmem:s8+$0xD550]  }
0x2de: {  	v43 =	vld [tilespmem:s8+$0x6D60]  }
0x2df: {  	v20 =	vld [tilespmem:s8+$0x7170];
	v4 =	vadd.f32 v4, v2  }
0x2e0: {  	[tilespmem:s8+$0xD20] =	vst v6;
	v6 =	vld [tilespmem:s8+$0x1130]  }
0x2e1: {  	v4 =	vadd.f32 v5, v4;
	v5 =	vld [tilespmem:$0x1FB60]  }
0x2e2: {  	v19 =	vld [tilespmem:s8+$0x7500]  }
0x2e3: {  	v18 =	vld [tilespmem:s8+$0x7510]  }
0x2e4: {  	v17 =	vld [tilespmem:s8+$0x7520]  }
0x2e5: {  	v16 =	vld [tilespmem:s8+$0x7530]  }
0x2e6: {  	v5 =	vadd.f32 v5, v6;
	v6 =	vld [tilespmem:$0x1FB70]  }
0x2e7: {  	v15 =	vld [tilespmem:s8+$0x7540]  }
0x2e8: {  	v13 =	vld [tilespmem:s8+$0x7550]  }
0x2e9: {  	[tilespmem:s8+$0x950] =	vst v1;
	v1 =	vld [tilespmem:s8+$0xD60]  }
0x2ea: {  	[tilespmem:s8+$0xD30] =	vst v7;
	v7 =	vld [tilespmem:s8+$0x1140]  }
0x2eb: {  	v3 =	vadd.f32 v6, v3;
	v6 =	vld [tilespmem:$0x1FB90]  }
0x2ec: {  	[tilespmem:s8+$0xD40] =	vst v8;
	v8 =	vld [tilespmem:s8+$0x1150]  }
0x2ed: {  	v9 =	vld [tilespmem:$0x1FAF0]  }
0x2ee: {  	[tilespmem:s8+$0x1110] =	vst v4;
	v4 =	vld [tilespmem:$0x1FB80]  }
0x2ef: {  	[tilespmem:s8+$0x1120] =	vst v3;
	v3 =	vld [tilespmem:$0x1FBB0]  }
0x2f0: {  	v21 =	vadd.f32 v6, v5;
	v5 =	vld [tilespmem:$0x1FBA0]  }
0x2f1: {  	v2 =	vld [tilespmem:$0x1FB30]  }
0x2f2: {  	v50 =	vld [tilespmem:s8+$0x7560];
	v1 =	vadd.f32 v43, v1  }
0x2f3: {  	v14 =	vld [tilespmem:s8+$0x7570];
	v7 =	vadd.f32 v4, v7  }
0x2f4: {  	v22 =	vld [tilespmem:s8+$0x1160];
	v1 =	vadd.f32 v9, v1  }
0x2f5: {  	v6 =	vadd.f32 v5, v8;
	v8 =	vadd.f32 v3, v7;
	v3 =	vld [tilespmem:$0x1FBC0]  }
0x2f6: {  	[tilespmem:s8+$0xD60] =	vst v1;
	v1 =	vld [tilespmem:s8+$0x1170];
	v0 =	vadd.f32 v2, v0  }
0x2f7: {  	v2 =	vld [tilespmem:s8+$0x1500]  }
0x2f8: {  	[tilespmem:s8+$0x1100] =	vst v0;
	v0 =	vld [tilespmem:s8+$0x1510]  }
0x2f9: {  	v4 =	vld [tilespmem:s8+$0x1520]  }
0x2fa: {  	s28 =	simm.s32 $0x1;
	v5 =	vadd.f32 v3, v22;
	v3 =	vld [tilespmem:s8+$0x1530]  }
.LBB2_4:
0x2fb: {  	v7 =	vld [tilespmem:$0x1F9B0];
	_ =	sdelay $0x4  }
0x2fc: {  	v6 =	vadd.f32 v7, v6  }
0x2fd: {  	[tilespmem:s8+$0x1140] =	vst v8;
	v8 =	vld [tilespmem:$0x1F9C0]  }
0x2fe: {  	[tilespmem:s8+$0x1150] =	vst v6;
	v6 =	vld [tilespmem:$0x1F9D0];
	_ =	sdelay $0x2  }
0x2ff: {  	v1 =	vadd.f32 v20, v1  }
0x300: {  	v5 =	vadd.f32 v8, v5  }
0x301: {  	v1 =	vadd.f32 v6, v1  }
0x302: {  	[tilespmem:s8+$0x1160] =	vst v5;
	v5 =	vld [tilespmem:$0x1F9E0]  }
0x303: {  	[tilespmem:s8+$0x1170] =	vst v1;
	v1 =	vld [tilespmem:$0x1F9F0]  }
0x304: {  	v7 =	vld [tilespmem:s8+$0x1540]  }
0x305: {  	v2 =	vadd.f32 v19, v2;
	v8 =	vld [tilespmem:s8+$0x1550]  }
0x306: {  	s29 =	sshrl.u32 s28, $0x3;
	v0 =	vadd.f32 v18, v0;
	v6 =	vld [tilespmem:s8+$0x1560]  }
0x307: {  	s26 =	sadd.s32 $0x80, s26;
	s29 =	smul.u32 $0x1800, s29;
	v4 =	vadd.f32 v17, v4;
	v2 =	vadd.f32 v5, v2;
	v5 =	vld [tilespmem:s8+$0x1570]  }
0x308: {  	[tilespmem:s8+$0x1130] =	vst v21;
	s31 =	sand.u32 $0x380, s26;
	v0 =	vadd.f32 v1, v0;
	v1 =	vadd.f32 v16, v3;
	v3 =	vld [tilespmem:s8+$0xD560]  }
0x309: {  	s29 =	sor.u32 s31, s29;
	[tilespmem:s8+$0x1500] =	vst v2;
	v2 =	vadd.f32 v48, v4;
	v4 =	vadd.f32 v15, v7;
	v7 =	vld [tilespmem:s8+$0xD570]  }
0x30a: {  	v53 =	vld [tilespmem:s29+$0xC100];
	[tilespmem:s8+$0x1510] =	vst v0;
	v0 =	vadd.f32 v46, v1;
	v1 =	vadd.f32 v13, v8  }
0x30b: {  	v55 =	vld [tilespmem:s29+$0xC110];
	[tilespmem:s8+$0x1520] =	vst v2;
	v2 =	vadd.f32 v44, v4;
	v4 =	vadd.f32 v50, v6  }
0x30c: {  	v56 =	vld [tilespmem:s29+$0xC120];
	[tilespmem:s8+$0x1530] =	vst v0;
	v0 =	vadd.f32 v42, v1;
	v1 =	vadd.f32 v14, v5  }
0x30d: {  	v57 =	vld [tilespmem:s29+$0xC130];
	[tilespmem:s8+$0x1540] =	vst v2;
	v2 =	vadd.f32 v3, v4  }
0x30e: {  	v54 =	vld [tilespmem:s29+$0xC140];
	[tilespmem:s8+$0x1550] =	vst v0;
	v0 =	vadd.f32 v7, v1  }
0x30f: {  	v52 =	vld [tilespmem:s29+$0xC150];
	[tilespmem:s8+$0x1560] =	vst v2  }
0x310: {  	v51 =	vld [tilespmem:s29+$0xC160];
	[tilespmem:s8+$0x1570] =	vst v0;
	s8 =	smov.u32 s29  }
0x311: {  	v0 =	vld [tilespmem:s8+$0xC170];
	_ =	sdelay $0x4  }
0x312: {  	[tilespmem:$0x1F7D0] =	vst v0;
	v0 =	vld [tilespmem:s8+$0xC500];
	_ =	sdelay $0x4  }
0x313: {  	[tilespmem:$0x1F7E0] =	vst v0;
	v0 =	vld [tilespmem:s8+$0xC510];
	_ =	sdelay $0x4  }
0x314: {  	[tilespmem:$0x1F7F0] =	vst v0;
	v0 =	vld [tilespmem:s8+$0xC520];
	_ =	sdelay $0x4  }
0x315: {  	[tilespmem:$0x1F800] =	vst v0;
	v0 =	vld [tilespmem:s8+$0xC530];
	_ =	sdelay $0x4  }
0x316: {  	[tilespmem:$0x1F810] =	vst v0;
	v0 =	vld [tilespmem:s8+$0xC540];
	_ =	sdelay $0x4  }
0x317: {  	[tilespmem:$0x1F820] =	vst v0;
	v0 =	vld [tilespmem:s8+$0xC550];
	_ =	sdelay $0x4  }
0x318: {  	[tilespmem:$0x1F830] =	vst v0;
	v0 =	vld [tilespmem:s8+$0xC560];
	_ =	sdelay $0x3  }
0x319: {  	v49 =	vld [tilespmem:s8+$0xD520]  }
0x31a: {  	[tilespmem:$0x1F840] =	vst v0;
	v0 =	vld [tilespmem:s8+$0xC570]  }
0x31b: {  	v48 =	vld [tilespmem:s8+$0xD530]  }
0x31c: {  	v47 =	vld [tilespmem:s8+$0xD540]  }
0x31d: {  	v46 =	vld [tilespmem:s8+$0xD550]  }
0x31e: {  	v36 =	vld [tilespmem:s8+$0x6100]  }
0x31f: {  	[tilespmem:$0x1F850] =	vst v0;
	v0 =	vld [tilespmem:s8+$0xC900]  }
0x320: {  	v9 =	vld [tilespmem:s8+$0x6110]  }
0x321: {  	v37 =	vld [tilespmem:s8+$0x6120]  }
0x322: {  	v10 =	vld [tilespmem:s8+$0x6130]  }
0x323: {  	v38 =	vld [tilespmem:s8+$0x6140]  }
0x324: {  	[tilespmem:$0x1F860] =	vst v0;
	v0 =	vld [tilespmem:s8+$0xC910]  }
0x325: {  	v11 =	vld [tilespmem:s8+$0x6150]  }
0x326: {  	v39 =	vld [tilespmem:s8+$0x6160]  }
0x327: {  	v12 =	vld [tilespmem:s8+$0x6170]  }
0x328: {  	v40 =	vld [tilespmem:s8+$0x6500]  }
0x329: {  	[tilespmem:$0x1F870] =	vst v0;
	v0 =	vld [tilespmem:s8+$0xC920]  }
0x32a: {  	v8 =	vld [tilespmem:s8+$0x6510]  }
0x32b: {  	v35 =	vld [tilespmem:s8+$0x6520]  }
0x32c: {  	v7 =	vld [tilespmem:s8+$0x6530]  }
0x32d: {  	v34 =	vld [tilespmem:s8+$0x6540]  }
0x32e: {  	[tilespmem:$0x1F880] =	vst v0;
	v0 =	vld [tilespmem:s8+$0xC930]  }
0x32f: {  	v33 =	vld [tilespmem:s8+$0x6550]  }
0x330: {  	v41 =	vld [tilespmem:s8+$0x100]  }
0x331: {  	v42 =	vld [tilespmem:s8+$0x110]  }
0x332: {  	v44 =	vld [tilespmem:s8+$0x130]  }
0x333: {  	[tilespmem:$0x1F890] =	vst v0;
	v0 =	vld [tilespmem:s8+$0xC940]  }
0x334: {  	v6 =	vld [tilespmem:s8+$0x6560]  }
0x335: {  	v5 =	vld [tilespmem:s8+$0x6570]  }
0x336: {  	v36 =	vadd.f32 v36, v41;
	v41 =	vld [tilespmem:s8+$0x150];
	v9 =	vadd.f32 v9, v42  }
0x337: {  	v43 =	vld [tilespmem:s8+$0x120]  }
0x338: {  	v10 =	vadd.f32 v10, v44;
	v9 =	vadd.f32 v55, v9;
	[tilespmem:$0x1F8A0] =	vst v0;
	v0 =	vld [tilespmem:s8+$0xC950]  }
0x339: {  	v32 =	vld [tilespmem:s8+$0x6900]  }
0x33a: {  	v4 =	vld [tilespmem:s8+$0x6910];
	[tilespmem:s8+$0x110] =	vst v9;
	v9 =	vadd.f32 v57, v10  }
0x33b: {  	v31 =	vld [tilespmem:s8+$0x6920];
	v10 =	vadd.f32 v11, v41  }
0x33c: {  	v37 =	vadd.f32 v37, v43;
	v43 =	vld [tilespmem:s8+$0x170];
	[tilespmem:s8+$0x130] =	vst v9  }
0x33d: {  	v9 =	vadd.f32 v52, v10;
	[tilespmem:$0x1F8B0] =	vst v0;
	v0 =	vld [tilespmem:s8+$0xC960]  }
0x33e: {  	v30 =	vld [tilespmem:s8+$0x6930]  }
0x33f: {  	[tilespmem:s8+$0x150] =	vst v9;
	v9 =	vld [tilespmem:$0x1F7D0]  }
0x340: {  	v29 =	vld [tilespmem:s8+$0x6940]  }
0x341: {  	v28 =	vld [tilespmem:s8+$0x6950]  }
0x342: {  	v10 =	vadd.f32 v12, v43;
	[tilespmem:$0x1F8C0] =	vst v0;
	v0 =	vld [tilespmem:s8+$0xC970]  }
0x343: {  	v27 =	vld [tilespmem:s8+$0x6960]  }
0x344: {  	v45 =	vld [tilespmem:s8+$0x140];
	v9 =	vadd.f32 v9, v10  }
0x345: {  	v36 =	vadd.f32 v53, v36;
	v53 =	vld [tilespmem:s8+$0x510]  }
0x346: {  	[tilespmem:s8+$0x170] =	vst v9;
	v9 =	vld [tilespmem:$0x1F7F0]  }
0x347: {  	[tilespmem:$0x1F8D0] =	vst v0;
	v0 =	vld [tilespmem:s8+$0xCD00]  }
0x348: {  	v26 =	vld [tilespmem:s8+$0x6970]  }
0x349: {  	v25 =	vld [tilespmem:s8+$0x6D00]  }
0x34a: {  	v24 =	vld [tilespmem:s8+$0x6D10];
	v8 =	vadd.f32 v8, v53  }
0x34b: {  	v57 =	vld [tilespmem:s8+$0x530]  }
0x34c: {  	v45 =	vadd.f32 v38, v45;
	v8 =	vadd.f32 v9, v8;
	[tilespmem:$0x1F8E0] =	vst v0;
	v0 =	vld [tilespmem:s8+$0xCD10]  }
0x34d: {  	v23 =	vld [tilespmem:s8+$0x6D20]  }
0x34e: {  	v55 =	vadd.f32 v54, v45;
	[tilespmem:s8+$0x510] =	vst v8;
	v8 =	vld [tilespmem:$0x1F810]  }
0x34f: {  	v11 =	vld [tilespmem:s8+$0x520]  }
0x350: {  	[tilespmem:s8+$0x140] =	vst v55;
	v55 =	vld [tilespmem:$0x1F800]  }
0x351: {  	v7 =	vadd.f32 v7, v57;
	[tilespmem:$0x1F8F0] =	vst v0;
	v0 =	vld [tilespmem:s8+$0xCD20]  }
0x352: {  	v22 =	vld [tilespmem:s8+$0x6D30]  }
0x353: {  	v12 =	vld [tilespmem:s8+$0x540];
	v7 =	vadd.f32 v8, v7  }
0x354: {  	v52 =	vld [tilespmem:s8+$0x550];
	v11 =	vadd.f32 v35, v11  }
0x355: {  	[tilespmem:s8+$0x530] =	vst v7;
	v7 =	vld [tilespmem:$0x1F830]  }
0x356: {  	v11 =	vadd.f32 v55, v11;
	[tilespmem:$0x1F900] =	vst v0;
	v0 =	vld [tilespmem:s8+$0xCD30]  }
0x357: {  	v21 =	vld [tilespmem:s8+$0x6D40]  }
0x358: {  	[tilespmem:s8+$0x520] =	vst v11;
	v11 =	vld [tilespmem:$0x1F820]  }
0x359: {  	v42 =	vld [tilespmem:s8+$0x160];
	v8 =	vadd.f32 v33, v52  }
0x35a: {  	v54 =	vld [tilespmem:s8+$0x570]  }
0x35b: {  	v12 =	vadd.f32 v34, v12;
	v7 =	vadd.f32 v7, v8;
	[tilespmem:$0x1F910] =	vst v0;
	v0 =	vld [tilespmem:s8+$0xCD40]  }
0x35c: {  	v3 =	vld [tilespmem:s8+$0x6D50];
	v56 =	vadd.f32 v56, v37  }
0x35d: {  	v11 =	vadd.f32 v11, v12;
	[tilespmem:s8+$0x550] =	vst v7;
	v7 =	vld [tilespmem:$0x1F850]  }
0x35e: {  	[tilespmem:s8+$0x120] =	vst v56;
	v10 =	vld [tilespmem:s8+$0x560]  }
0x35f: {  	[tilespmem:s8+$0x540] =	vst v11;
	v11 =	vld [tilespmem:$0x1F840]  }
0x360: {  	v56 =	vadd.f32 v39, v42;
	v5 =	vadd.f32 v5, v54;
	[tilespmem:$0x1F920] =	vst v0;
	v0 =	vld [tilespmem:s8+$0xCD50]  }
0x361: {  	v1 =	vld [tilespmem:s8+$0x6D60]  }
0x362: {  	v42 =	vmovc v46;
	v46 =	vmovc v48;
	v48 =	vmov v49;
	v49 =	vadd.f32 v51, v56;
	v56 =	vld [tilespmem:s8+$0x910];
	v5 =	vadd.f32 v7, v5  }
0x363: {  	v6 =	vadd.f32 v6, v10;
	v9 =	vld [tilespmem:s8+$0x900]  }
0x364: {  	[tilespmem:s8+$0x570] =	vst v5;
	v5 =	vld [tilespmem:$0x1F870]  }
0x365: {  	v6 =	vadd.f32 v11, v6;
	[tilespmem:$0x1F930] =	vst v0;
	v0 =	vld [tilespmem:s8+$0xCD60]  }
0x366: {  	v2 =	vld [tilespmem:s8+$0x6D70]  }
0x367: {  	[tilespmem:s8+$0x560] =	vst v6;
	v6 =	vld [tilespmem:$0x1F860]  }
0x368: {  	v63 =	vld [tilespmem:s8+$0x7110];
	v4 =	vadd.f32 v4, v56  }
0x369: {  	v10 =	vld [tilespmem:s8+$0x930]  }
0x36a: {  	v9 =	vadd.f32 v32, v9;
	v4 =	vadd.f32 v5, v4;
	[tilespmem:$0x1F940] =	vst v0;
	v0 =	vld [tilespmem:s8+$0xCD70]  }
0x36b: {  	v62 =	vld [tilespmem:s8+$0x7120]  }
0x36c: {  	v6 =	vadd.f32 v6, v9;
	[tilespmem:s8+$0x910] =	vst v4;
	v4 =	vld [tilespmem:$0x1F890]  }
0x36d: {  	v57 =	vld [tilespmem:s8+$0x920]  }
0x36e: {  	[tilespmem:s8+$0x900] =	vst v6;
	v6 =	vld [tilespmem:$0x1F880]  }
0x36f: {  	v5 =	vadd.f32 v30, v10;
	[tilespmem:$0x1F950] =	vst v0;
	v0 =	vld [tilespmem:s8+$0xD100]  }
0x370: {  	v61 =	vld [tilespmem:s8+$0x7130]  }
0x371: {  	v8 =	vld [tilespmem:s8+$0x940];
	v4 =	vadd.f32 v4, v5  }
0x372: {  	v11 =	vld [tilespmem:s8+$0x950];
	v9 =	vadd.f32 v31, v57  }
0x373: {  	[tilespmem:s8+$0x930] =	vst v4;
	v4 =	vld [tilespmem:$0x1F8B0]  }
0x374: {  	v6 =	vadd.f32 v6, v9;
	[tilespmem:$0x1F960] =	vst v0;
	v0 =	vld [tilespmem:s8+$0xD110]  }
0x375: {  	v60 =	vld [tilespmem:s8+$0x7140]  }
0x376: {  	[tilespmem:s8+$0x920] =	vst v6;
	v6 =	vld [tilespmem:$0x1F8A0]  }
0x377: {  	v59 =	vld [tilespmem:s8+$0x7150];
	v5 =	vadd.f32 v28, v11  }
0x378: {  	v12 =	vld [tilespmem:s8+$0x970]  }
0x379: {  	v8 =	vadd.f32 v29, v8;
	v4 =	vadd.f32 v4, v5;
	[tilespmem:$0x1F970] =	vst v0;
	v0 =	vld [tilespmem:s8+$0xD120]  }
0x37a: {  	v58 =	vld [tilespmem:s8+$0x7160]  }
0x37b: {  	v6 =	vadd.f32 v6, v8;
	[tilespmem:s8+$0x950] =	vst v4;
	v4 =	vld [tilespmem:$0x1F8D0]  }
0x37c: {  	v7 =	vld [tilespmem:s8+$0x960]  }
0x37d: {  	[tilespmem:s8+$0x940] =	vst v6;
	v6 =	vld [tilespmem:$0x1F8C0]  }
0x37e: {  	v5 =	vadd.f32 v26, v12;
	[tilespmem:$0x1F980] =	vst v0;
	v0 =	vld [tilespmem:s8+$0xD130]  }
0x37f: {  	v20 =	vld [tilespmem:s8+$0x7170]  }
0x380: {  	v10 =	vld [tilespmem:s8+$0xD00];
	v4 =	vadd.f32 v4, v5  }
0x381: {  	v7 =	vadd.f32 v27, v7;
	v9 =	vld [tilespmem:s8+$0xD10]  }
0x382: {  	[tilespmem:s8+$0x970] =	vst v4;
	v4 =	vld [tilespmem:$0x1F8F0]  }
0x383: {  	v6 =	vadd.f32 v6, v7;
	[tilespmem:$0x1F990] =	vst v0;
	v0 =	vld [tilespmem:s8+$0xD140]  }
0x384: {  	v19 =	vld [tilespmem:s8+$0x7500]  }
0x385: {  	[tilespmem:s8+$0x960] =	vst v6;
	v6 =	vld [tilespmem:$0x1F8E0]  }
0x386: {  	v18 =	vld [tilespmem:s8+$0x7510];
	v5 =	vadd.f32 v24, v9  }
0x387: {  	v8 =	vld [tilespmem:s8+$0xD30]  }
0x388: {  	v7 =	vadd.f32 v25, v10;
	v4 =	vadd.f32 v4, v5;
	[tilespmem:$0x1F9A0] =	vst v0;
	v0 =	vld [tilespmem:s8+$0xD150]  }
0x389: {  	v17 =	vld [tilespmem:s8+$0x7520]  }
0x38a: {  	v6 =	vadd.f32 v6, v7;
	[tilespmem:s8+$0xD10] =	vst v4;
	v4 =	vld [tilespmem:$0x1F910]  }
0x38b: {  	v11 =	vld [tilespmem:s8+$0xD20]  }
0x38c: {  	[tilespmem:s8+$0xD00] =	vst v6;
	v6 =	vld [tilespmem:$0x1F900]  }
0x38d: {  	v5 =	vadd.f32 v22, v8;
	[tilespmem:$0x1F9B0] =	vst v0;
	v0 =	vld [tilespmem:s8+$0xD160]  }
0x38e: {  	v16 =	vld [tilespmem:s8+$0x7530]  }
0x38f: {  	v10 =	vld [tilespmem:s8+$0xD50];
	v4 =	vadd.f32 v4, v5  }
0x390: {  	v12 =	vld [tilespmem:s8+$0xD40];
	v7 =	vadd.f32 v23, v11  }
0x391: {  	[tilespmem:s8+$0xD30] =	vst v4;
	v4 =	vld [tilespmem:$0x1F930]  }
0x392: {  	v6 =	vadd.f32 v6, v7;
	[tilespmem:$0x1F9C0] =	vst v0;
	v0 =	vld [tilespmem:s8+$0xD170]  }
0x393: {  	v15 =	vld [tilespmem:s8+$0x7540]  }
0x394: {  	v3 =	vadd.f32 v3, v10;
	[tilespmem:s8+$0xD20] =	vst v6;
	v6 =	vld [tilespmem:$0x1F920]  }
0x395: {  	v13 =	vld [tilespmem:s8+$0x7550]  }
0x396: {  	v11 =	vld [tilespmem:s8+$0xD70];
	v3 =	vadd.f32 v4, v3  }
0x397: {  	v7 =	vadd.f32 v21, v12;
	[tilespmem:$0x1F9D0] =	vst v0;
	v0 =	vld [tilespmem:s8+$0xD500]  }
0x398: {  	[tilespmem:s8+$0xD50] =	vst v3;
	v3 =	vld [tilespmem:$0x1F950]  }
0x399: {  	v50 =	vld [tilespmem:s8+$0x7560];
	v6 =	vadd.f32 v6, v7  }
0x39a: {  	v9 =	vld [tilespmem:s8+$0xD60]  }
0x39b: {  	v2 =	vadd.f32 v2, v11;
	[tilespmem:s8+$0xD40] =	vst v6;
	v6 =	vld [tilespmem:$0x1F940]  }
0x39c: {  	[tilespmem:$0x1F9E0] =	vst v0;
	v0 =	vld [tilespmem:s8+$0xD510]  }
0x39d: {  	v12 =	vld [tilespmem:s8+$0x1110];
	v2 =	vadd.f32 v3, v2  }
0x39e: {  	v14 =	vld [tilespmem:s8+$0x7570]  }
0x39f: {  	v1 =	vadd.f32 v1, v9;
	[tilespmem:s8+$0xD70] =	vst v2;
	v2 =	vld [tilespmem:$0x1F970]  }
0x3a0: {  	v8 =	vld [tilespmem:s8+$0x1100]  }
0x3a1: {  	v1 =	vadd.f32 v6, v1;
	[tilespmem:$0x1F9F0] =	vst v0;
	v0 =	vld [tilespmem:s8+$0x7100]  }
0x3a2: {  	v44 =	vld [tilespmem:s8+$0x500];
	v3 =	vadd.f32 v63, v12  }
0x3a3: {  	[tilespmem:s8+$0xD60] =	vst v1;
	v1 =	vld [tilespmem:$0x1F960]  }
0x3a4: {  	v7 =	vld [tilespmem:s8+$0x1130];
	v3 =	vadd.f32 v2, v3  }
0x3a5: {  	v53 =	vld [tilespmem:$0x1F7E0]  }
0x3a6: {  	[tilespmem:s8+$0x1110] =	vst v3;
	v3 =	vld [tilespmem:$0x1F990];
	v0 =	vadd.f32 v0, v8  }
0x3a7: {  	v9 =	vld [tilespmem:s8+$0x1160]  }
0x3a8: {  	v5 =	vld [tilespmem:s8+$0x1120];
	v0 =	vadd.f32 v1, v0  }
0x3a9: {  	v4 =	vld [tilespmem:s8+$0x1140];
	v7 =	vadd.f32 v61, v7  }
0x3aa: {  	[tilespmem:s8+$0x1100] =	vst v0;
	v0 =	vld [tilespmem:$0x1F980]  }
0x3ab: {  	v21 =	vadd.f32 v3, v7;
	v3 =	vld [tilespmem:$0x1F9A0]  }
0x3ac: {  	p0 =	sne.s32 s28, $0x1F;
	v51 =	vadd.f32 v40, v44;
	v6 =	vld [tilespmem:s8+$0x1150]  }
.Ltmp1:
0x3ad: {  	v5 =	vadd.f32 v62, v5;
	v2 =	vld [tilespmem:s8+$0x1500];
	(pc) =	sbr.rel @p0 .LBB2_4-.Ltmp1, $4  }
0x3ae: {  	[tilespmem:s8+$0x100] =	vst v36;
	v36 =	vadd.f32 v53, v51;
	v8 =	vadd.f32 v60, v4;
	v4 =	vld [tilespmem:s8+$0x1520]  }
0x3af: {  	[tilespmem:s8+$0x160] =	vst v49;
	v1 =	vld [tilespmem:s8+$0x1170];
	v5 =	vadd.f32 v0, v5  }
0x3b0: {  	[tilespmem:s8+$0x500] =	vst v36;
	v8 =	vadd.f32 v3, v8;
	v3 =	vld [tilespmem:s8+$0x1530]  }
0x3b1: {  	s28 =	sadd.s32 $0x1, s28;
	v44 =	vmov v47;
	v6 =	vadd.f32 v59, v6;
	v0 =	vld [tilespmem:s8+$0x1510];
	[tilespmem:s8+$0x1120] =	vst v5;
	v5 =	vadd.f32 v58, v9  }
0x3b2: {  	v9 =	vld [tilespmem:$0x1F9B0]  }
0x3b3: {  	v41 =	vld [tilespmem:$0x1F9C0]  }
0x3b4: {  	v45 =	vld [tilespmem:$0x1F9D0]  }
0x3b5: {  	v49 =	vld [tilespmem:$0x1F9E0]  }
0x3b6: {  	v7 =	vld [tilespmem:s8+$0x1540]  }
0x3b7: {  	[tilespmem:s8+$0x1130] =	vst v21;
	v53 =	vld [tilespmem:$0x1F9F0];
	v1 =	vadd.f32 v20, v1;
	v6 =	vadd.f32 v9, v6  }
0x3b8: {  	[tilespmem:s8+$0x1140] =	vst v8;
	v40 =	vld [tilespmem:s8+$0x1550];
	v2 =	vadd.f32 v19, v2;
	v5 =	vadd.f32 v41, v5  }
0x3b9: {  	v43 =	vld [tilespmem:s8+$0x1560];
	v3 =	vadd.f32 v16, v3;
	v1 =	vadd.f32 v45, v1;
	[tilespmem:s8+$0x1150] =	vst v6  }
0x3ba: {  	v47 =	vld [tilespmem:s8+$0x1570];
	v0 =	vadd.f32 v18, v0;
	v2 =	vadd.f32 v49, v2;
	[tilespmem:s8+$0x1160] =	vst v5  }
0x3bb: {  	v52 =	vld [tilespmem:s8+$0xD560];
	v51 =	vadd.f32 v17, v4;
	v56 =	vadd.f32 v46, v3;
	[tilespmem:s8+$0x1170] =	vst v1  }
0x3bc: {  	v55 =	vld [tilespmem:s8+$0xD570];
	v54 =	vadd.f32 v15, v7;
	v0 =	vadd.f32 v53, v0;
	[tilespmem:s8+$0x1500] =	vst v2  }
0x3bd: {  	v57 =	vadd.f32 v13, v40;
	v1 =	vadd.f32 v48, v51;
	[tilespmem:s8+$0x1530] =	vst v56  }
0x3be: {  	v59 =	vadd.f32 v50, v43;
	v58 =	vadd.f32 v44, v54;
	[tilespmem:s8+$0x1510] =	vst v0  }
0x3bf: {  	v61 =	vadd.f32 v14, v47;
	v60 =	vadd.f32 v42, v57;
	[tilespmem:s8+$0x1520] =	vst v1  }
0x3c0: {  	v62 =	vadd.f32 v52, v59;
	[tilespmem:s8+$0x1540] =	vst v58  }
0x3c1: {  	s25 =	sadd.s32 $0x1, s25;
	v63 =	vadd.f32 v55, v61;
	[tilespmem:s8+$0x1550] =	vst v60  }
0x3c2: {  	p0 =	sne.s32 s25, s14;
	[tilespmem:s8+$0x1560] =	vst v62  }
.Ltmp2:
0x3c3: {  	[tilespmem:s8+$0x1570] =	vst v63;
	(pc) =	sbr.rel @p0 .LBB2_1-.Ltmp2, $4  }
0x3c4: {  	[hbm4b:s13+s2] =	stream.linear.scatter [tilespmem:s17], [sflag:$0x2], $0x6000, $0x38;
	[tilespmem:$0x12100] =	vst v63  }
0x3c5: {  	_ =	swait.ge [sflag:s15], $0x6000  }
0x3c6: {  	[sflag:s15] =	ssyncset.done $0x0  }
0x3c7: {  	[sflag:s15] =	ssyncadd.s32 $0xFFFFA000  }
0x3c8: {  	_ =	sfence.sel $0x180000  }
0x3c9: {  	[bflag:$0x0] =	sbarrier.arrive $0xFFFF  }
0x3ca: {  	_ =	strace $0x9000004A  }
0x3cb: {  	s0 =	stileid.u32;
	[bflag:$0x2] =	sbarrier.arrive $0xFFFF  }
0x3cc: {  	p0 =	sne.s32 s0, $0x0;
	s0 =	rddreg [dreg:$0x2]  }
0x3cd: {  	s0 =	sadd.s32 @!p0 $0x100000, s0  }
0x3ce: {  	[sflag:s0] =	ssyncadd.tile.s32 @!p0 $0x1;
	_ =	shalt  }
.Lfunc_end2:
_tile_overlayer_lowered:
.L_overlay_start_2:
0x3cf: {  	(tag) =	ssettag $0x2  }
0x3d0: {  	s0 =	rddreg [dreg:$0x0];
	s2 =	stileid.u32  }
0x3d1: {  	s1 =	rddreg [dreg:$0x1];
	p0 =	sne.s32 s2, $0x0  }
0x3d2: {  	s3 =	rddreg [dreg:$0x2];
	[bflag:$0x3] =	sbarrier.arrive $0xFFFF;
	s2 =	simm.s32 @!p0 $0x1C02  }
0x3d3: {  	[timem:s3], [sflag:s2] =	dma.local @!p0 [hbm:s0], s1  }
0x3d4: {  	s0 =	simm.s32 @!p0 $0x2  }
0x3d5: {  	_ =	swait.ge @!p0 [sflag:s0], s1  }
0x3d6: {  	s1 =	ssub.s32 @!p0 $0x0, s1;
	[sflag:s0] =	ssyncset.done @!p0 $0x0  }
0x3d7: {  	[sflag:s0] =	ssyncadd.s32 @!p0 s1  }
0x3d8: {  	[bflag:$0x3] =	sbarrier.arrive $0xFFFF  }
0x3d9: {  	_ =	shalt  }

</sc_bundles>
